<compile_context>
chip_gen: v7x
topology: tpu7x:2x2x1
jax: 0.10.2.dev20260603
libtpu: 0.0.44.dev20260713+nightly
codegen_flags: <defaults>
</compile_context>

<pallas_src>
import functools

import jax
import jax.numpy as jnp
from jax import lax
from jax.experimental import pallas as pl
from jax.experimental.pallas import tpu as pltpu
from jax.experimental.pallas import tpu_sc as plsc

N = 10000
E = 320000
D = 128

NC = 2
NS = 16
NW = NC * NS
CH = 128
G = 80
E_pad = NW * G * CH
NPT = 640
N_pad = NS * NPT

_mesh = plsc.VectorSubcoreMesh(core_axis_name="c", subcore_axis_name="s")


@functools.partial(
    pl.kernel,
    out_type=jax.ShapeDtypeStruct((NC, 2, N_pad, D), jnp.float32),
    mesh=_mesh,
    scratch_types=[
        pltpu.VMEM((2 * G, CH), jnp.int32),
        pltpu.VMEM((CH, D), jnp.float32),
        pltpu.VMEM_SHARED((N_pad, D), jnp.float32),
        pltpu.SemaphoreType.DMA,
    ],
)
def _sc_degrees(ei, ones_h, zeros_h, out, idx_v, ones_v, acc, isem):
    c = lax.axis_index("c")
    s = lax.axis_index("s")
    w = s * NC + c
    r0 = s * NPT
    cp = pltpu.async_copy(ei.at[w], idx_v, isem)
    pltpu.sync_copy(ones_h, ones_v)
    cp.wait()
    for which in range(2):
        for i in range(NPT // CH):
            pltpu.sync_copy(zeros_h, acc.at[pl.ds(r0 + i * CH, CH)])
        plsc.subcore_barrier()

        def body(g, carry):
            pltpu.sync_copy(ones_v, acc.at[idx_v.at[2 * g + which]], add=True)
            return carry

        lax.fori_loop(0, G, body, 0)
        plsc.subcore_barrier()
        pltpu.sync_copy(acc.at[pl.ds(r0, NPT)], out.at[c, which, pl.ds(r0, NPT)])
        plsc.subcore_barrier()


@functools.partial(
    pl.kernel,
    out_type=jax.ShapeDtypeStruct((NC, N_pad, D), jnp.float32),
    mesh=_mesh,
    scratch_types=[
        pltpu.VMEM((4, 2, CH), jnp.int32),
        pltpu.VMEM((CH, D), jnp.float32),
        pltpu.VMEM((CH, D), jnp.float32),
        pltpu.VMEM_SHARED((N_pad, D), jnp.float32),
        pltpu.SemaphoreType.DMA,
        pltpu.SemaphoreType.DMA,
        pltpu.SemaphoreType.DMA,
        pltpu.SemaphoreType.DMA,
        pltpu.SemaphoreType.DMA,
        pltpu.SemaphoreType.DMA,
    ],
)
def _sc_aggregate(y, ei, zeros_h, out, idxb, rows0, rows1, acc,
                  isem0, isem1, isem2, isem3, gsem0, gsem1):
    c = lax.axis_index("c")
    s = lax.axis_index("s")
    w = s * NC + c
    r0 = s * NPT
    isems = [isem0, isem1, isem2, isem3]
    rows = [rows0, rows1]
    gsems = [gsem0, gsem1]

    def idx_start(slot, gnum):
        pltpu.async_copy(ei.at[w, gnum], idxb.at[slot], isems[slot])

    def idx_wait(slot):
        pltpu.make_async_copy(ei.at[w, 0], idxb.at[slot], isems[slot]).wait()

    def gather_start(slot, p):
        pltpu.async_copy(y.at[idxb.at[slot, 0]], rows[p], gsems[p])

    def gather_wait(p):
        pltpu.make_async_copy(y.at[pl.ds(0, CH)], rows[p], gsems[p]).wait()

    for i in range(NPT // CH):
        pltpu.sync_copy(zeros_h, acc.at[pl.ds(r0 + i * CH, CH)])
    plsc.subcore_barrier()

    for k in range(4):
        idx_start(k, k)
    idx_wait(0)
    gather_start(0, 0)
    idx_wait(1)
    gather_start(1, 1)

    def body(i, carry):
        base = 4 * i
        for k in range(4):
            p = k % 2
            gather_wait(p)
            pltpu.sync_copy(rows[p], acc.at[idxb.at[k, 1]], add=True)
            idx_start(k, jnp.minimum(base + k + 4, G - 1))
            k2 = (k + 2) % 4
            idx_wait(k2)
            gather_start(k2, p)
        return carry

    lax.fori_loop(0, G // 4, body, 0)
    idx_wait(2)
    idx_wait(3)
    gather_wait(0)
    gather_wait(1)
    plsc.subcore_barrier()
    pltpu.sync_copy(acc.at[pl.ds(r0, NPT)], out.at[c, pl.ds(r0, NPT)])


def _tc_norms_body(deg_ref, ns_ref, nd_ref):
    ds = deg_ref[0, 0, :, 0:1] + deg_ref[1, 0, :, 0:1]
    dd = deg_ref[0, 1, :, 0:1] + deg_ref[1, 1, :, 0:1]
    ns_ref[...] = lax.rsqrt(jnp.maximum(ds, 1.0))
    nd_ref[...] = lax.rsqrt(jnp.maximum(dd, 1.0))


def _tc_pre_body(x_ref, ns_ref, w_ref, y_ref):
    ns = ns_ref[...][:N]
    y_ref[...] = jnp.dot(x_ref[...] * ns, w_ref[...],
                         preferred_element_type=jnp.float32)


def _tc_mid_body(p_ref, nd_ref, ns_ref, b_ref, w_ref, y_ref):
    h = (p_ref[0] + p_ref[1]) * nd_ref[...] + b_ref[...]
    h = jnp.maximum(h, 0.0) * ns_ref[...]
    y_ref[...] = jnp.dot(h, w_ref[...], preferred_element_type=jnp.float32)


def _tc_final_body(p_ref, nd_ref, b_ref, wout_ref, bout_ref, o_ref):
    nd = nd_ref[...][:N]
    h = (p_ref[0, :N] + p_ref[1, :N]) * nd + b_ref[...]
    m = jnp.sum(h, axis=0, keepdims=True) * (1.0 / N)
    o_ref[...] = jnp.dot(m, wout_ref[...],
                         preferred_element_type=jnp.float32) + bout_ref[...]


def _tc_norms(deg):
    return pl.pallas_call(
        _tc_norms_body,
        out_shape=(jax.ShapeDtypeStruct((N_pad, 1), jnp.float32),
                   jax.ShapeDtypeStruct((N_pad, 1), jnp.float32)),
    )(deg)


def _tc_pre(x, ns, W):
    return pl.pallas_call(
        _tc_pre_body,
        out_shape=jax.ShapeDtypeStruct((N, D), jnp.float32),
    )(x, ns, W)


def _tc_mid(p, nd, ns, b, W):
    return pl.pallas_call(
        _tc_mid_body,
        out_shape=jax.ShapeDtypeStruct((N_pad, D), jnp.float32),
    )(p, nd, ns, b, W)


def _tc_final(p, nd, b, Wout, bout):
    return pl.pallas_call(
        _tc_final_body,
        out_shape=jax.ShapeDtypeStruct((1, 1), jnp.float32),
    )(p, nd, b, Wout, bout)


def kernel(in_feat, edge_index, W1, b1, W2, b2, W3, b3, Wout, bout):
    src = edge_index[0]
    dst = edge_index[1]
    pad = E_pad - E
    sink = N + (jnp.arange(pad, dtype=jnp.int32) % (N_pad - N))
    spread = jnp.arange(pad, dtype=jnp.int32) % N
    src_a = jnp.concatenate([src, spread])
    dst_a = jnp.concatenate([dst, sink])
    src_d = jnp.concatenate([src, sink])
    ei = jnp.stack([src_a.reshape(NW, G, CH), dst_a.reshape(NW, G, CH)], axis=2)
    ei_d = jnp.stack(
        [src_d.reshape(NW, G, CH), dst_a.reshape(NW, G, CH)], axis=2
    ).reshape(NW, 2 * G, CH)

    ones_h = jnp.ones((CH, D), jnp.float32)
    zerosD = jnp.zeros((CH, D), jnp.float32)

    deg = _sc_degrees(ei_d, ones_h, zerosD)
    ns, nd = _tc_norms(deg)

    b1r = b1.reshape(1, D)
    b2r = b2.reshape(1, D)
    b3r = b3.reshape(1, D)

    y = _tc_pre(in_feat, ns, W1)
    p = _sc_aggregate(y, ei, zerosD)
    y = _tc_mid(p, nd, ns, b1r, W2)
    p = _sc_aggregate(y, ei, zerosD)
    y = _tc_mid(p, nd, ns, b2r, W2)
    p = _sc_aggregate(y, ei, zerosD)
    y = _tc_mid(p, nd, ns, b2r, W3)
    p = _sc_aggregate(y, ei, zerosD)
    out = _tc_final(p, nd, b3r, Wout, bout.reshape(1, 1))
    return out.reshape(1)

# --- scband reference (transcript-rebuilt; emitter-appended) ---
"""Pipeline reference for scband-gcn-19387482375133 (READ-ONLY COPY).

The authoritative reference and input builder live on the scoring server;
editing this copy changes nothing except your own understanding.
"""

import jax, jax.numpy as jnp
import numpy as np

N = 10000
E = 320000
D_IN = 128
D_H = 128
D_OUT = 128


def setup_inputs(seed: int = 0) -> dict:
    key = jax.random.key(seed)
    ks = jax.random.split(key, 12)
    in_feat = jax.random.normal(ks[0], (N, D_IN), dtype=jnp.float32)
    edge_index = jax.random.randint(ks[1], (2, E), 0, N, dtype=jnp.int32)
    s = 0.05
    W1 = jax.random.normal(ks[2], (D_IN, D_H), dtype=jnp.float32) * s
    b1 = jnp.zeros((D_H,), dtype=jnp.float32)
    W2 = jax.random.normal(ks[3], (D_H, D_H), dtype=jnp.float32) * s
    b2 = jnp.zeros((D_H,), dtype=jnp.float32)
    W3 = jax.random.normal(ks[4], (D_H, D_OUT), dtype=jnp.float32) * s
    b3 = jnp.zeros((D_OUT,), dtype=jnp.float32)
    Wout = jax.random.normal(ks[5], (D_OUT, 1), dtype=jnp.float32) * s
    bout = jnp.zeros((1,), dtype=jnp.float32)
    return {"in_feat": in_feat, "edge_index": edge_index, "W1": W1, "b1": b1,
            "W2": W2, "b2": b2, "W3": W3, "b3": b3, "Wout": Wout, "bout": bout}


def _gcn_conv(x, W, b, src, dst, norm_src, norm_dst):
    # DGL GraphConv with norm='both': D_dst^{-1/2} A D_src^{-1/2} X W + b
    x = x * norm_src[:, None]
    x = x @ W
    msgs = jnp.take(x, src, axis=0)
    agg = jax.ops.segment_sum(msgs, dst, num_segments=N)
    return agg * norm_dst[:, None] + b


def reference(in_feat, edge_index, W1, b1, W2, b2, W3, b3, Wout, bout):
    src = edge_index[0]
    dst = edge_index[1]
    ones = jnp.ones((E,), dtype=jnp.float32)
    deg_out = jax.ops.segment_sum(ones, src, num_segments=N)
    deg_in = jax.ops.segment_sum(ones, dst, num_segments=N)
    norm_src = jnp.where(deg_out > 0, deg_out, 1.0) ** -0.5
    norm_dst = jnp.where(deg_in > 0, deg_in, 1.0) ** -0.5
    h = jax.nn.relu(_gcn_conv(in_feat, W1, b1, src, dst, norm_src, norm_dst))
    h = jax.nn.relu(_gcn_conv(h, W2, b2, src, dst, norm_src, norm_dst))
    # conv2 applied twice (weight sharing), faithful to original forward
    h = jax.nn.relu(_gcn_conv(h, W2, b2, src, dst, norm_src, norm_dst))
    h = _gcn_conv(h, W3, b3, src, dst, norm_src, norm_dst)
    h = h @ Wout + bout
    # dgl.mean_nodes over a single graph -> mean over nodes, shape (1,)
    return jnp.mean(h, axis=0)

if __name__ == "__main__":
    import jax
    _d = setup_inputs()
    print(jax.jit(kernel)(*tuple(_d.values())))

</pallas_src>

<mosaic_0001>
#map = affine_map<(d0, d1) -> (0, 0)>
#map1 = affine_map<(d0, d1) -> (0, 0, 0, 0)>
#map2 = affine_map<(d0, d1) -> (0, 0, 0)>
module attributes {stable_mosaic.version = 14 : i64} {
  func.func @_sc_aggregate(%arg0: i32, %arg1: i32, %arg2: memref<10240x128xf32, #tpu.memory_space<hbm>>, %arg3: memref<32x80x2x128xi32, #tpu.memory_space<hbm>>, %arg4: memref<128x128xf32, #tpu.memory_space<hbm>>, %arg5: memref<2x10240x128xf32, #tpu.memory_space<hbm>>, %arg6: memref<4x2x128xi32, #tpu.memory_space<vmem>>, %arg7: memref<128x128xf32, #tpu.memory_space<vmem>>, %arg8: memref<128x128xf32, #tpu.memory_space<vmem>>, %arg9: memref<10240x128xf32, #tpu.memory_space<vmem_shared>>, %arg10: memref<!tpu.dma_semaphore, #tpu.memory_space<semaphore_mem>>, %arg11: memref<!tpu.dma_semaphore, #tpu.memory_space<semaphore_mem>>, %arg12: memref<!tpu.dma_semaphore, #tpu.memory_space<semaphore_mem>>, %arg13: memref<!tpu.dma_semaphore, #tpu.memory_space<semaphore_mem>>, %arg14: memref<!tpu.dma_semaphore, #tpu.memory_space<semaphore_mem>>, %arg15: memref<!tpu.dma_semaphore, #tpu.memory_space<semaphore_mem>>) attributes {dimension_semantics = [#tpu.dimension_semantics<core_parallel>, #tpu.dimension_semantics<subcore_parallel>], iteration_bounds = array<i64: 2, 16>, scalar_prefetch = 0 : i64, scratch_operands = 10 : i64, tpu.core_type = #tpu.core_type<sc_vector_subcore>, window_params = [{transform_indices = #map}, {transform_indices = #map1}, {transform_indices = #map}, {transform_indices = #map2}]} {
    %mul3A = arith.constant 2 : i32
    %mul3A_0 = arith.muli %arg1, %mul3A : i32
    %add3A = arith.addi %mul3A_0, %arg0 : i32
    %mul3A_1 = arith.constant 640 : i32
    %mul3A_2 = arith.muli %arg1, %mul3A_1 : i32
    %add3A_3 = arith.constant 0 : i32
    %add3A_4 = arith.addi %mul3A_2, %add3A_3 : i32
    "tpu.region"() ({
      %run_scoped3A = tpu.sem_alloc : memref<!tpu.dma_semaphore, #tpu.memory_space<semaphore_mem>>
      %dma_start3A_189 = arith.constant 0 : i32
      %dma_start3A_190 = tpu.memref_slice %arg9[%add3A_4, %dma_start3A_189] : memref<10240x128xf32, #tpu.memory_space<vmem_shared>> -> memref<128x128xf32, #tpu.memory_space<vmem_shared>>
      tpu.enqueue_dma source(%arg4 : memref<128x128xf32, #tpu.memory_space<hbm>>) target(%dma_start3A_190 : memref<128x128xf32, #tpu.memory_space<vmem_shared>>) target_semaphore(%run_scoped3A : memref<!tpu.dma_semaphore, #tpu.memory_space<semaphore_mem>>)
      %dma_wait3A_191 = arith.constant 0 : i32
      %dma_wait3A_192 = tpu.memref_slice %arg9[%add3A_4, %dma_wait3A_191] : memref<10240x128xf32, #tpu.memory_space<vmem_shared>> -> memref<128x128xf32, #tpu.memory_space<vmem_shared>>
      tpu.wait_dma2 semaphore(%run_scoped3A : memref<!tpu.dma_semaphore, #tpu.memory_space<semaphore_mem>>) src(%arg4 : memref<128x128xf32, #tpu.memory_space<hbm>>) dst(%dma_wait3A_192 : memref<128x128xf32, #tpu.memory_space<vmem_shared>>)
      tpu.yield
    }) : () -> ()
    %add3A_5 = arith.constant 128 : i32
    %add3A_6 = arith.addi %mul3A_2, %add3A_5 : i32
    "tpu.region"() ({
      %run_scoped3A = tpu.sem_alloc : memref<!tpu.dma_semaphore, #tpu.memory_space<semaphore_mem>>
      %dma_start3A_189 = arith.constant 0 : i32
      %dma_start3A_190 = tpu.memref_slice %arg9[%add3A_6, %dma_start3A_189] : memref<10240x128xf32, #tpu.memory_space<vmem_shared>> -> memref<128x128xf32, #tpu.memory_space<vmem_shared>>
      tpu.enqueue_dma source(%arg4 : memref<128x128xf32, #tpu.memory_space<hbm>>) target(%dma_start3A_190 : memref<128x128xf32, #tpu.memory_space<vmem_shared>>) target_semaphore(%run_scoped3A : memref<!tpu.dma_semaphore, #tpu.memory_space<semaphore_mem>>)
      %dma_wait3A_191 = arith.constant 0 : i32
      %dma_wait3A_192 = tpu.memref_slice %arg9[%add3A_6, %dma_wait3A_191] : memref<10240x128xf32, #tpu.memory_space<vmem_shared>> -> memref<128x128xf32, #tpu.memory_space<vmem_shared>>
      tpu.wait_dma2 semaphore(%run_scoped3A : memref<!tpu.dma_semaphore, #tpu.memory_space<semaphore_mem>>) src(%arg4 : memref<128x128xf32, #tpu.memory_space<hbm>>) dst(%dma_wait3A_192 : memref<128x128xf32, #tpu.memory_space<vmem_shared>>)
      tpu.yield
    }) : () -> ()
    %add3A_7 = arith.constant 256 : i32
    %add3A_8 = arith.addi %mul3A_2, %add3A_7 : i32
    "tpu.region"() ({
      %run_scoped3A = tpu.sem_alloc : memref<!tpu.dma_semaphore, #tpu.memory_space<semaphore_mem>>
      %dma_start3A_189 = arith.constant 0 : i32
      %dma_start3A_190 = tpu.memref_slice %arg9[%add3A_8, %dma_start3A_189] : memref<10240x128xf32, #tpu.memory_space<vmem_shared>> -> memref<128x128xf32, #tpu.memory_space<vmem_shared>>
      tpu.enqueue_dma source(%arg4 : memref<128x128xf32, #tpu.memory_space<hbm>>) target(%dma_start3A_190 : memref<128x128xf32, #tpu.memory_space<vmem_shared>>) target_semaphore(%run_scoped3A : memref<!tpu.dma_semaphore, #tpu.memory_space<semaphore_mem>>)
      %dma_wait3A_191 = arith.constant 0 : i32
      %dma_wait3A_192 = tpu.memref_slice %arg9[%add3A_8, %dma_wait3A_191] : memref<10240x128xf32, #tpu.memory_space<vmem_shared>> -> memref<128x128xf32, #tpu.memory_space<vmem_shared>>
      tpu.wait_dma2 semaphore(%run_scoped3A : memref<!tpu.dma_semaphore, #tpu.memory_space<semaphore_mem>>) src(%arg4 : memref<128x128xf32, #tpu.memory_space<hbm>>) dst(%dma_wait3A_192 : memref<128x128xf32, #tpu.memory_space<vmem_shared>>)
      tpu.yield
    }) : () -> ()
    %add3A_9 = arith.constant 384 : i32
    %add3A_10 = arith.addi %mul3A_2, %add3A_9 : i32
    "tpu.region"() ({
      %run_scoped3A = tpu.sem_alloc : memref<!tpu.dma_semaphore, #tpu.memory_space<semaphore_mem>>
      %dma_start3A_189 = arith.constant 0 : i32
      %dma_start3A_190 = tpu.memref_slice %arg9[%add3A_10, %dma_start3A_189] : memref<10240x128xf32, #tpu.memory_space<vmem_shared>> -> memref<128x128xf32, #tpu.memory_space<vmem_shared>>
      tpu.enqueue_dma source(%arg4 : memref<128x128xf32, #tpu.memory_space<hbm>>) target(%dma_start3A_190 : memref<128x128xf32, #tpu.memory_space<vmem_shared>>) target_semaphore(%run_scoped3A : memref<!tpu.dma_semaphore, #tpu.memory_space<semaphore_mem>>)
      %dma_wait3A_191 = arith.constant 0 : i32
      %dma_wait3A_192 = tpu.memref_slice %arg9[%add3A_10, %dma_wait3A_191] : memref<10240x128xf32, #tpu.memory_space<vmem_shared>> -> memref<128x128xf32, #tpu.memory_space<vmem_shared>>
      tpu.wait_dma2 semaphore(%run_scoped3A : memref<!tpu.dma_semaphore, #tpu.memory_space<semaphore_mem>>) src(%arg4 : memref<128x128xf32, #tpu.memory_space<hbm>>) dst(%dma_wait3A_192 : memref<128x128xf32, #tpu.memory_space<vmem_shared>>)
      tpu.yield
    }) : () -> ()
    %add3A_11 = arith.constant 512 : i32
    %add3A_12 = arith.addi %mul3A_2, %add3A_11 : i32
    "tpu.region"() ({
      %run_scoped3A = tpu.sem_alloc : memref<!tpu.dma_semaphore, #tpu.memory_space<semaphore_mem>>
      %dma_start3A_189 = arith.constant 0 : i32
      %dma_start3A_190 = tpu.memref_slice %arg9[%add3A_12, %dma_start3A_189] : memref<10240x128xf32, #tpu.memory_space<vmem_shared>> -> memref<128x128xf32, #tpu.memory_space<vmem_shared>>
      tpu.enqueue_dma source(%arg4 : memref<128x128xf32, #tpu.memory_space<hbm>>) target(%dma_start3A_190 : memref<128x128xf32, #tpu.memory_space<vmem_shared>>) target_semaphore(%run_scoped3A : memref<!tpu.dma_semaphore, #tpu.memory_space<semaphore_mem>>)
      %dma_wait3A_191 = arith.constant 0 : i32
      %dma_wait3A_192 = tpu.memref_slice %arg9[%add3A_12, %dma_wait3A_191] : memref<10240x128xf32, #tpu.memory_space<vmem_shared>> -> memref<128x128xf32, #tpu.memory_space<vmem_shared>>
      tpu.wait_dma2 semaphore(%run_scoped3A : memref<!tpu.dma_semaphore, #tpu.memory_space<semaphore_mem>>) src(%arg4 : memref<128x128xf32, #tpu.memory_space<hbm>>) dst(%dma_wait3A_192 : memref<128x128xf32, #tpu.memory_space<vmem_shared>>)
      tpu.yield
    }) : () -> ()
    %barrier3A = arith.constant 0 : index
    tpu.barrier barrier_id(%barrier3A)
    %dma_start3A = arith.constant 0 : i32
    %dma_start3A_13 = arith.constant 0 : i32
    %dma_start3A_14 = arith.constant 0 : i32
    %dma_start3A_15 = arith.constant 0 : i32
    %dma_start3A_16 = tpu.memref_slice %arg6[%dma_start3A_13, %dma_start3A_14, %dma_start3A_15] : memref<4x2x128xi32, #tpu.memory_space<vmem>> -> memref<1x2x128xi32, #tpu.memory_space<vmem>>
    %dma_start3A_17 = tpu.memref_squeeze %dma_start3A_16 : memref<1x2x128xi32, #tpu.memory_space<vmem>> -> memref<2x128xi32, #tpu.memory_space<vmem>>
    %dma_start3A_18 = arith.constant 0 : i32
    %dma_start3A_19 = arith.constant 0 : i32
    %dma_start3A_20 = tpu.memref_slice %arg3[%add3A, %dma_start3A, %dma_start3A_18, %dma_start3A_19] : memref<32x80x2x128xi32, #tpu.memory_space<hbm>> -> memref<1x1x2x128xi32, #tpu.memory_space<hbm>>
    %dma_start3A_21 = tpu.memref_squeeze %dma_start3A_20 : memref<1x1x2x128xi32, #tpu.memory_space<hbm>> -> memref<2x128xi32, #tpu.memory_space<hbm>>
    %dma_start3A_22 = arith.constant 0 : i32
    %dma_start3A_23 = arith.constant 0 : i32
    %dma_start3A_24 = tpu.memref_slice %arg6[%dma_start3A_13, %dma_start3A_22, %dma_start3A_23] : memref<4x2x128xi32, #tpu.memory_space<vmem>> -> memref<1x2x128xi32, #tpu.memory_space<vmem>>
    %dma_start3A_25 = tpu.memref_squeeze %dma_start3A_24 : memref<1x2x128xi32, #tpu.memory_space<vmem>> -> memref<2x128xi32, #tpu.memory_space<vmem>>
    %dma_start3A_26 = arith.constant 0 : i32
    %dma_start3A_27 = arith.constant 0 : i32
    %dma_start3A_28 = tpu.memref_slice %arg3[%add3A, %dma_start3A, %dma_start3A_26, %dma_start3A_27] : memref<32x80x2x128xi32, #tpu.memory_space<hbm>> -> memref<1x1x2x128xi32, #tpu.memory_space<hbm>>
    %dma_start3A_29 = tpu.memref_squeeze %dma_start3A_28 : memref<1x1x2x128xi32, #tpu.memory_space<hbm>> -> memref<2x128xi32, #tpu.memory_space<hbm>>
    tpu.enqueue_dma source(%dma_start3A_29 : memref<2x128xi32, #tpu.memory_space<hbm>>) target(%dma_start3A_25 : memref<2x128xi32, #tpu.memory_space<vmem>>) target_semaphore(%arg10 : memref<!tpu.dma_semaphore, #tpu.memory_space<semaphore_mem>>)
    %dma_start3A_30 = arith.constant 1 : i32
    %dma_start3A_31 = arith.constant 1 : i32
    %dma_start3A_32 = arith.constant 0 : i32
    %dma_start3A_33 = arith.constant 0 : i32
    %dma_start3A_34 = tpu.memref_slice %arg6[%dma_start3A_31, %dma_start3A_32, %dma_start3A_33] : memref<4x2x128xi32, #tpu.memory_space<vmem>> -> memref<1x2x128xi32, #tpu.memory_space<vmem>>
    %dma_start3A_35 = tpu.memref_squeeze %dma_start3A_34 : memref<1x2x128xi32, #tpu.memory_space<vmem>> -> memref<2x128xi32, #tpu.memory_space<vmem>>
    %dma_start3A_36 = arith.constant 0 : i32
    %dma_start3A_37 = arith.constant 0 : i32
    %dma_start3A_38 = tpu.memref_slice %arg3[%add3A, %dma_start3A_30, %dma_start3A_36, %dma_start3A_37] : memref<32x80x2x128xi32, #tpu.memory_space<hbm>> -> memref<1x1x2x128xi32, #tpu.memory_space<hbm>>
    %dma_start3A_39 = tpu.memref_squeeze %dma_start3A_38 : memref<1x1x2x128xi32, #tpu.memory_space<hbm>> -> memref<2x128xi32, #tpu.memory_space<hbm>>
    %dma_start3A_40 = arith.constant 0 : i32
    %dma_start3A_41 = arith.constant 0 : i32
    %dma_start3A_42 = tpu.memref_slice %arg6[%dma_start3A_31, %dma_start3A_40, %dma_start3A_41] : memref<4x2x128xi32, #tpu.memory_space<vmem>> -> memref<1x2x128xi32, #tpu.memory_space<vmem>>
    %dma_start3A_43 = tpu.memref_squeeze %dma_start3A_42 : memref<1x2x128xi32, #tpu.memory_space<vmem>> -> memref<2x128xi32, #tpu.memory_space<vmem>>
    %dma_start3A_44 = arith.constant 0 : i32
    %dma_start3A_45 = arith.constant 0 : i32
    %dma_start3A_46 = tpu.memref_slice %arg3[%add3A, %dma_start3A_30, %dma_start3A_44, %dma_start3A_45] : memref<32x80x2x128xi32, #tpu.memory_space<hbm>> -> memref<1x1x2x128xi32, #tpu.memory_space<hbm>>
    %dma_start3A_47 = tpu.memref_squeeze %dma_start3A_46 : memref<1x1x2x128xi32, #tpu.memory_space<hbm>> -> memref<2x128xi32, #tpu.memory_space<hbm>>
    tpu.enqueue_dma source(%dma_start3A_47 : memref<2x128xi32, #tpu.memory_space<hbm>>) target(%dma_start3A_43 : memref<2x128xi32, #tpu.memory_space<vmem>>) target_semaphore(%arg11 : memref<!tpu.dma_semaphore, #tpu.memory_space<semaphore_mem>>)
    %dma_start3A_48 = arith.constant 2 : i32
    %dma_start3A_49 = arith.constant 2 : i32
    %dma_start3A_50 = arith.constant 0 : i32
    %dma_start3A_51 = arith.constant 0 : i32
    %dma_start3A_52 = tpu.memref_slice %arg6[%dma_start3A_49, %dma_start3A_50, %dma_start3A_51] : memref<4x2x128xi32, #tpu.memory_space<vmem>> -> memref<1x2x128xi32, #tpu.memory_space<vmem>>
    %dma_start3A_53 = tpu.memref_squeeze %dma_start3A_52 : memref<1x2x128xi32, #tpu.memory_space<vmem>> -> memref<2x128xi32, #tpu.memory_space<vmem>>
    %dma_start3A_54 = arith.constant 0 : i32
    %dma_start3A_55 = arith.constant 0 : i32
    %dma_start3A_56 = tpu.memref_slice %arg3[%add3A, %dma_start3A_48, %dma_start3A_54, %dma_start3A_55] : memref<32x80x2x128xi32, #tpu.memory_space<hbm>> -> memref<1x1x2x128xi32, #tpu.memory_space<hbm>>
    %dma_start3A_57 = tpu.memref_squeeze %dma_start3A_56 : memref<1x1x2x128xi32, #tpu.memory_space<hbm>> -> memref<2x128xi32, #tpu.memory_space<hbm>>
    %dma_start3A_58 = arith.constant 0 : i32
    %dma_start3A_59 = arith.constant 0 : i32
    %dma_start3A_60 = tpu.memref_slice %arg6[%dma_start3A_49, %dma_start3A_58, %dma_start3A_59] : memref<4x2x128xi32, #tpu.memory_space<vmem>> -> memref<1x2x128xi32, #tpu.memory_space<vmem>>
    %dma_start3A_61 = tpu.memref_squeeze %dma_start3A_60 : memref<1x2x128xi32, #tpu.memory_space<vmem>> -> memref<2x128xi32, #tpu.memory_space<vmem>>
    %dma_start3A_62 = arith.constant 0 : i32
    %dma_start3A_63 = arith.constant 0 : i32
    %dma_start3A_64 = tpu.memref_slice %arg3[%add3A, %dma_start3A_48, %dma_start3A_62, %dma_start3A_63] : memref<32x80x2x128xi32, #tpu.memory_space<hbm>> -> memref<1x1x2x128xi32, #tpu.memory_space<hbm>>
    %dma_start3A_65 = tpu.memref_squeeze %dma_start3A_64 : memref<1x1x2x128xi32, #tpu.memory_space<hbm>> -> memref<2x128xi32, #tpu.memory_space<hbm>>
    tpu.enqueue_dma source(%dma_start3A_65 : memref<2x128xi32, #tpu.memory_space<hbm>>) target(%dma_start3A_61 : memref<2x128xi32, #tpu.memory_space<vmem>>) target_semaphore(%arg12 : memref<!tpu.dma_semaphore, #tpu.memory_space<semaphore_mem>>)
    %dma_start3A_66 = arith.constant 3 : i32
    %dma_start3A_67 = arith.constant 3 : i32
    %dma_start3A_68 = arith.constant 0 : i32
    %dma_start3A_69 = arith.constant 0 : i32
    %dma_start3A_70 = tpu.memref_slice %arg6[%dma_start3A_67, %dma_start3A_68, %dma_start3A_69] : memref<4x2x128xi32, #tpu.memory_space<vmem>> -> memref<1x2x128xi32, #tpu.memory_space<vmem>>
    %dma_start3A_71 = tpu.memref_squeeze %dma_start3A_70 : memref<1x2x128xi32, #tpu.memory_space<vmem>> -> memref<2x128xi32, #tpu.memory_space<vmem>>
    %dma_start3A_72 = arith.constant 0 : i32
    %dma_start3A_73 = arith.constant 0 : i32
    %dma_start3A_74 = tpu.memref_slice %arg3[%add3A, %dma_start3A_66, %dma_start3A_72, %dma_start3A_73] : memref<32x80x2x128xi32, #tpu.memory_space<hbm>> -> memref<1x1x2x128xi32, #tpu.memory_space<hbm>>
    %dma_start3A_75 = tpu.memref_squeeze %dma_start3A_74 : memref<1x1x2x128xi32, #tpu.memory_space<hbm>> -> memref<2x128xi32, #tpu.memory_space<hbm>>
    %dma_start3A_76 = arith.constant 0 : i32
    %dma_start3A_77 = arith.constant 0 : i32
    %dma_start3A_78 = tpu.memref_slice %arg6[%dma_start3A_67, %dma_start3A_76, %dma_start3A_77] : memref<4x2x128xi32, #tpu.memory_space<vmem>> -> memref<1x2x128xi32, #tpu.memory_space<vmem>>
    %dma_start3A_79 = tpu.memref_squeeze %dma_start3A_78 : memref<1x2x128xi32, #tpu.memory_space<vmem>> -> memref<2x128xi32, #tpu.memory_space<vmem>>
    %dma_start3A_80 = arith.constant 0 : i32
    %dma_start3A_81 = arith.constant 0 : i32
    %dma_start3A_82 = tpu.memref_slice %arg3[%add3A, %dma_start3A_66, %dma_start3A_80, %dma_start3A_81] : memref<32x80x2x128xi32, #tpu.memory_space<hbm>> -> memref<1x1x2x128xi32, #tpu.memory_space<hbm>>
    %dma_start3A_83 = tpu.memref_squeeze %dma_start3A_82 : memref<1x1x2x128xi32, #tpu.memory_space<hbm>> -> memref<2x128xi32, #tpu.memory_space<hbm>>
    tpu.enqueue_dma source(%dma_start3A_83 : memref<2x128xi32, #tpu.memory_space<hbm>>) target(%dma_start3A_79 : memref<2x128xi32, #tpu.memory_space<vmem>>) target_semaphore(%arg13 : memref<!tpu.dma_semaphore, #tpu.memory_space<semaphore_mem>>)
    %dma_wait3A = arith.constant 0 : i32
    %dma_wait3A_84 = arith.constant 0 : i32
    %dma_wait3A_85 = arith.constant 0 : i32
    %dma_wait3A_86 = arith.constant 0 : i32
    %dma_wait3A_87 = tpu.memref_slice %arg6[%dma_wait3A_84, %dma_wait3A_85, %dma_wait3A_86] : memref<4x2x128xi32, #tpu.memory_space<vmem>> -> memref<1x2x128xi32, #tpu.memory_space<vmem>>
    %dma_wait3A_88 = tpu.memref_squeeze %dma_wait3A_87 : memref<1x2x128xi32, #tpu.memory_space<vmem>> -> memref<2x128xi32, #tpu.memory_space<vmem>>
    %dma_wait3A_89 = arith.constant 0 : i32
    %dma_wait3A_90 = arith.constant 0 : i32
    %dma_wait3A_91 = tpu.memref_slice %arg3[%add3A, %dma_wait3A, %dma_wait3A_89, %dma_wait3A_90] : memref<32x80x2x128xi32, #tpu.memory_space<hbm>> -> memref<1x1x2x128xi32, #tpu.memory_space<hbm>>
    %dma_wait3A_92 = tpu.memref_squeeze %dma_wait3A_91 : memref<1x1x2x128xi32, #tpu.memory_space<hbm>> -> memref<2x128xi32, #tpu.memory_space<hbm>>
    %dma_wait3A_93 = arith.constant 0 : i32
    %dma_wait3A_94 = arith.constant 0 : i32
    %dma_wait3A_95 = tpu.memref_slice %arg6[%dma_wait3A_84, %dma_wait3A_93, %dma_wait3A_94] : memref<4x2x128xi32, #tpu.memory_space<vmem>> -> memref<1x2x128xi32, #tpu.memory_space<vmem>>
    %dma_wait3A_96 = tpu.memref_squeeze %dma_wait3A_95 : memref<1x2x128xi32, #tpu.memory_space<vmem>> -> memref<2x128xi32, #tpu.memory_space<vmem>>
    %dma_wait3A_97 = arith.constant 0 : i32
    %dma_wait3A_98 = arith.constant 0 : i32
    %dma_wait3A_99 = tpu.memref_slice %arg3[%add3A, %dma_wait3A, %dma_wait3A_97, %dma_wait3A_98] : memref<32x80x2x128xi32, #tpu.memory_space<hbm>> -> memref<1x1x2x128xi32, #tpu.memory_space<hbm>>
    %dma_wait3A_100 = tpu.memref_squeeze %dma_wait3A_99 : memref<1x1x2x128xi32, #tpu.memory_space<hbm>> -> memref<2x128xi32, #tpu.memory_space<hbm>>
    tpu.wait_dma2 semaphore(%arg10 : memref<!tpu.dma_semaphore, #tpu.memory_space<semaphore_mem>>) src(%dma_wait3A_100 : memref<2x128xi32, #tpu.memory_space<hbm>>) dst(%dma_wait3A_96 : memref<2x128xi32, #tpu.memory_space<vmem>>)
    %dma_start3A_101 = arith.constant 0 : i32
    %dma_start3A_102 = arith.constant 0 : i32
    %dma_start3A_103 = arith.constant 0 : i32
    %dma_start3A_104 = tpu.memref_slice %arg6[%dma_start3A_101, %dma_start3A_102, %dma_start3A_103] : memref<4x2x128xi32, #tpu.memory_space<vmem>> -> memref<1x1x128xi32, #tpu.memory_space<vmem>>
    %dma_start3A_105 = tpu.memref_squeeze %dma_start3A_104 : memref<1x1x128xi32, #tpu.memory_space<vmem>> -> memref<128xi32, #tpu.memory_space<vmem>>
    %dma_start3A_106 = arith.constant 0 : i32
    %dma_start3A_107 = arith.constant 0 : i32
    %dma_start3A_108 = tpu.memref_slice %arg2[%dma_start3A_106, %dma_start3A_107] : memref<10240x128xf32, #tpu.memory_space<hbm>> -> memref<10240x128xf32, #tpu.memory_space<hbm>>
    tpu.enqueue_indirect_dma source(%dma_start3A_108 : memref<10240x128xf32, #tpu.memory_space<hbm>>) target(%arg7 : memref<128x128xf32, #tpu.memory_space<vmem>>) offsets(%dma_start3A_105 : memref<128xi32, #tpu.memory_space<vmem>>) semaphore(%arg14 : memref<!tpu.dma_semaphore, #tpu.memory_space<semaphore_mem>>)
    %dma_wait3A_109 = arith.constant 0 : i32
    %dma_wait3A_110 = arith.constant 1 : i32
    %dma_wait3A_111 = arith.constant 0 : i32
    %dma_wait3A_112 = arith.constant 0 : i32
    %dma_wait3A_113 = tpu.memref_slice %arg6[%dma_wait3A_110, %dma_wait3A_111, %dma_wait3A_112] : memref<4x2x128xi32, #tpu.memory_space<vmem>> -> memref<1x2x128xi32, #tpu.memory_space<vmem>>
    %dma_wait3A_114 = tpu.memref_squeeze %dma_wait3A_113 : memref<1x2x128xi32, #tpu.memory_space<vmem>> -> memref<2x128xi32, #tpu.memory_space<vmem>>
    %dma_wait3A_115 = arith.constant 0 : i32
    %dma_wait3A_116 = arith.constant 0 : i32
    %dma_wait3A_117 = tpu.memref_slice %arg3[%add3A, %dma_wait3A_109, %dma_wait3A_115, %dma_wait3A_116] : memref<32x80x2x128xi32, #tpu.memory_space<hbm>> -> memref<1x1x2x128xi32, #tpu.memory_space<hbm>>
    %dma_wait3A_118 = tpu.memref_squeeze %dma_wait3A_117 : memref<1x1x2x128xi32, #tpu.memory_space<hbm>> -> memref<2x128xi32, #tpu.memory_space<hbm>>
    %dma_wait3A_119 = arith.constant 0 : i32
    %dma_wait3A_120 = arith.constant 0 : i32
    %dma_wait3A_121 = tpu.memref_slice %arg6[%dma_wait3A_110, %dma_wait3A_119, %dma_wait3A_120] : memref<4x2x128xi32, #tpu.memory_space<vmem>> -> memref<1x2x128xi32, #tpu.memory_space<vmem>>
    %dma_wait3A_122 = tpu.memref_squeeze %dma_wait3A_121 : memref<1x2x128xi32, #tpu.memory_space<vmem>> -> memref<2x128xi32, #tpu.memory_space<vmem>>
    %dma_wait3A_123 = arith.constant 0 : i32
    %dma_wait3A_124 = arith.constant 0 : i32
    %dma_wait3A_125 = tpu.memref_slice %arg3[%add3A, %dma_wait3A_109, %dma_wait3A_123, %dma_wait3A_124] : memref<32x80x2x128xi32, #tpu.memory_space<hbm>> -> memref<1x1x2x128xi32, #tpu.memory_space<hbm>>
    %dma_wait3A_126 = tpu.memref_squeeze %dma_wait3A_125 : memref<1x1x2x128xi32, #tpu.memory_space<hbm>> -> memref<2x128xi32, #tpu.memory_space<hbm>>
    tpu.wait_dma2 semaphore(%arg11 : memref<!tpu.dma_semaphore, #tpu.memory_space<semaphore_mem>>) src(%dma_wait3A_126 : memref<2x128xi32, #tpu.memory_space<hbm>>) dst(%dma_wait3A_122 : memref<2x128xi32, #tpu.memory_space<vmem>>)
    %dma_start3A_127 = arith.constant 1 : i32
    %dma_start3A_128 = arith.constant 0 : i32
    %dma_start3A_129 = arith.constant 0 : i32
    %dma_start3A_130 = tpu.memref_slice %arg6[%dma_start3A_127, %dma_start3A_128, %dma_start3A_129] : memref<4x2x128xi32, #tpu.memory_space<vmem>> -> memref<1x1x128xi32, #tpu.memory_space<vmem>>
    %dma_start3A_131 = tpu.memref_squeeze %dma_start3A_130 : memref<1x1x128xi32, #tpu.memory_space<vmem>> -> memref<128xi32, #tpu.memory_space<vmem>>
    %dma_start3A_132 = arith.constant 0 : i32
    %dma_start3A_133 = arith.constant 0 : i32
    %dma_start3A_134 = tpu.memref_slice %arg2[%dma_start3A_132, %dma_start3A_133] : memref<10240x128xf32, #tpu.memory_space<hbm>> -> memref<10240x128xf32, #tpu.memory_space<hbm>>
    tpu.enqueue_indirect_dma source(%dma_start3A_134 : memref<10240x128xf32, #tpu.memory_space<hbm>>) target(%arg8 : memref<128x128xf32, #tpu.memory_space<vmem>>) offsets(%dma_start3A_131 : memref<128xi32, #tpu.memory_space<vmem>>) semaphore(%arg15 : memref<!tpu.dma_semaphore, #tpu.memory_space<semaphore_mem>>)
    %scan3A = arith.constant 0 : i32
    %scan3A_135 = arith.constant 0 : i32
    %scan3A_136 = arith.constant 20 : i32
    %scan3A_137 = arith.addi %scan3A_135, %scan3A_136 : i32
    %scan3A_138 = arith.constant 1 : i32
    scf.for %scan3A_189 = %scan3A_135 to %scan3A_137 step %scan3A_138  : i32 {
      %mul3A_190 = arith.constant 4 : i32
      %mul3A_191 = arith.muli %mul3A_190, %scan3A_189 : i32
      %dma_wait3A_192 = arith.constant 0 : i32
      %dma_wait3A_193 = arith.constant 0 : i32
      %dma_wait3A_194 = tpu.memref_slice %arg2[%dma_wait3A_192, %dma_wait3A_193] : memref<10240x128xf32, #tpu.memory_space<hbm>> -> memref<128x128xf32, #tpu.memory_space<hbm>>
      %dma_wait3A_195 = arith.constant 0 : i32
      %dma_wait3A_196 = arith.constant 0 : i32
      %dma_wait3A_197 = tpu.memref_slice %arg2[%dma_wait3A_195, %dma_wait3A_196] : memref<10240x128xf32, #tpu.memory_space<hbm>> -> memref<128x128xf32, #tpu.memory_space<hbm>>
      tpu.wait_dma2 semaphore(%arg14 : memref<!tpu.dma_semaphore, #tpu.memory_space<semaphore_mem>>) src(%dma_wait3A_197 : memref<128x128xf32, #tpu.memory_space<hbm>>) dst(%arg7 : memref<128x128xf32, #tpu.memory_space<vmem>>)
      %run_scoped3A = arith.constant 0 : i32
      %run_scoped3A_198 = arith.constant 1 : i32
      "tpu.region"() ({
        %run_scoped3A_418 = tpu.sem_alloc : memref<!tpu.dma_semaphore, #tpu.memory_space<semaphore_mem>>
        %dma_start3A_419 = arith.constant 0 : i32
        %dma_start3A_420 = tpu.memref_slice %arg6[%run_scoped3A, %run_scoped3A_198, %dma_start3A_419] : memref<4x2x128xi32, #tpu.memory_space<vmem>> -> memref<1x1x128xi32, #tpu.memory_space<vmem>>
        %dma_start3A_421 = tpu.memref_squeeze %dma_start3A_420 : memref<1x1x128xi32, #tpu.memory_space<vmem>> -> memref<128xi32, #tpu.memory_space<vmem>>
        %dma_start3A_422 = arith.constant 0 : i32
        %dma_start3A_423 = arith.constant 0 : i32
        %dma_start3A_424 = tpu.memref_slice %arg9[%dma_start3A_422, %dma_start3A_423] : memref<10240x128xf32, #tpu.memory_space<vmem_shared>> -> memref<10240x128xf32, #tpu.memory_space<vmem_shared>>
        tpu.enqueue_indirect_dma source(%arg7 : memref<128x128xf32, #tpu.memory_space<vmem>>) target(%dma_start3A_424 : memref<10240x128xf32, #tpu.memory_space<vmem_shared>>) offsets(%dma_start3A_421 : memref<128xi32, #tpu.memory_space<vmem>>) semaphore(%run_scoped3A_418 : memref<!tpu.dma_semaphore, #tpu.memory_space<semaphore_mem>>) {add = true}
        %dma_wait3A_425 = arith.constant 0 : i32
        %dma_wait3A_426 = tpu.memref_slice %arg6[%run_scoped3A, %run_scoped3A_198, %dma_wait3A_425] : memref<4x2x128xi32, #tpu.memory_space<vmem>> -> memref<1x1x128xi32, #tpu.memory_space<vmem>>
        %dma_wait3A_427 = tpu.memref_squeeze %dma_wait3A_426 : memref<1x1x128xi32, #tpu.memory_space<vmem>> -> memref<128xi32, #tpu.memory_space<vmem>>
        %dma_wait3A_428 = arith.constant 0 : i32
        %dma_wait3A_429 = arith.constant 0 : i32
        %dma_wait3A_430 = tpu.memref_slice %arg9[%dma_wait3A_428, %dma_wait3A_429] : memref<10240x128xf32, #tpu.memory_space<vmem_shared>> -> memref<10240x128xf32, #tpu.memory_space<vmem_shared>>
        tpu.wait_indirect_dma semaphore(%run_scoped3A_418 : memref<!tpu.dma_semaphore, #tpu.memory_space<semaphore_mem>>) src(%arg7 : memref<128x128xf32, #tpu.memory_space<vmem>>) dst(%dma_wait3A_430 : memref<10240x128xf32, #tpu.memory_space<vmem_shared>>)
        tpu.yield
      }) : () -> ()
      %add3A_199 = arith.constant 0 : i32
      %add3A_200 = arith.addi %mul3A_191, %add3A_199 : i32
      %add3A_201 = arith.constant 4 : i32
      %add3A_202 = arith.addi %add3A_200, %add3A_201 : i32
      %min3A = arith.constant 79 : i32
      %min3A_203 = arith.minsi %add3A_202, %min3A : i32
      %dma_start3A_204 = arith.constant 0 : i32
      %dma_start3A_205 = arith.constant 0 : i32
      %dma_start3A_206 = arith.constant 0 : i32
      %dma_start3A_207 = tpu.memref_slice %arg6[%dma_start3A_204, %dma_start3A_205, %dma_start3A_206] : memref<4x2x128xi32, #tpu.memory_space<vmem>> -> memref<1x2x128xi32, #tpu.memory_space<vmem>>
      %dma_start3A_208 = tpu.memref_squeeze %dma_start3A_207 : memref<1x2x128xi32, #tpu.memory_space<vmem>> -> memref<2x128xi32, #tpu.memory_space<vmem>>
      %dma_start3A_209 = arith.constant 0 : i32
      %dma_start3A_210 = arith.constant 0 : i32
      %dma_start3A_211 = tpu.memref_slice %arg3[%add3A, %min3A_203, %dma_start3A_209, %dma_start3A_210] : memref<32x80x2x128xi32, #tpu.memory_space<hbm>> -> memref<1x1x2x128xi32, #tpu.memory_space<hbm>>
      %dma_start3A_212 = tpu.memref_squeeze %dma_start3A_211 : memref<1x1x2x128xi32, #tpu.memory_space<hbm>> -> memref<2x128xi32, #tpu.memory_space<hbm>>
      %dma_start3A_213 = arith.constant 0 : i32
      %dma_start3A_214 = arith.constant 0 : i32
      %dma_start3A_215 = tpu.memref_slice %arg6[%dma_start3A_204, %dma_start3A_213, %dma_start3A_214] : memref<4x2x128xi32, #tpu.memory_space<vmem>> -> memref<1x2x128xi32, #tpu.memory_space<vmem>>
      %dma_start3A_216 = tpu.memref_squeeze %dma_start3A_215 : memref<1x2x128xi32, #tpu.memory_space<vmem>> -> memref<2x128xi32, #tpu.memory_space<vmem>>
      %dma_start3A_217 = arith.constant 0 : i32
      %dma_start3A_218 = arith.constant 0 : i32
      %dma_start3A_219 = tpu.memref_slice %arg3[%add3A, %min3A_203, %dma_start3A_217, %dma_start3A_218] : memref<32x80x2x128xi32, #tpu.memory_space<hbm>> -> memref<1x1x2x128xi32, #tpu.memory_space<hbm>>
      %dma_start3A_220 = tpu.memref_squeeze %dma_start3A_219 : memref<1x1x2x128xi32, #tpu.memory_space<hbm>> -> memref<2x128xi32, #tpu.memory_space<hbm>>
      tpu.enqueue_dma source(%dma_start3A_220 : memref<2x128xi32, #tpu.memory_space<hbm>>) target(%dma_start3A_216 : memref<2x128xi32, #tpu.memory_space<vmem>>) target_semaphore(%arg10 : memref<!tpu.dma_semaphore, #tpu.memory_space<semaphore_mem>>)
      %dma_wait3A_221 = arith.constant 0 : i32
      %dma_wait3A_222 = arith.constant 2 : i32
      %dma_wait3A_223 = arith.constant 0 : i32
      %dma_wait3A_224 = arith.constant 0 : i32
      %dma_wait3A_225 = tpu.memref_slice %arg6[%dma_wait3A_222, %dma_wait3A_223, %dma_wait3A_224] : memref<4x2x128xi32, #tpu.memory_space<vmem>> -> memref<1x2x128xi32, #tpu.memory_space<vmem>>
      %dma_wait3A_226 = tpu.memref_squeeze %dma_wait3A_225 : memref<1x2x128xi32, #tpu.memory_space<vmem>> -> memref<2x128xi32, #tpu.memory_space<vmem>>
      %dma_wait3A_227 = arith.constant 0 : i32
      %dma_wait3A_228 = arith.constant 0 : i32
      %dma_wait3A_229 = tpu.memref_slice %arg3[%add3A, %dma_wait3A_221, %dma_wait3A_227, %dma_wait3A_228] : memref<32x80x2x128xi32, #tpu.memory_space<hbm>> -> memref<1x1x2x128xi32, #tpu.memory_space<hbm>>
      %dma_wait3A_230 = tpu.memref_squeeze %dma_wait3A_229 : memref<1x1x2x128xi32, #tpu.memory_space<hbm>> -> memref<2x128xi32, #tpu.memory_space<hbm>>
      %dma_wait3A_231 = arith.constant 0 : i32
      %dma_wait3A_232 = arith.constant 0 : i32
      %dma_wait3A_233 = tpu.memref_slice %arg6[%dma_wait3A_222, %dma_wait3A_231, %dma_wait3A_232] : memref<4x2x128xi32, #tpu.memory_space<vmem>> -> memref<1x2x128xi32, #tpu.memory_space<vmem>>
      %dma_wait3A_234 = tpu.memref_squeeze %dma_wait3A_233 : memref<1x2x128xi32, #tpu.memory_space<vmem>> -> memref<2x128xi32, #tpu.memory_space<vmem>>
      %dma_wait3A_235 = arith.constant 0 : i32
      %dma_wait3A_236 = arith.constant 0 : i32
      %dma_wait3A_237 = tpu.memref_slice %arg3[%add3A, %dma_wait3A_221, %dma_wait3A_235, %dma_wait3A_236] : memref<32x80x2x128xi32, #tpu.memory_space<hbm>> -> memref<1x1x2x128xi32, #tpu.memory_space<hbm>>
      %dma_wait3A_238 = tpu.memref_squeeze %dma_wait3A_237 : memref<1x1x2x128xi32, #tpu.memory_space<hbm>> -> memref<2x128xi32, #tpu.memory_space<hbm>>
      tpu.wait_dma2 semaphore(%arg12 : memref<!tpu.dma_semaphore, #tpu.memory_space<semaphore_mem>>) src(%dma_wait3A_238 : memref<2x128xi32, #tpu.memory_space<hbm>>) dst(%dma_wait3A_234 : memref<2x128xi32, #tpu.memory_space<vmem>>)
      %dma_start3A_239 = arith.constant 2 : i32
      %dma_start3A_240 = arith.constant 0 : i32
      %dma_start3A_241 = arith.constant 0 : i32
      %dma_start3A_242 = tpu.memref_slice %arg6[%dma_start3A_239, %dma_start3A_240, %dma_start3A_241] : memref<4x2x128xi32, #tpu.memory_space<vmem>> -> memref<1x1x128xi32, #tpu.memory_space<vmem>>
      %dma_start3A_243 = tpu.memref_squeeze %dma_start3A_242 : memref<1x1x128xi32, #tpu.memory_space<vmem>> -> memref<128xi32, #tpu.memory_space<vmem>>
      %dma_start3A_244 = arith.constant 0 : i32
      %dma_start3A_245 = arith.constant 0 : i32
      %dma_start3A_246 = tpu.memref_slice %arg2[%dma_start3A_244, %dma_start3A_245] : memref<10240x128xf32, #tpu.memory_space<hbm>> -> memref<10240x128xf32, #tpu.memory_space<hbm>>
      tpu.enqueue_indirect_dma source(%dma_start3A_246 : memref<10240x128xf32, #tpu.memory_space<hbm>>) target(%arg7 : memref<128x128xf32, #tpu.memory_space<vmem>>) offsets(%dma_start3A_243 : memref<128xi32, #tpu.memory_space<vmem>>) semaphore(%arg14 : memref<!tpu.dma_semaphore, #tpu.memory_space<semaphore_mem>>)
      %dma_wait3A_247 = arith.constant 0 : i32
      %dma_wait3A_248 = arith.constant 0 : i32
      %dma_wait3A_249 = tpu.memref_slice %arg2[%dma_wait3A_247, %dma_wait3A_248] : memref<10240x128xf32, #tpu.memory_space<hbm>> -> memref<128x128xf32, #tpu.memory_space<hbm>>
      %dma_wait3A_250 = arith.constant 0 : i32
      %dma_wait3A_251 = arith.constant 0 : i32
      %dma_wait3A_252 = tpu.memref_slice %arg2[%dma_wait3A_250, %dma_wait3A_251] : memref<10240x128xf32, #tpu.memory_space<hbm>> -> memref<128x128xf32, #tpu.memory_space<hbm>>
      tpu.wait_dma2 semaphore(%arg15 : memref<!tpu.dma_semaphore, #tpu.memory_space<semaphore_mem>>) src(%dma_wait3A_252 : memref<128x128xf32, #tpu.memory_space<hbm>>) dst(%arg8 : memref<128x128xf32, #tpu.memory_space<vmem>>)
      %run_scoped3A_253 = arith.constant 1 : i32
      %run_scoped3A_254 = arith.constant 1 : i32
      "tpu.region"() ({
        %run_scoped3A_418 = tpu.sem_alloc : memref<!tpu.dma_semaphore, #tpu.memory_space<semaphore_mem>>
        %dma_start3A_419 = arith.constant 0 : i32
        %dma_start3A_420 = tpu.memref_slice %arg6[%run_scoped3A_253, %run_scoped3A_254, %dma_start3A_419] : memref<4x2x128xi32, #tpu.memory_space<vmem>> -> memref<1x1x128xi32, #tpu.memory_space<vmem>>
        %dma_start3A_421 = tpu.memref_squeeze %dma_start3A_420 : memref<1x1x128xi32, #tpu.memory_space<vmem>> -> memref<128xi32, #tpu.memory_space<vmem>>
        %dma_start3A_422 = arith.constant 0 : i32
        %dma_start3A_423 = arith.constant 0 : i32
        %dma_start3A_424 = tpu.memref_slice %arg9[%dma_start3A_422, %dma_start3A_423] : memref<10240x128xf32, #tpu.memory_space<vmem_shared>> -> memref<10240x128xf32, #tpu.memory_space<vmem_shared>>
        tpu.enqueue_indirect_dma source(%arg8 : memref<128x128xf32, #tpu.memory_space<vmem>>) target(%dma_start3A_424 : memref<10240x128xf32, #tpu.memory_space<vmem_shared>>) offsets(%dma_start3A_421 : memref<128xi32, #tpu.memory_space<vmem>>) semaphore(%run_scoped3A_418 : memref<!tpu.dma_semaphore, #tpu.memory_space<semaphore_mem>>) {add = true}
        %dma_wait3A_425 = arith.constant 0 : i32
        %dma_wait3A_426 = tpu.memref_slice %arg6[%run_scoped3A_253, %run_scoped3A_254, %dma_wait3A_425] : memref<4x2x128xi32, #tpu.memory_space<vmem>> -> memref<1x1x128xi32, #tpu.memory_space<vmem>>
        %dma_wait3A_427 = tpu.memref_squeeze %dma_wait3A_426 : memref<1x1x128xi32, #tpu.memory_space<vmem>> -> memref<128xi32, #tpu.memory_space<vmem>>
        %dma_wait3A_428 = arith.constant 0 : i32
        %dma_wait3A_429 = arith.constant 0 : i32
        %dma_wait3A_430 = tpu.memref_slice %arg9[%dma_wait3A_428, %dma_wait3A_429] : memref<10240x128xf32, #tpu.memory_space<vmem_shared>> -> memref<10240x128xf32, #tpu.memory_space<vmem_shared>>
        tpu.wait_indirect_dma semaphore(%run_scoped3A_418 : memref<!tpu.dma_semaphore, #tpu.memory_space<semaphore_mem>>) src(%arg8 : memref<128x128xf32, #tpu.memory_space<vmem>>) dst(%dma_wait3A_430 : memref<10240x128xf32, #tpu.memory_space<vmem_shared>>)
        tpu.yield
      }) : () -> ()
      %add3A_255 = arith.constant 1 : i32
      %add3A_256 = arith.addi %mul3A_191, %add3A_255 : i32
      %add3A_257 = arith.constant 4 : i32
      %add3A_258 = arith.addi %add3A_256, %add3A_257 : i32
      %min3A_259 = arith.constant 79 : i32
      %min3A_260 = arith.minsi %add3A_258, %min3A_259 : i32
      %dma_start3A_261 = arith.constant 1 : i32
      %dma_start3A_262 = arith.constant 0 : i32
      %dma_start3A_263 = arith.constant 0 : i32
      %dma_start3A_264 = tpu.memref_slice %arg6[%dma_start3A_261, %dma_start3A_262, %dma_start3A_263] : memref<4x2x128xi32, #tpu.memory_space<vmem>> -> memref<1x2x128xi32, #tpu.memory_space<vmem>>
      %dma_start3A_265 = tpu.memref_squeeze %dma_start3A_264 : memref<1x2x128xi32, #tpu.memory_space<vmem>> -> memref<2x128xi32, #tpu.memory_space<vmem>>
      %dma_start3A_266 = arith.constant 0 : i32
      %dma_start3A_267 = arith.constant 0 : i32
      %dma_start3A_268 = tpu.memref_slice %arg3[%add3A, %min3A_260, %dma_start3A_266, %dma_start3A_267] : memref<32x80x2x128xi32, #tpu.memory_space<hbm>> -> memref<1x1x2x128xi32, #tpu.memory_space<hbm>>
      %dma_start3A_269 = tpu.memref_squeeze %dma_start3A_268 : memref<1x1x2x128xi32, #tpu.memory_space<hbm>> -> memref<2x128xi32, #tpu.memory_space<hbm>>
      %dma_start3A_270 = arith.constant 0 : i32
      %dma_start3A_271 = arith.constant 0 : i32
      %dma_start3A_272 = tpu.memref_slice %arg6[%dma_start3A_261, %dma_start3A_270, %dma_start3A_271] : memref<4x2x128xi32, #tpu.memory_space<vmem>> -> memref<1x2x128xi32, #tpu.memory_space<vmem>>
      %dma_start3A_273 = tpu.memref_squeeze %dma_start3A_272 : memref<1x2x128xi32, #tpu.memory_space<vmem>> -> memref<2x128xi32, #tpu.memory_space<vmem>>
      %dma_start3A_274 = arith.constant 0 : i32
      %dma_start3A_275 = arith.constant 0 : i32
      %dma_start3A_276 = tpu.memref_slice %arg3[%add3A, %min3A_260, %dma_start3A_274, %dma_start3A_275] : memref<32x80x2x128xi32, #tpu.memory_space<hbm>> -> memref<1x1x2x128xi32, #tpu.memory_space<hbm>>
      %dma_start3A_277 = tpu.memref_squeeze %dma_start3A_276 : memref<1x1x2x128xi32, #tpu.memory_space<hbm>> -> memref<2x128xi32, #tpu.memory_space<hbm>>
      tpu.enqueue_dma source(%dma_start3A_277 : memref<2x128xi32, #tpu.memory_space<hbm>>) target(%dma_start3A_273 : memref<2x128xi32, #tpu.memory_space<vmem>>) target_semaphore(%arg11 : memref<!tpu.dma_semaphore, #tpu.memory_space<semaphore_mem>>)
      %dma_wait3A_278 = arith.constant 0 : i32
      %dma_wait3A_279 = arith.constant 3 : i32
      %dma_wait3A_280 = arith.constant 0 : i32
      %dma_wait3A_281 = arith.constant 0 : i32
      %dma_wait3A_282 = tpu.memref_slice %arg6[%dma_wait3A_279, %dma_wait3A_280, %dma_wait3A_281] : memref<4x2x128xi32, #tpu.memory_space<vmem>> -> memref<1x2x128xi32, #tpu.memory_space<vmem>>
      %dma_wait3A_283 = tpu.memref_squeeze %dma_wait3A_282 : memref<1x2x128xi32, #tpu.memory_space<vmem>> -> memref<2x128xi32, #tpu.memory_space<vmem>>
      %dma_wait3A_284 = arith.constant 0 : i32
      %dma_wait3A_285 = arith.constant 0 : i32
      %dma_wait3A_286 = tpu.memref_slice %arg3[%add3A, %dma_wait3A_278, %dma_wait3A_284, %dma_wait3A_285] : memref<32x80x2x128xi32, #tpu.memory_space<hbm>> -> memref<1x1x2x128xi32, #tpu.memory_space<hbm>>
      %dma_wait3A_287 = tpu.memref_squeeze %dma_wait3A_286 : memref<1x1x2x128xi32, #tpu.memory_space<hbm>> -> memref<2x128xi32, #tpu.memory_space<hbm>>
      %dma_wait3A_288 = arith.constant 0 : i32
      %dma_wait3A_289 = arith.constant 0 : i32
      %dma_wait3A_290 = tpu.memref_slice %arg6[%dma_wait3A_279, %dma_wait3A_288, %dma_wait3A_289] : memref<4x2x128xi32, #tpu.memory_space<vmem>> -> memref<1x2x128xi32, #tpu.memory_space<vmem>>
      %dma_wait3A_291 = tpu.memref_squeeze %dma_wait3A_290 : memref<1x2x128xi32, #tpu.memory_space<vmem>> -> memref<2x128xi32, #tpu.memory_space<vmem>>
      %dma_wait3A_292 = arith.constant 0 : i32
      %dma_wait3A_293 = arith.constant 0 : i32
      %dma_wait3A_294 = tpu.memref_slice %arg3[%add3A, %dma_wait3A_278, %dma_wait3A_292, %dma_wait3A_293] : memref<32x80x2x128xi32, #tpu.memory_space<hbm>> -> memref<1x1x2x128xi32, #tpu.memory_space<hbm>>
      %dma_wait3A_295 = tpu.memref_squeeze %dma_wait3A_294 : memref<1x1x2x128xi32, #tpu.memory_space<hbm>> -> memref<2x128xi32, #tpu.memory_space<hbm>>
      tpu.wait_dma2 semaphore(%arg13 : memref<!tpu.dma_semaphore, #tpu.memory_space<semaphore_mem>>) src(%dma_wait3A_295 : memref<2x128xi32, #tpu.memory_space<hbm>>) dst(%dma_wait3A_291 : memref<2x128xi32, #tpu.memory_space<vmem>>)
      %dma_start3A_296 = arith.constant 3 : i32
      %dma_start3A_297 = arith.constant 0 : i32
      %dma_start3A_298 = arith.constant 0 : i32
      %dma_start3A_299 = tpu.memref_slice %arg6[%dma_start3A_296, %dma_start3A_297, %dma_start3A_298] : memref<4x2x128xi32, #tpu.memory_space<vmem>> -> memref<1x1x128xi32, #tpu.memory_space<vmem>>
      %dma_start3A_300 = tpu.memref_squeeze %dma_start3A_299 : memref<1x1x128xi32, #tpu.memory_space<vmem>> -> memref<128xi32, #tpu.memory_space<vmem>>
      %dma_start3A_301 = arith.constant 0 : i32
      %dma_start3A_302 = arith.constant 0 : i32
      %dma_start3A_303 = tpu.memref_slice %arg2[%dma_start3A_301, %dma_start3A_302] : memref<10240x128xf32, #tpu.memory_space<hbm>> -> memref<10240x128xf32, #tpu.memory_space<hbm>>
      tpu.enqueue_indirect_dma source(%dma_start3A_303 : memref<10240x128xf32, #tpu.memory_space<hbm>>) target(%arg8 : memref<128x128xf32, #tpu.memory_space<vmem>>) offsets(%dma_start3A_300 : memref<128xi32, #tpu.memory_space<vmem>>) semaphore(%arg15 : memref<!tpu.dma_semaphore, #tpu.memory_space<semaphore_mem>>)
      %dma_wait3A_304 = arith.constant 0 : i32
      %dma_wait3A_305 = arith.constant 0 : i32
      %dma_wait3A_306 = tpu.memref_slice %arg2[%dma_wait3A_304, %dma_wait3A_305] : memref<10240x128xf32, #tpu.memory_space<hbm>> -> memref<128x128xf32, #tpu.memory_space<hbm>>
      %dma_wait3A_307 = arith.constant 0 : i32
      %dma_wait3A_308 = arith.constant 0 : i32
      %dma_wait3A_309 = tpu.memref_slice %arg2[%dma_wait3A_307, %dma_wait3A_308] : memref<10240x128xf32, #tpu.memory_space<hbm>> -> memref<128x128xf32, #tpu.memory_space<hbm>>
      tpu.wait_dma2 semaphore(%arg14 : memref<!tpu.dma_semaphore, #tpu.memory_space<semaphore_mem>>) src(%dma_wait3A_309 : memref<128x128xf32, #tpu.memory_space<hbm>>) dst(%arg7 : memref<128x128xf32, #tpu.memory_space<vmem>>)
      %run_scoped3A_310 = arith.constant 2 : i32
      %run_scoped3A_311 = arith.constant 1 : i32
      "tpu.region"() ({
        %run_scoped3A_418 = tpu.sem_alloc : memref<!tpu.dma_semaphore, #tpu.memory_space<semaphore_mem>>
        %dma_start3A_419 = arith.constant 0 : i32
        %dma_start3A_420 = tpu.memref_slice %arg6[%run_scoped3A_310, %run_scoped3A_311, %dma_start3A_419] : memref<4x2x128xi32, #tpu.memory_space<vmem>> -> memref<1x1x128xi32, #tpu.memory_space<vmem>>
        %dma_start3A_421 = tpu.memref_squeeze %dma_start3A_420 : memref<1x1x128xi32, #tpu.memory_space<vmem>> -> memref<128xi32, #tpu.memory_space<vmem>>
        %dma_start3A_422 = arith.constant 0 : i32
        %dma_start3A_423 = arith.constant 0 : i32
        %dma_start3A_424 = tpu.memref_slice %arg9[%dma_start3A_422, %dma_start3A_423] : memref<10240x128xf32, #tpu.memory_space<vmem_shared>> -> memref<10240x128xf32, #tpu.memory_space<vmem_shared>>
        tpu.enqueue_indirect_dma source(%arg7 : memref<128x128xf32, #tpu.memory_space<vmem>>) target(%dma_start3A_424 : memref<10240x128xf32, #tpu.memory_space<vmem_shared>>) offsets(%dma_start3A_421 : memref<128xi32, #tpu.memory_space<vmem>>) semaphore(%run_scoped3A_418 : memref<!tpu.dma_semaphore, #tpu.memory_space<semaphore_mem>>) {add = true}
        %dma_wait3A_425 = arith.constant 0 : i32
        %dma_wait3A_426 = tpu.memref_slice %arg6[%run_scoped3A_310, %run_scoped3A_311, %dma_wait3A_425] : memref<4x2x128xi32, #tpu.memory_space<vmem>> -> memref<1x1x128xi32, #tpu.memory_space<vmem>>
        %dma_wait3A_427 = tpu.memref_squeeze %dma_wait3A_426 : memref<1x1x128xi32, #tpu.memory_space<vmem>> -> memref<128xi32, #tpu.memory_space<vmem>>
        %dma_wait3A_428 = arith.constant 0 : i32
        %dma_wait3A_429 = arith.constant 0 : i32
        %dma_wait3A_430 = tpu.memref_slice %arg9[%dma_wait3A_428, %dma_wait3A_429] : memref<10240x128xf32, #tpu.memory_space<vmem_shared>> -> memref<10240x128xf32, #tpu.memory_space<vmem_shared>>
        tpu.wait_indirect_dma semaphore(%run_scoped3A_418 : memref<!tpu.dma_semaphore, #tpu.memory_space<semaphore_mem>>) src(%arg7 : memref<128x128xf32, #tpu.memory_space<vmem>>) dst(%dma_wait3A_430 : memref<10240x128xf32, #tpu.memory_space<vmem_shared>>)
        tpu.yield
      }) : () -> ()
      %add3A_312 = arith.constant 2 : i32
      %add3A_313 = arith.addi %mul3A_191, %add3A_312 : i32
      %add3A_314 = arith.constant 4 : i32
      %add3A_315 = arith.addi %add3A_313, %add3A_314 : i32
      %min3A_316 = arith.constant 79 : i32
      %min3A_317 = arith.minsi %add3A_315, %min3A_316 : i32
      %dma_start3A_318 = arith.constant 2 : i32
      %dma_start3A_319 = arith.constant 0 : i32
      %dma_start3A_320 = arith.constant 0 : i32
      %dma_start3A_321 = tpu.memref_slice %arg6[%dma_start3A_318, %dma_start3A_319, %dma_start3A_320] : memref<4x2x128xi32, #tpu.memory_space<vmem>> -> memref<1x2x128xi32, #tpu.memory_space<vmem>>
      %dma_start3A_322 = tpu.memref_squeeze %dma_start3A_321 : memref<1x2x128xi32, #tpu.memory_space<vmem>> -> memref<2x128xi32, #tpu.memory_space<vmem>>
      %dma_start3A_323 = arith.constant 0 : i32
      %dma_start3A_324 = arith.constant 0 : i32
      %dma_start3A_325 = tpu.memref_slice %arg3[%add3A, %min3A_317, %dma_start3A_323, %dma_start3A_324] : memref<32x80x2x128xi32, #tpu.memory_space<hbm>> -> memref<1x1x2x128xi32, #tpu.memory_space<hbm>>
      %dma_start3A_326 = tpu.memref_squeeze %dma_start3A_325 : memref<1x1x2x128xi32, #tpu.memory_space<hbm>> -> memref<2x128xi32, #tpu.memory_space<hbm>>
      %dma_start3A_327 = arith.constant 0 : i32
      %dma_start3A_328 = arith.constant 0 : i32
      %dma_start3A_329 = tpu.memref_slice %arg6[%dma_start3A_318, %dma_start3A_327, %dma_start3A_328] : memref<4x2x128xi32, #tpu.memory_space<vmem>> -> memref<1x2x128xi32, #tpu.memory_space<vmem>>
      %dma_start3A_330 = tpu.memref_squeeze %dma_start3A_329 : memref<1x2x128xi32, #tpu.memory_space<vmem>> -> memref<2x128xi32, #tpu.memory_space<vmem>>
      %dma_start3A_331 = arith.constant 0 : i32
      %dma_start3A_332 = arith.constant 0 : i32
      %dma_start3A_333 = tpu.memref_slice %arg3[%add3A, %min3A_317, %dma_start3A_331, %dma_start3A_332] : memref<32x80x2x128xi32, #tpu.memory_space<hbm>> -> memref<1x1x2x128xi32, #tpu.memory_space<hbm>>
      %dma_start3A_334 = tpu.memref_squeeze %dma_start3A_333 : memref<1x1x2x128xi32, #tpu.memory_space<hbm>> -> memref<2x128xi32, #tpu.memory_space<hbm>>
      tpu.enqueue_dma source(%dma_start3A_334 : memref<2x128xi32, #tpu.memory_space<hbm>>) target(%dma_start3A_330 : memref<2x128xi32, #tpu.memory_space<vmem>>) target_semaphore(%arg12 : memref<!tpu.dma_semaphore, #tpu.memory_space<semaphore_mem>>)
      %dma_wait3A_335 = arith.constant 0 : i32
      %dma_wait3A_336 = arith.constant 0 : i32
      %dma_wait3A_337 = arith.constant 0 : i32
      %dma_wait3A_338 = arith.constant 0 : i32
      %dma_wait3A_339 = tpu.memref_slice %arg6[%dma_wait3A_336, %dma_wait3A_337, %dma_wait3A_338] : memref<4x2x128xi32, #tpu.memory_space<vmem>> -> memref<1x2x128xi32, #tpu.memory_space<vmem>>
      %dma_wait3A_340 = tpu.memref_squeeze %dma_wait3A_339 : memref<1x2x128xi32, #tpu.memory_space<vmem>> -> memref<2x128xi32, #tpu.memory_space<vmem>>
      %dma_wait3A_341 = arith.constant 0 : i32
      %dma_wait3A_342 = arith.constant 0 : i32
      %dma_wait3A_343 = tpu.memref_slice %arg3[%add3A, %dma_wait3A_335, %dma_wait3A_341, %dma_wait3A_342] : memref<32x80x2x128xi32, #tpu.memory_space<hbm>> -> memref<1x1x2x128xi32, #tpu.memory_space<hbm>>
      %dma_wait3A_344 = tpu.memref_squeeze %dma_wait3A_343 : memref<1x1x2x128xi32, #tpu.memory_space<hbm>> -> memref<2x128xi32, #tpu.memory_space<hbm>>
      %dma_wait3A_345 = arith.constant 0 : i32
      %dma_wait3A_346 = arith.constant 0 : i32
      %dma_wait3A_347 = tpu.memref_slice %arg6[%dma_wait3A_336, %dma_wait3A_345, %dma_wait3A_346] : memref<4x2x128xi32, #tpu.memory_space<vmem>> -> memref<1x2x128xi32, #tpu.memory_space<vmem>>
      %dma_wait3A_348 = tpu.memref_squeeze %dma_wait3A_347 : memref<1x2x128xi32, #tpu.memory_space<vmem>> -> memref<2x128xi32, #tpu.memory_space<vmem>>
      %dma_wait3A_349 = arith.constant 0 : i32
      %dma_wait3A_350 = arith.constant 0 : i32
      %dma_wait3A_351 = tpu.memref_slice %arg3[%add3A, %dma_wait3A_335, %dma_wait3A_349, %dma_wait3A_350] : memref<32x80x2x128xi32, #tpu.memory_space<hbm>> -> memref<1x1x2x128xi32, #tpu.memory_space<hbm>>
      %dma_wait3A_352 = tpu.memref_squeeze %dma_wait3A_351 : memref<1x1x2x128xi32, #tpu.memory_space<hbm>> -> memref<2x128xi32, #tpu.memory_space<hbm>>
      tpu.wait_dma2 semaphore(%arg10 : memref<!tpu.dma_semaphore, #tpu.memory_space<semaphore_mem>>) src(%dma_wait3A_352 : memref<2x128xi32, #tpu.memory_space<hbm>>) dst(%dma_wait3A_348 : memref<2x128xi32, #tpu.memory_space<vmem>>)
      %dma_start3A_353 = arith.constant 0 : i32
      %dma_start3A_354 = arith.constant 0 : i32
      %dma_start3A_355 = arith.constant 0 : i32
      %dma_start3A_356 = tpu.memref_slice %arg6[%dma_start3A_353, %dma_start3A_354, %dma_start3A_355] : memref<4x2x128xi32, #tpu.memory_space<vmem>> -> memref<1x1x128xi32, #tpu.memory_space<vmem>>
      %dma_start3A_357 = tpu.memref_squeeze %dma_start3A_356 : memref<1x1x128xi32, #tpu.memory_space<vmem>> -> memref<128xi32, #tpu.memory_space<vmem>>
      %dma_start3A_358 = arith.constant 0 : i32
      %dma_start3A_359 = arith.constant 0 : i32
      %dma_start3A_360 = tpu.memref_slice %arg2[%dma_start3A_358, %dma_start3A_359] : memref<10240x128xf32, #tpu.memory_space<hbm>> -> memref<10240x128xf32, #tpu.memory_space<hbm>>
      tpu.enqueue_indirect_dma source(%dma_start3A_360 : memref<10240x128xf32, #tpu.memory_space<hbm>>) target(%arg7 : memref<128x128xf32, #tpu.memory_space<vmem>>) offsets(%dma_start3A_357 : memref<128xi32, #tpu.memory_space<vmem>>) semaphore(%arg14 : memref<!tpu.dma_semaphore, #tpu.memory_space<semaphore_mem>>)
      %dma_wait3A_361 = arith.constant 0 : i32
      %dma_wait3A_362 = arith.constant 0 : i32
      %dma_wait3A_363 = tpu.memref_slice %arg2[%dma_wait3A_361, %dma_wait3A_362] : memref<10240x128xf32, #tpu.memory_space<hbm>> -> memref<128x128xf32, #tpu.memory_space<hbm>>
      %dma_wait3A_364 = arith.constant 0 : i32
      %dma_wait3A_365 = arith.constant 0 : i32
      %dma_wait3A_366 = tpu.memref_slice %arg2[%dma_wait3A_364, %dma_wait3A_365] : memref<10240x128xf32, #tpu.memory_space<hbm>> -> memref<128x128xf32, #tpu.memory_space<hbm>>
      tpu.wait_dma2 semaphore(%arg15 : memref<!tpu.dma_semaphore, #tpu.memory_space<semaphore_mem>>) src(%dma_wait3A_366 : memref<128x128xf32, #tpu.memory_space<hbm>>) dst(%arg8 : memref<128x128xf32, #tpu.memory_space<vmem>>)
      %run_scoped3A_367 = arith.constant 3 : i32
      %run_scoped3A_368 = arith.constant 1 : i32
      "tpu.region"() ({
        %run_scoped3A_418 = tpu.sem_alloc : memref<!tpu.dma_semaphore, #tpu.memory_space<semaphore_mem>>
        %dma_start3A_419 = arith.constant 0 : i32
        %dma_start3A_420 = tpu.memref_slice %arg6[%run_scoped3A_367, %run_scoped3A_368, %dma_start3A_419] : memref<4x2x128xi32, #tpu.memory_space<vmem>> -> memref<1x1x128xi32, #tpu.memory_space<vmem>>
        %dma_start3A_421 = tpu.memref_squeeze %dma_start3A_420 : memref<1x1x128xi32, #tpu.memory_space<vmem>> -> memref<128xi32, #tpu.memory_space<vmem>>
        %dma_start3A_422 = arith.constant 0 : i32
        %dma_start3A_423 = arith.constant 0 : i32
        %dma_start3A_424 = tpu.memref_slice %arg9[%dma_start3A_422, %dma_start3A_423] : memref<10240x128xf32, #tpu.memory_space<vmem_shared>> -> memref<10240x128xf32, #tpu.memory_space<vmem_shared>>
        tpu.enqueue_indirect_dma source(%arg8 : memref<128x128xf32, #tpu.memory_space<vmem>>) target(%dma_start3A_424 : memref<10240x128xf32, #tpu.memory_space<vmem_shared>>) offsets(%dma_start3A_421 : memref<128xi32, #tpu.memory_space<vmem>>) semaphore(%run_scoped3A_418 : memref<!tpu.dma_semaphore, #tpu.memory_space<semaphore_mem>>) {add = true}
        %dma_wait3A_425 = arith.constant 0 : i32
        %dma_wait3A_426 = tpu.memref_slice %arg6[%run_scoped3A_367, %run_scoped3A_368, %dma_wait3A_425] : memref<4x2x128xi32, #tpu.memory_space<vmem>> -> memref<1x1x128xi32, #tpu.memory_space<vmem>>
        %dma_wait3A_427 = tpu.memref_squeeze %dma_wait3A_426 : memref<1x1x128xi32, #tpu.memory_space<vmem>> -> memref<128xi32, #tpu.memory_space<vmem>>
        %dma_wait3A_428 = arith.constant 0 : i32
        %dma_wait3A_429 = arith.constant 0 : i32
        %dma_wait3A_430 = tpu.memref_slice %arg9[%dma_wait3A_428, %dma_wait3A_429] : memref<10240x128xf32, #tpu.memory_space<vmem_shared>> -> memref<10240x128xf32, #tpu.memory_space<vmem_shared>>
        tpu.wait_indirect_dma semaphore(%run_scoped3A_418 : memref<!tpu.dma_semaphore, #tpu.memory_space<semaphore_mem>>) src(%arg8 : memref<128x128xf32, #tpu.memory_space<vmem>>) dst(%dma_wait3A_430 : memref<10240x128xf32, #tpu.memory_space<vmem_shared>>)
        tpu.yield
      }) : () -> ()
      %add3A_369 = arith.constant 3 : i32
      %add3A_370 = arith.addi %mul3A_191, %add3A_369 : i32
      %add3A_371 = arith.constant 4 : i32
      %add3A_372 = arith.addi %add3A_370, %add3A_371 : i32
      %min3A_373 = arith.constant 79 : i32
      %min3A_374 = arith.minsi %add3A_372, %min3A_373 : i32
      %dma_start3A_375 = arith.constant 3 : i32
      %dma_start3A_376 = arith.constant 0 : i32
      %dma_start3A_377 = arith.constant 0 : i32
      %dma_start3A_378 = tpu.memref_slice %arg6[%dma_start3A_375, %dma_start3A_376, %dma_start3A_377] : memref<4x2x128xi32, #tpu.memory_space<vmem>> -> memref<1x2x128xi32, #tpu.memory_space<vmem>>
      %dma_start3A_379 = tpu.memref_squeeze %dma_start3A_378 : memref<1x2x128xi32, #tpu.memory_space<vmem>> -> memref<2x128xi32, #tpu.memory_space<vmem>>
      %dma_start3A_380 = arith.constant 0 : i32
      %dma_start3A_381 = arith.constant 0 : i32
      %dma_start3A_382 = tpu.memref_slice %arg3[%add3A, %min3A_374, %dma_start3A_380, %dma_start3A_381] : memref<32x80x2x128xi32, #tpu.memory_space<hbm>> -> memref<1x1x2x128xi32, #tpu.memory_space<hbm>>
      %dma_start3A_383 = tpu.memref_squeeze %dma_start3A_382 : memref<1x1x2x128xi32, #tpu.memory_space<hbm>> -> memref<2x128xi32, #tpu.memory_space<hbm>>
      %dma_start3A_384 = arith.constant 0 : i32
      %dma_start3A_385 = arith.constant 0 : i32
      %dma_start3A_386 = tpu.memref_slice %arg6[%dma_start3A_375, %dma_start3A_384, %dma_start3A_385] : memref<4x2x128xi32, #tpu.memory_space<vmem>> -> memref<1x2x128xi32, #tpu.memory_space<vmem>>
      %dma_start3A_387 = tpu.memref_squeeze %dma_start3A_386 : memref<1x2x128xi32, #tpu.memory_space<vmem>> -> memref<2x128xi32, #tpu.memory_space<vmem>>
      %dma_start3A_388 = arith.constant 0 : i32
      %dma_start3A_389 = arith.constant 0 : i32
      %dma_start3A_390 = tpu.memref_slice %arg3[%add3A, %min3A_374, %dma_start3A_388, %dma_start3A_389] : memref<32x80x2x128xi32, #tpu.memory_space<hbm>> -> memref<1x1x2x128xi32, #tpu.memory_space<hbm>>
      %dma_start3A_391 = tpu.memref_squeeze %dma_start3A_390 : memref<1x1x2x128xi32, #tpu.memory_space<hbm>> -> memref<2x128xi32, #tpu.memory_space<hbm>>
      tpu.enqueue_dma source(%dma_start3A_391 : memref<2x128xi32, #tpu.memory_space<hbm>>) target(%dma_start3A_387 : memref<2x128xi32, #tpu.memory_space<vmem>>) target_semaphore(%arg13 : memref<!tpu.dma_semaphore, #tpu.memory_space<semaphore_mem>>)
      %dma_wait3A_392 = arith.constant 0 : i32
      %dma_wait3A_393 = arith.constant 1 : i32
      %dma_wait3A_394 = arith.constant 0 : i32
      %dma_wait3A_395 = arith.constant 0 : i32
      %dma_wait3A_396 = tpu.memref_slice %arg6[%dma_wait3A_393, %dma_wait3A_394, %dma_wait3A_395] : memref<4x2x128xi32, #tpu.memory_space<vmem>> -> memref<1x2x128xi32, #tpu.memory_space<vmem>>
      %dma_wait3A_397 = tpu.memref_squeeze %dma_wait3A_396 : memref<1x2x128xi32, #tpu.memory_space<vmem>> -> memref<2x128xi32, #tpu.memory_space<vmem>>
      %dma_wait3A_398 = arith.constant 0 : i32
      %dma_wait3A_399 = arith.constant 0 : i32
      %dma_wait3A_400 = tpu.memref_slice %arg3[%add3A, %dma_wait3A_392, %dma_wait3A_398, %dma_wait3A_399] : memref<32x80x2x128xi32, #tpu.memory_space<hbm>> -> memref<1x1x2x128xi32, #tpu.memory_space<hbm>>
      %dma_wait3A_401 = tpu.memref_squeeze %dma_wait3A_400 : memref<1x1x2x128xi32, #tpu.memory_space<hbm>> -> memref<2x128xi32, #tpu.memory_space<hbm>>
      %dma_wait3A_402 = arith.constant 0 : i32
      %dma_wait3A_403 = arith.constant 0 : i32
      %dma_wait3A_404 = tpu.memref_slice %arg6[%dma_wait3A_393, %dma_wait3A_402, %dma_wait3A_403] : memref<4x2x128xi32, #tpu.memory_space<vmem>> -> memref<1x2x128xi32, #tpu.memory_space<vmem>>
      %dma_wait3A_405 = tpu.memref_squeeze %dma_wait3A_404 : memref<1x2x128xi32, #tpu.memory_space<vmem>> -> memref<2x128xi32, #tpu.memory_space<vmem>>
      %dma_wait3A_406 = arith.constant 0 : i32
      %dma_wait3A_407 = arith.constant 0 : i32
      %dma_wait3A_408 = tpu.memref_slice %arg3[%add3A, %dma_wait3A_392, %dma_wait3A_406, %dma_wait3A_407] : memref<32x80x2x128xi32, #tpu.memory_space<hbm>> -> memref<1x1x2x128xi32, #tpu.memory_space<hbm>>
      %dma_wait3A_409 = tpu.memref_squeeze %dma_wait3A_408 : memref<1x1x2x128xi32, #tpu.memory_space<hbm>> -> memref<2x128xi32, #tpu.memory_space<hbm>>
      tpu.wait_dma2 semaphore(%arg11 : memref<!tpu.dma_semaphore, #tpu.memory_space<semaphore_mem>>) src(%dma_wait3A_409 : memref<2x128xi32, #tpu.memory_space<hbm>>) dst(%dma_wait3A_405 : memref<2x128xi32, #tpu.memory_space<vmem>>)
      %dma_start3A_410 = arith.constant 1 : i32
      %dma_start3A_411 = arith.constant 0 : i32
      %dma_start3A_412 = arith.constant 0 : i32
      %dma_start3A_413 = tpu.memref_slice %arg6[%dma_start3A_410, %dma_start3A_411, %dma_start3A_412] : memref<4x2x128xi32, #tpu.memory_space<vmem>> -> memref<1x1x128xi32, #tpu.memory_space<vmem>>
      %dma_start3A_414 = tpu.memref_squeeze %dma_start3A_413 : memref<1x1x128xi32, #tpu.memory_space<vmem>> -> memref<128xi32, #tpu.memory_space<vmem>>
      %dma_start3A_415 = arith.constant 0 : i32
      %dma_start3A_416 = arith.constant 0 : i32
      %dma_start3A_417 = tpu.memref_slice %arg2[%dma_start3A_415, %dma_start3A_416] : memref<10240x128xf32, #tpu.memory_space<hbm>> -> memref<10240x128xf32, #tpu.memory_space<hbm>>
      tpu.enqueue_indirect_dma source(%dma_start3A_417 : memref<10240x128xf32, #tpu.memory_space<hbm>>) target(%arg8 : memref<128x128xf32, #tpu.memory_space<vmem>>) offsets(%dma_start3A_414 : memref<128xi32, #tpu.memory_space<vmem>>) semaphore(%arg15 : memref<!tpu.dma_semaphore, #tpu.memory_space<semaphore_mem>>)
    }
    %scan3A_139 = arith.constant 20 : i32
    %dma_wait3A_140 = arith.constant 0 : i32
    %dma_wait3A_141 = arith.constant 2 : i32
    %dma_wait3A_142 = arith.constant 0 : i32
    %dma_wait3A_143 = arith.constant 0 : i32
    %dma_wait3A_144 = tpu.memref_slice %arg6[%dma_wait3A_141, %dma_wait3A_142, %dma_wait3A_143] : memref<4x2x128xi32, #tpu.memory_space<vmem>> -> memref<1x2x128xi32, #tpu.memory_space<vmem>>
    %dma_wait3A_145 = tpu.memref_squeeze %dma_wait3A_144 : memref<1x2x128xi32, #tpu.memory_space<vmem>> -> memref<2x128xi32, #tpu.memory_space<vmem>>
    %dma_wait3A_146 = arith.constant 0 : i32
    %dma_wait3A_147 = arith.constant 0 : i32
    %dma_wait3A_148 = tpu.memref_slice %arg3[%add3A, %dma_wait3A_140, %dma_wait3A_146, %dma_wait3A_147] : memref<32x80x2x128xi32, #tpu.memory_space<hbm>> -> memref<1x1x2x128xi32, #tpu.memory_space<hbm>>
    %dma_wait3A_149 = tpu.memref_squeeze %dma_wait3A_148 : memref<1x1x2x128xi32, #tpu.memory_space<hbm>> -> memref<2x128xi32, #tpu.memory_space<hbm>>
    %dma_wait3A_150 = arith.constant 0 : i32
    %dma_wait3A_151 = arith.constant 0 : i32
    %dma_wait3A_152 = tpu.memref_slice %arg6[%dma_wait3A_141, %dma_wait3A_150, %dma_wait3A_151] : memref<4x2x128xi32, #tpu.memory_space<vmem>> -> memref<1x2x128xi32, #tpu.memory_space<vmem>>
    %dma_wait3A_153 = tpu.memref_squeeze %dma_wait3A_152 : memref<1x2x128xi32, #tpu.memory_space<vmem>> -> memref<2x128xi32, #tpu.memory_space<vmem>>
    %dma_wait3A_154 = arith.constant 0 : i32
    %dma_wait3A_155 = arith.constant 0 : i32
    %dma_wait3A_156 = tpu.memref_slice %arg3[%add3A, %dma_wait3A_140, %dma_wait3A_154, %dma_wait3A_155] : memref<32x80x2x128xi32, #tpu.memory_space<hbm>> -> memref<1x1x2x128xi32, #tpu.memory_space<hbm>>
    %dma_wait3A_157 = tpu.memref_squeeze %dma_wait3A_156 : memref<1x1x2x128xi32, #tpu.memory_space<hbm>> -> memref<2x128xi32, #tpu.memory_space<hbm>>
    tpu.wait_dma2 semaphore(%arg12 : memref<!tpu.dma_semaphore, #tpu.memory_space<semaphore_mem>>) src(%dma_wait3A_157 : memref<2x128xi32, #tpu.memory_space<hbm>>) dst(%dma_wait3A_153 : memref<2x128xi32, #tpu.memory_space<vmem>>)
    %dma_wait3A_158 = arith.constant 0 : i32
    %dma_wait3A_159 = arith.constant 3 : i32
    %dma_wait3A_160 = arith.constant 0 : i32
    %dma_wait3A_161 = arith.constant 0 : i32
    %dma_wait3A_162 = tpu.memref_slice %arg6[%dma_wait3A_159, %dma_wait3A_160, %dma_wait3A_161] : memref<4x2x128xi32, #tpu.memory_space<vmem>> -> memref<1x2x128xi32, #tpu.memory_space<vmem>>
    %dma_wait3A_163 = tpu.memref_squeeze %dma_wait3A_162 : memref<1x2x128xi32, #tpu.memory_space<vmem>> -> memref<2x128xi32, #tpu.memory_space<vmem>>
    %dma_wait3A_164 = arith.constant 0 : i32
    %dma_wait3A_165 = arith.constant 0 : i32
    %dma_wait3A_166 = tpu.memref_slice %arg3[%add3A, %dma_wait3A_158, %dma_wait3A_164, %dma_wait3A_165] : memref<32x80x2x128xi32, #tpu.memory_space<hbm>> -> memref<1x1x2x128xi32, #tpu.memory_space<hbm>>
    %dma_wait3A_167 = tpu.memref_squeeze %dma_wait3A_166 : memref<1x1x2x128xi32, #tpu.memory_space<hbm>> -> memref<2x128xi32, #tpu.memory_space<hbm>>
    %dma_wait3A_168 = arith.constant 0 : i32
    %dma_wait3A_169 = arith.constant 0 : i32
    %dma_wait3A_170 = tpu.memref_slice %arg6[%dma_wait3A_159, %dma_wait3A_168, %dma_wait3A_169] : memref<4x2x128xi32, #tpu.memory_space<vmem>> -> memref<1x2x128xi32, #tpu.memory_space<vmem>>
    %dma_wait3A_171 = tpu.memref_squeeze %dma_wait3A_170 : memref<1x2x128xi32, #tpu.memory_space<vmem>> -> memref<2x128xi32, #tpu.memory_space<vmem>>
    %dma_wait3A_172 = arith.constant 0 : i32
    %dma_wait3A_173 = arith.constant 0 : i32
    %dma_wait3A_174 = tpu.memref_slice %arg3[%add3A, %dma_wait3A_158, %dma_wait3A_172, %dma_wait3A_173] : memref<32x80x2x128xi32, #tpu.memory_space<hbm>> -> memref<1x1x2x128xi32, #tpu.memory_space<hbm>>
    %dma_wait3A_175 = tpu.memref_squeeze %dma_wait3A_174 : memref<1x1x2x128xi32, #tpu.memory_space<hbm>> -> memref<2x128xi32, #tpu.memory_space<hbm>>
    tpu.wait_dma2 semaphore(%arg13 : memref<!tpu.dma_semaphore, #tpu.memory_space<semaphore_mem>>) src(%dma_wait3A_175 : memref<2x128xi32, #tpu.memory_space<hbm>>) dst(%dma_wait3A_171 : memref<2x128xi32, #tpu.memory_space<vmem>>)
    %dma_wait3A_176 = arith.constant 0 : i32
    %dma_wait3A_177 = arith.constant 0 : i32
    %dma_wait3A_178 = tpu.memref_slice %arg2[%dma_wait3A_176, %dma_wait3A_177] : memref<10240x128xf32, #tpu.memory_space<hbm>> -> memref<128x128xf32, #tpu.memory_space<hbm>>
    %dma_wait3A_179 = arith.constant 0 : i32
    %dma_wait3A_180 = arith.constant 0 : i32
    %dma_wait3A_181 = tpu.memref_slice %arg2[%dma_wait3A_179, %dma_wait3A_180] : memref<10240x128xf32, #tpu.memory_space<hbm>> -> memref<128x128xf32, #tpu.memory_space<hbm>>
    tpu.wait_dma2 semaphore(%arg14 : memref<!tpu.dma_semaphore, #tpu.memory_space<semaphore_mem>>) src(%dma_wait3A_181 : memref<128x128xf32, #tpu.memory_space<hbm>>) dst(%arg7 : memref<128x128xf32, #tpu.memory_space<vmem>>)
    %dma_wait3A_182 = arith.constant 0 : i32
    %dma_wait3A_183 = arith.constant 0 : i32
    %dma_wait3A_184 = tpu.memref_slice %arg2[%dma_wait3A_182, %dma_wait3A_183] : memref<10240x128xf32, #tpu.memory_space<hbm>> -> memref<128x128xf32, #tpu.memory_space<hbm>>
    %dma_wait3A_185 = arith.constant 0 : i32
    %dma_wait3A_186 = arith.constant 0 : i32
    %dma_wait3A_187 = tpu.memref_slice %arg2[%dma_wait3A_185, %dma_wait3A_186] : memref<10240x128xf32, #tpu.memory_space<hbm>> -> memref<128x128xf32, #tpu.memory_space<hbm>>
    tpu.wait_dma2 semaphore(%arg15 : memref<!tpu.dma_semaphore, #tpu.memory_space<semaphore_mem>>) src(%dma_wait3A_187 : memref<128x128xf32, #tpu.memory_space<hbm>>) dst(%arg8 : memref<128x128xf32, #tpu.memory_space<vmem>>)
    %barrier3A_188 = arith.constant 0 : index
    tpu.barrier barrier_id(%barrier3A_188)
    "tpu.region"() ({
      %run_scoped3A = tpu.sem_alloc : memref<!tpu.dma_semaphore, #tpu.memory_space<semaphore_mem>>
      %dma_start3A_189 = arith.constant 0 : i32
      %dma_start3A_190 = tpu.memref_slice %arg5[%arg0, %mul3A_2, %dma_start3A_189] : memref<2x10240x128xf32, #tpu.memory_space<hbm>> -> memref<1x640x128xf32, #tpu.memory_space<hbm>>
      %dma_start3A_191 = tpu.memref_squeeze %dma_start3A_190 : memref<1x640x128xf32, #tpu.memory_space<hbm>> -> memref<640x128xf32, #tpu.memory_space<hbm>>
      %dma_start3A_192 = arith.constant 0 : i32
      %dma_start3A_193 = tpu.memref_slice %arg9[%mul3A_2, %dma_start3A_192] : memref<10240x128xf32, #tpu.memory_space<vmem_shared>> -> memref<640x128xf32, #tpu.memory_space<vmem_shared>>
      tpu.enqueue_dma source(%dma_start3A_193 : memref<640x128xf32, #tpu.memory_space<vmem_shared>>) target(%dma_start3A_191 : memref<640x128xf32, #tpu.memory_space<hbm>>) target_semaphore(%run_scoped3A : memref<!tpu.dma_semaphore, #tpu.memory_space<semaphore_mem>>)
      %dma_wait3A_194 = arith.constant 0 : i32
      %dma_wait3A_195 = tpu.memref_slice %arg5[%arg0, %mul3A_2, %dma_wait3A_194] : memref<2x10240x128xf32, #tpu.memory_space<hbm>> -> memref<1x640x128xf32, #tpu.memory_space<hbm>>
      %dma_wait3A_196 = tpu.memref_squeeze %dma_wait3A_195 : memref<1x640x128xf32, #tpu.memory_space<hbm>> -> memref<640x128xf32, #tpu.memory_space<hbm>>
      %dma_wait3A_197 = arith.constant 0 : i32
      %dma_wait3A_198 = tpu.memref_slice %arg9[%mul3A_2, %dma_wait3A_197] : memref<10240x128xf32, #tpu.memory_space<vmem_shared>> -> memref<640x128xf32, #tpu.memory_space<vmem_shared>>
      tpu.wait_dma2 semaphore(%run_scoped3A : memref<!tpu.dma_semaphore, #tpu.memory_space<semaphore_mem>>) src(%dma_wait3A_198 : memref<640x128xf32, #tpu.memory_space<vmem_shared>>) dst(%dma_wait3A_196 : memref<640x128xf32, #tpu.memory_space<hbm>>)
      tpu.yield
    }) : () -> ()
    return
  }
}

#map = affine_map<(d0, d1) -> (0, 0)>
#map1 = affine_map<(d0, d1) -> (0, 0, 0, 0)>
#map2 = affine_map<(d0, d1) -> (0, 0, 0)>
module attributes {stable_mosaic.version = 14 : i64} {
  func.func @_sc_aggregate(%arg0: i32, %arg1: i32, %arg2: memref<10240x128xf32, #tpu.memory_space<hbm>>, %arg3: memref<32x80x2x128xi32, #tpu.memory_space<hbm>>, %arg4: memref<128x128xf32, #tpu.memory_space<hbm>>, %arg5: memref<2x10240x128xf32, #tpu.memory_space<hbm>>, %arg6: memref<4x2x128xi32, #tpu.memory_space<vmem>>, %arg7: memref<128x128xf32, #tpu.memory_space<vmem>>, %arg8: memref<128x128xf32, #tpu.memory_space<vmem>>, %arg9: memref<10240x128xf32, #tpu.memory_space<vmem_shared>>, %arg10: memref<!tpu.dma_semaphore, #tpu.memory_space<semaphore_mem>>, %arg11: memref<!tpu.dma_semaphore, #tpu.memory_space<semaphore_mem>>, %arg12: memref<!tpu.dma_semaphore, #tpu.memory_space<semaphore_mem>>, %arg13: memref<!tpu.dma_semaphore, #tpu.memory_space<semaphore_mem>>, %arg14: memref<!tpu.dma_semaphore, #tpu.memory_space<semaphore_mem>>, %arg15: memref<!tpu.dma_semaphore, #tpu.memory_space<semaphore_mem>>) attributes {dimension_semantics = [#tpu.dimension_semantics<core_parallel>, #tpu.dimension_semantics<subcore_parallel>], iteration_bounds = array<i64: 2, 16>, scalar_prefetch = 0 : i64, scratch_operands = 10 : i64, tpu.core_type = #tpu.core_type<sc_vector_subcore>, window_params = [{transform_indices = #map}, {transform_indices = #map1}, {transform_indices = #map}, {transform_indices = #map2}]} {
    %mul3A = arith.constant 2 : i32
    %mul3A_0 = arith.muli %arg1, %mul3A : i32
    %add3A = arith.addi %mul3A_0, %arg0 : i32
    %mul3A_1 = arith.constant 640 : i32
    %mul3A_2 = arith.muli %arg1, %mul3A_1 : i32
    %add3A_3 = arith.constant 0 : i32
    %add3A_4 = arith.addi %mul3A_2, %add3A_3 : i32
    "tpu.region"() ({
      %run_scoped3A = tpu.sem_alloc : memref<!tpu.dma_semaphore, #tpu.memory_space<semaphore_mem>>
      %dma_start3A_189 = arith.constant 0 : i32
      %dma_start3A_190 = tpu.memref_slice %arg9[%add3A_4, %dma_start3A_189] : memref<10240x128xf32, #tpu.memory_space<vmem_shared>> -> memref<128x128xf32, #tpu.memory_space<vmem_shared>>
      tpu.enqueue_dma source(%arg4 : memref<128x128xf32, #tpu.memory_space<hbm>>) target(%dma_start3A_190 : memref<128x128xf32, #tpu.memory_space<vmem_shared>>) target_semaphore(%run_scoped3A : memref<!tpu.dma_semaphore, #tpu.memory_space<semaphore_mem>>)
      %dma_wait3A_191 = arith.constant 0 : i32
      %dma_wait3A_192 = tpu.memref_slice %arg9[%add3A_4, %dma_wait3A_191] : memref<10240x128xf32, #tpu.memory_space<vmem_shared>> -> memref<128x128xf32, #tpu.memory_space<vmem_shared>>
      tpu.wait_dma2 semaphore(%run_scoped3A : memref<!tpu.dma_semaphore, #tpu.memory_space<semaphore_mem>>) src(%arg4 : memref<128x128xf32, #tpu.memory_space<hbm>>) dst(%dma_wait3A_192 : memref<128x128xf32, #tpu.memory_space<vmem_shared>>)
      tpu.yield
    }) : () -> ()
    %add3A_5 = arith.constant 128 : i32
    %add3A_6 = arith.addi %mul3A_2, %add3A_5 : i32
    "tpu.region"() ({
      %run_scoped3A = tpu.sem_alloc : memref<!tpu.dma_semaphore, #tpu.memory_space<semaphore_mem>>
      %dma_start3A_189 = arith.constant 0 : i32
      %dma_start3A_190 = tpu.memref_slice %arg9[%add3A_6, %dma_start3A_189] : memref<10240x128xf32, #tpu.memory_space<vmem_shared>> -> memref<128x128xf32, #tpu.memory_space<vmem_shared>>
      tpu.enqueue_dma source(%arg4 : memref<128x128xf32, #tpu.memory_space<hbm>>) target(%dma_start3A_190 : memref<128x128xf32, #tpu.memory_space<vmem_shared>>) target_semaphore(%run_scoped3A : memref<!tpu.dma_semaphore, #tpu.memory_space<semaphore_mem>>)
      %dma_wait3A_191 = arith.constant 0 : i32
      %dma_wait3A_192 = tpu.memref_slice %arg9[%add3A_6, %dma_wait3A_191] : memref<10240x128xf32, #tpu.memory_space<vmem_shared>> -> memref<128x128xf32, #tpu.memory_space<vmem_shared>>
      tpu.wait_dma2 semaphore(%run_scoped3A : memref<!tpu.dma_semaphore, #tpu.memory_space<semaphore_mem>>) src(%arg4 : memref<128x128xf32, #tpu.memory_space<hbm>>) dst(%dma_wait3A_192 : memref<128x128xf32, #tpu.memory_space<vmem_shared>>)
      tpu.yield
    }) : () -> ()
    %add3A_7 = arith.constant 256 : i32
    %add3A_8 = arith.addi %mul3A_2, %add3A_7 : i32
    "tpu.region"() ({
      %run_scoped3A = tpu.sem_alloc : memref<!tpu.dma_semaphore, #tpu.memory_space<semaphore_mem>>
      %dma_start3A_189 = arith.constant 0 : i32
      %dma_start3A_190 = tpu.memref_slice %arg9[%add3A_8, %dma_start3A_189] : memref<10240x128xf32, #tpu.memory_space<vmem_shared>> -> memref<128x128xf32, #tpu.memory_space<vmem_shared>>
      tpu.enqueue_dma source(%arg4 : memref<128x128xf32, #tpu.memory_space<hbm>>) target(%dma_start3A_190 : memref<128x128xf32, #tpu.memory_space<vmem_shared>>) target_semaphore(%run_scoped3A : memref<!tpu.dma_semaphore, #tpu.memory_space<semaphore_mem>>)
      %dma_wait3A_191 = arith.constant 0 : i32
      %dma_wait3A_192 = tpu.memref_slice %arg9[%add3A_8, %dma_wait3A_191] : memref<10240x128xf32, #tpu.memory_space<vmem_shared>> -> memref<128x128xf32, #tpu.memory_space<vmem_shared>>
      tpu.wait_dma2 semaphore(%run_scoped3A : memref<!tpu.dma_semaphore, #tpu.memory_space<semaphore_mem>>) src(%arg4 : memref<128x128xf32, #tpu.memory_space<hbm>>) dst(%dma_wait3A_192 : memref<128x128xf32, #tpu.memory_space<vmem_shared>>)
      tpu.yield
    }) : () -> ()
    %add3A_9 = arith.constant 384 : i32
    %add3A_10 = arith.addi %mul3A_2, %add3A_9 : i32
    "tpu.region"() ({
      %run_scoped3A = tpu.sem_alloc : memref<!tpu.dma_semaphore, #tpu.memory_space<semaphore_mem>>
      %dma_start3A_189 = arith.constant 0 : i32
      %dma_start3A_190 = tpu.memref_slice %arg9[%add3A_10, %dma_start3A_189] : memref<10240x128xf32, #tpu.memory_space<vmem_shared>> -> memref<128x128xf32, #tpu.memory_space<vmem_shared>>
      tpu.enqueue_dma source(%arg4 : memref<128x128xf32, #tpu.memory_space<hbm>>) target(%dma_start3A_190 : memref<128x128xf32, #tpu.memory_space<vmem_shared>>) target_semaphore(%run_scoped3A : memref<!tpu.dma_semaphore, #tpu.memory_space<semaphore_mem>>)
      %dma_wait3A_191 = arith.constant 0 : i32
      %dma_wait3A_192 = tpu.memref_slice %arg9[%add3A_10, %dma_wait3A_191] : memref<10240x128xf32, #tpu.memory_space<vmem_shared>> -> memref<128x128xf32, #tpu.memory_space<vmem_shared>>
      tpu.wait_dma2 semaphore(%run_scoped3A : memref<!tpu.dma_semaphore, #tpu.memory_space<semaphore_mem>>) src(%arg4 : memref<128x128xf32, #tpu.memory_space<hbm>>) dst(%dma_wait3A_192 : memref<128x128xf32, #tpu.memory_space<vmem_shared>>)
      tpu.yield
    }) : () -> ()
    %add3A_11 = arith.constant 512 : i32
    %add3A_12 = arith.addi %mul3A_2, %add3A_11 : i32
    "tpu.region"() ({
      %run_scoped3A = tpu.sem_alloc : memref<!tpu.dma_semaphore, #tpu.memory_space<semaphore_mem>>
      %dma_start3A_189 = arith.constant 0 : i32
      %dma_start3A_190 = tpu.memref_slice %arg9[%add3A_12, %dma_start3A_189] : memref<10240x128xf32, #tpu.memory_space<vmem_shared>> -> memref<128x128xf32, #tpu.memory_space<vmem_shared>>
      tpu.enqueue_dma source(%arg4 : memref<128x128xf32, #tpu.memory_space<hbm>>) target(%dma_start3A_190 : memref<128x128xf32, #tpu.memory_space<vmem_shared>>) target_semaphore(%run_scoped3A : memref<!tpu.dma_semaphore, #tpu.memory_space<semaphore_mem>>)
      %dma_wait3A_191 = arith.constant 0 : i32
      %dma_wait3A_192 = tpu.memref_slice %arg9[%add3A_12, %dma_wait3A_191] : memref<10240x128xf32, #tpu.memory_space<vmem_shared>> -> memref<128x128xf32, #tpu.memory_space<vmem_shared>>
      tpu.wait_dma2 semaphore(%run_scoped3A : memref<!tpu.dma_semaphore, #tpu.memory_space<semaphore_mem>>) src(%arg4 : memref<128x128xf32, #tpu.memory_space<hbm>>) dst(%dma_wait3A_192 : memref<128x128xf32, #tpu.memory_space<vmem_shared>>)
      tpu.yield
    }) : () -> ()
    %barrier3A = arith.constant 0 : index
    tpu.barrier barrier_id(%barrier3A)
    %dma_start3A = arith.constant 0 : i32
    %dma_start3A_13 = arith.constant 0 : i32
    %dma_start3A_14 = arith.constant 0 : i32
    %dma_start3A_15 = arith.constant 0 : i32
    %dma_start3A_16 = tpu.memref_slice %arg6[%dma_start3A_13, %dma_start3A_14, %dma_start3A_15] : memref<4x2x128xi32, #tpu.memory_space<vmem>> -> memref<1x2x128xi32, #tpu.memory_space<vmem>>
    %dma_start3A_17 = tpu.memref_squeeze %dma_start3A_16 : memref<1x2x128xi32, #tpu.memory_space<vmem>> -> memref<2x128xi32, #tpu.memory_space<vmem>>
    %dma_start3A_18 = arith.constant 0 : i32
    %dma_start3A_19 = arith.constant 0 : i32
    %dma_start3A_20 = tpu.memref_slice %arg3[%add3A, %dma_start3A, %dma_start3A_18, %dma_start3A_19] : memref<32x80x2x128xi32, #tpu.memory_space<hbm>> -> memref<1x1x2x128xi32, #tpu.memory_space<hbm>>
    %dma_start3A_21 = tpu.memref_squeeze %dma_start3A_20 : memref<1x1x2x128xi32, #tpu.memory_space<hbm>> -> memref<2x128xi32, #tpu.memory_space<hbm>>
    %dma_start3A_22 = arith.constant 0 : i32
    %dma_start3A_23 = arith.constant 0 : i32
    %dma_start3A_24 = tpu.memref_slice %arg6[%dma_start3A_13, %dma_start3A_22, %dma_start3A_23] : memref<4x2x128xi32, #tpu.memory_space<vmem>> -> memref<1x2x128xi32, #tpu.memory_space<vmem>>
    %dma_start3A_25 = tpu.memref_squeeze %dma_start3A_24 : memref<1x2x128xi32, #tpu.memory_space<vmem>> -> memref<2x128xi32, #tpu.memory_space<vmem>>
    %dma_start3A_26 = arith.constant 0 : i32
    %dma_start3A_27 = arith.constant 0 : i32
    %dma_start3A_28 = tpu.memref_slice %arg3[%add3A, %dma_start3A, %dma_start3A_26, %dma_start3A_27] : memref<32x80x2x128xi32, #tpu.memory_space<hbm>> -> memref<1x1x2x128xi32, #tpu.memory_space<hbm>>
    %dma_start3A_29 = tpu.memref_squeeze %dma_start3A_28 : memref<1x1x2x128xi32, #tpu.memory_space<hbm>> -> memref<2x128xi32, #tpu.memory_space<hbm>>
    tpu.enqueue_dma source(%dma_start3A_29 : memref<2x128xi32, #tpu.memory_space<hbm>>) target(%dma_start3A_25 : memref<2x128xi32, #tpu.memory_space<vmem>>) target_semaphore(%arg10 : memref<!tpu.dma_semaphore, #tpu.memory_space<semaphore_mem>>)
    %dma_start3A_30 = arith.constant 1 : i32
    %dma_start3A_31 = arith.constant 1 : i32
    %dma_start3A_32 = arith.constant 0 : i32
    %dma_start3A_33 = arith.constant 0 : i32
    %dma_start3A_34 = tpu.memref_slice %arg6[%dma_start3A_31, %dma_start3A_32, %dma_start3A_33] : memref<4x2x128xi32, #tpu.memory_space<vmem>> -> memref<1x2x128xi32, #tpu.memory_space<vmem>>
    %dma_start3A_35 = tpu.memref_squeeze %dma_start3A_34 : memref<1x2x128xi32, #tpu.memory_space<vmem>> -> memref<2x128xi32, #tpu.memory_space<vmem>>
    %dma_start3A_36 = arith.constant 0 : i32
    %dma_start3A_37 = arith.constant 0 : i32
    %dma_start3A_38 = tpu.memref_slice %arg3[%add3A, %dma_start3A_30, %dma_start3A_36, %dma_start3A_37] : memref<32x80x2x128xi32, #tpu.memory_space<hbm>> -> memref<1x1x2x128xi32, #tpu.memory_space<hbm>>
    %dma_start3A_39 = tpu.memref_squeeze %dma_start3A_38 : memref<1x1x2x128xi32, #tpu.memory_space<hbm>> -> memref<2x128xi32, #tpu.memory_space<hbm>>
    %dma_start3A_40 = arith.constant 0 : i32
    %dma_start3A_41 = arith.constant 0 : i32
    %dma_start3A_42 = tpu.memref_slice %arg6[%dma_start3A_31, %dma_start3A_40, %dma_start3A_41] : memref<4x2x128xi32, #tpu.memory_space<vmem>> -> memref<1x2x128xi32, #tpu.memory_space<vmem>>
    %dma_start3A_43 = tpu.memref_squeeze %dma_start3A_42 : memref<1x2x128xi32, #tpu.memory_space<vmem>> -> memref<2x128xi32, #tpu.memory_space<vmem>>
    %dma_start3A_44 = arith.constant 0 : i32
    %dma_start3A_45 = arith.constant 0 : i32
    %dma_start3A_46 = tpu.memref_slice %arg3[%add3A, %dma_start3A_30, %dma_start3A_44, %dma_start3A_45] : memref<32x80x2x128xi32, #tpu.memory_space<hbm>> -> memref<1x1x2x128xi32, #tpu.memory_space<hbm>>
    %dma_start3A_47 = tpu.memref_squeeze %dma_start3A_46 : memref<1x1x2x128xi32, #tpu.memory_space<hbm>> -> memref<2x128xi32, #tpu.memory_space<hbm>>
    tpu.enqueue_dma source(%dma_start3A_47 : memref<2x128xi32, #tpu.memory_space<hbm>>) target(%dma_start3A_43 : memref<2x128xi32, #tpu.memory_space<vmem>>) target_semaphore(%arg11 : memref<!tpu.dma_semaphore, #tpu.memory_space<semaphore_mem>>)
    %dma_start3A_48 = arith.constant 2 : i32
    %dma_start3A_49 = arith.constant 2 : i32
    %dma_start3A_50 = arith.constant 0 : i32
    %dma_start3A_51 = arith.constant 0 : i32
    %dma_start3A_52 = tpu.memref_slice %arg6[%dma_start3A_49, %dma_start3A_50, %dma_start3A_51] : memref<4x2x128xi32, #tpu.memory_space<vmem>> -> memref<1x2x128xi32, #tpu.memory_space<vmem>>
    %dma_start3A_53 = tpu.memref_squeeze %dma_start3A_52 : memref<1x2x128xi32, #tpu.memory_space<vmem>> -> memref<2x128xi32, #tpu.memory_space<vmem>>
    %dma_start3A_54 = arith.constant 0 : i32
    %dma_start3A_55 = arith.constant 0 : i32
    %dma_start3A_56 = tpu.memref_slice %arg3[%add3A, %dma_start3A_48, %dma_start3A_54, %dma_start3A_55] : memref<32x80x2x128xi32, #tpu.memory_space<hbm>> -> memref<1x1x2x128xi32, #tpu.memory_space<hbm>>
    %dma_start3A_57 = tpu.memref_squeeze %dma_start3A_56 : memref<1x1x2x128xi32, #tpu.memory_space<hbm>> -> memref<2x128xi32, #tpu.memory_space<hbm>>
    %dma_start3A_58 = arith.constant 0 : i32
    %dma_start3A_59 = arith.constant 0 : i32
    %dma_start3A_60 = tpu.memref_slice %arg6[%dma_start3A_49, %dma_start3A_58, %dma_start3A_59] : memref<4x2x128xi32, #tpu.memory_space<vmem>> -> memref<1x2x128xi32, #tpu.memory_space<vmem>>
    %dma_start3A_61 = tpu.memref_squeeze %dma_start3A_60 : memref<1x2x128xi32, #tpu.memory_space<vmem>> -> memref<2x128xi32, #tpu.memory_space<vmem>>
    %dma_start3A_62 = arith.constant 0 : i32
    %dma_start3A_63 = arith.constant 0 : i32
    %dma_start3A_64 = tpu.memref_slice %arg3[%add3A, %dma_start3A_48, %dma_start3A_62, %dma_start3A_63] : memref<32x80x2x128xi32, #tpu.memory_space<hbm>> -> memref<1x1x2x128xi32, #tpu.memory_space<hbm>>
    %dma_start3A_65 = tpu.memref_squeeze %dma_start3A_64 : memref<1x1x2x128xi32, #tpu.memory_space<hbm>> -> memref<2x128xi32, #tpu.memory_space<hbm>>
    tpu.enqueue_dma source(%dma_start3A_65 : memref<2x128xi32, #tpu.memory_space<hbm>>) target(%dma_start3A_61 : memref<2x128xi32, #tpu.memory_space<vmem>>) target_semaphore(%arg12 : memref<!tpu.dma_semaphore, #tpu.memory_space<semaphore_mem>>)
    %dma_start3A_66 = arith.constant 3 : i32
    %dma_start3A_67 = arith.constant 3 : i32
    %dma_start3A_68 = arith.constant 0 : i32
    %dma_start3A_69 = arith.constant 0 : i32
    %dma_start3A_70 = tpu.memref_slice %arg6[%dma_start3A_67, %dma_start3A_68, %dma_start3A_69] : memref<4x2x128xi32, #tpu.memory_space<vmem>> -> memref<1x2x128xi32, #tpu.memory_space<vmem>>
    %dma_start3A_71 = tpu.memref_squeeze %dma_start3A_70 : memref<1x2x128xi32, #tpu.memory_space<vmem>> -> memref<2x128xi32, #tpu.memory_space<vmem>>
    %dma_start3A_72 = arith.constant 0 : i32
    %dma_start3A_73 = arith.constant 0 : i32
    %dma_start3A_74 = tpu.memref_slice %arg3[%add3A, %dma_start3A_66, %dma_start3A_72, %dma_start3A_73] : memref<32x80x2x128xi32, #tpu.memory_space<hbm>> -> memref<1x1x2x128xi32, #tpu.memory_space<hbm>>
    %dma_start3A_75 = tpu.memref_squeeze %dma_start3A_74 : memref<1x1x2x128xi32, #tpu.memory_space<hbm>> -> memref<2x128xi32, #tpu.memory_space<hbm>>
    %dma_start3A_76 = arith.constant 0 : i32
    %dma_start3A_77 = arith.constant 0 : i32
    %dma_start3A_78 = tpu.memref_slice %arg6[%dma_start3A_67, %dma_start3A_76, %dma_start3A_77] : memref<4x2x128xi32, #tpu.memory_space<vmem>> -> memref<1x2x128xi32, #tpu.memory_space<vmem>>
    %dma_start3A_79 = tpu.memref_squeeze %dma_start3A_78 : memref<1x2x128xi32, #tpu.memory_space<vmem>> -> memref<2x128xi32, #tpu.memory_space<vmem>>
    %dma_start3A_80 = arith.constant 0 : i32
    %dma_start3A_81 = arith.constant 0 : i32
    %dma_start3A_82 = tpu.memref_slice %arg3[%add3A, %dma_start3A_66, %dma_start3A_80, %dma_start3A_81] : memref<32x80x2x128xi32, #tpu.memory_space<hbm>> -> memref<1x1x2x128xi32, #tpu.memory_space<hbm>>
    %dma_start3A_83 = tpu.memref_squeeze %dma_start3A_82 : memref<1x1x2x128xi32, #tpu.memory_space<hbm>> -> memref<2x128xi32, #tpu.memory_space<hbm>>
    tpu.enqueue_dma source(%dma_start3A_83 : memref<2x128xi32, #tpu.memory_space<hbm>>) target(%dma_start3A_79 : memref<2x128xi32, #tpu.memory_space<vmem>>) target_semaphore(%arg13 : memref<!tpu.dma_semaphore, #tpu.memory_space<semaphore_mem>>)
    %dma_wait3A = arith.constant 0 : i32
    %dma_wait3A_84 = arith.constant 0 : i32
    %dma_wait3A_85 = arith.constant 0 : i32
    %dma_wait3A_86 = arith.constant 0 : i32
    %dma_wait3A_87 = tpu.memref_slice %arg6[%dma_wait3A_84, %dma_wait3A_85, %dma_wait3A_86] : memref<4x2x128xi32, #tpu.memory_space<vmem>> -> memref<1x2x128xi32, #tpu.memory_space<vmem>>
    %dma_wait3A_88 = tpu.memref_squeeze %dma_wait3A_87 : memref<1x2x128xi32, #tpu.memory_space<vmem>> -> memref<2x128xi32, #tpu.memory_space<vmem>>
    %dma_wait3A_89 = arith.constant 0 : i32
    %dma_wait3A_90 = arith.constant 0 : i32
    %dma_wait3A_91 = tpu.memref_slice %arg3[%add3A, %dma_wait3A, %dma_wait3A_89, %dma_wait3A_90] : memref<32x80x2x128xi32, #tpu.memory_space<hbm>> -> memref<1x1x2x128xi32, #tpu.memory_space<hbm>>
    %dma_wait3A_92 = tpu.memref_squeeze %dma_wait3A_91 : memref<1x1x2x128xi32, #tpu.memory_space<hbm>> -> memref<2x128xi32, #tpu.memory_space<hbm>>
    %dma_wait3A_93 = arith.constant 0 : i32
    %dma_wait3A_94 = arith.constant 0 : i32
    %dma_wait3A_95 = tpu.memref_slice %arg6[%dma_wait3A_84, %dma_wait3A_93, %dma_wait3A_94] : memref<4x2x128xi32, #tpu.memory_space<vmem>> -> memref<1x2x128xi32, #tpu.memory_space<vmem>>
    %dma_wait3A_96 = tpu.memref_squeeze %dma_wait3A_95 : memref<1x2x128xi32, #tpu.memory_space<vmem>> -> memref<2x128xi32, #tpu.memory_space<vmem>>
    %dma_wait3A_97 = arith.constant 0 : i32
    %dma_wait3A_98 = arith.constant 0 : i32
    %dma_wait3A_99 = tpu.memref_slice %arg3[%add3A, %dma_wait3A, %dma_wait3A_97, %dma_wait3A_98] : memref<32x80x2x128xi32, #tpu.memory_space<hbm>> -> memref<1x1x2x128xi32, #tpu.memory_space<hbm>>
    %dma_wait3A_100 = tpu.memref_squeeze %dma_wait3A_99 : memref<1x1x2x128xi32, #tpu.memory_space<hbm>> -> memref<2x128xi32, #tpu.memory_space<hbm>>
    tpu.wait_dma2 semaphore(%arg10 : memref<!tpu.dma_semaphore, #tpu.memory_space<semaphore_mem>>) src(%dma_wait3A_100 : memref<2x128xi32, #tpu.memory_space<hbm>>) dst(%dma_wait3A_96 : memref<2x128xi32, #tpu.memory_space<vmem>>)
    %dma_start3A_101 = arith.constant 0 : i32
    %dma_start3A_102 = arith.constant 0 : i32
    %dma_start3A_103 = arith.constant 0 : i32
    %dma_start3A_104 = tpu.memref_slice %arg6[%dma_start3A_101, %dma_start3A_102, %dma_start3A_103] : memref<4x2x128xi32, #tpu.memory_space<vmem>> -> memref<1x1x128xi32, #tpu.memory_space<vmem>>
    %dma_start3A_105 = tpu.memref_squeeze %dma_start3A_104 : memref<1x1x128xi32, #tpu.memory_space<vmem>> -> memref<128xi32, #tpu.memory_space<vmem>>
    %dma_start3A_106 = arith.constant 0 : i32
    %dma_start3A_107 = arith.constant 0 : i32
    %dma_start3A_108 = tpu.memref_slice %arg2[%dma_start3A_106, %dma_start3A_107] : memref<10240x128xf32, #tpu.memory_space<hbm>> -> memref<10240x128xf32, #tpu.memory_space<hbm>>
    tpu.enqueue_indirect_dma source(%dma_start3A_108 : memref<10240x128xf32, #tpu.memory_space<hbm>>) target(%arg7 : memref<128x128xf32, #tpu.memory_space<vmem>>) offsets(%dma_start3A_105 : memref<128xi32, #tpu.memory_space<vmem>>) semaphore(%arg14 : memref<!tpu.dma_semaphore, #tpu.memory_space<semaphore_mem>>)
    %dma_wait3A_109 = arith.constant 0 : i32
    %dma_wait3A_110 = arith.constant 1 : i32
    %dma_wait3A_111 = arith.constant 0 : i32
    %dma_wait3A_112 = arith.constant 0 : i32
    %dma_wait3A_113 = tpu.memref_slice %arg6[%dma_wait3A_110, %dma_wait3A_111, %dma_wait3A_112] : memref<4x2x128xi32, #tpu.memory_space<vmem>> -> memref<1x2x128xi32, #tpu.memory_space<vmem>>
    %dma_wait3A_114 = tpu.memref_squeeze %dma_wait3A_113 : memref<1x2x128xi32, #tpu.memory_space<vmem>> -> memref<2x128xi32, #tpu.memory_space<vmem>>
    %dma_wait3A_115 = arith.constant 0 : i32
    %dma_wait3A_116 = arith.constant 0 : i32
    %dma_wait3A_117 = tpu.memref_slice %arg3[%add3A, %dma_wait3A_109, %dma_wait3A_115, %dma_wait3A_116] : memref<32x80x2x128xi32, #tpu.memory_space<hbm>> -> memref<1x1x2x128xi32, #tpu.memory_space<hbm>>
    %dma_wait3A_118 = tpu.memref_squeeze %dma_wait3A_117 : memref<1x1x2x128xi32, #tpu.memory_space<hbm>> -> memref<2x128xi32, #tpu.memory_space<hbm>>
    %dma_wait3A_119 = arith.constant 0 : i32
    %dma_wait3A_120 = arith.constant 0 : i32
    %dma_wait3A_121 = tpu.memref_slice %arg6[%dma_wait3A_110, %dma_wait3A_119, %dma_wait3A_120] : memref<4x2x128xi32, #tpu.memory_space<vmem>> -> memref<1x2x128xi32, #tpu.memory_space<vmem>>
    %dma_wait3A_122 = tpu.memref_squeeze %dma_wait3A_121 : memref<1x2x128xi32, #tpu.memory_space<vmem>> -> memref<2x128xi32, #tpu.memory_space<vmem>>
    %dma_wait3A_123 = arith.constant 0 : i32
    %dma_wait3A_124 = arith.constant 0 : i32
    %dma_wait3A_125 = tpu.memref_slice %arg3[%add3A, %dma_wait3A_109, %dma_wait3A_123, %dma_wait3A_124] : memref<32x80x2x128xi32, #tpu.memory_space<hbm>> -> memref<1x1x2x128xi32, #tpu.memory_space<hbm>>
    %dma_wait3A_126 = tpu.memref_squeeze %dma_wait3A_125 : memref<1x1x2x128xi32, #tpu.memory_space<hbm>> -> memref<2x128xi32, #tpu.memory_space<hbm>>
    tpu.wait_dma2 semaphore(%arg11 : memref<!tpu.dma_semaphore, #tpu.memory_space<semaphore_mem>>) src(%dma_wait3A_126 : memref<2x128xi32, #tpu.memory_space<hbm>>) dst(%dma_wait3A_122 : memref<2x128xi32, #tpu.memory_space<vmem>>)
    %dma_start3A_127 = arith.constant 1 : i32
    %dma_start3A_128 = arith.constant 0 : i32
    %dma_start3A_129 = arith.constant 0 : i32
    %dma_start3A_130 = tpu.memref_slice %arg6[%dma_start3A_127, %dma_start3A_128, %dma_start3A_129] : memref<4x2x128xi32, #tpu.memory_space<vmem>> -> memref<1x1x128xi32, #tpu.memory_space<vmem>>
    %dma_start3A_131 = tpu.memref_squeeze %dma_start3A_130 : memref<1x1x128xi32, #tpu.memory_space<vmem>> -> memref<128xi32, #tpu.memory_space<vmem>>
    %dma_start3A_132 = arith.constant 0 : i32
    %dma_start3A_133 = arith.constant 0 : i32
    %dma_start3A_134 = tpu.memref_slice %arg2[%dma_start3A_132, %dma_start3A_133] : memref<10240x128xf32, #tpu.memory_space<hbm>> -> memref<10240x128xf32, #tpu.memory_space<hbm>>
    tpu.enqueue_indirect_dma source(%dma_start3A_134 : memref<10240x128xf32, #tpu.memory_space<hbm>>) target(%arg8 : memref<128x128xf32, #tpu.memory_space<vmem>>) offsets(%dma_start3A_131 : memref<128xi32, #tpu.memory_space<vmem>>) semaphore(%arg15 : memref<!tpu.dma_semaphore, #tpu.memory_space<semaphore_mem>>)
    %scan3A = arith.constant 0 : i32
    %scan3A_135 = arith.constant 0 : i32
    %scan3A_136 = arith.constant 20 : i32
    %scan3A_137 = arith.addi %scan3A_135, %scan3A_136 : i32
    %scan3A_138 = arith.constant 1 : i32
    scf.for %scan3A_189 = %scan3A_135 to %scan3A_137 step %scan3A_138  : i32 {
      %mul3A_190 = arith.constant 4 : i32
      %mul3A_191 = arith.muli %mul3A_190, %scan3A_189 : i32
      %dma_wait3A_192 = arith.constant 0 : i32
      %dma_wait3A_193 = arith.constant 0 : i32
      %dma_wait3A_194 = tpu.memref_slice %arg2[%dma_wait3A_192, %dma_wait3A_193] : memref<10240x128xf32, #tpu.memory_space<hbm>> -> memref<128x128xf32, #tpu.memory_space<hbm>>
      %dma_wait3A_195 = arith.constant 0 : i32
      %dma_wait3A_196 = arith.constant 0 : i32
      %dma_wait3A_197 = tpu.memref_slice %arg2[%dma_wait3A_195, %dma_wait3A_196] : memref<10240x128xf32, #tpu.memory_space<hbm>> -> memref<128x128xf32, #tpu.memory_space<hbm>>
      tpu.wait_dma2 semaphore(%arg14 : memref<!tpu.dma_semaphore, #tpu.memory_space<semaphore_mem>>) src(%dma_wait3A_197 : memref<128x128xf32, #tpu.memory_space<hbm>>) dst(%arg7 : memref<128x128xf32, #tpu.memory_space<vmem>>)
      %run_scoped3A = arith.constant 0 : i32
      %run_scoped3A_198 = arith.constant 1 : i32
      "tpu.region"() ({
        %run_scoped3A_418 = tpu.sem_alloc : memref<!tpu.dma_semaphore, #tpu.memory_space<semaphore_mem>>
        %dma_start3A_419 = arith.constant 0 : i32
        %dma_start3A_420 = tpu.memref_slice %arg6[%run_scoped3A, %run_scoped3A_198, %dma_start3A_419] : memref<4x2x128xi32, #tpu.memory_space<vmem>> -> memref<1x1x128xi32, #tpu.memory_space<vmem>>
        %dma_start3A_421 = tpu.memref_squeeze %dma_start3A_420 : memref<1x1x128xi32, #tpu.memory_space<vmem>> -> memref<128xi32, #tpu.memory_space<vmem>>
        %dma_start3A_422 = arith.constant 0 : i32
        %dma_start3A_423 = arith.constant 0 : i32
        %dma_start3A_424 = tpu.memref_slice %arg9[%dma_start3A_422, %dma_start3A_423] : memref<10240x128xf32, #tpu.memory_space<vmem_shared>> -> memref<10240x128xf32, #tpu.memory_space<vmem_shared>>
        tpu.enqueue_indirect_dma source(%arg7 : memref<128x128xf32, #tpu.memory_space<vmem>>) target(%dma_start3A_424 : memref<10240x128xf32, #tpu.memory_space<vmem_shared>>) offsets(%dma_start3A_421 : memref<128xi32, #tpu.memory_space<vmem>>) semaphore(%run_scoped3A_418 : memref<!tpu.dma_semaphore, #tpu.memory_space<semaphore_mem>>) {add = true}
        %dma_wait3A_425 = arith.constant 0 : i32
        %dma_wait3A_426 = tpu.memref_slice %arg6[%run_scoped3A, %run_scoped3A_198, %dma_wait3A_425] : memref<4x2x128xi32, #tpu.memory_space<vmem>> -> memref<1x1x128xi32, #tpu.memory_space<vmem>>
        %dma_wait3A_427 = tpu.memref_squeeze %dma_wait3A_426 : memref<1x1x128xi32, #tpu.memory_space<vmem>> -> memref<128xi32, #tpu.memory_space<vmem>>
        %dma_wait3A_428 = arith.constant 0 : i32
        %dma_wait3A_429 = arith.constant 0 : i32
        %dma_wait3A_430 = tpu.memref_slice %arg9[%dma_wait3A_428, %dma_wait3A_429] : memref<10240x128xf32, #tpu.memory_space<vmem_shared>> -> memref<10240x128xf32, #tpu.memory_space<vmem_shared>>
        tpu.wait_indirect_dma semaphore(%run_scoped3A_418 : memref<!tpu.dma_semaphore, #tpu.memory_space<semaphore_mem>>) src(%arg7 : memref<128x128xf32, #tpu.memory_space<vmem>>) dst(%dma_wait3A_430 : memref<10240x128xf32, #tpu.memory_space<vmem_shared>>)
        tpu.yield
      }) : () -> ()
      %add3A_199 = arith.constant 0 : i32
      %add3A_200 = arith.addi %mul3A_191, %add3A_199 : i32
      %add3A_201 = arith.constant 4 : i32
      %add3A_202 = arith.addi %add3A_200, %add3A_201 : i32
      %min3A = arith.constant 79 : i32
      %min3A_203 = arith.minsi %add3A_202, %min3A : i32
      %dma_start3A_204 = arith.constant 0 : i32
      %dma_start3A_205 = arith.constant 0 : i32
      %dma_start3A_206 = arith.constant 0 : i32
      %dma_start3A_207 = tpu.memref_slice %arg6[%dma_start3A_204, %dma_start3A_205, %dma_start3A_206] : memref<4x2x128xi32, #tpu.memory_space<vmem>> -> memref<1x2x128xi32, #tpu.memory_space<vmem>>
      %dma_start3A_208 = tpu.memref_squeeze %dma_start3A_207 : memref<1x2x128xi32, #tpu.memory_space<vmem>> -> memref<2x128xi32, #tpu.memory_space<vmem>>
      %dma_start3A_209 = arith.constant 0 : i32
      %dma_start3A_210 = arith.constant 0 : i32
      %dma_start3A_211 = tpu.memref_slice %arg3[%add3A, %min3A_203, %dma_start3A_209, %dma_start3A_210] : memref<32x80x2x128xi32, #tpu.memory_space<hbm>> -> memref<1x1x2x128xi32, #tpu.memory_space<hbm>>
      %dma_start3A_212 = tpu.memref_squeeze %dma_start3A_211 : memref<1x1x2x128xi32, #tpu.memory_space<hbm>> -> memref<2x128xi32, #tpu.memory_space<hbm>>
      %dma_start3A_213 = arith.constant 0 : i32
      %dma_start3A_214 = arith.constant 0 : i32
      %dma_start3A_215 = tpu.memref_slice %arg6[%dma_start3A_204, %dma_start3A_213, %dma_start3A_214] : memref<4x2x128xi32, #tpu.memory_space<vmem>> -> memref<1x2x128xi32, #tpu.memory_space<vmem>>
      %dma_start3A_216 = tpu.memref_squeeze %dma_start3A_215 : memref<1x2x128xi32, #tpu.memory_space<vmem>> -> memref<2x128xi32, #tpu.memory_space<vmem>>
      %dma_start3A_217 = arith.constant 0 : i32
      %dma_start3A_218 = arith.constant 0 : i32
      %dma_start3A_219 = tpu.memref_slice %arg3[%add3A, %min3A_203, %dma_start3A_217, %dma_start3A_218] : memref<32x80x2x128xi32, #tpu.memory_space<hbm>> -> memref<1x1x2x128xi32, #tpu.memory_space<hbm>>
      %dma_start3A_220 = tpu.memref_squeeze %dma_start3A_219 : memref<1x1x2x128xi32, #tpu.memory_space<hbm>> -> memref<2x128xi32, #tpu.memory_space<hbm>>
      tpu.enqueue_dma source(%dma_start3A_220 : memref<2x128xi32, #tpu.memory_space<hbm>>) target(%dma_start3A_216 : memref<2x128xi32, #tpu.memory_space<vmem>>) target_semaphore(%arg10 : memref<!tpu.dma_semaphore, #tpu.memory_space<semaphore_mem>>)
      %dma_wait3A_221 = arith.constant 0 : i32
      %dma_wait3A_222 = arith.constant 2 : i32
      %dma_wait3A_223 = arith.constant 0 : i32
      %dma_wait3A_224 = arith.constant 0 : i32
      %dma_wait3A_225 = tpu.memref_slice %arg6[%dma_wait3A_222, %dma_wait3A_223, %dma_wait3A_224] : memref<4x2x128xi32, #tpu.memory_space<vmem>> -> memref<1x2x128xi32, #tpu.memory_space<vmem>>
      %dma_wait3A_226 = tpu.memref_squeeze %dma_wait3A_225 : memref<1x2x128xi32, #tpu.memory_space<vmem>> -> memref<2x128xi32, #tpu.memory_space<vmem>>
      %dma_wait3A_227 = arith.constant 0 : i32
      %dma_wait3A_228 = arith.constant 0 : i32
      %dma_wait3A_229 = tpu.memref_slice %arg3[%add3A, %dma_wait3A_221, %dma_wait3A_227, %dma_wait3A_228] : memref<32x80x2x128xi32, #tpu.memory_space<hbm>> -> memref<1x1x2x128xi32, #tpu.memory_space<hbm>>
      %dma_wait3A_230 = tpu.memref_squeeze %dma_wait3A_229 : memref<1x1x2x128xi32, #tpu.memory_space<hbm>> -> memref<2x128xi32, #tpu.memory_space<hbm>>
      %dma_wait3A_231 = arith.constant 0 : i32
      %dma_wait3A_232 = arith.constant 0 : i32
      %dma_wait3A_233 = tpu.memref_slice %arg6[%dma_wait3A_222, %dma_wait3A_231, %dma_wait3A_232] : memref<4x2x128xi32, #tpu.memory_space<vmem>> -> memref<1x2x128xi32, #tpu.memory_space<vmem>>
      %dma_wait3A_234 = tpu.memref_squeeze %dma_wait3A_233 : memref<1x2x128xi32, #tpu.memory_space<vmem>> -> memref<2x128xi32, #tpu.memory_space<vmem>>
      %dma_wait3A_235 = arith.constant 0 : i32
      %dma_wait3A_236 = arith.constant 0 : i32
      %dma_wait3A_237 = tpu.memref_slice %arg3[%add3A, %dma_wait3A_221, %dma_wait3A_235, %dma_wait3A_236] : memref<32x80x2x128xi32, #tpu.memory_space<hbm>> -> memref<1x1x2x128xi32, #tpu.memory_space<hbm>>
      %dma_wait3A_238 = tpu.memref_squeeze %dma_wait3A_237 : memref<1x1x2x128xi32, #tpu.memory_space<hbm>> -> memref<2x128xi32, #tpu.memory_space<hbm>>
      tpu.wait_dma2 semaphore(%arg12 : memref<!tpu.dma_semaphore, #tpu.memory_space<semaphore_mem>>) src(%dma_wait3A_238 : memref<2x128xi32, #tpu.memory_space<hbm>>) dst(%dma_wait3A_234 : memref<2x128xi32, #tpu.memory_space<vmem>>)
      %dma_start3A_239 = arith.constant 2 : i32
      %dma_start3A_240 = arith.constant 0 : i32
      %dma_start3A_241 = arith.constant 0 : i32
      %dma_start3A_242 = tpu.memref_slice %arg6[%dma_start3A_239, %dma_start3A_240, %dma_start3A_241] : memref<4x2x128xi32, #tpu.memory_space<vmem>> -> memref<1x1x128xi32, #tpu.memory_space<vmem>>
      %dma_start3A_243 = tpu.memref_squeeze %dma_start3A_242 : memref<1x1x128xi32, #tpu.memory_space<vmem>> -> memref<128xi32, #tpu.memory_space<vmem>>
      %dma_start3A_244 = arith.constant 0 : i32
      %dma_start3A_245 = arith.constant 0 : i32
      %dma_start3A_246 = tpu.memref_slice %arg2[%dma_start3A_244, %dma_start3A_245] : memref<10240x128xf32, #tpu.memory_space<hbm>> -> memref<10240x128xf32, #tpu.memory_space<hbm>>
      tpu.enqueue_indirect_dma source(%dma_start3A_246 : memref<10240x128xf32, #tpu.memory_space<hbm>>) target(%arg7 : memref<128x128xf32, #tpu.memory_space<vmem>>) offsets(%dma_start3A_243 : memref<128xi32, #tpu.memory_space<vmem>>) semaphore(%arg14 : memref<!tpu.dma_semaphore, #tpu.memory_space<semaphore_mem>>)
      %dma_wait3A_247 = arith.constant 0 : i32
      %dma_wait3A_248 = arith.constant 0 : i32
      %dma_wait3A_249 = tpu.memref_slice %arg2[%dma_wait3A_247, %dma_wait3A_248] : memref<10240x128xf32, #tpu.memory_space<hbm>> -> memref<128x128xf32, #tpu.memory_space<hbm>>
      %dma_wait3A_250 = arith.constant 0 : i32
      %dma_wait3A_251 = arith.constant 0 : i32
      %dma_wait3A_252 = tpu.memref_slice %arg2[%dma_wait3A_250, %dma_wait3A_251] : memref<10240x128xf32, #tpu.memory_space<hbm>> -> memref<128x128xf32, #tpu.memory_space<hbm>>
      tpu.wait_dma2 semaphore(%arg15 : memref<!tpu.dma_semaphore, #tpu.memory_space<semaphore_mem>>) src(%dma_wait3A_252 : memref<128x128xf32, #tpu.memory_space<hbm>>) dst(%arg8 : memref<128x128xf32, #tpu.memory_space<vmem>>)
      %run_scoped3A_253 = arith.constant 1 : i32
      %run_scoped3A_254 = arith.constant 1 : i32
      "tpu.region"() ({
        %run_scoped3A_418 = tpu.sem_alloc : memref<!tpu.dma_semaphore, #tpu.memory_space<semaphore_mem>>
        %dma_start3A_419 = arith.constant 0 : i32
        %dma_start3A_420 = tpu.memref_slice %arg6[%run_scoped3A_253, %run_scoped3A_254, %dma_start3A_419] : memref<4x2x128xi32, #tpu.memory_space<vmem>> -> memref<1x1x128xi32, #tpu.memory_space<vmem>>
        %dma_start3A_421 = tpu.memref_squeeze %dma_start3A_420 : memref<1x1x128xi32, #tpu.memory_space<vmem>> -> memref<128xi32, #tpu.memory_space<vmem>>
        %dma_start3A_422 = arith.constant 0 : i32
        %dma_start3A_423 = arith.constant 0 : i32
        %dma_start3A_424 = tpu.memref_slice %arg9[%dma_start3A_422, %dma_start3A_423] : memref<10240x128xf32, #tpu.memory_space<vmem_shared>> -> memref<10240x128xf32, #tpu.memory_space<vmem_shared>>
        tpu.enqueue_indirect_dma source(%arg8 : memref<128x128xf32, #tpu.memory_space<vmem>>) target(%dma_start3A_424 : memref<10240x128xf32, #tpu.memory_space<vmem_shared>>) offsets(%dma_start3A_421 : memref<128xi32, #tpu.memory_space<vmem>>) semaphore(%run_scoped3A_418 : memref<!tpu.dma_semaphore, #tpu.memory_space<semaphore_mem>>) {add = true}
        %dma_wait3A_425 = arith.constant 0 : i32
        %dma_wait3A_426 = tpu.memref_slice %arg6[%run_scoped3A_253, %run_scoped3A_254, %dma_wait3A_425] : memref<4x2x128xi32, #tpu.memory_space<vmem>> -> memref<1x1x128xi32, #tpu.memory_space<vmem>>
        %dma_wait3A_427 = tpu.memref_squeeze %dma_wait3A_426 : memref<1x1x128xi32, #tpu.memory_space<vmem>> -> memref<128xi32, #tpu.memory_space<vmem>>
        %dma_wait3A_428 = arith.constant 0 : i32
        %dma_wait3A_429 = arith.constant 0 : i32
        %dma_wait3A_430 = tpu.memref_slice %arg9[%dma_wait3A_428, %dma_wait3A_429] : memref<10240x128xf32, #tpu.memory_space<vmem_shared>> -> memref<10240x128xf32, #tpu.memory_space<vmem_shared>>
        tpu.wait_indirect_dma semaphore(%run_scoped3A_418 : memref<!tpu.dma_semaphore, #tpu.memory_space<semaphore_mem>>) src(%arg8 : memref<128x128xf32, #tpu.memory_space<vmem>>) dst(%dma_wait3A_430 : memref<10240x128xf32, #tpu.memory_space<vmem_shared>>)
        tpu.yield
      }) : () -> ()
      %add3A_255 = arith.constant 1 : i32
      %add3A_256 = arith.addi %mul3A_191, %add3A_255 : i32
      %add3A_257 = arith.constant 4 : i32
      %add3A_258 = arith.addi %add3A_256, %add3A_257 : i32
      %min3A_259 = arith.constant 79 : i32
      %min3A_260 = arith.minsi %add3A_258, %min3A_259 : i32
      %dma_start3A_261 = arith.constant 1 : i32
      %dma_start3A_262 = arith.constant 0 : i32
      %dma_start3A_263 = arith.constant 0 : i32
      %dma_start3A_264 = tpu.memref_slice %arg6[%dma_start3A_261, %dma_start3A_262, %dma_start3A_263] : memref<4x2x128xi32, #tpu.memory_space<vmem>> -> memref<1x2x128xi32, #tpu.memory_space<vmem>>
      %dma_start3A_265 = tpu.memref_squeeze %dma_start3A_264 : memref<1x2x128xi32, #tpu.memory_space<vmem>> -> memref<2x128xi32, #tpu.memory_space<vmem>>
      %dma_start3A_266 = arith.constant 0 : i32
      %dma_start3A_267 = arith.constant 0 : i32
      %dma_start3A_268 = tpu.memref_slice %arg3[%add3A, %min3A_260, %dma_start3A_266, %dma_start3A_267] : memref<32x80x2x128xi32, #tpu.memory_space<hbm>> -> memref<1x1x2x128xi32, #tpu.memory_space<hbm>>
      %dma_start3A_269 = tpu.memref_squeeze %dma_start3A_268 : memref<1x1x2x128xi32, #tpu.memory_space<hbm>> -> memref<2x128xi32, #tpu.memory_space<hbm>>
      %dma_start3A_270 = arith.constant 0 : i32
      %dma_start3A_271 = arith.constant 0 : i32
      %dma_start3A_272 = tpu.memref_slice %arg6[%dma_start3A_261, %dma_start3A_270, %dma_start3A_271] : memref<4x2x128xi32, #tpu.memory_space<vmem>> -> memref<1x2x128xi32, #tpu.memory_space<vmem>>
      %dma_start3A_273 = tpu.memref_squeeze %dma_start3A_272 : memref<1x2x128xi32, #tpu.memory_space<vmem>> -> memref<2x128xi32, #tpu.memory_space<vmem>>
      %dma_start3A_274 = arith.constant 0 : i32
      %dma_start3A_275 = arith.constant 0 : i32
      %dma_start3A_276 = tpu.memref_slice %arg3[%add3A, %min3A_260, %dma_start3A_274, %dma_start3A_275] : memref<32x80x2x128xi32, #tpu.memory_space<hbm>> -> memref<1x1x2x128xi32, #tpu.memory_space<hbm>>
      %dma_start3A_277 = tpu.memref_squeeze %dma_start3A_276 : memref<1x1x2x128xi32, #tpu.memory_space<hbm>> -> memref<2x128xi32, #tpu.memory_space<hbm>>
      tpu.enqueue_dma source(%dma_start3A_277 : memref<2x128xi32, #tpu.memory_space<hbm>>) target(%dma_start3A_273 : memref<2x128xi32, #tpu.memory_space<vmem>>) target_semaphore(%arg11 : memref<!tpu.dma_semaphore, #tpu.memory_space<semaphore_mem>>)
      %dma_wait3A_278 = arith.constant 0 : i32
      %dma_wait3A_279 = arith.constant 3 : i32
      %dma_wait3A_280 = arith.constant 0 : i32
      %dma_wait3A_281 = arith.constant 0 : i32
      %dma_wait3A_282 = tpu.memref_slice %arg6[%dma_wait3A_279, %dma_wait3A_280, %dma_wait3A_281] : memref<4x2x128xi32, #tpu.memory_space<vmem>> -> memref<1x2x128xi32, #tpu.memory_space<vmem>>
      %dma_wait3A_283 = tpu.memref_squeeze %dma_wait3A_282 : memref<1x2x128xi32, #tpu.memory_space<vmem>> -> memref<2x128xi32, #tpu.memory_space<vmem>>
      %dma_wait3A_284 = arith.constant 0 : i32
      %dma_wait3A_285 = arith.constant 0 : i32
      %dma_wait3A_286 = tpu.memref_slice %arg3[%add3A, %dma_wait3A_278, %dma_wait3A_284, %dma_wait3A_285] : memref<32x80x2x128xi32, #tpu.memory_space<hbm>> -> memref<1x1x2x128xi32, #tpu.memory_space<hbm>>
      %dma_wait3A_287 = tpu.memref_squeeze %dma_wait3A_286 : memref<1x1x2x128xi32, #tpu.memory_space<hbm>> -> memref<2x128xi32, #tpu.memory_space<hbm>>
      %dma_wait3A_288 = arith.constant 0 : i32
      %dma_wait3A_289 = arith.constant 0 : i32
      %dma_wait3A_290 = tpu.memref_slice %arg6[%dma_wait3A_279, %dma_wait3A_288, %dma_wait3A_289] : memref<4x2x128xi32, #tpu.memory_space<vmem>> -> memref<1x2x128xi32, #tpu.memory_space<vmem>>
      %dma_wait3A_291 = tpu.memref_squeeze %dma_wait3A_290 : memref<1x2x128xi32, #tpu.memory_space<vmem>> -> memref<2x128xi32, #tpu.memory_space<vmem>>
      %dma_wait3A_292 = arith.constant 0 : i32
      %dma_wait3A_293 = arith.constant 0 : i32
      %dma_wait3A_294 = tpu.memref_slice %arg3[%add3A, %dma_wait3A_278, %dma_wait3A_292, %dma_wait3A_293] : memref<32x80x2x128xi32, #tpu.memory_space<hbm>> -> memref<1x1x2x128xi32, #tpu.memory_space<hbm>>
      %dma_wait3A_295 = tpu.memref_squeeze %dma_wait3A_294 : memref<1x1x2x128xi32, #tpu.memory_space<hbm>> -> memref<2x128xi32, #tpu.memory_space<hbm>>
      tpu.wait_dma2 semaphore(%arg13 : memref<!tpu.dma_semaphore, #tpu.memory_space<semaphore_mem>>) src(%dma_wait3A_295 : memref<2x128xi32, #tpu.memory_space<hbm>>) dst(%dma_wait3A_291 : memref<2x128xi32, #tpu.memory_space<vmem>>)
      %dma_start3A_296 = arith.constant 3 : i32
      %dma_start3A_297 = arith.constant 0 : i32
      %dma_start3A_298 = arith.constant 0 : i32
      %dma_start3A_299 = tpu.memref_slice %arg6[%dma_start3A_296, %dma_start3A_297, %dma_start3A_298] : memref<4x2x128xi32, #tpu.memory_space<vmem>> -> memref<1x1x128xi32, #tpu.memory_space<vmem>>
      %dma_start3A_300 = tpu.memref_squeeze %dma_start3A_299 : memref<1x1x128xi32, #tpu.memory_space<vmem>> -> memref<128xi32, #tpu.memory_space<vmem>>
      %dma_start3A_301 = arith.constant 0 : i32
      %dma_start3A_302 = arith.constant 0 : i32
      %dma_start3A_303 = tpu.memref_slice %arg2[%dma_start3A_301, %dma_start3A_302] : memref<10240x128xf32, #tpu.memory_space<hbm>> -> memref<10240x128xf32, #tpu.memory_space<hbm>>
      tpu.enqueue_indirect_dma source(%dma_start3A_303 : memref<10240x128xf32, #tpu.memory_space<hbm>>) target(%arg8 : memref<128x128xf32, #tpu.memory_space<vmem>>) offsets(%dma_start3A_300 : memref<128xi32, #tpu.memory_space<vmem>>) semaphore(%arg15 : memref<!tpu.dma_semaphore, #tpu.memory_space<semaphore_mem>>)
      %dma_wait3A_304 = arith.constant 0 : i32
      %dma_wait3A_305 = arith.constant 0 : i32
      %dma_wait3A_306 = tpu.memref_slice %arg2[%dma_wait3A_304, %dma_wait3A_305] : memref<10240x128xf32, #tpu.memory_space<hbm>> -> memref<128x128xf32, #tpu.memory_space<hbm>>
      %dma_wait3A_307 = arith.constant 0 : i32
      %dma_wait3A_308 = arith.constant 0 : i32
      %dma_wait3A_309 = tpu.memref_slice %arg2[%dma_wait3A_307, %dma_wait3A_308] : memref<10240x128xf32, #tpu.memory_space<hbm>> -> memref<128x128xf32, #tpu.memory_space<hbm>>
      tpu.wait_dma2 semaphore(%arg14 : memref<!tpu.dma_semaphore, #tpu.memory_space<semaphore_mem>>) src(%dma_wait3A_309 : memref<128x128xf32, #tpu.memory_space<hbm>>) dst(%arg7 : memref<128x128xf32, #tpu.memory_space<vmem>>)
      %run_scoped3A_310 = arith.constant 2 : i32
      %run_scoped3A_311 = arith.constant 1 : i32
      "tpu.region"() ({
        %run_scoped3A_418 = tpu.sem_alloc : memref<!tpu.dma_semaphore, #tpu.memory_space<semaphore_mem>>
        %dma_start3A_419 = arith.constant 0 : i32
        %dma_start3A_420 = tpu.memref_slice %arg6[%run_scoped3A_310, %run_scoped3A_311, %dma_start3A_419] : memref<4x2x128xi32, #tpu.memory_space<vmem>> -> memref<1x1x128xi32, #tpu.memory_space<vmem>>
        %dma_start3A_421 = tpu.memref_squeeze %dma_start3A_420 : memref<1x1x128xi32, #tpu.memory_space<vmem>> -> memref<128xi32, #tpu.memory_space<vmem>>
        %dma_start3A_422 = arith.constant 0 : i32
        %dma_start3A_423 = arith.constant 0 : i32
        %dma_start3A_424 = tpu.memref_slice %arg9[%dma_start3A_422, %dma_start3A_423] : memref<10240x128xf32, #tpu.memory_space<vmem_shared>> -> memref<10240x128xf32, #tpu.memory_space<vmem_shared>>
        tpu.enqueue_indirect_dma source(%arg7 : memref<128x128xf32, #tpu.memory_space<vmem>>) target(%dma_start3A_424 : memref<10240x128xf32, #tpu.memory_space<vmem_shared>>) offsets(%dma_start3A_421 : memref<128xi32, #tpu.memory_space<vmem>>) semaphore(%run_scoped3A_418 : memref<!tpu.dma_semaphore, #tpu.memory_space<semaphore_mem>>) {add = true}
        %dma_wait3A_425 = arith.constant 0 : i32
        %dma_wait3A_426 = tpu.memref_slice %arg6[%run_scoped3A_310, %run_scoped3A_311, %dma_wait3A_425] : memref<4x2x128xi32, #tpu.memory_space<vmem>> -> memref<1x1x128xi32, #tpu.memory_space<vmem>>
        %dma_wait3A_427 = tpu.memref_squeeze %dma_wait3A_426 : memref<1x1x128xi32, #tpu.memory_space<vmem>> -> memref<128xi32, #tpu.memory_space<vmem>>
        %dma_wait3A_428 = arith.constant 0 : i32
        %dma_wait3A_429 = arith.constant 0 : i32
        %dma_wait3A_430 = tpu.memref_slice %arg9[%dma_wait3A_428, %dma_wait3A_429] : memref<10240x128xf32, #tpu.memory_space<vmem_shared>> -> memref<10240x128xf32, #tpu.memory_space<vmem_shared>>
        tpu.wait_indirect_dma semaphore(%run_scoped3A_418 : memref<!tpu.dma_semaphore, #tpu.memory_space<semaphore_mem>>) src(%arg7 : memref<128x128xf32, #tpu.memory_space<vmem>>) dst(%dma_wait3A_430 : memref<10240x128xf32, #tpu.memory_space<vmem_shared>>)
        tpu.yield
      }) : () -> ()
      %add3A_312 = arith.constant 2 : i32
      %add3A_313 = arith.addi %mul3A_191, %add3A_312 : i32
      %add3A_314 = arith.constant 4 : i32
      %add3A_315 = arith.addi %add3A_313, %add3A_314 : i32
      %min3A_316 = arith.constant 79 : i32
      %min3A_317 = arith.minsi %add3A_315, %min3A_316 : i32
      %dma_start3A_318 = arith.constant 2 : i32
      %dma_start3A_319 = arith.constant 0 : i32
      %dma_start3A_320 = arith.constant 0 : i32
      %dma_start3A_321 = tpu.memref_slice %arg6[%dma_start3A_318, %dma_start3A_319, %dma_start3A_320] : memref<4x2x128xi32, #tpu.memory_space<vmem>> -> memref<1x2x128xi32, #tpu.memory_space<vmem>>
      %dma_start3A_322 = tpu.memref_squeeze %dma_start3A_321 : memref<1x2x128xi32, #tpu.memory_space<vmem>> -> memref<2x128xi32, #tpu.memory_space<vmem>>
      %dma_start3A_323 = arith.constant 0 : i32
      %dma_start3A_324 = arith.constant 0 : i32
      %dma_start3A_325 = tpu.memref_slice %arg3[%add3A, %min3A_317, %dma_start3A_323, %dma_start3A_324] : memref<32x80x2x128xi32, #tpu.memory_space<hbm>> -> memref<1x1x2x128xi32, #tpu.memory_space<hbm>>
      %dma_start3A_326 = tpu.memref_squeeze %dma_start3A_325 : memref<1x1x2x128xi32, #tpu.memory_space<hbm>> -> memref<2x128xi32, #tpu.memory_space<hbm>>
      %dma_start3A_327 = arith.constant 0 : i32
      %dma_start3A_328 = arith.constant 0 : i32
      %dma_start3A_329 = tpu.memref_slice %arg6[%dma_start3A_318, %dma_start3A_327, %dma_start3A_328] : memref<4x2x128xi32, #tpu.memory_space<vmem>> -> memref<1x2x128xi32, #tpu.memory_space<vmem>>
      %dma_start3A_330 = tpu.memref_squeeze %dma_start3A_329 : memref<1x2x128xi32, #tpu.memory_space<vmem>> -> memref<2x128xi32, #tpu.memory_space<vmem>>
      %dma_start3A_331 = arith.constant 0 : i32
      %dma_start3A_332 = arith.constant 0 : i32
      %dma_start3A_333 = tpu.memref_slice %arg3[%add3A, %min3A_317, %dma_start3A_331, %dma_start3A_332] : memref<32x80x2x128xi32, #tpu.memory_space<hbm>> -> memref<1x1x2x128xi32, #tpu.memory_space<hbm>>
      %dma_start3A_334 = tpu.memref_squeeze %dma_start3A_333 : memref<1x1x2x128xi32, #tpu.memory_space<hbm>> -> memref<2x128xi32, #tpu.memory_space<hbm>>
      tpu.enqueue_dma source(%dma_start3A_334 : memref<2x128xi32, #tpu.memory_space<hbm>>) target(%dma_start3A_330 : memref<2x128xi32, #tpu.memory_space<vmem>>) target_semaphore(%arg12 : memref<!tpu.dma_semaphore, #tpu.memory_space<semaphore_mem>>)
      %dma_wait3A_335 = arith.constant 0 : i32
      %dma_wait3A_336 = arith.constant 0 : i32
      %dma_wait3A_337 = arith.constant 0 : i32
      %dma_wait3A_338 = arith.constant 0 : i32
      %dma_wait3A_339 = tpu.memref_slice %arg6[%dma_wait3A_336, %dma_wait3A_337, %dma_wait3A_338] : memref<4x2x128xi32, #tpu.memory_space<vmem>> -> memref<1x2x128xi32, #tpu.memory_space<vmem>>
      %dma_wait3A_340 = tpu.memref_squeeze %dma_wait3A_339 : memref<1x2x128xi32, #tpu.memory_space<vmem>> -> memref<2x128xi32, #tpu.memory_space<vmem>>
      %dma_wait3A_341 = arith.constant 0 : i32
      %dma_wait3A_342 = arith.constant 0 : i32
      %dma_wait3A_343 = tpu.memref_slice %arg3[%add3A, %dma_wait3A_335, %dma_wait3A_341, %dma_wait3A_342] : memref<32x80x2x128xi32, #tpu.memory_space<hbm>> -> memref<1x1x2x128xi32, #tpu.memory_space<hbm>>
      %dma_wait3A_344 = tpu.memref_squeeze %dma_wait3A_343 : memref<1x1x2x128xi32, #tpu.memory_space<hbm>> -> memref<2x128xi32, #tpu.memory_space<hbm>>
      %dma_wait3A_345 = arith.constant 0 : i32
      %dma_wait3A_346 = arith.constant 0 : i32
      %dma_wait3A_347 = tpu.memref_slice %arg6[%dma_wait3A_336, %dma_wait3A_345, %dma_wait3A_346] : memref<4x2x128xi32, #tpu.memory_space<vmem>> -> memref<1x2x128xi32, #tpu.memory_space<vmem>>
      %dma_wait3A_348 = tpu.memref_squeeze %dma_wait3A_347 : memref<1x2x128xi32, #tpu.memory_space<vmem>> -> memref<2x128xi32, #tpu.memory_space<vmem>>
      %dma_wait3A_349 = arith.constant 0 : i32
      %dma_wait3A_350 = arith.constant 0 : i32
      %dma_wait3A_351 = tpu.memref_slice %arg3[%add3A, %dma_wait3A_335, %dma_wait3A_349, %dma_wait3A_350] : memref<32x80x2x128xi32, #tpu.memory_space<hbm>> -> memref<1x1x2x128xi32, #tpu.memory_space<hbm>>
      %dma_wait3A_352 = tpu.memref_squeeze %dma_wait3A_351 : memref<1x1x2x128xi32, #tpu.memory_space<hbm>> -> memref<2x128xi32, #tpu.memory_space<hbm>>
      tpu.wait_dma2 semaphore(%arg10 : memref<!tpu.dma_semaphore, #tpu.memory_space<semaphore_mem>>) src(%dma_wait3A_352 : memref<2x128xi32, #tpu.memory_space<hbm>>) dst(%dma_wait3A_348 : memref<2x128xi32, #tpu.memory_space<vmem>>)
      %dma_start3A_353 = arith.constant 0 : i32
      %dma_start3A_354 = arith.constant 0 : i32
      %dma_start3A_355 = arith.constant 0 : i32
      %dma_start3A_356 = tpu.memref_slice %arg6[%dma_start3A_353, %dma_start3A_354, %dma_start3A_355] : memref<4x2x128xi32, #tpu.memory_space<vmem>> -> memref<1x1x128xi32, #tpu.memory_space<vmem>>
      %dma_start3A_357 = tpu.memref_squeeze %dma_start3A_356 : memref<1x1x128xi32, #tpu.memory_space<vmem>> -> memref<128xi32, #tpu.memory_space<vmem>>
      %dma_start3A_358 = arith.constant 0 : i32
      %dma_start3A_359 = arith.constant 0 : i32
      %dma_start3A_360 = tpu.memref_slice %arg2[%dma_start3A_358, %dma_start3A_359] : memref<10240x128xf32, #tpu.memory_space<hbm>> -> memref<10240x128xf32, #tpu.memory_space<hbm>>
      tpu.enqueue_indirect_dma source(%dma_start3A_360 : memref<10240x128xf32, #tpu.memory_space<hbm>>) target(%arg7 : memref<128x128xf32, #tpu.memory_space<vmem>>) offsets(%dma_start3A_357 : memref<128xi32, #tpu.memory_space<vmem>>) semaphore(%arg14 : memref<!tpu.dma_semaphore, #tpu.memory_space<semaphore_mem>>)
      %dma_wait3A_361 = arith.constant 0 : i32
      %dma_wait3A_362 = arith.constant 0 : i32
      %dma_wait3A_363 = tpu.memref_slice %arg2[%dma_wait3A_361, %dma_wait3A_362] : memref<10240x128xf32, #tpu.memory_space<hbm>> -> memref<128x128xf32, #tpu.memory_space<hbm>>
      %dma_wait3A_364 = arith.constant 0 : i32
      %dma_wait3A_365 = arith.constant 0 : i32
      %dma_wait3A_366 = tpu.memref_slice %arg2[%dma_wait3A_364, %dma_wait3A_365] : memref<10240x128xf32, #tpu.memory_space<hbm>> -> memref<128x128xf32, #tpu.memory_space<hbm>>
      tpu.wait_dma2 semaphore(%arg15 : memref<!tpu.dma_semaphore, #tpu.memory_space<semaphore_mem>>) src(%dma_wait3A_366 : memref<128x128xf32, #tpu.memory_space<hbm>>) dst(%arg8 : memref<128x128xf32, #tpu.memory_space<vmem>>)
      %run_scoped3A_367 = arith.constant 3 : i32
      %run_scoped3A_368 = arith.constant 1 : i32
      "tpu.region"() ({
        %run_scoped3A_418 = tpu.sem_alloc : memref<!tpu.dma_semaphore, #tpu.memory_space<semaphore_mem>>
        %dma_start3A_419 = arith.constant 0 : i32
        %dma_start3A_420 = tpu.memref_slice %arg6[%run_scoped3A_367, %run_scoped3A_368, %dma_start3A_419] : memref<4x2x128xi32, #tpu.memory_space<vmem>> -> memref<1x1x128xi32, #tpu.memory_space<vmem>>
        %dma_start3A_421 = tpu.memref_squeeze %dma_start3A_420 : memref<1x1x128xi32, #tpu.memory_space<vmem>> -> memref<128xi32, #tpu.memory_space<vmem>>
        %dma_start3A_422 = arith.constant 0 : i32
        %dma_start3A_423 = arith.constant 0 : i32
        %dma_start3A_424 = tpu.memref_slice %arg9[%dma_start3A_422, %dma_start3A_423] : memref<10240x128xf32, #tpu.memory_space<vmem_shared>> -> memref<10240x128xf32, #tpu.memory_space<vmem_shared>>
        tpu.enqueue_indirect_dma source(%arg8 : memref<128x128xf32, #tpu.memory_space<vmem>>) target(%dma_start3A_424 : memref<10240x128xf32, #tpu.memory_space<vmem_shared>>) offsets(%dma_start3A_421 : memref<128xi32, #tpu.memory_space<vmem>>) semaphore(%run_scoped3A_418 : memref<!tpu.dma_semaphore, #tpu.memory_space<semaphore_mem>>) {add = true}
        %dma_wait3A_425 = arith.constant 0 : i32
        %dma_wait3A_426 = tpu.memref_slice %arg6[%run_scoped3A_367, %run_scoped3A_368, %dma_wait3A_425] : memref<4x2x128xi32, #tpu.memory_space<vmem>> -> memref<1x1x128xi32, #tpu.memory_space<vmem>>
        %dma_wait3A_427 = tpu.memref_squeeze %dma_wait3A_426 : memref<1x1x128xi32, #tpu.memory_space<vmem>> -> memref<128xi32, #tpu.memory_space<vmem>>
        %dma_wait3A_428 = arith.constant 0 : i32
        %dma_wait3A_429 = arith.constant 0 : i32
        %dma_wait3A_430 = tpu.memref_slice %arg9[%dma_wait3A_428, %dma_wait3A_429] : memref<10240x128xf32, #tpu.memory_space<vmem_shared>> -> memref<10240x128xf32, #tpu.memory_space<vmem_shared>>
        tpu.wait_indirect_dma semaphore(%run_scoped3A_418 : memref<!tpu.dma_semaphore, #tpu.memory_space<semaphore_mem>>) src(%arg8 : memref<128x128xf32, #tpu.memory_space<vmem>>) dst(%dma_wait3A_430 : memref<10240x128xf32, #tpu.memory_space<vmem_shared>>)
        tpu.yield
      }) : () -> ()
      %add3A_369 = arith.constant 3 : i32
      %add3A_370 = arith.addi %mul3A_191, %add3A_369 : i32
      %add3A_371 = arith.constant 4 : i32
      %add3A_372 = arith.addi %add3A_370, %add3A_371 : i32
      %min3A_373 = arith.constant 79 : i32
      %min3A_374 = arith.minsi %add3A_372, %min3A_373 : i32
      %dma_start3A_375 = arith.constant 3 : i32
      %dma_start3A_376 = arith.constant 0 : i32
      %dma_start3A_377 = arith.constant 0 : i32
      %dma_start3A_378 = tpu.memref_slice %arg6[%dma_start3A_375, %dma_start3A_376, %dma_start3A_377] : memref<4x2x128xi32, #tpu.memory_space<vmem>> -> memref<1x2x128xi32, #tpu.memory_space<vmem>>
      %dma_start3A_379 = tpu.memref_squeeze %dma_start3A_378 : memref<1x2x128xi32, #tpu.memory_space<vmem>> -> memref<2x128xi32, #tpu.memory_space<vmem>>
      %dma_start3A_380 = arith.constant 0 : i32
      %dma_start3A_381 = arith.constant 0 : i32
      %dma_start3A_382 = tpu.memref_slice %arg3[%add3A, %min3A_374, %dma_start3A_380, %dma_start3A_381] : memref<32x80x2x128xi32, #tpu.memory_space<hbm>> -> memref<1x1x2x128xi32, #tpu.memory_space<hbm>>
      %dma_start3A_383 = tpu.memref_squeeze %dma_start3A_382 : memref<1x1x2x128xi32, #tpu.memory_space<hbm>> -> memref<2x128xi32, #tpu.memory_space<hbm>>
      %dma_start3A_384 = arith.constant 0 : i32
      %dma_start3A_385 = arith.constant 0 : i32
      %dma_start3A_386 = tpu.memref_slice %arg6[%dma_start3A_375, %dma_start3A_384, %dma_start3A_385] : memref<4x2x128xi32, #tpu.memory_space<vmem>> -> memref<1x2x128xi32, #tpu.memory_space<vmem>>
      %dma_start3A_387 = tpu.memref_squeeze %dma_start3A_386 : memref<1x2x128xi32, #tpu.memory_space<vmem>> -> memref<2x128xi32, #tpu.memory_space<vmem>>
      %dma_start3A_388 = arith.constant 0 : i32
      %dma_start3A_389 = arith.constant 0 : i32
      %dma_start3A_390 = tpu.memref_slice %arg3[%add3A, %min3A_374, %dma_start3A_388, %dma_start3A_389] : memref<32x80x2x128xi32, #tpu.memory_space<hbm>> -> memref<1x1x2x128xi32, #tpu.memory_space<hbm>>
      %dma_start3A_391 = tpu.memref_squeeze %dma_start3A_390 : memref<1x1x2x128xi32, #tpu.memory_space<hbm>> -> memref<2x128xi32, #tpu.memory_space<hbm>>
      tpu.enqueue_dma source(%dma_start3A_391 : memref<2x128xi32, #tpu.memory_space<hbm>>) target(%dma_start3A_387 : memref<2x128xi32, #tpu.memory_space<vmem>>) target_semaphore(%arg13 : memref<!tpu.dma_semaphore, #tpu.memory_space<semaphore_mem>>)
      %dma_wait3A_392 = arith.constant 0 : i32
      %dma_wait3A_393 = arith.constant 1 : i32
      %dma_wait3A_394 = arith.constant 0 : i32
      %dma_wait3A_395 = arith.constant 0 : i32
      %dma_wait3A_396 = tpu.memref_slice %arg6[%dma_wait3A_393, %dma_wait3A_394, %dma_wait3A_395] : memref<4x2x128xi32, #tpu.memory_space<vmem>> -> memref<1x2x128xi32, #tpu.memory_space<vmem>>
      %dma_wait3A_397 = tpu.memref_squeeze %dma_wait3A_396 : memref<1x2x128xi32, #tpu.memory_space<vmem>> -> memref<2x128xi32, #tpu.memory_space<vmem>>
      %dma_wait3A_398 = arith.constant 0 : i32
      %dma_wait3A_399 = arith.constant 0 : i32
      %dma_wait3A_400 = tpu.memref_slice %arg3[%add3A, %dma_wait3A_392, %dma_wait3A_398, %dma_wait3A_399] : memref<32x80x2x128xi32, #tpu.memory_space<hbm>> -> memref<1x1x2x128xi32, #tpu.memory_space<hbm>>
      %dma_wait3A_401 = tpu.memref_squeeze %dma_wait3A_400 : memref<1x1x2x128xi32, #tpu.memory_space<hbm>> -> memref<2x128xi32, #tpu.memory_space<hbm>>
      %dma_wait3A_402 = arith.constant 0 : i32
      %dma_wait3A_403 = arith.constant 0 : i32
      %dma_wait3A_404 = tpu.memref_slice %arg6[%dma_wait3A_393, %dma_wait3A_402, %dma_wait3A_403] : memref<4x2x128xi32, #tpu.memory_space<vmem>> -> memref<1x2x128xi32, #tpu.memory_space<vmem>>
      %dma_wait3A_405 = tpu.memref_squeeze %dma_wait3A_404 : memref<1x2x128xi32, #tpu.memory_space<vmem>> -> memref<2x128xi32, #tpu.memory_space<vmem>>
      %dma_wait3A_406 = arith.constant 0 : i32
      %dma_wait3A_407 = arith.constant 0 : i32
      %dma_wait3A_408 = tpu.memref_slice %arg3[%add3A, %dma_wait3A_392, %dma_wait3A_406, %dma_wait3A_407] : memref<32x80x2x128xi32, #tpu.memory_space<hbm>> -> memref<1x1x2x128xi32, #tpu.memory_space<hbm>>
      %dma_wait3A_409 = tpu.memref_squeeze %dma_wait3A_408 : memref<1x1x2x128xi32, #tpu.memory_space<hbm>> -> memref<2x128xi32, #tpu.memory_space<hbm>>
      tpu.wait_dma2 semaphore(%arg11 : memref<!tpu.dma_semaphore, #tpu.memory_space<semaphore_mem>>) src(%dma_wait3A_409 : memref<2x128xi32, #tpu.memory_space<hbm>>) dst(%dma_wait3A_405 : memref<2x128xi32, #tpu.memory_space<vmem>>)
      %dma_start3A_410 = arith.constant 1 : i32
      %dma_start3A_411 = arith.constant 0 : i32
      %dma_start3A_412 = arith.constant 0 : i32
      %dma_start3A_413 = tpu.memref_slice %arg6[%dma_start3A_410, %dma_start3A_411, %dma_start3A_412] : memref<4x2x128xi32, #tpu.memory_space<vmem>> -> memref<1x1x128xi32, #tpu.memory_space<vmem>>
      %dma_start3A_414 = tpu.memref_squeeze %dma_start3A_413 : memref<1x1x128xi32, #tpu.memory_space<vmem>> -> memref<128xi32, #tpu.memory_space<vmem>>
      %dma_start3A_415 = arith.constant 0 : i32
      %dma_start3A_416 = arith.constant 0 : i32
      %dma_start3A_417 = tpu.memref_slice %arg2[%dma_start3A_415, %dma_start3A_416] : memref<10240x128xf32, #tpu.memory_space<hbm>> -> memref<10240x128xf32, #tpu.memory_space<hbm>>
      tpu.enqueue_indirect_dma source(%dma_start3A_417 : memref<10240x128xf32, #tpu.memory_space<hbm>>) target(%arg8 : memref<128x128xf32, #tpu.memory_space<vmem>>) offsets(%dma_start3A_414 : memref<128xi32, #tpu.memory_space<vmem>>) semaphore(%arg15 : memref<!tpu.dma_semaphore, #tpu.memory_space<semaphore_mem>>)
    }
    %scan3A_139 = arith.constant 20 : i32
    %dma_wait3A_140 = arith.constant 0 : i32
    %dma_wait3A_141 = arith.constant 2 : i32
    %dma_wait3A_142 = arith.constant 0 : i32
    %dma_wait3A_143 = arith.constant 0 : i32
    %dma_wait3A_144 = tpu.memref_slice %arg6[%dma_wait3A_141, %dma_wait3A_142, %dma_wait3A_143] : memref<4x2x128xi32, #tpu.memory_space<vmem>> -> memref<1x2x128xi32, #tpu.memory_space<vmem>>
    %dma_wait3A_145 = tpu.memref_squeeze %dma_wait3A_144 : memref<1x2x128xi32, #tpu.memory_space<vmem>> -> memref<2x128xi32, #tpu.memory_space<vmem>>
    %dma_wait3A_146 = arith.constant 0 : i32
    %dma_wait3A_147 = arith.constant 0 : i32
    %dma_wait3A_148 = tpu.memref_slice %arg3[%add3A, %dma_wait3A_140, %dma_wait3A_146, %dma_wait3A_147] : memref<32x80x2x128xi32, #tpu.memory_space<hbm>> -> memref<1x1x2x128xi32, #tpu.memory_space<hbm>>
    %dma_wait3A_149 = tpu.memref_squeeze %dma_wait3A_148 : memref<1x1x2x128xi32, #tpu.memory_space<hbm>> -> memref<2x128xi32, #tpu.memory_space<hbm>>
    %dma_wait3A_150 = arith.constant 0 : i32
    %dma_wait3A_151 = arith.constant 0 : i32
    %dma_wait3A_152 = tpu.memref_slice %arg6[%dma_wait3A_141, %dma_wait3A_150, %dma_wait3A_151] : memref<4x2x128xi32, #tpu.memory_space<vmem>> -> memref<1x2x128xi32, #tpu.memory_space<vmem>>
    %dma_wait3A_153 = tpu.memref_squeeze %dma_wait3A_152 : memref<1x2x128xi32, #tpu.memory_space<vmem>> -> memref<2x128xi32, #tpu.memory_space<vmem>>
    %dma_wait3A_154 = arith.constant 0 : i32
    %dma_wait3A_155 = arith.constant 0 : i32
    %dma_wait3A_156 = tpu.memref_slice %arg3[%add3A, %dma_wait3A_140, %dma_wait3A_154, %dma_wait3A_155] : memref<32x80x2x128xi32, #tpu.memory_space<hbm>> -> memref<1x1x2x128xi32, #tpu.memory_space<hbm>>
    %dma_wait3A_157 = tpu.memref_squeeze %dma_wait3A_156 : memref<1x1x2x128xi32, #tpu.memory_space<hbm>> -> memref<2x128xi32, #tpu.memory_space<hbm>>
    tpu.wait_dma2 semaphore(%arg12 : memref<!tpu.dma_semaphore, #tpu.memory_space<semaphore_mem>>) src(%dma_wait3A_157 : memref<2x128xi32, #tpu.memory_space<hbm>>) dst(%dma_wait3A_153 : memref<2x128xi32, #tpu.memory_space<vmem>>)
    %dma_wait3A_158 = arith.constant 0 : i32
    %dma_wait3A_159 = arith.constant 3 : i32
    %dma_wait3A_160 = arith.constant 0 : i32
    %dma_wait3A_161 = arith.constant 0 : i32
    %dma_wait3A_162 = tpu.memref_slice %arg6[%dma_wait3A_159, %dma_wait3A_160, %dma_wait3A_161] : memref<4x2x128xi32, #tpu.memory_space<vmem>> -> memref<1x2x128xi32, #tpu.memory_space<vmem>>
    %dma_wait3A_163 = tpu.memref_squeeze %dma_wait3A_162 : memref<1x2x128xi32, #tpu.memory_space<vmem>> -> memref<2x128xi32, #tpu.memory_space<vmem>>
    %dma_wait3A_164 = arith.constant 0 : i32
    %dma_wait3A_165 = arith.constant 0 : i32
    %dma_wait3A_166 = tpu.memref_slice %arg3[%add3A, %dma_wait3A_158, %dma_wait3A_164, %dma_wait3A_165] : memref<32x80x2x128xi32, #tpu.memory_space<hbm>> -> memref<1x1x2x128xi32, #tpu.memory_space<hbm>>
    %dma_wait3A_167 = tpu.memref_squeeze %dma_wait3A_166 : memref<1x1x2x128xi32, #tpu.memory_space<hbm>> -> memref<2x128xi32, #tpu.memory_space<hbm>>
    %dma_wait3A_168 = arith.constant 0 : i32
    %dma_wait3A_169 = arith.constant 0 : i32
    %dma_wait3A_170 = tpu.memref_slice %arg6[%dma_wait3A_159, %dma_wait3A_168, %dma_wait3A_169] : memref<4x2x128xi32, #tpu.memory_space<vmem>> -> memref<1x2x128xi32, #tpu.memory_space<vmem>>
    %dma_wait3A_171 = tpu.memref_squeeze %dma_wait3A_170 : memref<1x2x128xi32, #tpu.memory_space<vmem>> -> memref<2x128xi32, #tpu.memory_space<vmem>>
    %dma_wait3A_172 = arith.constant 0 : i32
    %dma_wait3A_173 = arith.constant 0 : i32
    %dma_wait3A_174 = tpu.memref_slice %arg3[%add3A, %dma_wait3A_158, %dma_wait3A_172, %dma_wait3A_173] : memref<32x80x2x128xi32, #tpu.memory_space<hbm>> -> memref<1x1x2x128xi32, #tpu.memory_space<hbm>>
    %dma_wait3A_175 = tpu.memref_squeeze %dma_wait3A_174 : memref<1x1x2x128xi32, #tpu.memory_space<hbm>> -> memref<2x128xi32, #tpu.memory_space<hbm>>
    tpu.wait_dma2 semaphore(%arg13 : memref<!tpu.dma_semaphore, #tpu.memory_space<semaphore_mem>>) src(%dma_wait3A_175 : memref<2x128xi32, #tpu.memory_space<hbm>>) dst(%dma_wait3A_171 : memref<2x128xi32, #tpu.memory_space<vmem>>)
    %dma_wait3A_176 = arith.constant 0 : i32
    %dma_wait3A_177 = arith.constant 0 : i32
    %dma_wait3A_178 = tpu.memref_slice %arg2[%dma_wait3A_176, %dma_wait3A_177] : memref<10240x128xf32, #tpu.memory_space<hbm>> -> memref<128x128xf32, #tpu.memory_space<hbm>>
    %dma_wait3A_179 = arith.constant 0 : i32
    %dma_wait3A_180 = arith.constant 0 : i32
    %dma_wait3A_181 = tpu.memref_slice %arg2[%dma_wait3A_179, %dma_wait3A_180] : memref<10240x128xf32, #tpu.memory_space<hbm>> -> memref<128x128xf32, #tpu.memory_space<hbm>>
    tpu.wait_dma2 semaphore(%arg14 : memref<!tpu.dma_semaphore, #tpu.memory_space<semaphore_mem>>) src(%dma_wait3A_181 : memref<128x128xf32, #tpu.memory_space<hbm>>) dst(%arg7 : memref<128x128xf32, #tpu.memory_space<vmem>>)
    %dma_wait3A_182 = arith.constant 0 : i32
    %dma_wait3A_183 = arith.constant 0 : i32
    %dma_wait3A_184 = tpu.memref_slice %arg2[%dma_wait3A_182, %dma_wait3A_183] : memref<10240x128xf32, #tpu.memory_space<hbm>> -> memref<128x128xf32, #tpu.memory_space<hbm>>
    %dma_wait3A_185 = arith.constant 0 : i32
    %dma_wait3A_186 = arith.constant 0 : i32
    %dma_wait3A_187 = tpu.memref_slice %arg2[%dma_wait3A_185, %dma_wait3A_186] : memref<10240x128xf32, #tpu.memory_space<hbm>> -> memref<128x128xf32, #tpu.memory_space<hbm>>
    tpu.wait_dma2 semaphore(%arg15 : memref<!tpu.dma_semaphore, #tpu.memory_space<semaphore_mem>>) src(%dma_wait3A_187 : memref<128x128xf32, #tpu.memory_space<hbm>>) dst(%arg8 : memref<128x128xf32, #tpu.memory_space<vmem>>)
    %barrier3A_188 = arith.constant 0 : index
    tpu.barrier barrier_id(%barrier3A_188)
    "tpu.region"() ({
      %run_scoped3A = tpu.sem_alloc : memref<!tpu.dma_semaphore, #tpu.memory_space<semaphore_mem>>
      %dma_start3A_189 = arith.constant 0 : i32
      %dma_start3A_190 = tpu.memref_slice %arg5[%arg0, %mul3A_2, %dma_start3A_189] : memref<2x10240x128xf32, #tpu.memory_space<hbm>> -> memref<1x640x128xf32, #tpu.memory_space<hbm>>
      %dma_start3A_191 = tpu.memref_squeeze %dma_start3A_190 : memref<1x640x128xf32, #tpu.memory_space<hbm>> -> memref<640x128xf32, #tpu.memory_space<hbm>>
      %dma_start3A_192 = arith.constant 0 : i32
      %dma_start3A_193 = tpu.memref_slice %arg9[%mul3A_2, %dma_start3A_192] : memref<10240x128xf32, #tpu.memory_space<vmem_shared>> -> memref<640x128xf32, #tpu.memory_space<vmem_shared>>
      tpu.enqueue_dma source(%dma_start3A_193 : memref<640x128xf32, #tpu.memory_space<vmem_shared>>) target(%dma_start3A_191 : memref<640x128xf32, #tpu.memory_space<hbm>>) target_semaphore(%run_scoped3A : memref<!tpu.dma_semaphore, #tpu.memory_space<semaphore_mem>>)
      %dma_wait3A_194 = arith.constant 0 : i32
      %dma_wait3A_195 = tpu.memref_slice %arg5[%arg0, %mul3A_2, %dma_wait3A_194] : memref<2x10240x128xf32, #tpu.memory_space<hbm>> -> memref<1x640x128xf32, #tpu.memory_space<hbm>>
      %dma_wait3A_196 = tpu.memref_squeeze %dma_wait3A_195 : memref<1x640x128xf32, #tpu.memory_space<hbm>> -> memref<640x128xf32, #tpu.memory_space<hbm>>
      %dma_wait3A_197 = arith.constant 0 : i32
      %dma_wait3A_198 = tpu.memref_slice %arg9[%mul3A_2, %dma_wait3A_197] : memref<10240x128xf32, #tpu.memory_space<vmem_shared>> -> memref<640x128xf32, #tpu.memory_space<vmem_shared>>
      tpu.wait_dma2 semaphore(%run_scoped3A : memref<!tpu.dma_semaphore, #tpu.memory_space<semaphore_mem>>) src(%dma_wait3A_198 : memref<640x128xf32, #tpu.memory_space<vmem_shared>>) dst(%dma_wait3A_196 : memref<640x128xf32, #tpu.memory_space<hbm>>)
      tpu.yield
    }) : () -> ()
    return
  }
}

#map = affine_map<(d0, d1) -> (0, 0, 0)>
#map1 = affine_map<(d0, d1) -> (0, 0)>
#map2 = affine_map<(d0, d1) -> (0, 0, 0, 0)>
module attributes {stable_mosaic.version = 14 : i64} {
  func.func @_sc_degrees(%arg0: i32, %arg1: i32, %arg2: memref<32x160x128xi32, #tpu.memory_space<hbm>>, %arg3: memref<128x128xf32, #tpu.memory_space<hbm>>, %arg4: memref<128x128xf32, #tpu.memory_space<hbm>>, %arg5: memref<2x2x10240x128xf32, #tpu.memory_space<hbm>>, %arg6: memref<160x128xi32, #tpu.memory_space<vmem>>, %arg7: memref<128x128xf32, #tpu.memory_space<vmem>>, %arg8: memref<10240x128xf32, #tpu.memory_space<vmem_shared>>, %arg9: memref<!tpu.dma_semaphore, #tpu.memory_space<semaphore_mem>>) attributes {dimension_semantics = [#tpu.dimension_semantics<core_parallel>, #tpu.dimension_semantics<subcore_parallel>], iteration_bounds = array<i64: 2, 16>, scalar_prefetch = 0 : i64, scratch_operands = 4 : i64, tpu.core_type = #tpu.core_type<sc_vector_subcore>, window_params = [{transform_indices = #map}, {transform_indices = #map1}, {transform_indices = #map1}, {transform_indices = #map2}]} {
    %mul3A = arith.constant 2 : i32
    %mul3A_0 = arith.muli %arg1, %mul3A : i32
    %add3A = arith.addi %mul3A_0, %arg0 : i32
    %mul3A_1 = arith.constant 640 : i32
    %mul3A_2 = arith.muli %arg1, %mul3A_1 : i32
    %dma_start3A = arith.constant 0 : i32
    %dma_start3A_3 = arith.constant 0 : i32
    %dma_start3A_4 = tpu.memref_slice %arg2[%add3A, %dma_start3A, %dma_start3A_3] : memref<32x160x128xi32, #tpu.memory_space<hbm>> -> memref<1x160x128xi32, #tpu.memory_space<hbm>>
    %dma_start3A_5 = tpu.memref_squeeze %dma_start3A_4 : memref<1x160x128xi32, #tpu.memory_space<hbm>> -> memref<160x128xi32, #tpu.memory_space<hbm>>
    %dma_start3A_6 = arith.constant 0 : i32
    %dma_start3A_7 = arith.constant 0 : i32
    %dma_start3A_8 = tpu.memref_slice %arg2[%add3A, %dma_start3A_6, %dma_start3A_7] : memref<32x160x128xi32, #tpu.memory_space<hbm>> -> memref<1x160x128xi32, #tpu.memory_space<hbm>>
    %dma_start3A_9 = tpu.memref_squeeze %dma_start3A_8 : memref<1x160x128xi32, #tpu.memory_space<hbm>> -> memref<160x128xi32, #tpu.memory_space<hbm>>
    tpu.enqueue_dma source(%dma_start3A_9 : memref<160x128xi32, #tpu.memory_space<hbm>>) target(%arg6 : memref<160x128xi32, #tpu.memory_space<vmem>>) target_semaphore(%arg9 : memref<!tpu.dma_semaphore, #tpu.memory_space<semaphore_mem>>)
    "tpu.region"() ({
      %run_scoped3A_54 = tpu.sem_alloc : memref<!tpu.dma_semaphore, #tpu.memory_space<semaphore_mem>>
      tpu.enqueue_dma source(%arg3 : memref<128x128xf32, #tpu.memory_space<hbm>>) target(%arg7 : memref<128x128xf32, #tpu.memory_space<vmem>>) target_semaphore(%run_scoped3A_54 : memref<!tpu.dma_semaphore, #tpu.memory_space<semaphore_mem>>)
      tpu.wait_dma2 semaphore(%run_scoped3A_54 : memref<!tpu.dma_semaphore, #tpu.memory_space<semaphore_mem>>) src(%arg3 : memref<128x128xf32, #tpu.memory_space<hbm>>) dst(%arg7 : memref<128x128xf32, #tpu.memory_space<vmem>>)
      tpu.yield
    }) : () -> ()
    %dma_wait3A = arith.constant 0 : i32
    %dma_wait3A_10 = arith.constant 0 : i32
    %dma_wait3A_11 = tpu.memref_slice %arg2[%add3A, %dma_wait3A, %dma_wait3A_10] : memref<32x160x128xi32, #tpu.memory_space<hbm>> -> memref<1x160x128xi32, #tpu.memory_space<hbm>>
    %dma_wait3A_12 = tpu.memref_squeeze %dma_wait3A_11 : memref<1x160x128xi32, #tpu.memory_space<hbm>> -> memref<160x128xi32, #tpu.memory_space<hbm>>
    %dma_wait3A_13 = arith.constant 0 : i32
    %dma_wait3A_14 = arith.constant 0 : i32
    %dma_wait3A_15 = tpu.memref_slice %arg2[%add3A, %dma_wait3A_13, %dma_wait3A_14] : memref<32x160x128xi32, #tpu.memory_space<hbm>> -> memref<1x160x128xi32, #tpu.memory_space<hbm>>
    %dma_wait3A_16 = tpu.memref_squeeze %dma_wait3A_15 : memref<1x160x128xi32, #tpu.memory_space<hbm>> -> memref<160x128xi32, #tpu.memory_space<hbm>>
    tpu.wait_dma2 semaphore(%arg9 : memref<!tpu.dma_semaphore, #tpu.memory_space<semaphore_mem>>) src(%dma_wait3A_16 : memref<160x128xi32, #tpu.memory_space<hbm>>) dst(%arg6 : memref<160x128xi32, #tpu.memory_space<vmem>>)
    %add3A_17 = arith.constant 0 : i32
    %add3A_18 = arith.addi %mul3A_2, %add3A_17 : i32
    "tpu.region"() ({
      %run_scoped3A_54 = tpu.sem_alloc : memref<!tpu.dma_semaphore, #tpu.memory_space<semaphore_mem>>
      %dma_start3A_55 = arith.constant 0 : i32
      %dma_start3A_56 = tpu.memref_slice %arg8[%add3A_18, %dma_start3A_55] : memref<10240x128xf32, #tpu.memory_space<vmem_shared>> -> memref<128x128xf32, #tpu.memory_space<vmem_shared>>
      tpu.enqueue_dma source(%arg4 : memref<128x128xf32, #tpu.memory_space<hbm>>) target(%dma_start3A_56 : memref<128x128xf32, #tpu.memory_space<vmem_shared>>) target_semaphore(%run_scoped3A_54 : memref<!tpu.dma_semaphore, #tpu.memory_space<semaphore_mem>>)
      %dma_wait3A_57 = arith.constant 0 : i32
      %dma_wait3A_58 = tpu.memref_slice %arg8[%add3A_18, %dma_wait3A_57] : memref<10240x128xf32, #tpu.memory_space<vmem_shared>> -> memref<128x128xf32, #tpu.memory_space<vmem_shared>>
      tpu.wait_dma2 semaphore(%run_scoped3A_54 : memref<!tpu.dma_semaphore, #tpu.memory_space<semaphore_mem>>) src(%arg4 : memref<128x128xf32, #tpu.memory_space<hbm>>) dst(%dma_wait3A_58 : memref<128x128xf32, #tpu.memory_space<vmem_shared>>)
      tpu.yield
    }) : () -> ()
    %add3A_19 = arith.constant 128 : i32
    %add3A_20 = arith.addi %mul3A_2, %add3A_19 : i32
    "tpu.region"() ({
      %run_scoped3A_54 = tpu.sem_alloc : memref<!tpu.dma_semaphore, #tpu.memory_space<semaphore_mem>>
      %dma_start3A_55 = arith.constant 0 : i32
      %dma_start3A_56 = tpu.memref_slice %arg8[%add3A_20, %dma_start3A_55] : memref<10240x128xf32, #tpu.memory_space<vmem_shared>> -> memref<128x128xf32, #tpu.memory_space<vmem_shared>>
      tpu.enqueue_dma source(%arg4 : memref<128x128xf32, #tpu.memory_space<hbm>>) target(%dma_start3A_56 : memref<128x128xf32, #tpu.memory_space<vmem_shared>>) target_semaphore(%run_scoped3A_54 : memref<!tpu.dma_semaphore, #tpu.memory_space<semaphore_mem>>)
      %dma_wait3A_57 = arith.constant 0 : i32
      %dma_wait3A_58 = tpu.memref_slice %arg8[%add3A_20, %dma_wait3A_57] : memref<10240x128xf32, #tpu.memory_space<vmem_shared>> -> memref<128x128xf32, #tpu.memory_space<vmem_shared>>
      tpu.wait_dma2 semaphore(%run_scoped3A_54 : memref<!tpu.dma_semaphore, #tpu.memory_space<semaphore_mem>>) src(%arg4 : memref<128x128xf32, #tpu.memory_space<hbm>>) dst(%dma_wait3A_58 : memref<128x128xf32, #tpu.memory_space<vmem_shared>>)
      tpu.yield
    }) : () -> ()
    %add3A_21 = arith.constant 256 : i32
    %add3A_22 = arith.addi %mul3A_2, %add3A_21 : i32
    "tpu.region"() ({
      %run_scoped3A_54 = tpu.sem_alloc : memref<!tpu.dma_semaphore, #tpu.memory_space<semaphore_mem>>
      %dma_start3A_55 = arith.constant 0 : i32
      %dma_start3A_56 = tpu.memref_slice %arg8[%add3A_22, %dma_start3A_55] : memref<10240x128xf32, #tpu.memory_space<vmem_shared>> -> memref<128x128xf32, #tpu.memory_space<vmem_shared>>
      tpu.enqueue_dma source(%arg4 : memref<128x128xf32, #tpu.memory_space<hbm>>) target(%dma_start3A_56 : memref<128x128xf32, #tpu.memory_space<vmem_shared>>) target_semaphore(%run_scoped3A_54 : memref<!tpu.dma_semaphore, #tpu.memory_space<semaphore_mem>>)
      %dma_wait3A_57 = arith.constant 0 : i32
      %dma_wait3A_58 = tpu.memref_slice %arg8[%add3A_22, %dma_wait3A_57] : memref<10240x128xf32, #tpu.memory_space<vmem_shared>> -> memref<128x128xf32, #tpu.memory_space<vmem_shared>>
      tpu.wait_dma2 semaphore(%run_scoped3A_54 : memref<!tpu.dma_semaphore, #tpu.memory_space<semaphore_mem>>) src(%arg4 : memref<128x128xf32, #tpu.memory_space<hbm>>) dst(%dma_wait3A_58 : memref<128x128xf32, #tpu.memory_space<vmem_shared>>)
      tpu.yield
    }) : () -> ()
    %add3A_23 = arith.constant 384 : i32
    %add3A_24 = arith.addi %mul3A_2, %add3A_23 : i32
    "tpu.region"() ({
      %run_scoped3A_54 = tpu.sem_alloc : memref<!tpu.dma_semaphore, #tpu.memory_space<semaphore_mem>>
      %dma_start3A_55 = arith.constant 0 : i32
      %dma_start3A_56 = tpu.memref_slice %arg8[%add3A_24, %dma_start3A_55] : memref<10240x128xf32, #tpu.memory_space<vmem_shared>> -> memref<128x128xf32, #tpu.memory_space<vmem_shared>>
      tpu.enqueue_dma source(%arg4 : memref<128x128xf32, #tpu.memory_space<hbm>>) target(%dma_start3A_56 : memref<128x128xf32, #tpu.memory_space<vmem_shared>>) target_semaphore(%run_scoped3A_54 : memref<!tpu.dma_semaphore, #tpu.memory_space<semaphore_mem>>)
      %dma_wait3A_57 = arith.constant 0 : i32
      %dma_wait3A_58 = tpu.memref_slice %arg8[%add3A_24, %dma_wait3A_57] : memref<10240x128xf32, #tpu.memory_space<vmem_shared>> -> memref<128x128xf32, #tpu.memory_space<vmem_shared>>
      tpu.wait_dma2 semaphore(%run_scoped3A_54 : memref<!tpu.dma_semaphore, #tpu.memory_space<semaphore_mem>>) src(%arg4 : memref<128x128xf32, #tpu.memory_space<hbm>>) dst(%dma_wait3A_58 : memref<128x128xf32, #tpu.memory_space<vmem_shared>>)
      tpu.yield
    }) : () -> ()
    %add3A_25 = arith.constant 512 : i32
    %add3A_26 = arith.addi %mul3A_2, %add3A_25 : i32
    "tpu.region"() ({
      %run_scoped3A_54 = tpu.sem_alloc : memref<!tpu.dma_semaphore, #tpu.memory_space<semaphore_mem>>
      %dma_start3A_55 = arith.constant 0 : i32
      %dma_start3A_56 = tpu.memref_slice %arg8[%add3A_26, %dma_start3A_55] : memref<10240x128xf32, #tpu.memory_space<vmem_shared>> -> memref<128x128xf32, #tpu.memory_space<vmem_shared>>
      tpu.enqueue_dma source(%arg4 : memref<128x128xf32, #tpu.memory_space<hbm>>) target(%dma_start3A_56 : memref<128x128xf32, #tpu.memory_space<vmem_shared>>) target_semaphore(%run_scoped3A_54 : memref<!tpu.dma_semaphore, #tpu.memory_space<semaphore_mem>>)
      %dma_wait3A_57 = arith.constant 0 : i32
      %dma_wait3A_58 = tpu.memref_slice %arg8[%add3A_26, %dma_wait3A_57] : memref<10240x128xf32, #tpu.memory_space<vmem_shared>> -> memref<128x128xf32, #tpu.memory_space<vmem_shared>>
      tpu.wait_dma2 semaphore(%run_scoped3A_54 : memref<!tpu.dma_semaphore, #tpu.memory_space<semaphore_mem>>) src(%arg4 : memref<128x128xf32, #tpu.memory_space<hbm>>) dst(%dma_wait3A_58 : memref<128x128xf32, #tpu.memory_space<vmem_shared>>)
      tpu.yield
    }) : () -> ()
    %barrier3A = arith.constant 0 : index
    tpu.barrier barrier_id(%barrier3A)
    %scan3A = arith.constant 0 : i32
    %scan3A_27 = arith.constant 0 : i32
    %scan3A_28 = arith.constant 80 : i32
    %scan3A_29 = arith.addi %scan3A_27, %scan3A_28 : i32
    %scan3A_30 = arith.constant 1 : i32
    scf.for %scan3A_54 = %scan3A_27 to %scan3A_29 step %scan3A_30  : i32 {
      %mul3A_55 = arith.constant 2 : i32
      %mul3A_56 = arith.muli %mul3A_55, %scan3A_54 : i32
      %add3A_57 = arith.constant 0 : i32
      %add3A_58 = arith.addi %mul3A_56, %add3A_57 : i32
      "tpu.region"() ({
        %run_scoped3A_59 = tpu.sem_alloc : memref<!tpu.dma_semaphore, #tpu.memory_space<semaphore_mem>>
        %dma_start3A_60 = arith.constant 0 : i32
        %dma_start3A_61 = tpu.memref_slice %arg6[%add3A_58, %dma_start3A_60] : memref<160x128xi32, #tpu.memory_space<vmem>> -> memref<1x128xi32, #tpu.memory_space<vmem>>
        %dma_start3A_62 = tpu.memref_squeeze %dma_start3A_61 : memref<1x128xi32, #tpu.memory_space<vmem>> -> memref<128xi32, #tpu.memory_space<vmem>>
        %dma_start3A_63 = arith.constant 0 : i32
        %dma_start3A_64 = arith.constant 0 : i32
        %dma_start3A_65 = tpu.memref_slice %arg8[%dma_start3A_63, %dma_start3A_64] : memref<10240x128xf32, #tpu.memory_space<vmem_shared>> -> memref<10240x128xf32, #tpu.memory_space<vmem_shared>>
        tpu.enqueue_indirect_dma source(%arg7 : memref<128x128xf32, #tpu.memory_space<vmem>>) target(%dma_start3A_65 : memref<10240x128xf32, #tpu.memory_space<vmem_shared>>) offsets(%dma_start3A_62 : memref<128xi32, #tpu.memory_space<vmem>>) semaphore(%run_scoped3A_59 : memref<!tpu.dma_semaphore, #tpu.memory_space<semaphore_mem>>) {add = true}
        %dma_wait3A_66 = arith.constant 0 : i32
        %dma_wait3A_67 = tpu.memref_slice %arg6[%add3A_58, %dma_wait3A_66] : memref<160x128xi32, #tpu.memory_space<vmem>> -> memref<1x128xi32, #tpu.memory_space<vmem>>
        %dma_wait3A_68 = tpu.memref_squeeze %dma_wait3A_67 : memref<1x128xi32, #tpu.memory_space<vmem>> -> memref<128xi32, #tpu.memory_space<vmem>>
        %dma_wait3A_69 = arith.constant 0 : i32
        %dma_wait3A_70 = arith.constant 0 : i32
        %dma_wait3A_71 = tpu.memref_slice %arg8[%dma_wait3A_69, %dma_wait3A_70] : memref<10240x128xf32, #tpu.memory_space<vmem_shared>> -> memref<10240x128xf32, #tpu.memory_space<vmem_shared>>
        tpu.wait_indirect_dma semaphore(%run_scoped3A_59 : memref<!tpu.dma_semaphore, #tpu.memory_space<semaphore_mem>>) src(%arg7 : memref<128x128xf32, #tpu.memory_space<vmem>>) dst(%dma_wait3A_71 : memref<10240x128xf32, #tpu.memory_space<vmem_shared>>)
        tpu.yield
      }) : () -> ()
    }
    %scan3A_31 = arith.constant 80 : i32
    %barrier3A_32 = arith.constant 0 : index
    tpu.barrier barrier_id(%barrier3A_32)
    %run_scoped3A = arith.constant 0 : i32
    "tpu.region"() ({
      %run_scoped3A_54 = tpu.sem_alloc : memref<!tpu.dma_semaphore, #tpu.memory_space<semaphore_mem>>
      %dma_start3A_55 = arith.constant 0 : i32
      %dma_start3A_56 = tpu.memref_slice %arg5[%arg0, %run_scoped3A, %mul3A_2, %dma_start3A_55] : memref<2x2x10240x128xf32, #tpu.memory_space<hbm>> -> memref<1x1x640x128xf32, #tpu.memory_space<hbm>>
      %dma_start3A_57 = tpu.memref_squeeze %dma_start3A_56 : memref<1x1x640x128xf32, #tpu.memory_space<hbm>> -> memref<640x128xf32, #tpu.memory_space<hbm>>
      %dma_start3A_58 = arith.constant 0 : i32
      %dma_start3A_59 = tpu.memref_slice %arg8[%mul3A_2, %dma_start3A_58] : memref<10240x128xf32, #tpu.memory_space<vmem_shared>> -> memref<640x128xf32, #tpu.memory_space<vmem_shared>>
      tpu.enqueue_dma source(%dma_start3A_59 : memref<640x128xf32, #tpu.memory_space<vmem_shared>>) target(%dma_start3A_57 : memref<640x128xf32, #tpu.memory_space<hbm>>) target_semaphore(%run_scoped3A_54 : memref<!tpu.dma_semaphore, #tpu.memory_space<semaphore_mem>>)
      %dma_wait3A_60 = arith.constant 0 : i32
      %dma_wait3A_61 = tpu.memref_slice %arg5[%arg0, %run_scoped3A, %mul3A_2, %dma_wait3A_60] : memref<2x2x10240x128xf32, #tpu.memory_space<hbm>> -> memref<1x1x640x128xf32, #tpu.memory_space<hbm>>
      %dma_wait3A_62 = tpu.memref_squeeze %dma_wait3A_61 : memref<1x1x640x128xf32, #tpu.memory_space<hbm>> -> memref<640x128xf32, #tpu.memory_space<hbm>>
      %dma_wait3A_63 = arith.constant 0 : i32
      %dma_wait3A_64 = tpu.memref_slice %arg8[%mul3A_2, %dma_wait3A_63] : memref<10240x128xf32, #tpu.memory_space<vmem_shared>> -> memref<640x128xf32, #tpu.memory_space<vmem_shared>>
      tpu.wait_dma2 semaphore(%run_scoped3A_54 : memref<!tpu.dma_semaphore, #tpu.memory_space<semaphore_mem>>) src(%dma_wait3A_64 : memref<640x128xf32, #tpu.memory_space<vmem_shared>>) dst(%dma_wait3A_62 : memref<640x128xf32, #tpu.memory_space<hbm>>)
      tpu.yield
    }) : () -> ()
    %barrier3A_33 = arith.constant 0 : index
    tpu.barrier barrier_id(%barrier3A_33)
    %add3A_34 = arith.constant 0 : i32
    %add3A_35 = arith.addi %mul3A_2, %add3A_34 : i32
    "tpu.region"() ({
      %run_scoped3A_54 = tpu.sem_alloc : memref<!tpu.dma_semaphore, #tpu.memory_space<semaphore_mem>>
      %dma_start3A_55 = arith.constant 0 : i32
      %dma_start3A_56 = tpu.memref_slice %arg8[%add3A_35, %dma_start3A_55] : memref<10240x128xf32, #tpu.memory_space<vmem_shared>> -> memref<128x128xf32, #tpu.memory_space<vmem_shared>>
      tpu.enqueue_dma source(%arg4 : memref<128x128xf32, #tpu.memory_space<hbm>>) target(%dma_start3A_56 : memref<128x128xf32, #tpu.memory_space<vmem_shared>>) target_semaphore(%run_scoped3A_54 : memref<!tpu.dma_semaphore, #tpu.memory_space<semaphore_mem>>)
      %dma_wait3A_57 = arith.constant 0 : i32
      %dma_wait3A_58 = tpu.memref_slice %arg8[%add3A_35, %dma_wait3A_57] : memref<10240x128xf32, #tpu.memory_space<vmem_shared>> -> memref<128x128xf32, #tpu.memory_space<vmem_shared>>
      tpu.wait_dma2 semaphore(%run_scoped3A_54 : memref<!tpu.dma_semaphore, #tpu.memory_space<semaphore_mem>>) src(%arg4 : memref<128x128xf32, #tpu.memory_space<hbm>>) dst(%dma_wait3A_58 : memref<128x128xf32, #tpu.memory_space<vmem_shared>>)
      tpu.yield
    }) : () -> ()
    %add3A_36 = arith.constant 128 : i32
    %add3A_37 = arith.addi %mul3A_2, %add3A_36 : i32
    "tpu.region"() ({
      %run_scoped3A_54 = tpu.sem_alloc : memref<!tpu.dma_semaphore, #tpu.memory_space<semaphore_mem>>
      %dma_start3A_55 = arith.constant 0 : i32
      %dma_start3A_56 = tpu.memref_slice %arg8[%add3A_37, %dma_start3A_55] : memref<10240x128xf32, #tpu.memory_space<vmem_shared>> -> memref<128x128xf32, #tpu.memory_space<vmem_shared>>
      tpu.enqueue_dma source(%arg4 : memref<128x128xf32, #tpu.memory_space<hbm>>) target(%dma_start3A_56 : memref<128x128xf32, #tpu.memory_space<vmem_shared>>) target_semaphore(%run_scoped3A_54 : memref<!tpu.dma_semaphore, #tpu.memory_space<semaphore_mem>>)
      %dma_wait3A_57 = arith.constant 0 : i32
      %dma_wait3A_58 = tpu.memref_slice %arg8[%add3A_37, %dma_wait3A_57] : memref<10240x128xf32, #tpu.memory_space<vmem_shared>> -> memref<128x128xf32, #tpu.memory_space<vmem_shared>>
      tpu.wait_dma2 semaphore(%run_scoped3A_54 : memref<!tpu.dma_semaphore, #tpu.memory_space<semaphore_mem>>) src(%arg4 : memref<128x128xf32, #tpu.memory_space<hbm>>) dst(%dma_wait3A_58 : memref<128x128xf32, #tpu.memory_space<vmem_shared>>)
      tpu.yield
    }) : () -> ()
    %add3A_38 = arith.constant 256 : i32
    %add3A_39 = arith.addi %mul3A_2, %add3A_38 : i32
    "tpu.region"() ({
      %run_scoped3A_54 = tpu.sem_alloc : memref<!tpu.dma_semaphore, #tpu.memory_space<semaphore_mem>>
      %dma_start3A_55 = arith.constant 0 : i32
      %dma_start3A_56 = tpu.memref_slice %arg8[%add3A_39, %dma_start3A_55] : memref<10240x128xf32, #tpu.memory_space<vmem_shared>> -> memref<128x128xf32, #tpu.memory_space<vmem_shared>>
      tpu.enqueue_dma source(%arg4 : memref<128x128xf32, #tpu.memory_space<hbm>>) target(%dma_start3A_56 : memref<128x128xf32, #tpu.memory_space<vmem_shared>>) target_semaphore(%run_scoped3A_54 : memref<!tpu.dma_semaphore, #tpu.memory_space<semaphore_mem>>)
      %dma_wait3A_57 = arith.constant 0 : i32
      %dma_wait3A_58 = tpu.memref_slice %arg8[%add3A_39, %dma_wait3A_57] : memref<10240x128xf32, #tpu.memory_space<vmem_shared>> -> memref<128x128xf32, #tpu.memory_space<vmem_shared>>
      tpu.wait_dma2 semaphore(%run_scoped3A_54 : memref<!tpu.dma_semaphore, #tpu.memory_space<semaphore_mem>>) src(%arg4 : memref<128x128xf32, #tpu.memory_space<hbm>>) dst(%dma_wait3A_58 : memref<128x128xf32, #tpu.memory_space<vmem_shared>>)
      tpu.yield
    }) : () -> ()
    %add3A_40 = arith.constant 384 : i32
    %add3A_41 = arith.addi %mul3A_2, %add3A_40 : i32
    "tpu.region"() ({
      %run_scoped3A_54 = tpu.sem_alloc : memref<!tpu.dma_semaphore, #tpu.memory_space<semaphore_mem>>
      %dma_start3A_55 = arith.constant 0 : i32
      %dma_start3A_56 = tpu.memref_slice %arg8[%add3A_41, %dma_start3A_55] : memref<10240x128xf32, #tpu.memory_space<vmem_shared>> -> memref<128x128xf32, #tpu.memory_space<vmem_shared>>
      tpu.enqueue_dma source(%arg4 : memref<128x128xf32, #tpu.memory_space<hbm>>) target(%dma_start3A_56 : memref<128x128xf32, #tpu.memory_space<vmem_shared>>) target_semaphore(%run_scoped3A_54 : memref<!tpu.dma_semaphore, #tpu.memory_space<semaphore_mem>>)
      %dma_wait3A_57 = arith.constant 0 : i32
      %dma_wait3A_58 = tpu.memref_slice %arg8[%add3A_41, %dma_wait3A_57] : memref<10240x128xf32, #tpu.memory_space<vmem_shared>> -> memref<128x128xf32, #tpu.memory_space<vmem_shared>>
      tpu.wait_dma2 semaphore(%run_scoped3A_54 : memref<!tpu.dma_semaphore, #tpu.memory_space<semaphore_mem>>) src(%arg4 : memref<128x128xf32, #tpu.memory_space<hbm>>) dst(%dma_wait3A_58 : memref<128x128xf32, #tpu.memory_space<vmem_shared>>)
      tpu.yield
    }) : () -> ()
    %add3A_42 = arith.constant 512 : i32
    %add3A_43 = arith.addi %mul3A_2, %add3A_42 : i32
    "tpu.region"() ({
      %run_scoped3A_54 = tpu.sem_alloc : memref<!tpu.dma_semaphore, #tpu.memory_space<semaphore_mem>>
      %dma_start3A_55 = arith.constant 0 : i32
      %dma_start3A_56 = tpu.memref_slice %arg8[%add3A_43, %dma_start3A_55] : memref<10240x128xf32, #tpu.memory_space<vmem_shared>> -> memref<128x128xf32, #tpu.memory_space<vmem_shared>>
      tpu.enqueue_dma source(%arg4 : memref<128x128xf32, #tpu.memory_space<hbm>>) target(%dma_start3A_56 : memref<128x128xf32, #tpu.memory_space<vmem_shared>>) target_semaphore(%run_scoped3A_54 : memref<!tpu.dma_semaphore, #tpu.memory_space<semaphore_mem>>)
      %dma_wait3A_57 = arith.constant 0 : i32
      %dma_wait3A_58 = tpu.memref_slice %arg8[%add3A_43, %dma_wait3A_57] : memref<10240x128xf32, #tpu.memory_space<vmem_shared>> -> memref<128x128xf32, #tpu.memory_space<vmem_shared>>
      tpu.wait_dma2 semaphore(%run_scoped3A_54 : memref<!tpu.dma_semaphore, #tpu.memory_space<semaphore_mem>>) src(%arg4 : memref<128x128xf32, #tpu.memory_space<hbm>>) dst(%dma_wait3A_58 : memref<128x128xf32, #tpu.memory_space<vmem_shared>>)
      tpu.yield
    }) : () -> ()
    %barrier3A_44 = arith.constant 0 : index
    tpu.barrier barrier_id(%barrier3A_44)
    %scan3A_45 = arith.constant 0 : i32
    %scan3A_46 = arith.constant 0 : i32
    %scan3A_47 = arith.constant 80 : i32
    %scan3A_48 = arith.addi %scan3A_46, %scan3A_47 : i32
    %scan3A_49 = arith.constant 1 : i32
    scf.for %scan3A_54 = %scan3A_46 to %scan3A_48 step %scan3A_49  : i32 {
      %mul3A_55 = arith.constant 2 : i32
      %mul3A_56 = arith.muli %mul3A_55, %scan3A_54 : i32
      %add3A_57 = arith.constant 1 : i32
      %add3A_58 = arith.addi %mul3A_56, %add3A_57 : i32
      "tpu.region"() ({
        %run_scoped3A_59 = tpu.sem_alloc : memref<!tpu.dma_semaphore, #tpu.memory_space<semaphore_mem>>
        %dma_start3A_60 = arith.constant 0 : i32
        %dma_start3A_61 = tpu.memref_slice %arg6[%add3A_58, %dma_start3A_60] : memref<160x128xi32, #tpu.memory_space<vmem>> -> memref<1x128xi32, #tpu.memory_space<vmem>>
        %dma_start3A_62 = tpu.memref_squeeze %dma_start3A_61 : memref<1x128xi32, #tpu.memory_space<vmem>> -> memref<128xi32, #tpu.memory_space<vmem>>
        %dma_start3A_63 = arith.constant 0 : i32
        %dma_start3A_64 = arith.constant 0 : i32
        %dma_start3A_65 = tpu.memref_slice %arg8[%dma_start3A_63, %dma_start3A_64] : memref<10240x128xf32, #tpu.memory_space<vmem_shared>> -> memref<10240x128xf32, #tpu.memory_space<vmem_shared>>
        tpu.enqueue_indirect_dma source(%arg7 : memref<128x128xf32, #tpu.memory_space<vmem>>) target(%dma_start3A_65 : memref<10240x128xf32, #tpu.memory_space<vmem_shared>>) offsets(%dma_start3A_62 : memref<128xi32, #tpu.memory_space<vmem>>) semaphore(%run_scoped3A_59 : memref<!tpu.dma_semaphore, #tpu.memory_space<semaphore_mem>>) {add = true}
        %dma_wait3A_66 = arith.constant 0 : i32
        %dma_wait3A_67 = tpu.memref_slice %arg6[%add3A_58, %dma_wait3A_66] : memref<160x128xi32, #tpu.memory_space<vmem>> -> memref<1x128xi32, #tpu.memory_space<vmem>>
        %dma_wait3A_68 = tpu.memref_squeeze %dma_wait3A_67 : memref<1x128xi32, #tpu.memory_space<vmem>> -> memref<128xi32, #tpu.memory_space<vmem>>
        %dma_wait3A_69 = arith.constant 0 : i32
        %dma_wait3A_70 = arith.constant 0 : i32
        %dma_wait3A_71 = tpu.memref_slice %arg8[%dma_wait3A_69, %dma_wait3A_70] : memref<10240x128xf32, #tpu.memory_space<vmem_shared>> -> memref<10240x128xf32, #tpu.memory_space<vmem_shared>>
        tpu.wait_indirect_dma semaphore(%run_scoped3A_59 : memref<!tpu.dma_semaphore, #tpu.memory_space<semaphore_mem>>) src(%arg7 : memref<128x128xf32, #tpu.memory_space<vmem>>) dst(%dma_wait3A_71 : memref<10240x128xf32, #tpu.memory_space<vmem_shared>>)
        tpu.yield
      }) : () -> ()
    }
    %scan3A_50 = arith.constant 80 : i32
    %barrier3A_51 = arith.constant 0 : index
    tpu.barrier barrier_id(%barrier3A_51)
    %run_scoped3A_52 = arith.constant 1 : i32
    "tpu.region"() ({
      %run_scoped3A_54 = tpu.sem_alloc : memref<!tpu.dma_semaphore, #tpu.memory_space<semaphore_mem>>
      %dma_start3A_55 = arith.constant 0 : i32
      %dma_start3A_56 = tpu.memref_slice %arg5[%arg0, %run_scoped3A_52, %mul3A_2, %dma_start3A_55] : memref<2x2x10240x128xf32, #tpu.memory_space<hbm>> -> memref<1x1x640x128xf32, #tpu.memory_space<hbm>>
      %dma_start3A_57 = tpu.memref_squeeze %dma_start3A_56 : memref<1x1x640x128xf32, #tpu.memory_space<hbm>> -> memref<640x128xf32, #tpu.memory_space<hbm>>
      %dma_start3A_58 = arith.constant 0 : i32
      %dma_start3A_59 = tpu.memref_slice %arg8[%mul3A_2, %dma_start3A_58] : memref<10240x128xf32, #tpu.memory_space<vmem_shared>> -> memref<640x128xf32, #tpu.memory_space<vmem_shared>>
      tpu.enqueue_dma source(%dma_start3A_59 : memref<640x128xf32, #tpu.memory_space<vmem_shared>>) target(%dma_start3A_57 : memref<640x128xf32, #tpu.memory_space<hbm>>) target_semaphore(%run_scoped3A_54 : memref<!tpu.dma_semaphore, #tpu.memory_space<semaphore_mem>>)
      %dma_wait3A_60 = arith.constant 0 : i32
      %dma_wait3A_61 = tpu.memref_slice %arg5[%arg0, %run_scoped3A_52, %mul3A_2, %dma_wait3A_60] : memref<2x2x10240x128xf32, #tpu.memory_space<hbm>> -> memref<1x1x640x128xf32, #tpu.memory_space<hbm>>
      %dma_wait3A_62 = tpu.memref_squeeze %dma_wait3A_61 : memref<1x1x640x128xf32, #tpu.memory_space<hbm>> -> memref<640x128xf32, #tpu.memory_space<hbm>>
      %dma_wait3A_63 = arith.constant 0 : i32
      %dma_wait3A_64 = tpu.memref_slice %arg8[%mul3A_2, %dma_wait3A_63] : memref<10240x128xf32, #tpu.memory_space<vmem_shared>> -> memref<640x128xf32, #tpu.memory_space<vmem_shared>>
      tpu.wait_dma2 semaphore(%run_scoped3A_54 : memref<!tpu.dma_semaphore, #tpu.memory_space<semaphore_mem>>) src(%dma_wait3A_64 : memref<640x128xf32, #tpu.memory_space<vmem_shared>>) dst(%dma_wait3A_62 : memref<640x128xf32, #tpu.memory_space<hbm>>)
      tpu.yield
    }) : () -> ()
    %barrier3A_53 = arith.constant 0 : index
    tpu.barrier barrier_id(%barrier3A_53)
    return
  }
}

#map = affine_map<(d0, d1) -> (0, 0)>
#map1 = affine_map<(d0, d1) -> (0, 0, 0, 0)>
#map2 = affine_map<(d0, d1) -> (0, 0, 0)>
module attributes {stable_mosaic.version = 14 : i64} {
  func.func @_sc_aggregate(%arg0: i32, %arg1: i32, %arg2: memref<10000x128xf32, #tpu.memory_space<hbm>>, %arg3: memref<32x80x2x128xi32, #tpu.memory_space<hbm>>, %arg4: memref<128x128xf32, #tpu.memory_space<hbm>>, %arg5: memref<2x10240x128xf32, #tpu.memory_space<hbm>>, %arg6: memref<4x2x128xi32, #tpu.memory_space<vmem>>, %arg7: memref<128x128xf32, #tpu.memory_space<vmem>>, %arg8: memref<128x128xf32, #tpu.memory_space<vmem>>, %arg9: memref<10240x128xf32, #tpu.memory_space<vmem_shared>>, %arg10: memref<!tpu.dma_semaphore, #tpu.memory_space<semaphore_mem>>, %arg11: memref<!tpu.dma_semaphore, #tpu.memory_space<semaphore_mem>>, %arg12: memref<!tpu.dma_semaphore, #tpu.memory_space<semaphore_mem>>, %arg13: memref<!tpu.dma_semaphore, #tpu.memory_space<semaphore_mem>>, %arg14: memref<!tpu.dma_semaphore, #tpu.memory_space<semaphore_mem>>, %arg15: memref<!tpu.dma_semaphore, #tpu.memory_space<semaphore_mem>>) attributes {dimension_semantics = [#tpu.dimension_semantics<core_parallel>, #tpu.dimension_semantics<subcore_parallel>], iteration_bounds = array<i64: 2, 16>, scalar_prefetch = 0 : i64, scratch_operands = 10 : i64, tpu.core_type = #tpu.core_type<sc_vector_subcore>, window_params = [{transform_indices = #map}, {transform_indices = #map1}, {transform_indices = #map}, {transform_indices = #map2}]} {
    %mul3A = arith.constant 2 : i32
    %mul3A_0 = arith.muli %arg1, %mul3A : i32
    %add3A = arith.addi %mul3A_0, %arg0 : i32
    %mul3A_1 = arith.constant 640 : i32
    %mul3A_2 = arith.muli %arg1, %mul3A_1 : i32
    %add3A_3 = arith.constant 0 : i32
    %add3A_4 = arith.addi %mul3A_2, %add3A_3 : i32
    "tpu.region"() ({
      %run_scoped3A = tpu.sem_alloc : memref<!tpu.dma_semaphore, #tpu.memory_space<semaphore_mem>>
      %dma_start3A_189 = arith.constant 0 : i32
      %dma_start3A_190 = tpu.memref_slice %arg9[%add3A_4, %dma_start3A_189] : memref<10240x128xf32, #tpu.memory_space<vmem_shared>> -> memref<128x128xf32, #tpu.memory_space<vmem_shared>>
      tpu.enqueue_dma source(%arg4 : memref<128x128xf32, #tpu.memory_space<hbm>>) target(%dma_start3A_190 : memref<128x128xf32, #tpu.memory_space<vmem_shared>>) target_semaphore(%run_scoped3A : memref<!tpu.dma_semaphore, #tpu.memory_space<semaphore_mem>>)
      %dma_wait3A_191 = arith.constant 0 : i32
      %dma_wait3A_192 = tpu.memref_slice %arg9[%add3A_4, %dma_wait3A_191] : memref<10240x128xf32, #tpu.memory_space<vmem_shared>> -> memref<128x128xf32, #tpu.memory_space<vmem_shared>>
      tpu.wait_dma2 semaphore(%run_scoped3A : memref<!tpu.dma_semaphore, #tpu.memory_space<semaphore_mem>>) src(%arg4 : memref<128x128xf32, #tpu.memory_space<hbm>>) dst(%dma_wait3A_192 : memref<128x128xf32, #tpu.memory_space<vmem_shared>>)
      tpu.yield
    }) : () -> ()
    %add3A_5 = arith.constant 128 : i32
    %add3A_6 = arith.addi %mul3A_2, %add3A_5 : i32
    "tpu.region"() ({
      %run_scoped3A = tpu.sem_alloc : memref<!tpu.dma_semaphore, #tpu.memory_space<semaphore_mem>>
      %dma_start3A_189 = arith.constant 0 : i32
      %dma_start3A_190 = tpu.memref_slice %arg9[%add3A_6, %dma_start3A_189] : memref<10240x128xf32, #tpu.memory_space<vmem_shared>> -> memref<128x128xf32, #tpu.memory_space<vmem_shared>>
      tpu.enqueue_dma source(%arg4 : memref<128x128xf32, #tpu.memory_space<hbm>>) target(%dma_start3A_190 : memref<128x128xf32, #tpu.memory_space<vmem_shared>>) target_semaphore(%run_scoped3A : memref<!tpu.dma_semaphore, #tpu.memory_space<semaphore_mem>>)
      %dma_wait3A_191 = arith.constant 0 : i32
      %dma_wait3A_192 = tpu.memref_slice %arg9[%add3A_6, %dma_wait3A_191] : memref<10240x128xf32, #tpu.memory_space<vmem_shared>> -> memref<128x128xf32, #tpu.memory_space<vmem_shared>>
      tpu.wait_dma2 semaphore(%run_scoped3A : memref<!tpu.dma_semaphore, #tpu.memory_space<semaphore_mem>>) src(%arg4 : memref<128x128xf32, #tpu.memory_space<hbm>>) dst(%dma_wait3A_192 : memref<128x128xf32, #tpu.memory_space<vmem_shared>>)
      tpu.yield
    }) : () -> ()
    %add3A_7 = arith.constant 256 : i32
    %add3A_8 = arith.addi %mul3A_2, %add3A_7 : i32
    "tpu.region"() ({
      %run_scoped3A = tpu.sem_alloc : memref<!tpu.dma_semaphore, #tpu.memory_space<semaphore_mem>>
      %dma_start3A_189 = arith.constant 0 : i32
      %dma_start3A_190 = tpu.memref_slice %arg9[%add3A_8, %dma_start3A_189] : memref<10240x128xf32, #tpu.memory_space<vmem_shared>> -> memref<128x128xf32, #tpu.memory_space<vmem_shared>>
      tpu.enqueue_dma source(%arg4 : memref<128x128xf32, #tpu.memory_space<hbm>>) target(%dma_start3A_190 : memref<128x128xf32, #tpu.memory_space<vmem_shared>>) target_semaphore(%run_scoped3A : memref<!tpu.dma_semaphore, #tpu.memory_space<semaphore_mem>>)
      %dma_wait3A_191 = arith.constant 0 : i32
      %dma_wait3A_192 = tpu.memref_slice %arg9[%add3A_8, %dma_wait3A_191] : memref<10240x128xf32, #tpu.memory_space<vmem_shared>> -> memref<128x128xf32, #tpu.memory_space<vmem_shared>>
      tpu.wait_dma2 semaphore(%run_scoped3A : memref<!tpu.dma_semaphore, #tpu.memory_space<semaphore_mem>>) src(%arg4 : memref<128x128xf32, #tpu.memory_space<hbm>>) dst(%dma_wait3A_192 : memref<128x128xf32, #tpu.memory_space<vmem_shared>>)
      tpu.yield
    }) : () -> ()
    %add3A_9 = arith.constant 384 : i32
    %add3A_10 = arith.addi %mul3A_2, %add3A_9 : i32
    "tpu.region"() ({
      %run_scoped3A = tpu.sem_alloc : memref<!tpu.dma_semaphore, #tpu.memory_space<semaphore_mem>>
      %dma_start3A_189 = arith.constant 0 : i32
      %dma_start3A_190 = tpu.memref_slice %arg9[%add3A_10, %dma_start3A_189] : memref<10240x128xf32, #tpu.memory_space<vmem_shared>> -> memref<128x128xf32, #tpu.memory_space<vmem_shared>>
      tpu.enqueue_dma source(%arg4 : memref<128x128xf32, #tpu.memory_space<hbm>>) target(%dma_start3A_190 : memref<128x128xf32, #tpu.memory_space<vmem_shared>>) target_semaphore(%run_scoped3A : memref<!tpu.dma_semaphore, #tpu.memory_space<semaphore_mem>>)
      %dma_wait3A_191 = arith.constant 0 : i32
      %dma_wait3A_192 = tpu.memref_slice %arg9[%add3A_10, %dma_wait3A_191] : memref<10240x128xf32, #tpu.memory_space<vmem_shared>> -> memref<128x128xf32, #tpu.memory_space<vmem_shared>>
      tpu.wait_dma2 semaphore(%run_scoped3A : memref<!tpu.dma_semaphore, #tpu.memory_space<semaphore_mem>>) src(%arg4 : memref<128x128xf32, #tpu.memory_space<hbm>>) dst(%dma_wait3A_192 : memref<128x128xf32, #tpu.memory_space<vmem_shared>>)
      tpu.yield
    }) : () -> ()
    %add3A_11 = arith.constant 512 : i32
    %add3A_12 = arith.addi %mul3A_2, %add3A_11 : i32
    "tpu.region"() ({
      %run_scoped3A = tpu.sem_alloc : memref<!tpu.dma_semaphore, #tpu.memory_space<semaphore_mem>>
      %dma_start3A_189 = arith.constant 0 : i32
      %dma_start3A_190 = tpu.memref_slice %arg9[%add3A_12, %dma_start3A_189] : memref<10240x128xf32, #tpu.memory_space<vmem_shared>> -> memref<128x128xf32, #tpu.memory_space<vmem_shared>>
      tpu.enqueue_dma source(%arg4 : memref<128x128xf32, #tpu.memory_space<hbm>>) target(%dma_start3A_190 : memref<128x128xf32, #tpu.memory_space<vmem_shared>>) target_semaphore(%run_scoped3A : memref<!tpu.dma_semaphore, #tpu.memory_space<semaphore_mem>>)
      %dma_wait3A_191 = arith.constant 0 : i32
      %dma_wait3A_192 = tpu.memref_slice %arg9[%add3A_12, %dma_wait3A_191] : memref<10240x128xf32, #tpu.memory_space<vmem_shared>> -> memref<128x128xf32, #tpu.memory_space<vmem_shared>>
      tpu.wait_dma2 semaphore(%run_scoped3A : memref<!tpu.dma_semaphore, #tpu.memory_space<semaphore_mem>>) src(%arg4 : memref<128x128xf32, #tpu.memory_space<hbm>>) dst(%dma_wait3A_192 : memref<128x128xf32, #tpu.memory_space<vmem_shared>>)
      tpu.yield
    }) : () -> ()
    %barrier3A = arith.constant 0 : index
    tpu.barrier barrier_id(%barrier3A)
    %dma_start3A = arith.constant 0 : i32
    %dma_start3A_13 = arith.constant 0 : i32
    %dma_start3A_14 = arith.constant 0 : i32
    %dma_start3A_15 = arith.constant 0 : i32
    %dma_start3A_16 = tpu.memref_slice %arg6[%dma_start3A_13, %dma_start3A_14, %dma_start3A_15] : memref<4x2x128xi32, #tpu.memory_space<vmem>> -> memref<1x2x128xi32, #tpu.memory_space<vmem>>
    %dma_start3A_17 = tpu.memref_squeeze %dma_start3A_16 : memref<1x2x128xi32, #tpu.memory_space<vmem>> -> memref<2x128xi32, #tpu.memory_space<vmem>>
    %dma_start3A_18 = arith.constant 0 : i32
    %dma_start3A_19 = arith.constant 0 : i32
    %dma_start3A_20 = tpu.memref_slice %arg3[%add3A, %dma_start3A, %dma_start3A_18, %dma_start3A_19] : memref<32x80x2x128xi32, #tpu.memory_space<hbm>> -> memref<1x1x2x128xi32, #tpu.memory_space<hbm>>
    %dma_start3A_21 = tpu.memref_squeeze %dma_start3A_20 : memref<1x1x2x128xi32, #tpu.memory_space<hbm>> -> memref<2x128xi32, #tpu.memory_space<hbm>>
    %dma_start3A_22 = arith.constant 0 : i32
    %dma_start3A_23 = arith.constant 0 : i32
    %dma_start3A_24 = tpu.memref_slice %arg6[%dma_start3A_13, %dma_start3A_22, %dma_start3A_23] : memref<4x2x128xi32, #tpu.memory_space<vmem>> -> memref<1x2x128xi32, #tpu.memory_space<vmem>>
    %dma_start3A_25 = tpu.memref_squeeze %dma_start3A_24 : memref<1x2x128xi32, #tpu.memory_space<vmem>> -> memref<2x128xi32, #tpu.memory_space<vmem>>
    %dma_start3A_26 = arith.constant 0 : i32
    %dma_start3A_27 = arith.constant 0 : i32
    %dma_start3A_28 = tpu.memref_slice %arg3[%add3A, %dma_start3A, %dma_start3A_26, %dma_start3A_27] : memref<32x80x2x128xi32, #tpu.memory_space<hbm>> -> memref<1x1x2x128xi32, #tpu.memory_space<hbm>>
    %dma_start3A_29 = tpu.memref_squeeze %dma_start3A_28 : memref<1x1x2x128xi32, #tpu.memory_space<hbm>> -> memref<2x128xi32, #tpu.memory_space<hbm>>
    tpu.enqueue_dma source(%dma_start3A_29 : memref<2x128xi32, #tpu.memory_space<hbm>>) target(%dma_start3A_25 : memref<2x128xi32, #tpu.memory_space<vmem>>) target_semaphore(%arg10 : memref<!tpu.dma_semaphore, #tpu.memory_space<semaphore_mem>>)
    %dma_start3A_30 = arith.constant 1 : i32
    %dma_start3A_31 = arith.constant 1 : i32
    %dma_start3A_32 = arith.constant 0 : i32
    %dma_start3A_33 = arith.constant 0 : i32
    %dma_start3A_34 = tpu.memref_slice %arg6[%dma_start3A_31, %dma_start3A_32, %dma_start3A_33] : memref<4x2x128xi32, #tpu.memory_space<vmem>> -> memref<1x2x128xi32, #tpu.memory_space<vmem>>
    %dma_start3A_35 = tpu.memref_squeeze %dma_start3A_34 : memref<1x2x128xi32, #tpu.memory_space<vmem>> -> memref<2x128xi32, #tpu.memory_space<vmem>>
    %dma_start3A_36 = arith.constant 0 : i32
    %dma_start3A_37 = arith.constant 0 : i32
    %dma_start3A_38 = tpu.memref_slice %arg3[%add3A, %dma_start3A_30, %dma_start3A_36, %dma_start3A_37] : memref<32x80x2x128xi32, #tpu.memory_space<hbm>> -> memref<1x1x2x128xi32, #tpu.memory_space<hbm>>
    %dma_start3A_39 = tpu.memref_squeeze %dma_start3A_38 : memref<1x1x2x128xi32, #tpu.memory_space<hbm>> -> memref<2x128xi32, #tpu.memory_space<hbm>>
    %dma_start3A_40 = arith.constant 0 : i32
    %dma_start3A_41 = arith.constant 0 : i32
    %dma_start3A_42 = tpu.memref_slice %arg6[%dma_start3A_31, %dma_start3A_40, %dma_start3A_41] : memref<4x2x128xi32, #tpu.memory_space<vmem>> -> memref<1x2x128xi32, #tpu.memory_space<vmem>>
    %dma_start3A_43 = tpu.memref_squeeze %dma_start3A_42 : memref<1x2x128xi32, #tpu.memory_space<vmem>> -> memref<2x128xi32, #tpu.memory_space<vmem>>
    %dma_start3A_44 = arith.constant 0 : i32
    %dma_start3A_45 = arith.constant 0 : i32
    %dma_start3A_46 = tpu.memref_slice %arg3[%add3A, %dma_start3A_30, %dma_start3A_44, %dma_start3A_45] : memref<32x80x2x128xi32, #tpu.memory_space<hbm>> -> memref<1x1x2x128xi32, #tpu.memory_space<hbm>>
    %dma_start3A_47 = tpu.memref_squeeze %dma_start3A_46 : memref<1x1x2x128xi32, #tpu.memory_space<hbm>> -> memref<2x128xi32, #tpu.memory_space<hbm>>
    tpu.enqueue_dma source(%dma_start3A_47 : memref<2x128xi32, #tpu.memory_space<hbm>>) target(%dma_start3A_43 : memref<2x128xi32, #tpu.memory_space<vmem>>) target_semaphore(%arg11 : memref<!tpu.dma_semaphore, #tpu.memory_space<semaphore_mem>>)
    %dma_start3A_48 = arith.constant 2 : i32
    %dma_start3A_49 = arith.constant 2 : i32
    %dma_start3A_50 = arith.constant 0 : i32
    %dma_start3A_51 = arith.constant 0 : i32
    %dma_start3A_52 = tpu.memref_slice %arg6[%dma_start3A_49, %dma_start3A_50, %dma_start3A_51] : memref<4x2x128xi32, #tpu.memory_space<vmem>> -> memref<1x2x128xi32, #tpu.memory_space<vmem>>
    %dma_start3A_53 = tpu.memref_squeeze %dma_start3A_52 : memref<1x2x128xi32, #tpu.memory_space<vmem>> -> memref<2x128xi32, #tpu.memory_space<vmem>>
    %dma_start3A_54 = arith.constant 0 : i32
    %dma_start3A_55 = arith.constant 0 : i32
    %dma_start3A_56 = tpu.memref_slice %arg3[%add3A, %dma_start3A_48, %dma_start3A_54, %dma_start3A_55] : memref<32x80x2x128xi32, #tpu.memory_space<hbm>> -> memref<1x1x2x128xi32, #tpu.memory_space<hbm>>
    %dma_start3A_57 = tpu.memref_squeeze %dma_start3A_56 : memref<1x1x2x128xi32, #tpu.memory_space<hbm>> -> memref<2x128xi32, #tpu.memory_space<hbm>>
    %dma_start3A_58 = arith.constant 0 : i32
    %dma_start3A_59 = arith.constant 0 : i32
    %dma_start3A_60 = tpu.memref_slice %arg6[%dma_start3A_49, %dma_start3A_58, %dma_start3A_59] : memref<4x2x128xi32, #tpu.memory_space<vmem>> -> memref<1x2x128xi32, #tpu.memory_space<vmem>>
    %dma_start3A_61 = tpu.memref_squeeze %dma_start3A_60 : memref<1x2x128xi32, #tpu.memory_space<vmem>> -> memref<2x128xi32, #tpu.memory_space<vmem>>
    %dma_start3A_62 = arith.constant 0 : i32
    %dma_start3A_63 = arith.constant 0 : i32
    %dma_start3A_64 = tpu.memref_slice %arg3[%add3A, %dma_start3A_48, %dma_start3A_62, %dma_start3A_63] : memref<32x80x2x128xi32, #tpu.memory_space<hbm>> -> memref<1x1x2x128xi32, #tpu.memory_space<hbm>>
    %dma_start3A_65 = tpu.memref_squeeze %dma_start3A_64 : memref<1x1x2x128xi32, #tpu.memory_space<hbm>> -> memref<2x128xi32, #tpu.memory_space<hbm>>
    tpu.enqueue_dma source(%dma_start3A_65 : memref<2x128xi32, #tpu.memory_space<hbm>>) target(%dma_start3A_61 : memref<2x128xi32, #tpu.memory_space<vmem>>) target_semaphore(%arg12 : memref<!tpu.dma_semaphore, #tpu.memory_space<semaphore_mem>>)
    %dma_start3A_66 = arith.constant 3 : i32
    %dma_start3A_67 = arith.constant 3 : i32
    %dma_start3A_68 = arith.constant 0 : i32
    %dma_start3A_69 = arith.constant 0 : i32
    %dma_start3A_70 = tpu.memref_slice %arg6[%dma_start3A_67, %dma_start3A_68, %dma_start3A_69] : memref<4x2x128xi32, #tpu.memory_space<vmem>> -> memref<1x2x128xi32, #tpu.memory_space<vmem>>
    %dma_start3A_71 = tpu.memref_squeeze %dma_start3A_70 : memref<1x2x128xi32, #tpu.memory_space<vmem>> -> memref<2x128xi32, #tpu.memory_space<vmem>>
    %dma_start3A_72 = arith.constant 0 : i32
    %dma_start3A_73 = arith.constant 0 : i32
    %dma_start3A_74 = tpu.memref_slice %arg3[%add3A, %dma_start3A_66, %dma_start3A_72, %dma_start3A_73] : memref<32x80x2x128xi32, #tpu.memory_space<hbm>> -> memref<1x1x2x128xi32, #tpu.memory_space<hbm>>
    %dma_start3A_75 = tpu.memref_squeeze %dma_start3A_74 : memref<1x1x2x128xi32, #tpu.memory_space<hbm>> -> memref<2x128xi32, #tpu.memory_space<hbm>>
    %dma_start3A_76 = arith.constant 0 : i32
    %dma_start3A_77 = arith.constant 0 : i32
    %dma_start3A_78 = tpu.memref_slice %arg6[%dma_start3A_67, %dma_start3A_76, %dma_start3A_77] : memref<4x2x128xi32, #tpu.memory_space<vmem>> -> memref<1x2x128xi32, #tpu.memory_space<vmem>>
    %dma_start3A_79 = tpu.memref_squeeze %dma_start3A_78 : memref<1x2x128xi32, #tpu.memory_space<vmem>> -> memref<2x128xi32, #tpu.memory_space<vmem>>
    %dma_start3A_80 = arith.constant 0 : i32
    %dma_start3A_81 = arith.constant 0 : i32
    %dma_start3A_82 = tpu.memref_slice %arg3[%add3A, %dma_start3A_66, %dma_start3A_80, %dma_start3A_81] : memref<32x80x2x128xi32, #tpu.memory_space<hbm>> -> memref<1x1x2x128xi32, #tpu.memory_space<hbm>>
    %dma_start3A_83 = tpu.memref_squeeze %dma_start3A_82 : memref<1x1x2x128xi32, #tpu.memory_space<hbm>> -> memref<2x128xi32, #tpu.memory_space<hbm>>
    tpu.enqueue_dma source(%dma_start3A_83 : memref<2x128xi32, #tpu.memory_space<hbm>>) target(%dma_start3A_79 : memref<2x128xi32, #tpu.memory_space<vmem>>) target_semaphore(%arg13 : memref<!tpu.dma_semaphore, #tpu.memory_space<semaphore_mem>>)
    %dma_wait3A = arith.constant 0 : i32
    %dma_wait3A_84 = arith.constant 0 : i32
    %dma_wait3A_85 = arith.constant 0 : i32
    %dma_wait3A_86 = arith.constant 0 : i32
    %dma_wait3A_87 = tpu.memref_slice %arg6[%dma_wait3A_84, %dma_wait3A_85, %dma_wait3A_86] : memref<4x2x128xi32, #tpu.memory_space<vmem>> -> memref<1x2x128xi32, #tpu.memory_space<vmem>>
    %dma_wait3A_88 = tpu.memref_squeeze %dma_wait3A_87 : memref<1x2x128xi32, #tpu.memory_space<vmem>> -> memref<2x128xi32, #tpu.memory_space<vmem>>
    %dma_wait3A_89 = arith.constant 0 : i32
    %dma_wait3A_90 = arith.constant 0 : i32
    %dma_wait3A_91 = tpu.memref_slice %arg3[%add3A, %dma_wait3A, %dma_wait3A_89, %dma_wait3A_90] : memref<32x80x2x128xi32, #tpu.memory_space<hbm>> -> memref<1x1x2x128xi32, #tpu.memory_space<hbm>>
    %dma_wait3A_92 = tpu.memref_squeeze %dma_wait3A_91 : memref<1x1x2x128xi32, #tpu.memory_space<hbm>> -> memref<2x128xi32, #tpu.memory_space<hbm>>
    %dma_wait3A_93 = arith.constant 0 : i32
    %dma_wait3A_94 = arith.constant 0 : i32
    %dma_wait3A_95 = tpu.memref_slice %arg6[%dma_wait3A_84, %dma_wait3A_93, %dma_wait3A_94] : memref<4x2x128xi32, #tpu.memory_space<vmem>> -> memref<1x2x128xi32, #tpu.memory_space<vmem>>
    %dma_wait3A_96 = tpu.memref_squeeze %dma_wait3A_95 : memref<1x2x128xi32, #tpu.memory_space<vmem>> -> memref<2x128xi32, #tpu.memory_space<vmem>>
    %dma_wait3A_97 = arith.constant 0 : i32
    %dma_wait3A_98 = arith.constant 0 : i32
    %dma_wait3A_99 = tpu.memref_slice %arg3[%add3A, %dma_wait3A, %dma_wait3A_97, %dma_wait3A_98] : memref<32x80x2x128xi32, #tpu.memory_space<hbm>> -> memref<1x1x2x128xi32, #tpu.memory_space<hbm>>
    %dma_wait3A_100 = tpu.memref_squeeze %dma_wait3A_99 : memref<1x1x2x128xi32, #tpu.memory_space<hbm>> -> memref<2x128xi32, #tpu.memory_space<hbm>>
    tpu.wait_dma2 semaphore(%arg10 : memref<!tpu.dma_semaphore, #tpu.memory_space<semaphore_mem>>) src(%dma_wait3A_100 : memref<2x128xi32, #tpu.memory_space<hbm>>) dst(%dma_wait3A_96 : memref<2x128xi32, #tpu.memory_space<vmem>>)
    %dma_start3A_101 = arith.constant 0 : i32
    %dma_start3A_102 = arith.constant 0 : i32
    %dma_start3A_103 = arith.constant 0 : i32
    %dma_start3A_104 = tpu.memref_slice %arg6[%dma_start3A_101, %dma_start3A_102, %dma_start3A_103] : memref<4x2x128xi32, #tpu.memory_space<vmem>> -> memref<1x1x128xi32, #tpu.memory_space<vmem>>
    %dma_start3A_105 = tpu.memref_squeeze %dma_start3A_104 : memref<1x1x128xi32, #tpu.memory_space<vmem>> -> memref<128xi32, #tpu.memory_space<vmem>>
    %dma_start3A_106 = arith.constant 0 : i32
    %dma_start3A_107 = arith.constant 0 : i32
    %dma_start3A_108 = tpu.memref_slice %arg2[%dma_start3A_106, %dma_start3A_107] : memref<10000x128xf32, #tpu.memory_space<hbm>> -> memref<10000x128xf32, #tpu.memory_space<hbm>>
    tpu.enqueue_indirect_dma source(%dma_start3A_108 : memref<10000x128xf32, #tpu.memory_space<hbm>>) target(%arg7 : memref<128x128xf32, #tpu.memory_space<vmem>>) offsets(%dma_start3A_105 : memref<128xi32, #tpu.memory_space<vmem>>) semaphore(%arg14 : memref<!tpu.dma_semaphore, #tpu.memory_space<semaphore_mem>>)
    %dma_wait3A_109 = arith.constant 0 : i32
    %dma_wait3A_110 = arith.constant 1 : i32
    %dma_wait3A_111 = arith.constant 0 : i32
    %dma_wait3A_112 = arith.constant 0 : i32
    %dma_wait3A_113 = tpu.memref_slice %arg6[%dma_wait3A_110, %dma_wait3A_111, %dma_wait3A_112] : memref<4x2x128xi32, #tpu.memory_space<vmem>> -> memref<1x2x128xi32, #tpu.memory_space<vmem>>
    %dma_wait3A_114 = tpu.memref_squeeze %dma_wait3A_113 : memref<1x2x128xi32, #tpu.memory_space<vmem>> -> memref<2x128xi32, #tpu.memory_space<vmem>>
    %dma_wait3A_115 = arith.constant 0 : i32
    %dma_wait3A_116 = arith.constant 0 : i32
    %dma_wait3A_117 = tpu.memref_slice %arg3[%add3A, %dma_wait3A_109, %dma_wait3A_115, %dma_wait3A_116] : memref<32x80x2x128xi32, #tpu.memory_space<hbm>> -> memref<1x1x2x128xi32, #tpu.memory_space<hbm>>
    %dma_wait3A_118 = tpu.memref_squeeze %dma_wait3A_117 : memref<1x1x2x128xi32, #tpu.memory_space<hbm>> -> memref<2x128xi32, #tpu.memory_space<hbm>>
    %dma_wait3A_119 = arith.constant 0 : i32
    %dma_wait3A_120 = arith.constant 0 : i32
    %dma_wait3A_121 = tpu.memref_slice %arg6[%dma_wait3A_110, %dma_wait3A_119, %dma_wait3A_120] : memref<4x2x128xi32, #tpu.memory_space<vmem>> -> memref<1x2x128xi32, #tpu.memory_space<vmem>>
    %dma_wait3A_122 = tpu.memref_squeeze %dma_wait3A_121 : memref<1x2x128xi32, #tpu.memory_space<vmem>> -> memref<2x128xi32, #tpu.memory_space<vmem>>
    %dma_wait3A_123 = arith.constant 0 : i32
    %dma_wait3A_124 = arith.constant 0 : i32
    %dma_wait3A_125 = tpu.memref_slice %arg3[%add3A, %dma_wait3A_109, %dma_wait3A_123, %dma_wait3A_124] : memref<32x80x2x128xi32, #tpu.memory_space<hbm>> -> memref<1x1x2x128xi32, #tpu.memory_space<hbm>>
    %dma_wait3A_126 = tpu.memref_squeeze %dma_wait3A_125 : memref<1x1x2x128xi32, #tpu.memory_space<hbm>> -> memref<2x128xi32, #tpu.memory_space<hbm>>
    tpu.wait_dma2 semaphore(%arg11 : memref<!tpu.dma_semaphore, #tpu.memory_space<semaphore_mem>>) src(%dma_wait3A_126 : memref<2x128xi32, #tpu.memory_space<hbm>>) dst(%dma_wait3A_122 : memref<2x128xi32, #tpu.memory_space<vmem>>)
    %dma_start3A_127 = arith.constant 1 : i32
    %dma_start3A_128 = arith.constant 0 : i32
    %dma_start3A_129 = arith.constant 0 : i32
    %dma_start3A_130 = tpu.memref_slice %arg6[%dma_start3A_127, %dma_start3A_128, %dma_start3A_129] : memref<4x2x128xi32, #tpu.memory_space<vmem>> -> memref<1x1x128xi32, #tpu.memory_space<vmem>>
    %dma_start3A_131 = tpu.memref_squeeze %dma_start3A_130 : memref<1x1x128xi32, #tpu.memory_space<vmem>> -> memref<128xi32, #tpu.memory_space<vmem>>
    %dma_start3A_132 = arith.constant 0 : i32
    %dma_start3A_133 = arith.constant 0 : i32
    %dma_start3A_134 = tpu.memref_slice %arg2[%dma_start3A_132, %dma_start3A_133] : memref<10000x128xf32, #tpu.memory_space<hbm>> -> memref<10000x128xf32, #tpu.memory_space<hbm>>
    tpu.enqueue_indirect_dma source(%dma_start3A_134 : memref<10000x128xf32, #tpu.memory_space<hbm>>) target(%arg8 : memref<128x128xf32, #tpu.memory_space<vmem>>) offsets(%dma_start3A_131 : memref<128xi32, #tpu.memory_space<vmem>>) semaphore(%arg15 : memref<!tpu.dma_semaphore, #tpu.memory_space<semaphore_mem>>)
    %scan3A = arith.constant 0 : i32
    %scan3A_135 = arith.constant 0 : i32
    %scan3A_136 = arith.constant 20 : i32
    %scan3A_137 = arith.addi %scan3A_135, %scan3A_136 : i32
    %scan3A_138 = arith.constant 1 : i32
    scf.for %scan3A_189 = %scan3A_135 to %scan3A_137 step %scan3A_138  : i32 {
      %mul3A_190 = arith.constant 4 : i32
      %mul3A_191 = arith.muli %mul3A_190, %scan3A_189 : i32
      %dma_wait3A_192 = arith.constant 0 : i32
      %dma_wait3A_193 = arith.constant 0 : i32
      %dma_wait3A_194 = tpu.memref_slice %arg2[%dma_wait3A_192, %dma_wait3A_193] : memref<10000x128xf32, #tpu.memory_space<hbm>> -> memref<128x128xf32, #tpu.memory_space<hbm>>
      %dma_wait3A_195 = arith.constant 0 : i32
      %dma_wait3A_196 = arith.constant 0 : i32
      %dma_wait3A_197 = tpu.memref_slice %arg2[%dma_wait3A_195, %dma_wait3A_196] : memref<10000x128xf32, #tpu.memory_space<hbm>> -> memref<128x128xf32, #tpu.memory_space<hbm>>
      tpu.wait_dma2 semaphore(%arg14 : memref<!tpu.dma_semaphore, #tpu.memory_space<semaphore_mem>>) src(%dma_wait3A_197 : memref<128x128xf32, #tpu.memory_space<hbm>>) dst(%arg7 : memref<128x128xf32, #tpu.memory_space<vmem>>)
      %run_scoped3A = arith.constant 0 : i32
      %run_scoped3A_198 = arith.constant 1 : i32
      "tpu.region"() ({
        %run_scoped3A_418 = tpu.sem_alloc : memref<!tpu.dma_semaphore, #tpu.memory_space<semaphore_mem>>
        %dma_start3A_419 = arith.constant 0 : i32
        %dma_start3A_420 = tpu.memref_slice %arg6[%run_scoped3A, %run_scoped3A_198, %dma_start3A_419] : memref<4x2x128xi32, #tpu.memory_space<vmem>> -> memref<1x1x128xi32, #tpu.memory_space<vmem>>
        %dma_start3A_421 = tpu.memref_squeeze %dma_start3A_420 : memref<1x1x128xi32, #tpu.memory_space<vmem>> -> memref<128xi32, #tpu.memory_space<vmem>>
        %dma_start3A_422 = arith.constant 0 : i32
        %dma_start3A_423 = arith.constant 0 : i32
        %dma_start3A_424 = tpu.memref_slice %arg9[%dma_start3A_422, %dma_start3A_423] : memref<10240x128xf32, #tpu.memory_space<vmem_shared>> -> memref<10240x128xf32, #tpu.memory_space<vmem_shared>>
        tpu.enqueue_indirect_dma source(%arg7 : memref<128x128xf32, #tpu.memory_space<vmem>>) target(%dma_start3A_424 : memref<10240x128xf32, #tpu.memory_space<vmem_shared>>) offsets(%dma_start3A_421 : memref<128xi32, #tpu.memory_space<vmem>>) semaphore(%run_scoped3A_418 : memref<!tpu.dma_semaphore, #tpu.memory_space<semaphore_mem>>) {add = true}
        %dma_wait3A_425 = arith.constant 0 : i32
        %dma_wait3A_426 = tpu.memref_slice %arg6[%run_scoped3A, %run_scoped3A_198, %dma_wait3A_425] : memref<4x2x128xi32, #tpu.memory_space<vmem>> -> memref<1x1x128xi32, #tpu.memory_space<vmem>>
        %dma_wait3A_427 = tpu.memref_squeeze %dma_wait3A_426 : memref<1x1x128xi32, #tpu.memory_space<vmem>> -> memref<128xi32, #tpu.memory_space<vmem>>
        %dma_wait3A_428 = arith.constant 0 : i32
        %dma_wait3A_429 = arith.constant 0 : i32
        %dma_wait3A_430 = tpu.memref_slice %arg9[%dma_wait3A_428, %dma_wait3A_429] : memref<10240x128xf32, #tpu.memory_space<vmem_shared>> -> memref<10240x128xf32, #tpu.memory_space<vmem_shared>>
        tpu.wait_indirect_dma semaphore(%run_scoped3A_418 : memref<!tpu.dma_semaphore, #tpu.memory_space<semaphore_mem>>) src(%arg7 : memref<128x128xf32, #tpu.memory_space<vmem>>) dst(%dma_wait3A_430 : memref<10240x128xf32, #tpu.memory_space<vmem_shared>>)
        tpu.yield
      }) : () -> ()
      %add3A_199 = arith.constant 0 : i32
      %add3A_200 = arith.addi %mul3A_191, %add3A_199 : i32
      %add3A_201 = arith.constant 4 : i32
      %add3A_202 = arith.addi %add3A_200, %add3A_201 : i32
      %min3A = arith.constant 79 : i32
      %min3A_203 = arith.minsi %add3A_202, %min3A : i32
      %dma_start3A_204 = arith.constant 0 : i32
      %dma_start3A_205 = arith.constant 0 : i32
      %dma_start3A_206 = arith.constant 0 : i32
      %dma_start3A_207 = tpu.memref_slice %arg6[%dma_start3A_204, %dma_start3A_205, %dma_start3A_206] : memref<4x2x128xi32, #tpu.memory_space<vmem>> -> memref<1x2x128xi32, #tpu.memory_space<vmem>>
      %dma_start3A_208 = tpu.memref_squeeze %dma_start3A_207 : memref<1x2x128xi32, #tpu.memory_space<vmem>> -> memref<2x128xi32, #tpu.memory_space<vmem>>
      %dma_start3A_209 = arith.constant 0 : i32
      %dma_start3A_210 = arith.constant 0 : i32
      %dma_start3A_211 = tpu.memref_slice %arg3[%add3A, %min3A_203, %dma_start3A_209, %dma_start3A_210] : memref<32x80x2x128xi32, #tpu.memory_space<hbm>> -> memref<1x1x2x128xi32, #tpu.memory_space<hbm>>
      %dma_start3A_212 = tpu.memref_squeeze %dma_start3A_211 : memref<1x1x2x128xi32, #tpu.memory_space<hbm>> -> memref<2x128xi32, #tpu.memory_space<hbm>>
      %dma_start3A_213 = arith.constant 0 : i32
      %dma_start3A_214 = arith.constant 0 : i32
      %dma_start3A_215 = tpu.memref_slice %arg6[%dma_start3A_204, %dma_start3A_213, %dma_start3A_214] : memref<4x2x128xi32, #tpu.memory_space<vmem>> -> memref<1x2x128xi32, #tpu.memory_space<vmem>>
      %dma_start3A_216 = tpu.memref_squeeze %dma_start3A_215 : memref<1x2x128xi32, #tpu.memory_space<vmem>> -> memref<2x128xi32, #tpu.memory_space<vmem>>
      %dma_start3A_217 = arith.constant 0 : i32
      %dma_start3A_218 = arith.constant 0 : i32
      %dma_start3A_219 = tpu.memref_slice %arg3[%add3A, %min3A_203, %dma_start3A_217, %dma_start3A_218] : memref<32x80x2x128xi32, #tpu.memory_space<hbm>> -> memref<1x1x2x128xi32, #tpu.memory_space<hbm>>
      %dma_start3A_220 = tpu.memref_squeeze %dma_start3A_219 : memref<1x1x2x128xi32, #tpu.memory_space<hbm>> -> memref<2x128xi32, #tpu.memory_space<hbm>>
      tpu.enqueue_dma source(%dma_start3A_220 : memref<2x128xi32, #tpu.memory_space<hbm>>) target(%dma_start3A_216 : memref<2x128xi32, #tpu.memory_space<vmem>>) target_semaphore(%arg10 : memref<!tpu.dma_semaphore, #tpu.memory_space<semaphore_mem>>)
      %dma_wait3A_221 = arith.constant 0 : i32
      %dma_wait3A_222 = arith.constant 2 : i32
      %dma_wait3A_223 = arith.constant 0 : i32
      %dma_wait3A_224 = arith.constant 0 : i32
      %dma_wait3A_225 = tpu.memref_slice %arg6[%dma_wait3A_222, %dma_wait3A_223, %dma_wait3A_224] : memref<4x2x128xi32, #tpu.memory_space<vmem>> -> memref<1x2x128xi32, #tpu.memory_space<vmem>>
      %dma_wait3A_226 = tpu.memref_squeeze %dma_wait3A_225 : memref<1x2x128xi32, #tpu.memory_space<vmem>> -> memref<2x128xi32, #tpu.memory_space<vmem>>
      %dma_wait3A_227 = arith.constant 0 : i32
      %dma_wait3A_228 = arith.constant 0 : i32
      %dma_wait3A_229 = tpu.memref_slice %arg3[%add3A, %dma_wait3A_221, %dma_wait3A_227, %dma_wait3A_228] : memref<32x80x2x128xi32, #tpu.memory_space<hbm>> -> memref<1x1x2x128xi32, #tpu.memory_space<hbm>>
      %dma_wait3A_230 = tpu.memref_squeeze %dma_wait3A_229 : memref<1x1x2x128xi32, #tpu.memory_space<hbm>> -> memref<2x128xi32, #tpu.memory_space<hbm>>
      %dma_wait3A_231 = arith.constant 0 : i32
      %dma_wait3A_232 = arith.constant 0 : i32
      %dma_wait3A_233 = tpu.memref_slice %arg6[%dma_wait3A_222, %dma_wait3A_231, %dma_wait3A_232] : memref<4x2x128xi32, #tpu.memory_space<vmem>> -> memref<1x2x128xi32, #tpu.memory_space<vmem>>
      %dma_wait3A_234 = tpu.memref_squeeze %dma_wait3A_233 : memref<1x2x128xi32, #tpu.memory_space<vmem>> -> memref<2x128xi32, #tpu.memory_space<vmem>>
      %dma_wait3A_235 = arith.constant 0 : i32
      %dma_wait3A_236 = arith.constant 0 : i32
      %dma_wait3A_237 = tpu.memref_slice %arg3[%add3A, %dma_wait3A_221, %dma_wait3A_235, %dma_wait3A_236] : memref<32x80x2x128xi32, #tpu.memory_space<hbm>> -> memref<1x1x2x128xi32, #tpu.memory_space<hbm>>
      %dma_wait3A_238 = tpu.memref_squeeze %dma_wait3A_237 : memref<1x1x2x128xi32, #tpu.memory_space<hbm>> -> memref<2x128xi32, #tpu.memory_space<hbm>>
      tpu.wait_dma2 semaphore(%arg12 : memref<!tpu.dma_semaphore, #tpu.memory_space<semaphore_mem>>) src(%dma_wait3A_238 : memref<2x128xi32, #tpu.memory_space<hbm>>) dst(%dma_wait3A_234 : memref<2x128xi32, #tpu.memory_space<vmem>>)
      %dma_start3A_239 = arith.constant 2 : i32
      %dma_start3A_240 = arith.constant 0 : i32
      %dma_start3A_241 = arith.constant 0 : i32
      %dma_start3A_242 = tpu.memref_slice %arg6[%dma_start3A_239, %dma_start3A_240, %dma_start3A_241] : memref<4x2x128xi32, #tpu.memory_space<vmem>> -> memref<1x1x128xi32, #tpu.memory_space<vmem>>
      %dma_start3A_243 = tpu.memref_squeeze %dma_start3A_242 : memref<1x1x128xi32, #tpu.memory_space<vmem>> -> memref<128xi32, #tpu.memory_space<vmem>>
      %dma_start3A_244 = arith.constant 0 : i32
      %dma_start3A_245 = arith.constant 0 : i32
      %dma_start3A_246 = tpu.memref_slice %arg2[%dma_start3A_244, %dma_start3A_245] : memref<10000x128xf32, #tpu.memory_space<hbm>> -> memref<10000x128xf32, #tpu.memory_space<hbm>>
      tpu.enqueue_indirect_dma source(%dma_start3A_246 : memref<10000x128xf32, #tpu.memory_space<hbm>>) target(%arg7 : memref<128x128xf32, #tpu.memory_space<vmem>>) offsets(%dma_start3A_243 : memref<128xi32, #tpu.memory_space<vmem>>) semaphore(%arg14 : memref<!tpu.dma_semaphore, #tpu.memory_space<semaphore_mem>>)
      %dma_wait3A_247 = arith.constant 0 : i32
      %dma_wait3A_248 = arith.constant 0 : i32
      %dma_wait3A_249 = tpu.memref_slice %arg2[%dma_wait3A_247, %dma_wait3A_248] : memref<10000x128xf32, #tpu.memory_space<hbm>> -> memref<128x128xf32, #tpu.memory_space<hbm>>
      %dma_wait3A_250 = arith.constant 0 : i32
      %dma_wait3A_251 = arith.constant 0 : i32
      %dma_wait3A_252 = tpu.memref_slice %arg2[%dma_wait3A_250, %dma_wait3A_251] : memref<10000x128xf32, #tpu.memory_space<hbm>> -> memref<128x128xf32, #tpu.memory_space<hbm>>
      tpu.wait_dma2 semaphore(%arg15 : memref<!tpu.dma_semaphore, #tpu.memory_space<semaphore_mem>>) src(%dma_wait3A_252 : memref<128x128xf32, #tpu.memory_space<hbm>>) dst(%arg8 : memref<128x128xf32, #tpu.memory_space<vmem>>)
      %run_scoped3A_253 = arith.constant 1 : i32
      %run_scoped3A_254 = arith.constant 1 : i32
      "tpu.region"() ({
        %run_scoped3A_418 = tpu.sem_alloc : memref<!tpu.dma_semaphore, #tpu.memory_space<semaphore_mem>>
        %dma_start3A_419 = arith.constant 0 : i32
        %dma_start3A_420 = tpu.memref_slice %arg6[%run_scoped3A_253, %run_scoped3A_254, %dma_start3A_419] : memref<4x2x128xi32, #tpu.memory_space<vmem>> -> memref<1x1x128xi32, #tpu.memory_space<vmem>>
        %dma_start3A_421 = tpu.memref_squeeze %dma_start3A_420 : memref<1x1x128xi32, #tpu.memory_space<vmem>> -> memref<128xi32, #tpu.memory_space<vmem>>
        %dma_start3A_422 = arith.constant 0 : i32
        %dma_start3A_423 = arith.constant 0 : i32
        %dma_start3A_424 = tpu.memref_slice %arg9[%dma_start3A_422, %dma_start3A_423] : memref<10240x128xf32, #tpu.memory_space<vmem_shared>> -> memref<10240x128xf32, #tpu.memory_space<vmem_shared>>
        tpu.enqueue_indirect_dma source(%arg8 : memref<128x128xf32, #tpu.memory_space<vmem>>) target(%dma_start3A_424 : memref<10240x128xf32, #tpu.memory_space<vmem_shared>>) offsets(%dma_start3A_421 : memref<128xi32, #tpu.memory_space<vmem>>) semaphore(%run_scoped3A_418 : memref<!tpu.dma_semaphore, #tpu.memory_space<semaphore_mem>>) {add = true}
        %dma_wait3A_425 = arith.constant 0 : i32
        %dma_wait3A_426 = tpu.memref_slice %arg6[%run_scoped3A_253, %run_scoped3A_254, %dma_wait3A_425] : memref<4x2x128xi32, #tpu.memory_space<vmem>> -> memref<1x1x128xi32, #tpu.memory_space<vmem>>
        %dma_wait3A_427 = tpu.memref_squeeze %dma_wait3A_426 : memref<1x1x128xi32, #tpu.memory_space<vmem>> -> memref<128xi32, #tpu.memory_space<vmem>>
        %dma_wait3A_428 = arith.constant 0 : i32
        %dma_wait3A_429 = arith.constant 0 : i32
        %dma_wait3A_430 = tpu.memref_slice %arg9[%dma_wait3A_428, %dma_wait3A_429] : memref<10240x128xf32, #tpu.memory_space<vmem_shared>> -> memref<10240x128xf32, #tpu.memory_space<vmem_shared>>
        tpu.wait_indirect_dma semaphore(%run_scoped3A_418 : memref<!tpu.dma_semaphore, #tpu.memory_space<semaphore_mem>>) src(%arg8 : memref<128x128xf32, #tpu.memory_space<vmem>>) dst(%dma_wait3A_430 : memref<10240x128xf32, #tpu.memory_space<vmem_shared>>)
        tpu.yield
      }) : () -> ()
      %add3A_255 = arith.constant 1 : i32
      %add3A_256 = arith.addi %mul3A_191, %add3A_255 : i32
      %add3A_257 = arith.constant 4 : i32
      %add3A_258 = arith.addi %add3A_256, %add3A_257 : i32
      %min3A_259 = arith.constant 79 : i32
      %min3A_260 = arith.minsi %add3A_258, %min3A_259 : i32
      %dma_start3A_261 = arith.constant 1 : i32
      %dma_start3A_262 = arith.constant 0 : i32
      %dma_start3A_263 = arith.constant 0 : i32
      %dma_start3A_264 = tpu.memref_slice %arg6[%dma_start3A_261, %dma_start3A_262, %dma_start3A_263] : memref<4x2x128xi32, #tpu.memory_space<vmem>> -> memref<1x2x128xi32, #tpu.memory_space<vmem>>
      %dma_start3A_265 = tpu.memref_squeeze %dma_start3A_264 : memref<1x2x128xi32, #tpu.memory_space<vmem>> -> memref<2x128xi32, #tpu.memory_space<vmem>>
      %dma_start3A_266 = arith.constant 0 : i32
      %dma_start3A_267 = arith.constant 0 : i32
      %dma_start3A_268 = tpu.memref_slice %arg3[%add3A, %min3A_260, %dma_start3A_266, %dma_start3A_267] : memref<32x80x2x128xi32, #tpu.memory_space<hbm>> -> memref<1x1x2x128xi32, #tpu.memory_space<hbm>>
      %dma_start3A_269 = tpu.memref_squeeze %dma_start3A_268 : memref<1x1x2x128xi32, #tpu.memory_space<hbm>> -> memref<2x128xi32, #tpu.memory_space<hbm>>
      %dma_start3A_270 = arith.constant 0 : i32
      %dma_start3A_271 = arith.constant 0 : i32
      %dma_start3A_272 = tpu.memref_slice %arg6[%dma_start3A_261, %dma_start3A_270, %dma_start3A_271] : memref<4x2x128xi32, #tpu.memory_space<vmem>> -> memref<1x2x128xi32, #tpu.memory_space<vmem>>
      %dma_start3A_273 = tpu.memref_squeeze %dma_start3A_272 : memref<1x2x128xi32, #tpu.memory_space<vmem>> -> memref<2x128xi32, #tpu.memory_space<vmem>>
      %dma_start3A_274 = arith.constant 0 : i32
      %dma_start3A_275 = arith.constant 0 : i32
      %dma_start3A_276 = tpu.memref_slice %arg3[%add3A, %min3A_260, %dma_start3A_274, %dma_start3A_275] : memref<32x80x2x128xi32, #tpu.memory_space<hbm>> -> memref<1x1x2x128xi32, #tpu.memory_space<hbm>>
      %dma_start3A_277 = tpu.memref_squeeze %dma_start3A_276 : memref<1x1x2x128xi32, #tpu.memory_space<hbm>> -> memref<2x128xi32, #tpu.memory_space<hbm>>
      tpu.enqueue_dma source(%dma_start3A_277 : memref<2x128xi32, #tpu.memory_space<hbm>>) target(%dma_start3A_273 : memref<2x128xi32, #tpu.memory_space<vmem>>) target_semaphore(%arg11 : memref<!tpu.dma_semaphore, #tpu.memory_space<semaphore_mem>>)
      %dma_wait3A_278 = arith.constant 0 : i32
      %dma_wait3A_279 = arith.constant 3 : i32
      %dma_wait3A_280 = arith.constant 0 : i32
      %dma_wait3A_281 = arith.constant 0 : i32
      %dma_wait3A_282 = tpu.memref_slice %arg6[%dma_wait3A_279, %dma_wait3A_280, %dma_wait3A_281] : memref<4x2x128xi32, #tpu.memory_space<vmem>> -> memref<1x2x128xi32, #tpu.memory_space<vmem>>
      %dma_wait3A_283 = tpu.memref_squeeze %dma_wait3A_282 : memref<1x2x128xi32, #tpu.memory_space<vmem>> -> memref<2x128xi32, #tpu.memory_space<vmem>>
      %dma_wait3A_284 = arith.constant 0 : i32
      %dma_wait3A_285 = arith.constant 0 : i32
      %dma_wait3A_286 = tpu.memref_slice %arg3[%add3A, %dma_wait3A_278, %dma_wait3A_284, %dma_wait3A_285] : memref<32x80x2x128xi32, #tpu.memory_space<hbm>> -> memref<1x1x2x128xi32, #tpu.memory_space<hbm>>
      %dma_wait3A_287 = tpu.memref_squeeze %dma_wait3A_286 : memref<1x1x2x128xi32, #tpu.memory_space<hbm>> -> memref<2x128xi32, #tpu.memory_space<hbm>>
      %dma_wait3A_288 = arith.constant 0 : i32
      %dma_wait3A_289 = arith.constant 0 : i32
      %dma_wait3A_290 = tpu.memref_slice %arg6[%dma_wait3A_279, %dma_wait3A_288, %dma_wait3A_289] : memref<4x2x128xi32, #tpu.memory_space<vmem>> -> memref<1x2x128xi32, #tpu.memory_space<vmem>>
      %dma_wait3A_291 = tpu.memref_squeeze %dma_wait3A_290 : memref<1x2x128xi32, #tpu.memory_space<vmem>> -> memref<2x128xi32, #tpu.memory_space<vmem>>
      %dma_wait3A_292 = arith.constant 0 : i32
      %dma_wait3A_293 = arith.constant 0 : i32
      %dma_wait3A_294 = tpu.memref_slice %arg3[%add3A, %dma_wait3A_278, %dma_wait3A_292, %dma_wait3A_293] : memref<32x80x2x128xi32, #tpu.memory_space<hbm>> -> memref<1x1x2x128xi32, #tpu.memory_space<hbm>>
      %dma_wait3A_295 = tpu.memref_squeeze %dma_wait3A_294 : memref<1x1x2x128xi32, #tpu.memory_space<hbm>> -> memref<2x128xi32, #tpu.memory_space<hbm>>
      tpu.wait_dma2 semaphore(%arg13 : memref<!tpu.dma_semaphore, #tpu.memory_space<semaphore_mem>>) src(%dma_wait3A_295 : memref<2x128xi32, #tpu.memory_space<hbm>>) dst(%dma_wait3A_291 : memref<2x128xi32, #tpu.memory_space<vmem>>)
      %dma_start3A_296 = arith.constant 3 : i32
      %dma_start3A_297 = arith.constant 0 : i32
      %dma_start3A_298 = arith.constant 0 : i32
      %dma_start3A_299 = tpu.memref_slice %arg6[%dma_start3A_296, %dma_start3A_297, %dma_start3A_298] : memref<4x2x128xi32, #tpu.memory_space<vmem>> -> memref<1x1x128xi32, #tpu.memory_space<vmem>>
      %dma_start3A_300 = tpu.memref_squeeze %dma_start3A_299 : memref<1x1x128xi32, #tpu.memory_space<vmem>> -> memref<128xi32, #tpu.memory_space<vmem>>
      %dma_start3A_301 = arith.constant 0 : i32
      %dma_start3A_302 = arith.constant 0 : i32
      %dma_start3A_303 = tpu.memref_slice %arg2[%dma_start3A_301, %dma_start3A_302] : memref<10000x128xf32, #tpu.memory_space<hbm>> -> memref<10000x128xf32, #tpu.memory_space<hbm>>
      tpu.enqueue_indirect_dma source(%dma_start3A_303 : memref<10000x128xf32, #tpu.memory_space<hbm>>) target(%arg8 : memref<128x128xf32, #tpu.memory_space<vmem>>) offsets(%dma_start3A_300 : memref<128xi32, #tpu.memory_space<vmem>>) semaphore(%arg15 : memref<!tpu.dma_semaphore, #tpu.memory_space<semaphore_mem>>)
      %dma_wait3A_304 = arith.constant 0 : i32
      %dma_wait3A_305 = arith.constant 0 : i32
      %dma_wait3A_306 = tpu.memref_slice %arg2[%dma_wait3A_304, %dma_wait3A_305] : memref<10000x128xf32, #tpu.memory_space<hbm>> -> memref<128x128xf32, #tpu.memory_space<hbm>>
      %dma_wait3A_307 = arith.constant 0 : i32
      %dma_wait3A_308 = arith.constant 0 : i32
      %dma_wait3A_309 = tpu.memref_slice %arg2[%dma_wait3A_307, %dma_wait3A_308] : memref<10000x128xf32, #tpu.memory_space<hbm>> -> memref<128x128xf32, #tpu.memory_space<hbm>>
      tpu.wait_dma2 semaphore(%arg14 : memref<!tpu.dma_semaphore, #tpu.memory_space<semaphore_mem>>) src(%dma_wait3A_309 : memref<128x128xf32, #tpu.memory_space<hbm>>) dst(%arg7 : memref<128x128xf32, #tpu.memory_space<vmem>>)
      %run_scoped3A_310 = arith.constant 2 : i32
      %run_scoped3A_311 = arith.constant 1 : i32
      "tpu.region"() ({
        %run_scoped3A_418 = tpu.sem_alloc : memref<!tpu.dma_semaphore, #tpu.memory_space<semaphore_mem>>
        %dma_start3A_419 = arith.constant 0 : i32
        %dma_start3A_420 = tpu.memref_slice %arg6[%run_scoped3A_310, %run_scoped3A_311, %dma_start3A_419] : memref<4x2x128xi32, #tpu.memory_space<vmem>> -> memref<1x1x128xi32, #tpu.memory_space<vmem>>
        %dma_start3A_421 = tpu.memref_squeeze %dma_start3A_420 : memref<1x1x128xi32, #tpu.memory_space<vmem>> -> memref<128xi32, #tpu.memory_space<vmem>>
        %dma_start3A_422 = arith.constant 0 : i32
        %dma_start3A_423 = arith.constant 0 : i32
        %dma_start3A_424 = tpu.memref_slice %arg9[%dma_start3A_422, %dma_start3A_423] : memref<10240x128xf32, #tpu.memory_space<vmem_shared>> -> memref<10240x128xf32, #tpu.memory_space<vmem_shared>>
        tpu.enqueue_indirect_dma source(%arg7 : memref<128x128xf32, #tpu.memory_space<vmem>>) target(%dma_start3A_424 : memref<10240x128xf32, #tpu.memory_space<vmem_shared>>) offsets(%dma_start3A_421 : memref<128xi32, #tpu.memory_space<vmem>>) semaphore(%run_scoped3A_418 : memref<!tpu.dma_semaphore, #tpu.memory_space<semaphore_mem>>) {add = true}
        %dma_wait3A_425 = arith.constant 0 : i32
        %dma_wait3A_426 = tpu.memref_slice %arg6[%run_scoped3A_310, %run_scoped3A_311, %dma_wait3A_425] : memref<4x2x128xi32, #tpu.memory_space<vmem>> -> memref<1x1x128xi32, #tpu.memory_space<vmem>>
        %dma_wait3A_427 = tpu.memref_squeeze %dma_wait3A_426 : memref<1x1x128xi32, #tpu.memory_space<vmem>> -> memref<128xi32, #tpu.memory_space<vmem>>
        %dma_wait3A_428 = arith.constant 0 : i32
        %dma_wait3A_429 = arith.constant 0 : i32
        %dma_wait3A_430 = tpu.memref_slice %arg9[%dma_wait3A_428, %dma_wait3A_429] : memref<10240x128xf32, #tpu.memory_space<vmem_shared>> -> memref<10240x128xf32, #tpu.memory_space<vmem_shared>>
        tpu.wait_indirect_dma semaphore(%run_scoped3A_418 : memref<!tpu.dma_semaphore, #tpu.memory_space<semaphore_mem>>) src(%arg7 : memref<128x128xf32, #tpu.memory_space<vmem>>) dst(%dma_wait3A_430 : memref<10240x128xf32, #tpu.memory_space<vmem_shared>>)
        tpu.yield
      }) : () -> ()
      %add3A_312 = arith.constant 2 : i32
      %add3A_313 = arith.addi %mul3A_191, %add3A_312 : i32
      %add3A_314 = arith.constant 4 : i32
      %add3A_315 = arith.addi %add3A_313, %add3A_314 : i32
      %min3A_316 = arith.constant 79 : i32
      %min3A_317 = arith.minsi %add3A_315, %min3A_316 : i32
      %dma_start3A_318 = arith.constant 2 : i32
      %dma_start3A_319 = arith.constant 0 : i32
      %dma_start3A_320 = arith.constant 0 : i32
      %dma_start3A_321 = tpu.memref_slice %arg6[%dma_start3A_318, %dma_start3A_319, %dma_start3A_320] : memref<4x2x128xi32, #tpu.memory_space<vmem>> -> memref<1x2x128xi32, #tpu.memory_space<vmem>>
      %dma_start3A_322 = tpu.memref_squeeze %dma_start3A_321 : memref<1x2x128xi32, #tpu.memory_space<vmem>> -> memref<2x128xi32, #tpu.memory_space<vmem>>
      %dma_start3A_323 = arith.constant 0 : i32
      %dma_start3A_324 = arith.constant 0 : i32
      %dma_start3A_325 = tpu.memref_slice %arg3[%add3A, %min3A_317, %dma_start3A_323, %dma_start3A_324] : memref<32x80x2x128xi32, #tpu.memory_space<hbm>> -> memref<1x1x2x128xi32, #tpu.memory_space<hbm>>
      %dma_start3A_326 = tpu.memref_squeeze %dma_start3A_325 : memref<1x1x2x128xi32, #tpu.memory_space<hbm>> -> memref<2x128xi32, #tpu.memory_space<hbm>>
      %dma_start3A_327 = arith.constant 0 : i32
      %dma_start3A_328 = arith.constant 0 : i32
      %dma_start3A_329 = tpu.memref_slice %arg6[%dma_start3A_318, %dma_start3A_327, %dma_start3A_328] : memref<4x2x128xi32, #tpu.memory_space<vmem>> -> memref<1x2x128xi32, #tpu.memory_space<vmem>>
      %dma_start3A_330 = tpu.memref_squeeze %dma_start3A_329 : memref<1x2x128xi32, #tpu.memory_space<vmem>> -> memref<2x128xi32, #tpu.memory_space<vmem>>
      %dma_start3A_331 = arith.constant 0 : i32
      %dma_start3A_332 = arith.constant 0 : i32
      %dma_start3A_333 = tpu.memref_slice %arg3[%add3A, %min3A_317, %dma_start3A_331, %dma_start3A_332] : memref<32x80x2x128xi32, #tpu.memory_space<hbm>> -> memref<1x1x2x128xi32, #tpu.memory_space<hbm>>
      %dma_start3A_334 = tpu.memref_squeeze %dma_start3A_333 : memref<1x1x2x128xi32, #tpu.memory_space<hbm>> -> memref<2x128xi32, #tpu.memory_space<hbm>>
      tpu.enqueue_dma source(%dma_start3A_334 : memref<2x128xi32, #tpu.memory_space<hbm>>) target(%dma_start3A_330 : memref<2x128xi32, #tpu.memory_space<vmem>>) target_semaphore(%arg12 : memref<!tpu.dma_semaphore, #tpu.memory_space<semaphore_mem>>)
      %dma_wait3A_335 = arith.constant 0 : i32
      %dma_wait3A_336 = arith.constant 0 : i32
      %dma_wait3A_337 = arith.constant 0 : i32
      %dma_wait3A_338 = arith.constant 0 : i32
      %dma_wait3A_339 = tpu.memref_slice %arg6[%dma_wait3A_336, %dma_wait3A_337, %dma_wait3A_338] : memref<4x2x128xi32, #tpu.memory_space<vmem>> -> memref<1x2x128xi32, #tpu.memory_space<vmem>>
      %dma_wait3A_340 = tpu.memref_squeeze %dma_wait3A_339 : memref<1x2x128xi32, #tpu.memory_space<vmem>> -> memref<2x128xi32, #tpu.memory_space<vmem>>
      %dma_wait3A_341 = arith.constant 0 : i32
      %dma_wait3A_342 = arith.constant 0 : i32
      %dma_wait3A_343 = tpu.memref_slice %arg3[%add3A, %dma_wait3A_335, %dma_wait3A_341, %dma_wait3A_342] : memref<32x80x2x128xi32, #tpu.memory_space<hbm>> -> memref<1x1x2x128xi32, #tpu.memory_space<hbm>>
      %dma_wait3A_344 = tpu.memref_squeeze %dma_wait3A_343 : memref<1x1x2x128xi32, #tpu.memory_space<hbm>> -> memref<2x128xi32, #tpu.memory_space<hbm>>
      %dma_wait3A_345 = arith.constant 0 : i32
      %dma_wait3A_346 = arith.constant 0 : i32
      %dma_wait3A_347 = tpu.memref_slice %arg6[%dma_wait3A_336, %dma_wait3A_345, %dma_wait3A_346] : memref<4x2x128xi32, #tpu.memory_space<vmem>> -> memref<1x2x128xi32, #tpu.memory_space<vmem>>
      %dma_wait3A_348 = tpu.memref_squeeze %dma_wait3A_347 : memref<1x2x128xi32, #tpu.memory_space<vmem>> -> memref<2x128xi32, #tpu.memory_space<vmem>>
      %dma_wait3A_349 = arith.constant 0 : i32
      %dma_wait3A_350 = arith.constant 0 : i32
      %dma_wait3A_351 = tpu.memref_slice %arg3[%add3A, %dma_wait3A_335, %dma_wait3A_349, %dma_wait3A_350] : memref<32x80x2x128xi32, #tpu.memory_space<hbm>> -> memref<1x1x2x128xi32, #tpu.memory_space<hbm>>
      %dma_wait3A_352 = tpu.memref_squeeze %dma_wait3A_351 : memref<1x1x2x128xi32, #tpu.memory_space<hbm>> -> memref<2x128xi32, #tpu.memory_space<hbm>>
      tpu.wait_dma2 semaphore(%arg10 : memref<!tpu.dma_semaphore, #tpu.memory_space<semaphore_mem>>) src(%dma_wait3A_352 : memref<2x128xi32, #tpu.memory_space<hbm>>) dst(%dma_wait3A_348 : memref<2x128xi32, #tpu.memory_space<vmem>>)
      %dma_start3A_353 = arith.constant 0 : i32
      %dma_start3A_354 = arith.constant 0 : i32
      %dma_start3A_355 = arith.constant 0 : i32
      %dma_start3A_356 = tpu.memref_slice %arg6[%dma_start3A_353, %dma_start3A_354, %dma_start3A_355] : memref<4x2x128xi32, #tpu.memory_space<vmem>> -> memref<1x1x128xi32, #tpu.memory_space<vmem>>
      %dma_start3A_357 = tpu.memref_squeeze %dma_start3A_356 : memref<1x1x128xi32, #tpu.memory_space<vmem>> -> memref<128xi32, #tpu.memory_space<vmem>>
      %dma_start3A_358 = arith.constant 0 : i32
      %dma_start3A_359 = arith.constant 0 : i32
      %dma_start3A_360 = tpu.memref_slice %arg2[%dma_start3A_358, %dma_start3A_359] : memref<10000x128xf32, #tpu.memory_space<hbm>> -> memref<10000x128xf32, #tpu.memory_space<hbm>>
      tpu.enqueue_indirect_dma source(%dma_start3A_360 : memref<10000x128xf32, #tpu.memory_space<hbm>>) target(%arg7 : memref<128x128xf32, #tpu.memory_space<vmem>>) offsets(%dma_start3A_357 : memref<128xi32, #tpu.memory_space<vmem>>) semaphore(%arg14 : memref<!tpu.dma_semaphore, #tpu.memory_space<semaphore_mem>>)
      %dma_wait3A_361 = arith.constant 0 : i32
      %dma_wait3A_362 = arith.constant 0 : i32
      %dma_wait3A_363 = tpu.memref_slice %arg2[%dma_wait3A_361, %dma_wait3A_362] : memref<10000x128xf32, #tpu.memory_space<hbm>> -> memref<128x128xf32, #tpu.memory_space<hbm>>
      %dma_wait3A_364 = arith.constant 0 : i32
      %dma_wait3A_365 = arith.constant 0 : i32
      %dma_wait3A_366 = tpu.memref_slice %arg2[%dma_wait3A_364, %dma_wait3A_365] : memref<10000x128xf32, #tpu.memory_space<hbm>> -> memref<128x128xf32, #tpu.memory_space<hbm>>
      tpu.wait_dma2 semaphore(%arg15 : memref<!tpu.dma_semaphore, #tpu.memory_space<semaphore_mem>>) src(%dma_wait3A_366 : memref<128x128xf32, #tpu.memory_space<hbm>>) dst(%arg8 : memref<128x128xf32, #tpu.memory_space<vmem>>)
      %run_scoped3A_367 = arith.constant 3 : i32
      %run_scoped3A_368 = arith.constant 1 : i32
      "tpu.region"() ({
        %run_scoped3A_418 = tpu.sem_alloc : memref<!tpu.dma_semaphore, #tpu.memory_space<semaphore_mem>>
        %dma_start3A_419 = arith.constant 0 : i32
        %dma_start3A_420 = tpu.memref_slice %arg6[%run_scoped3A_367, %run_scoped3A_368, %dma_start3A_419] : memref<4x2x128xi32, #tpu.memory_space<vmem>> -> memref<1x1x128xi32, #tpu.memory_space<vmem>>
        %dma_start3A_421 = tpu.memref_squeeze %dma_start3A_420 : memref<1x1x128xi32, #tpu.memory_space<vmem>> -> memref<128xi32, #tpu.memory_space<vmem>>
        %dma_start3A_422 = arith.constant 0 : i32
        %dma_start3A_423 = arith.constant 0 : i32
        %dma_start3A_424 = tpu.memref_slice %arg9[%dma_start3A_422, %dma_start3A_423] : memref<10240x128xf32, #tpu.memory_space<vmem_shared>> -> memref<10240x128xf32, #tpu.memory_space<vmem_shared>>
        tpu.enqueue_indirect_dma source(%arg8 : memref<128x128xf32, #tpu.memory_space<vmem>>) target(%dma_start3A_424 : memref<10240x128xf32, #tpu.memory_space<vmem_shared>>) offsets(%dma_start3A_421 : memref<128xi32, #tpu.memory_space<vmem>>) semaphore(%run_scoped3A_418 : memref<!tpu.dma_semaphore, #tpu.memory_space<semaphore_mem>>) {add = true}
        %dma_wait3A_425 = arith.constant 0 : i32
        %dma_wait3A_426 = tpu.memref_slice %arg6[%run_scoped3A_367, %run_scoped3A_368, %dma_wait3A_425] : memref<4x2x128xi32, #tpu.memory_space<vmem>> -> memref<1x1x128xi32, #tpu.memory_space<vmem>>
        %dma_wait3A_427 = tpu.memref_squeeze %dma_wait3A_426 : memref<1x1x128xi32, #tpu.memory_space<vmem>> -> memref<128xi32, #tpu.memory_space<vmem>>
        %dma_wait3A_428 = arith.constant 0 : i32
        %dma_wait3A_429 = arith.constant 0 : i32
        %dma_wait3A_430 = tpu.memref_slice %arg9[%dma_wait3A_428, %dma_wait3A_429] : memref<10240x128xf32, #tpu.memory_space<vmem_shared>> -> memref<10240x128xf32, #tpu.memory_space<vmem_shared>>
        tpu.wait_indirect_dma semaphore(%run_scoped3A_418 : memref<!tpu.dma_semaphore, #tpu.memory_space<semaphore_mem>>) src(%arg8 : memref<128x128xf32, #tpu.memory_space<vmem>>) dst(%dma_wait3A_430 : memref<10240x128xf32, #tpu.memory_space<vmem_shared>>)
        tpu.yield
      }) : () -> ()
      %add3A_369 = arith.constant 3 : i32
      %add3A_370 = arith.addi %mul3A_191, %add3A_369 : i32
      %add3A_371 = arith.constant 4 : i32
      %add3A_372 = arith.addi %add3A_370, %add3A_371 : i32
      %min3A_373 = arith.constant 79 : i32
      %min3A_374 = arith.minsi %add3A_372, %min3A_373 : i32
      %dma_start3A_375 = arith.constant 3 : i32
      %dma_start3A_376 = arith.constant 0 : i32
      %dma_start3A_377 = arith.constant 0 : i32
      %dma_start3A_378 = tpu.memref_slice %arg6[%dma_start3A_375, %dma_start3A_376, %dma_start3A_377] : memref<4x2x128xi32, #tpu.memory_space<vmem>> -> memref<1x2x128xi32, #tpu.memory_space<vmem>>
      %dma_start3A_379 = tpu.memref_squeeze %dma_start3A_378 : memref<1x2x128xi32, #tpu.memory_space<vmem>> -> memref<2x128xi32, #tpu.memory_space<vmem>>
      %dma_start3A_380 = arith.constant 0 : i32
      %dma_start3A_381 = arith.constant 0 : i32
      %dma_start3A_382 = tpu.memref_slice %arg3[%add3A, %min3A_374, %dma_start3A_380, %dma_start3A_381] : memref<32x80x2x128xi32, #tpu.memory_space<hbm>> -> memref<1x1x2x128xi32, #tpu.memory_space<hbm>>
      %dma_start3A_383 = tpu.memref_squeeze %dma_start3A_382 : memref<1x1x2x128xi32, #tpu.memory_space<hbm>> -> memref<2x128xi32, #tpu.memory_space<hbm>>
      %dma_start3A_384 = arith.constant 0 : i32
      %dma_start3A_385 = arith.constant 0 : i32
      %dma_start3A_386 = tpu.memref_slice %arg6[%dma_start3A_375, %dma_start3A_384, %dma_start3A_385] : memref<4x2x128xi32, #tpu.memory_space<vmem>> -> memref<1x2x128xi32, #tpu.memory_space<vmem>>
      %dma_start3A_387 = tpu.memref_squeeze %dma_start3A_386 : memref<1x2x128xi32, #tpu.memory_space<vmem>> -> memref<2x128xi32, #tpu.memory_space<vmem>>
      %dma_start3A_388 = arith.constant 0 : i32
      %dma_start3A_389 = arith.constant 0 : i32
      %dma_start3A_390 = tpu.memref_slice %arg3[%add3A, %min3A_374, %dma_start3A_388, %dma_start3A_389] : memref<32x80x2x128xi32, #tpu.memory_space<hbm>> -> memref<1x1x2x128xi32, #tpu.memory_space<hbm>>
      %dma_start3A_391 = tpu.memref_squeeze %dma_start3A_390 : memref<1x1x2x128xi32, #tpu.memory_space<hbm>> -> memref<2x128xi32, #tpu.memory_space<hbm>>
      tpu.enqueue_dma source(%dma_start3A_391 : memref<2x128xi32, #tpu.memory_space<hbm>>) target(%dma_start3A_387 : memref<2x128xi32, #tpu.memory_space<vmem>>) target_semaphore(%arg13 : memref<!tpu.dma_semaphore, #tpu.memory_space<semaphore_mem>>)
      %dma_wait3A_392 = arith.constant 0 : i32
      %dma_wait3A_393 = arith.constant 1 : i32
      %dma_wait3A_394 = arith.constant 0 : i32
      %dma_wait3A_395 = arith.constant 0 : i32
      %dma_wait3A_396 = tpu.memref_slice %arg6[%dma_wait3A_393, %dma_wait3A_394, %dma_wait3A_395] : memref<4x2x128xi32, #tpu.memory_space<vmem>> -> memref<1x2x128xi32, #tpu.memory_space<vmem>>
      %dma_wait3A_397 = tpu.memref_squeeze %dma_wait3A_396 : memref<1x2x128xi32, #tpu.memory_space<vmem>> -> memref<2x128xi32, #tpu.memory_space<vmem>>
      %dma_wait3A_398 = arith.constant 0 : i32
      %dma_wait3A_399 = arith.constant 0 : i32
      %dma_wait3A_400 = tpu.memref_slice %arg3[%add3A, %dma_wait3A_392, %dma_wait3A_398, %dma_wait3A_399] : memref<32x80x2x128xi32, #tpu.memory_space<hbm>> -> memref<1x1x2x128xi32, #tpu.memory_space<hbm>>
      %dma_wait3A_401 = tpu.memref_squeeze %dma_wait3A_400 : memref<1x1x2x128xi32, #tpu.memory_space<hbm>> -> memref<2x128xi32, #tpu.memory_space<hbm>>
      %dma_wait3A_402 = arith.constant 0 : i32
      %dma_wait3A_403 = arith.constant 0 : i32
      %dma_wait3A_404 = tpu.memref_slice %arg6[%dma_wait3A_393, %dma_wait3A_402, %dma_wait3A_403] : memref<4x2x128xi32, #tpu.memory_space<vmem>> -> memref<1x2x128xi32, #tpu.memory_space<vmem>>
      %dma_wait3A_405 = tpu.memref_squeeze %dma_wait3A_404 : memref<1x2x128xi32, #tpu.memory_space<vmem>> -> memref<2x128xi32, #tpu.memory_space<vmem>>
      %dma_wait3A_406 = arith.constant 0 : i32
      %dma_wait3A_407 = arith.constant 0 : i32
      %dma_wait3A_408 = tpu.memref_slice %arg3[%add3A, %dma_wait3A_392, %dma_wait3A_406, %dma_wait3A_407] : memref<32x80x2x128xi32, #tpu.memory_space<hbm>> -> memref<1x1x2x128xi32, #tpu.memory_space<hbm>>
      %dma_wait3A_409 = tpu.memref_squeeze %dma_wait3A_408 : memref<1x1x2x128xi32, #tpu.memory_space<hbm>> -> memref<2x128xi32, #tpu.memory_space<hbm>>
      tpu.wait_dma2 semaphore(%arg11 : memref<!tpu.dma_semaphore, #tpu.memory_space<semaphore_mem>>) src(%dma_wait3A_409 : memref<2x128xi32, #tpu.memory_space<hbm>>) dst(%dma_wait3A_405 : memref<2x128xi32, #tpu.memory_space<vmem>>)
      %dma_start3A_410 = arith.constant 1 : i32
      %dma_start3A_411 = arith.constant 0 : i32
      %dma_start3A_412 = arith.constant 0 : i32
      %dma_start3A_413 = tpu.memref_slice %arg6[%dma_start3A_410, %dma_start3A_411, %dma_start3A_412] : memref<4x2x128xi32, #tpu.memory_space<vmem>> -> memref<1x1x128xi32, #tpu.memory_space<vmem>>
      %dma_start3A_414 = tpu.memref_squeeze %dma_start3A_413 : memref<1x1x128xi32, #tpu.memory_space<vmem>> -> memref<128xi32, #tpu.memory_space<vmem>>
      %dma_start3A_415 = arith.constant 0 : i32
      %dma_start3A_416 = arith.constant 0 : i32
      %dma_start3A_417 = tpu.memref_slice %arg2[%dma_start3A_415, %dma_start3A_416] : memref<10000x128xf32, #tpu.memory_space<hbm>> -> memref<10000x128xf32, #tpu.memory_space<hbm>>
      tpu.enqueue_indirect_dma source(%dma_start3A_417 : memref<10000x128xf32, #tpu.memory_space<hbm>>) target(%arg8 : memref<128x128xf32, #tpu.memory_space<vmem>>) offsets(%dma_start3A_414 : memref<128xi32, #tpu.memory_space<vmem>>) semaphore(%arg15 : memref<!tpu.dma_semaphore, #tpu.memory_space<semaphore_mem>>)
    }
    %scan3A_139 = arith.constant 20 : i32
    %dma_wait3A_140 = arith.constant 0 : i32
    %dma_wait3A_141 = arith.constant 2 : i32
    %dma_wait3A_142 = arith.constant 0 : i32
    %dma_wait3A_143 = arith.constant 0 : i32
    %dma_wait3A_144 = tpu.memref_slice %arg6[%dma_wait3A_141, %dma_wait3A_142, %dma_wait3A_143] : memref<4x2x128xi32, #tpu.memory_space<vmem>> -> memref<1x2x128xi32, #tpu.memory_space<vmem>>
    %dma_wait3A_145 = tpu.memref_squeeze %dma_wait3A_144 : memref<1x2x128xi32, #tpu.memory_space<vmem>> -> memref<2x128xi32, #tpu.memory_space<vmem>>
    %dma_wait3A_146 = arith.constant 0 : i32
    %dma_wait3A_147 = arith.constant 0 : i32
    %dma_wait3A_148 = tpu.memref_slice %arg3[%add3A, %dma_wait3A_140, %dma_wait3A_146, %dma_wait3A_147] : memref<32x80x2x128xi32, #tpu.memory_space<hbm>> -> memref<1x1x2x128xi32, #tpu.memory_space<hbm>>
    %dma_wait3A_149 = tpu.memref_squeeze %dma_wait3A_148 : memref<1x1x2x128xi32, #tpu.memory_space<hbm>> -> memref<2x128xi32, #tpu.memory_space<hbm>>
    %dma_wait3A_150 = arith.constant 0 : i32
    %dma_wait3A_151 = arith.constant 0 : i32
    %dma_wait3A_152 = tpu.memref_slice %arg6[%dma_wait3A_141, %dma_wait3A_150, %dma_wait3A_151] : memref<4x2x128xi32, #tpu.memory_space<vmem>> -> memref<1x2x128xi32, #tpu.memory_space<vmem>>
    %dma_wait3A_153 = tpu.memref_squeeze %dma_wait3A_152 : memref<1x2x128xi32, #tpu.memory_space<vmem>> -> memref<2x128xi32, #tpu.memory_space<vmem>>
    %dma_wait3A_154 = arith.constant 0 : i32
    %dma_wait3A_155 = arith.constant 0 : i32
    %dma_wait3A_156 = tpu.memref_slice %arg3[%add3A, %dma_wait3A_140, %dma_wait3A_154, %dma_wait3A_155] : memref<32x80x2x128xi32, #tpu.memory_space<hbm>> -> memref<1x1x2x128xi32, #tpu.memory_space<hbm>>
    %dma_wait3A_157 = tpu.memref_squeeze %dma_wait3A_156 : memref<1x1x2x128xi32, #tpu.memory_space<hbm>> -> memref<2x128xi32, #tpu.memory_space<hbm>>
    tpu.wait_dma2 semaphore(%arg12 : memref<!tpu.dma_semaphore, #tpu.memory_space<semaphore_mem>>) src(%dma_wait3A_157 : memref<2x128xi32, #tpu.memory_space<hbm>>) dst(%dma_wait3A_153 : memref<2x128xi32, #tpu.memory_space<vmem>>)
    %dma_wait3A_158 = arith.constant 0 : i32
    %dma_wait3A_159 = arith.constant 3 : i32
    %dma_wait3A_160 = arith.constant 0 : i32
    %dma_wait3A_161 = arith.constant 0 : i32
    %dma_wait3A_162 = tpu.memref_slice %arg6[%dma_wait3A_159, %dma_wait3A_160, %dma_wait3A_161] : memref<4x2x128xi32, #tpu.memory_space<vmem>> -> memref<1x2x128xi32, #tpu.memory_space<vmem>>
    %dma_wait3A_163 = tpu.memref_squeeze %dma_wait3A_162 : memref<1x2x128xi32, #tpu.memory_space<vmem>> -> memref<2x128xi32, #tpu.memory_space<vmem>>
    %dma_wait3A_164 = arith.constant 0 : i32
    %dma_wait3A_165 = arith.constant 0 : i32
    %dma_wait3A_166 = tpu.memref_slice %arg3[%add3A, %dma_wait3A_158, %dma_wait3A_164, %dma_wait3A_165] : memref<32x80x2x128xi32, #tpu.memory_space<hbm>> -> memref<1x1x2x128xi32, #tpu.memory_space<hbm>>
    %dma_wait3A_167 = tpu.memref_squeeze %dma_wait3A_166 : memref<1x1x2x128xi32, #tpu.memory_space<hbm>> -> memref<2x128xi32, #tpu.memory_space<hbm>>
    %dma_wait3A_168 = arith.constant 0 : i32
    %dma_wait3A_169 = arith.constant 0 : i32
    %dma_wait3A_170 = tpu.memref_slice %arg6[%dma_wait3A_159, %dma_wait3A_168, %dma_wait3A_169] : memref<4x2x128xi32, #tpu.memory_space<vmem>> -> memref<1x2x128xi32, #tpu.memory_space<vmem>>
    %dma_wait3A_171 = tpu.memref_squeeze %dma_wait3A_170 : memref<1x2x128xi32, #tpu.memory_space<vmem>> -> memref<2x128xi32, #tpu.memory_space<vmem>>
    %dma_wait3A_172 = arith.constant 0 : i32
    %dma_wait3A_173 = arith.constant 0 : i32
    %dma_wait3A_174 = tpu.memref_slice %arg3[%add3A, %dma_wait3A_158, %dma_wait3A_172, %dma_wait3A_173] : memref<32x80x2x128xi32, #tpu.memory_space<hbm>> -> memref<1x1x2x128xi32, #tpu.memory_space<hbm>>
    %dma_wait3A_175 = tpu.memref_squeeze %dma_wait3A_174 : memref<1x1x2x128xi32, #tpu.memory_space<hbm>> -> memref<2x128xi32, #tpu.memory_space<hbm>>
    tpu.wait_dma2 semaphore(%arg13 : memref<!tpu.dma_semaphore, #tpu.memory_space<semaphore_mem>>) src(%dma_wait3A_175 : memref<2x128xi32, #tpu.memory_space<hbm>>) dst(%dma_wait3A_171 : memref<2x128xi32, #tpu.memory_space<vmem>>)
    %dma_wait3A_176 = arith.constant 0 : i32
    %dma_wait3A_177 = arith.constant 0 : i32
    %dma_wait3A_178 = tpu.memref_slice %arg2[%dma_wait3A_176, %dma_wait3A_177] : memref<10000x128xf32, #tpu.memory_space<hbm>> -> memref<128x128xf32, #tpu.memory_space<hbm>>
    %dma_wait3A_179 = arith.constant 0 : i32
    %dma_wait3A_180 = arith.constant 0 : i32
    %dma_wait3A_181 = tpu.memref_slice %arg2[%dma_wait3A_179, %dma_wait3A_180] : memref<10000x128xf32, #tpu.memory_space<hbm>> -> memref<128x128xf32, #tpu.memory_space<hbm>>
    tpu.wait_dma2 semaphore(%arg14 : memref<!tpu.dma_semaphore, #tpu.memory_space<semaphore_mem>>) src(%dma_wait3A_181 : memref<128x128xf32, #tpu.memory_space<hbm>>) dst(%arg7 : memref<128x128xf32, #tpu.memory_space<vmem>>)
    %dma_wait3A_182 = arith.constant 0 : i32
    %dma_wait3A_183 = arith.constant 0 : i32
    %dma_wait3A_184 = tpu.memref_slice %arg2[%dma_wait3A_182, %dma_wait3A_183] : memref<10000x128xf32, #tpu.memory_space<hbm>> -> memref<128x128xf32, #tpu.memory_space<hbm>>
    %dma_wait3A_185 = arith.constant 0 : i32
    %dma_wait3A_186 = arith.constant 0 : i32
    %dma_wait3A_187 = tpu.memref_slice %arg2[%dma_wait3A_185, %dma_wait3A_186] : memref<10000x128xf32, #tpu.memory_space<hbm>> -> memref<128x128xf32, #tpu.memory_space<hbm>>
    tpu.wait_dma2 semaphore(%arg15 : memref<!tpu.dma_semaphore, #tpu.memory_space<semaphore_mem>>) src(%dma_wait3A_187 : memref<128x128xf32, #tpu.memory_space<hbm>>) dst(%arg8 : memref<128x128xf32, #tpu.memory_space<vmem>>)
    %barrier3A_188 = arith.constant 0 : index
    tpu.barrier barrier_id(%barrier3A_188)
    "tpu.region"() ({
      %run_scoped3A = tpu.sem_alloc : memref<!tpu.dma_semaphore, #tpu.memory_space<semaphore_mem>>
      %dma_start3A_189 = arith.constant 0 : i32
      %dma_start3A_190 = tpu.memref_slice %arg5[%arg0, %mul3A_2, %dma_start3A_189] : memref<2x10240x128xf32, #tpu.memory_space<hbm>> -> memref<1x640x128xf32, #tpu.memory_space<hbm>>
      %dma_start3A_191 = tpu.memref_squeeze %dma_start3A_190 : memref<1x640x128xf32, #tpu.memory_space<hbm>> -> memref<640x128xf32, #tpu.memory_space<hbm>>
      %dma_start3A_192 = arith.constant 0 : i32
      %dma_start3A_193 = tpu.memref_slice %arg9[%mul3A_2, %dma_start3A_192] : memref<10240x128xf32, #tpu.memory_space<vmem_shared>> -> memref<640x128xf32, #tpu.memory_space<vmem_shared>>
      tpu.enqueue_dma source(%dma_start3A_193 : memref<640x128xf32, #tpu.memory_space<vmem_shared>>) target(%dma_start3A_191 : memref<640x128xf32, #tpu.memory_space<hbm>>) target_semaphore(%run_scoped3A : memref<!tpu.dma_semaphore, #tpu.memory_space<semaphore_mem>>)
      %dma_wait3A_194 = arith.constant 0 : i32
      %dma_wait3A_195 = tpu.memref_slice %arg5[%arg0, %mul3A_2, %dma_wait3A_194] : memref<2x10240x128xf32, #tpu.memory_space<hbm>> -> memref<1x640x128xf32, #tpu.memory_space<hbm>>
      %dma_wait3A_196 = tpu.memref_squeeze %dma_wait3A_195 : memref<1x640x128xf32, #tpu.memory_space<hbm>> -> memref<640x128xf32, #tpu.memory_space<hbm>>
      %dma_wait3A_197 = arith.constant 0 : i32
      %dma_wait3A_198 = tpu.memref_slice %arg9[%mul3A_2, %dma_wait3A_197] : memref<10240x128xf32, #tpu.memory_space<vmem_shared>> -> memref<640x128xf32, #tpu.memory_space<vmem_shared>>
      tpu.wait_dma2 semaphore(%run_scoped3A : memref<!tpu.dma_semaphore, #tpu.memory_space<semaphore_mem>>) src(%dma_wait3A_198 : memref<640x128xf32, #tpu.memory_space<vmem_shared>>) dst(%dma_wait3A_196 : memref<640x128xf32, #tpu.memory_space<hbm>>)
      tpu.yield
    }) : () -> ()
    return
  }
}

#map = affine_map<(d0, d1) -> (0, 0)>
#map1 = affine_map<(d0, d1) -> (0, 0, 0, 0)>
#map2 = affine_map<(d0, d1) -> (0, 0, 0)>
module attributes {stable_mosaic.version = 14 : i64} {
  func.func @_sc_aggregate(%arg0: i32, %arg1: i32, %arg2: memref<10240x128xf32, #tpu.memory_space<hbm>>, %arg3: memref<32x80x2x128xi32, #tpu.memory_space<hbm>>, %arg4: memref<128x128xf32, #tpu.memory_space<hbm>>, %arg5: memref<2x10240x128xf32, #tpu.memory_space<hbm>>, %arg6: memref<4x2x128xi32, #tpu.memory_space<vmem>>, %arg7: memref<128x128xf32, #tpu.memory_space<vmem>>, %arg8: memref<128x128xf32, #tpu.memory_space<vmem>>, %arg9: memref<10240x128xf32, #tpu.memory_space<vmem_shared>>, %arg10: memref<!tpu.dma_semaphore, #tpu.memory_space<semaphore_mem>>, %arg11: memref<!tpu.dma_semaphore, #tpu.memory_space<semaphore_mem>>, %arg12: memref<!tpu.dma_semaphore, #tpu.memory_space<semaphore_mem>>, %arg13: memref<!tpu.dma_semaphore, #tpu.memory_space<semaphore_mem>>, %arg14: memref<!tpu.dma_semaphore, #tpu.memory_space<semaphore_mem>>, %arg15: memref<!tpu.dma_semaphore, #tpu.memory_space<semaphore_mem>>) attributes {dimension_semantics = [#tpu.dimension_semantics<core_parallel>, #tpu.dimension_semantics<subcore_parallel>], iteration_bounds = array<i64: 2, 16>, scalar_prefetch = 0 : i64, scratch_operands = 10 : i64, tpu.core_type = #tpu.core_type<sc_vector_subcore>, window_params = [{transform_indices = #map}, {transform_indices = #map1}, {transform_indices = #map}, {transform_indices = #map2}]} {
    %mul3A = arith.constant 2 : i32
    %mul3A_0 = arith.muli %arg1, %mul3A : i32
    %add3A = arith.addi %mul3A_0, %arg0 : i32
    %mul3A_1 = arith.constant 640 : i32
    %mul3A_2 = arith.muli %arg1, %mul3A_1 : i32
    %add3A_3 = arith.constant 0 : i32
    %add3A_4 = arith.addi %mul3A_2, %add3A_3 : i32
    "tpu.region"() ({
      %run_scoped3A = tpu.sem_alloc : memref<!tpu.dma_semaphore, #tpu.memory_space<semaphore_mem>>
      %dma_start3A_189 = arith.constant 0 : i32
      %dma_start3A_190 = tpu.memref_slice %arg9[%add3A_4, %dma_start3A_189] : memref<10240x128xf32, #tpu.memory_space<vmem_shared>> -> memref<128x128xf32, #tpu.memory_space<vmem_shared>>
      tpu.enqueue_dma source(%arg4 : memref<128x128xf32, #tpu.memory_space<hbm>>) target(%dma_start3A_190 : memref<128x128xf32, #tpu.memory_space<vmem_shared>>) target_semaphore(%run_scoped3A : memref<!tpu.dma_semaphore, #tpu.memory_space<semaphore_mem>>)
      %dma_wait3A_191 = arith.constant 0 : i32
      %dma_wait3A_192 = tpu.memref_slice %arg9[%add3A_4, %dma_wait3A_191] : memref<10240x128xf32, #tpu.memory_space<vmem_shared>> -> memref<128x128xf32, #tpu.memory_space<vmem_shared>>
      tpu.wait_dma2 semaphore(%run_scoped3A : memref<!tpu.dma_semaphore, #tpu.memory_space<semaphore_mem>>) src(%arg4 : memref<128x128xf32, #tpu.memory_space<hbm>>) dst(%dma_wait3A_192 : memref<128x128xf32, #tpu.memory_space<vmem_shared>>)
      tpu.yield
    }) : () -> ()
    %add3A_5 = arith.constant 128 : i32
    %add3A_6 = arith.addi %mul3A_2, %add3A_5 : i32
    "tpu.region"() ({
      %run_scoped3A = tpu.sem_alloc : memref<!tpu.dma_semaphore, #tpu.memory_space<semaphore_mem>>
      %dma_start3A_189 = arith.constant 0 : i32
      %dma_start3A_190 = tpu.memref_slice %arg9[%add3A_6, %dma_start3A_189] : memref<10240x128xf32, #tpu.memory_space<vmem_shared>> -> memref<128x128xf32, #tpu.memory_space<vmem_shared>>
      tpu.enqueue_dma source(%arg4 : memref<128x128xf32, #tpu.memory_space<hbm>>) target(%dma_start3A_190 : memref<128x128xf32, #tpu.memory_space<vmem_shared>>) target_semaphore(%run_scoped3A : memref<!tpu.dma_semaphore, #tpu.memory_space<semaphore_mem>>)
      %dma_wait3A_191 = arith.constant 0 : i32
      %dma_wait3A_192 = tpu.memref_slice %arg9[%add3A_6, %dma_wait3A_191] : memref<10240x128xf32, #tpu.memory_space<vmem_shared>> -> memref<128x128xf32, #tpu.memory_space<vmem_shared>>
      tpu.wait_dma2 semaphore(%run_scoped3A : memref<!tpu.dma_semaphore, #tpu.memory_space<semaphore_mem>>) src(%arg4 : memref<128x128xf32, #tpu.memory_space<hbm>>) dst(%dma_wait3A_192 : memref<128x128xf32, #tpu.memory_space<vmem_shared>>)
      tpu.yield
    }) : () -> ()
    %add3A_7 = arith.constant 256 : i32
    %add3A_8 = arith.addi %mul3A_2, %add3A_7 : i32
    "tpu.region"() ({
      %run_scoped3A = tpu.sem_alloc : memref<!tpu.dma_semaphore, #tpu.memory_space<semaphore_mem>>
      %dma_start3A_189 = arith.constant 0 : i32
      %dma_start3A_190 = tpu.memref_slice %arg9[%add3A_8, %dma_start3A_189] : memref<10240x128xf32, #tpu.memory_space<vmem_shared>> -> memref<128x128xf32, #tpu.memory_space<vmem_shared>>
      tpu.enqueue_dma source(%arg4 : memref<128x128xf32, #tpu.memory_space<hbm>>) target(%dma_start3A_190 : memref<128x128xf32, #tpu.memory_space<vmem_shared>>) target_semaphore(%run_scoped3A : memref<!tpu.dma_semaphore, #tpu.memory_space<semaphore_mem>>)
      %dma_wait3A_191 = arith.constant 0 : i32
      %dma_wait3A_192 = tpu.memref_slice %arg9[%add3A_8, %dma_wait3A_191] : memref<10240x128xf32, #tpu.memory_space<vmem_shared>> -> memref<128x128xf32, #tpu.memory_space<vmem_shared>>
      tpu.wait_dma2 semaphore(%run_scoped3A : memref<!tpu.dma_semaphore, #tpu.memory_space<semaphore_mem>>) src(%arg4 : memref<128x128xf32, #tpu.memory_space<hbm>>) dst(%dma_wait3A_192 : memref<128x128xf32, #tpu.memory_space<vmem_shared>>)
      tpu.yield
    }) : () -> ()
    %add3A_9 = arith.constant 384 : i32
    %add3A_10 = arith.addi %mul3A_2, %add3A_9 : i32
    "tpu.region"() ({
      %run_scoped3A = tpu.sem_alloc : memref<!tpu.dma_semaphore, #tpu.memory_space<semaphore_mem>>
      %dma_start3A_189 = arith.constant 0 : i32
      %dma_start3A_190 = tpu.memref_slice %arg9[%add3A_10, %dma_start3A_189] : memref<10240x128xf32, #tpu.memory_space<vmem_shared>> -> memref<128x128xf32, #tpu.memory_space<vmem_shared>>
      tpu.enqueue_dma source(%arg4 : memref<128x128xf32, #tpu.memory_space<hbm>>) target(%dma_start3A_190 : memref<128x128xf32, #tpu.memory_space<vmem_shared>>) target_semaphore(%run_scoped3A : memref<!tpu.dma_semaphore, #tpu.memory_space<semaphore_mem>>)
      %dma_wait3A_191 = arith.constant 0 : i32
      %dma_wait3A_192 = tpu.memref_slice %arg9[%add3A_10, %dma_wait3A_191] : memref<10240x128xf32, #tpu.memory_space<vmem_shared>> -> memref<128x128xf32, #tpu.memory_space<vmem_shared>>
      tpu.wait_dma2 semaphore(%run_scoped3A : memref<!tpu.dma_semaphore, #tpu.memory_space<semaphore_mem>>) src(%arg4 : memref<128x128xf32, #tpu.memory_space<hbm>>) dst(%dma_wait3A_192 : memref<128x128xf32, #tpu.memory_space<vmem_shared>>)
      tpu.yield
    }) : () -> ()
    %add3A_11 = arith.constant 512 : i32
    %add3A_12 = arith.addi %mul3A_2, %add3A_11 : i32
    "tpu.region"() ({
      %run_scoped3A = tpu.sem_alloc : memref<!tpu.dma_semaphore, #tpu.memory_space<semaphore_mem>>
      %dma_start3A_189 = arith.constant 0 : i32
      %dma_start3A_190 = tpu.memref_slice %arg9[%add3A_12, %dma_start3A_189] : memref<10240x128xf32, #tpu.memory_space<vmem_shared>> -> memref<128x128xf32, #tpu.memory_space<vmem_shared>>
      tpu.enqueue_dma source(%arg4 : memref<128x128xf32, #tpu.memory_space<hbm>>) target(%dma_start3A_190 : memref<128x128xf32, #tpu.memory_space<vmem_shared>>) target_semaphore(%run_scoped3A : memref<!tpu.dma_semaphore, #tpu.memory_space<semaphore_mem>>)
      %dma_wait3A_191 = arith.constant 0 : i32
      %dma_wait3A_192 = tpu.memref_slice %arg9[%add3A_12, %dma_wait3A_191] : memref<10240x128xf32, #tpu.memory_space<vmem_shared>> -> memref<128x128xf32, #tpu.memory_space<vmem_shared>>
      tpu.wait_dma2 semaphore(%run_scoped3A : memref<!tpu.dma_semaphore, #tpu.memory_space<semaphore_mem>>) src(%arg4 : memref<128x128xf32, #tpu.memory_space<hbm>>) dst(%dma_wait3A_192 : memref<128x128xf32, #tpu.memory_space<vmem_shared>>)
      tpu.yield
    }) : () -> ()
    %barrier3A = arith.constant 0 : index
    tpu.barrier barrier_id(%barrier3A)
    %dma_start3A = arith.constant 0 : i32
    %dma_start3A_13 = arith.constant 0 : i32
    %dma_start3A_14 = arith.constant 0 : i32
    %dma_start3A_15 = arith.constant 0 : i32
    %dma_start3A_16 = tpu.memref_slice %arg6[%dma_start3A_13, %dma_start3A_14, %dma_start3A_15] : memref<4x2x128xi32, #tpu.memory_space<vmem>> -> memref<1x2x128xi32, #tpu.memory_space<vmem>>
    %dma_start3A_17 = tpu.memref_squeeze %dma_start3A_16 : memref<1x2x128xi32, #tpu.memory_space<vmem>> -> memref<2x128xi32, #tpu.memory_space<vmem>>
    %dma_start3A_18 = arith.constant 0 : i32
    %dma_start3A_19 = arith.constant 0 : i32
    %dma_start3A_20 = tpu.memref_slice %arg3[%add3A, %dma_start3A, %dma_start3A_18, %dma_start3A_19] : memref<32x80x2x128xi32, #tpu.memory_space<hbm>> -> memref<1x1x2x128xi32, #tpu.memory_space<hbm>>
    %dma_start3A_21 = tpu.memref_squeeze %dma_start3A_20 : memref<1x1x2x128xi32, #tpu.memory_space<hbm>> -> memref<2x128xi32, #tpu.memory_space<hbm>>
    %dma_start3A_22 = arith.constant 0 : i32
    %dma_start3A_23 = arith.constant 0 : i32
    %dma_start3A_24 = tpu.memref_slice %arg6[%dma_start3A_13, %dma_start3A_22, %dma_start3A_23] : memref<4x2x128xi32, #tpu.memory_space<vmem>> -> memref<1x2x128xi32, #tpu.memory_space<vmem>>
    %dma_start3A_25 = tpu.memref_squeeze %dma_start3A_24 : memref<1x2x128xi32, #tpu.memory_space<vmem>> -> memref<2x128xi32, #tpu.memory_space<vmem>>
    %dma_start3A_26 = arith.constant 0 : i32
    %dma_start3A_27 = arith.constant 0 : i32
    %dma_start3A_28 = tpu.memref_slice %arg3[%add3A, %dma_start3A, %dma_start3A_26, %dma_start3A_27] : memref<32x80x2x128xi32, #tpu.memory_space<hbm>> -> memref<1x1x2x128xi32, #tpu.memory_space<hbm>>
    %dma_start3A_29 = tpu.memref_squeeze %dma_start3A_28 : memref<1x1x2x128xi32, #tpu.memory_space<hbm>> -> memref<2x128xi32, #tpu.memory_space<hbm>>
    tpu.enqueue_dma source(%dma_start3A_29 : memref<2x128xi32, #tpu.memory_space<hbm>>) target(%dma_start3A_25 : memref<2x128xi32, #tpu.memory_space<vmem>>) target_semaphore(%arg10 : memref<!tpu.dma_semaphore, #tpu.memory_space<semaphore_mem>>)
    %dma_start3A_30 = arith.constant 1 : i32
    %dma_start3A_31 = arith.constant 1 : i32
    %dma_start3A_32 = arith.constant 0 : i32
    %dma_start3A_33 = arith.constant 0 : i32
    %dma_start3A_34 = tpu.memref_slice %arg6[%dma_start3A_31, %dma_start3A_32, %dma_start3A_33] : memref<4x2x128xi32, #tpu.memory_space<vmem>> -> memref<1x2x128xi32, #tpu.memory_space<vmem>>
    %dma_start3A_35 = tpu.memref_squeeze %dma_start3A_34 : memref<1x2x128xi32, #tpu.memory_space<vmem>> -> memref<2x128xi32, #tpu.memory_space<vmem>>
    %dma_start3A_36 = arith.constant 0 : i32
    %dma_start3A_37 = arith.constant 0 : i32
    %dma_start3A_38 = tpu.memref_slice %arg3[%add3A, %dma_start3A_30, %dma_start3A_36, %dma_start3A_37] : memref<32x80x2x128xi32, #tpu.memory_space<hbm>> -> memref<1x1x2x128xi32, #tpu.memory_space<hbm>>
    %dma_start3A_39 = tpu.memref_squeeze %dma_start3A_38 : memref<1x1x2x128xi32, #tpu.memory_space<hbm>> -> memref<2x128xi32, #tpu.memory_space<hbm>>
    %dma_start3A_40 = arith.constant 0 : i32
    %dma_start3A_41 = arith.constant 0 : i32
    %dma_start3A_42 = tpu.memref_slice %arg6[%dma_start3A_31, %dma_start3A_40, %dma_start3A_41] : memref<4x2x128xi32, #tpu.memory_space<vmem>> -> memref<1x2x128xi32, #tpu.memory_space<vmem>>
    %dma_start3A_43 = tpu.memref_squeeze %dma_start3A_42 : memref<1x2x128xi32, #tpu.memory_space<vmem>> -> memref<2x128xi32, #tpu.memory_space<vmem>>
    %dma_start3A_44 = arith.constant 0 : i32
    %dma_start3A_45 = arith.constant 0 : i32
    %dma_start3A_46 = tpu.memref_slice %arg3[%add3A, %dma_start3A_30, %dma_start3A_44, %dma_start3A_45] : memref<32x80x2x128xi32, #tpu.memory_space<hbm>> -> memref<1x1x2x128xi32, #tpu.memory_space<hbm>>
    %dma_start3A_47 = tpu.memref_squeeze %dma_start3A_46 : memref<1x1x2x128xi32, #tpu.memory_space<hbm>> -> memref<2x128xi32, #tpu.memory_space<hbm>>
    tpu.enqueue_dma source(%dma_start3A_47 : memref<2x128xi32, #tpu.memory_space<hbm>>) target(%dma_start3A_43 : memref<2x128xi32, #tpu.memory_space<vmem>>) target_semaphore(%arg11 : memref<!tpu.dma_semaphore, #tpu.memory_space<semaphore_mem>>)
    %dma_start3A_48 = arith.constant 2 : i32
    %dma_start3A_49 = arith.constant 2 : i32
    %dma_start3A_50 = arith.constant 0 : i32
    %dma_start3A_51 = arith.constant 0 : i32
    %dma_start3A_52 = tpu.memref_slice %arg6[%dma_start3A_49, %dma_start3A_50, %dma_start3A_51] : memref<4x2x128xi32, #tpu.memory_space<vmem>> -> memref<1x2x128xi32, #tpu.memory_space<vmem>>
    %dma_start3A_53 = tpu.memref_squeeze %dma_start3A_52 : memref<1x2x128xi32, #tpu.memory_space<vmem>> -> memref<2x128xi32, #tpu.memory_space<vmem>>
    %dma_start3A_54 = arith.constant 0 : i32
    %dma_start3A_55 = arith.constant 0 : i32
    %dma_start3A_56 = tpu.memref_slice %arg3[%add3A, %dma_start3A_48, %dma_start3A_54, %dma_start3A_55] : memref<32x80x2x128xi32, #tpu.memory_space<hbm>> -> memref<1x1x2x128xi32, #tpu.memory_space<hbm>>
    %dma_start3A_57 = tpu.memref_squeeze %dma_start3A_56 : memref<1x1x2x128xi32, #tpu.memory_space<hbm>> -> memref<2x128xi32, #tpu.memory_space<hbm>>
    %dma_start3A_58 = arith.constant 0 : i32
    %dma_start3A_59 = arith.constant 0 : i32
    %dma_start3A_60 = tpu.memref_slice %arg6[%dma_start3A_49, %dma_start3A_58, %dma_start3A_59] : memref<4x2x128xi32, #tpu.memory_space<vmem>> -> memref<1x2x128xi32, #tpu.memory_space<vmem>>
    %dma_start3A_61 = tpu.memref_squeeze %dma_start3A_60 : memref<1x2x128xi32, #tpu.memory_space<vmem>> -> memref<2x128xi32, #tpu.memory_space<vmem>>
    %dma_start3A_62 = arith.constant 0 : i32
    %dma_start3A_63 = arith.constant 0 : i32
    %dma_start3A_64 = tpu.memref_slice %arg3[%add3A, %dma_start3A_48, %dma_start3A_62, %dma_start3A_63] : memref<32x80x2x128xi32, #tpu.memory_space<hbm>> -> memref<1x1x2x128xi32, #tpu.memory_space<hbm>>
    %dma_start3A_65 = tpu.memref_squeeze %dma_start3A_64 : memref<1x1x2x128xi32, #tpu.memory_space<hbm>> -> memref<2x128xi32, #tpu.memory_space<hbm>>
    tpu.enqueue_dma source(%dma_start3A_65 : memref<2x128xi32, #tpu.memory_space<hbm>>) target(%dma_start3A_61 : memref<2x128xi32, #tpu.memory_space<vmem>>) target_semaphore(%arg12 : memref<!tpu.dma_semaphore, #tpu.memory_space<semaphore_mem>>)
    %dma_start3A_66 = arith.constant 3 : i32
    %dma_start3A_67 = arith.constant 3 : i32
    %dma_start3A_68 = arith.constant 0 : i32
    %dma_start3A_69 = arith.constant 0 : i32
    %dma_start3A_70 = tpu.memref_slice %arg6[%dma_start3A_67, %dma_start3A_68, %dma_start3A_69] : memref<4x2x128xi32, #tpu.memory_space<vmem>> -> memref<1x2x128xi32, #tpu.memory_space<vmem>>
    %dma_start3A_71 = tpu.memref_squeeze %dma_start3A_70 : memref<1x2x128xi32, #tpu.memory_space<vmem>> -> memref<2x128xi32, #tpu.memory_space<vmem>>
    %dma_start3A_72 = arith.constant 0 : i32
    %dma_start3A_73 = arith.constant 0 : i32
    %dma_start3A_74 = tpu.memref_slice %arg3[%add3A, %dma_start3A_66, %dma_start3A_72, %dma_start3A_73] : memref<32x80x2x128xi32, #tpu.memory_space<hbm>> -> memref<1x1x2x128xi32, #tpu.memory_space<hbm>>
    %dma_start3A_75 = tpu.memref_squeeze %dma_start3A_74 : memref<1x1x2x128xi32, #tpu.memory_space<hbm>> -> memref<2x128xi32, #tpu.memory_space<hbm>>
    %dma_start3A_76 = arith.constant 0 : i32
    %dma_start3A_77 = arith.constant 0 : i32
    %dma_start3A_78 = tpu.memref_slice %arg6[%dma_start3A_67, %dma_start3A_76, %dma_start3A_77] : memref<4x2x128xi32, #tpu.memory_space<vmem>> -> memref<1x2x128xi32, #tpu.memory_space<vmem>>
    %dma_start3A_79 = tpu.memref_squeeze %dma_start3A_78 : memref<1x2x128xi32, #tpu.memory_space<vmem>> -> memref<2x128xi32, #tpu.memory_space<vmem>>
    %dma_start3A_80 = arith.constant 0 : i32
    %dma_start3A_81 = arith.constant 0 : i32
    %dma_start3A_82 = tpu.memref_slice %arg3[%add3A, %dma_start3A_66, %dma_start3A_80, %dma_start3A_81] : memref<32x80x2x128xi32, #tpu.memory_space<hbm>> -> memref<1x1x2x128xi32, #tpu.memory_space<hbm>>
    %dma_start3A_83 = tpu.memref_squeeze %dma_start3A_82 : memref<1x1x2x128xi32, #tpu.memory_space<hbm>> -> memref<2x128xi32, #tpu.memory_space<hbm>>
    tpu.enqueue_dma source(%dma_start3A_83 : memref<2x128xi32, #tpu.memory_space<hbm>>) target(%dma_start3A_79 : memref<2x128xi32, #tpu.memory_space<vmem>>) target_semaphore(%arg13 : memref<!tpu.dma_semaphore, #tpu.memory_space<semaphore_mem>>)
    %dma_wait3A = arith.constant 0 : i32
    %dma_wait3A_84 = arith.constant 0 : i32
    %dma_wait3A_85 = arith.constant 0 : i32
    %dma_wait3A_86 = arith.constant 0 : i32
    %dma_wait3A_87 = tpu.memref_slice %arg6[%dma_wait3A_84, %dma_wait3A_85, %dma_wait3A_86] : memref<4x2x128xi32, #tpu.memory_space<vmem>> -> memref<1x2x128xi32, #tpu.memory_space<vmem>>
    %dma_wait3A_88 = tpu.memref_squeeze %dma_wait3A_87 : memref<1x2x128xi32, #tpu.memory_space<vmem>> -> memref<2x128xi32, #tpu.memory_space<vmem>>
    %dma_wait3A_89 = arith.constant 0 : i32
    %dma_wait3A_90 = arith.constant 0 : i32
    %dma_wait3A_91 = tpu.memref_slice %arg3[%add3A, %dma_wait3A, %dma_wait3A_89, %dma_wait3A_90] : memref<32x80x2x128xi32, #tpu.memory_space<hbm>> -> memref<1x1x2x128xi32, #tpu.memory_space<hbm>>
    %dma_wait3A_92 = tpu.memref_squeeze %dma_wait3A_91 : memref<1x1x2x128xi32, #tpu.memory_space<hbm>> -> memref<2x128xi32, #tpu.memory_space<hbm>>
    %dma_wait3A_93 = arith.constant 0 : i32
    %dma_wait3A_94 = arith.constant 0 : i32
    %dma_wait3A_95 = tpu.memref_slice %arg6[%dma_wait3A_84, %dma_wait3A_93, %dma_wait3A_94] : memref<4x2x128xi32, #tpu.memory_space<vmem>> -> memref<1x2x128xi32, #tpu.memory_space<vmem>>
    %dma_wait3A_96 = tpu.memref_squeeze %dma_wait3A_95 : memref<1x2x128xi32, #tpu.memory_space<vmem>> -> memref<2x128xi32, #tpu.memory_space<vmem>>
    %dma_wait3A_97 = arith.constant 0 : i32
    %dma_wait3A_98 = arith.constant 0 : i32
    %dma_wait3A_99 = tpu.memref_slice %arg3[%add3A, %dma_wait3A, %dma_wait3A_97, %dma_wait3A_98] : memref<32x80x2x128xi32, #tpu.memory_space<hbm>> -> memref<1x1x2x128xi32, #tpu.memory_space<hbm>>
    %dma_wait3A_100 = tpu.memref_squeeze %dma_wait3A_99 : memref<1x1x2x128xi32, #tpu.memory_space<hbm>> -> memref<2x128xi32, #tpu.memory_space<hbm>>
    tpu.wait_dma2 semaphore(%arg10 : memref<!tpu.dma_semaphore, #tpu.memory_space<semaphore_mem>>) src(%dma_wait3A_100 : memref<2x128xi32, #tpu.memory_space<hbm>>) dst(%dma_wait3A_96 : memref<2x128xi32, #tpu.memory_space<vmem>>)
    %dma_start3A_101 = arith.constant 0 : i32
    %dma_start3A_102 = arith.constant 0 : i32
    %dma_start3A_103 = arith.constant 0 : i32
    %dma_start3A_104 = tpu.memref_slice %arg6[%dma_start3A_101, %dma_start3A_102, %dma_start3A_103] : memref<4x2x128xi32, #tpu.memory_space<vmem>> -> memref<1x1x128xi32, #tpu.memory_space<vmem>>
    %dma_start3A_105 = tpu.memref_squeeze %dma_start3A_104 : memref<1x1x128xi32, #tpu.memory_space<vmem>> -> memref<128xi32, #tpu.memory_space<vmem>>
    %dma_start3A_106 = arith.constant 0 : i32
    %dma_start3A_107 = arith.constant 0 : i32
    %dma_start3A_108 = tpu.memref_slice %arg2[%dma_start3A_106, %dma_start3A_107] : memref<10240x128xf32, #tpu.memory_space<hbm>> -> memref<10240x128xf32, #tpu.memory_space<hbm>>
    tpu.enqueue_indirect_dma source(%dma_start3A_108 : memref<10240x128xf32, #tpu.memory_space<hbm>>) target(%arg7 : memref<128x128xf32, #tpu.memory_space<vmem>>) offsets(%dma_start3A_105 : memref<128xi32, #tpu.memory_space<vmem>>) semaphore(%arg14 : memref<!tpu.dma_semaphore, #tpu.memory_space<semaphore_mem>>)
    %dma_wait3A_109 = arith.constant 0 : i32
    %dma_wait3A_110 = arith.constant 1 : i32
    %dma_wait3A_111 = arith.constant 0 : i32
    %dma_wait3A_112 = arith.constant 0 : i32
    %dma_wait3A_113 = tpu.memref_slice %arg6[%dma_wait3A_110, %dma_wait3A_111, %dma_wait3A_112] : memref<4x2x128xi32, #tpu.memory_space<vmem>> -> memref<1x2x128xi32, #tpu.memory_space<vmem>>
    %dma_wait3A_114 = tpu.memref_squeeze %dma_wait3A_113 : memref<1x2x128xi32, #tpu.memory_space<vmem>> -> memref<2x128xi32, #tpu.memory_space<vmem>>
    %dma_wait3A_115 = arith.constant 0 : i32
    %dma_wait3A_116 = arith.constant 0 : i32
    %dma_wait3A_117 = tpu.memref_slice %arg3[%add3A, %dma_wait3A_109, %dma_wait3A_115, %dma_wait3A_116] : memref<32x80x2x128xi32, #tpu.memory_space<hbm>> -> memref<1x1x2x128xi32, #tpu.memory_space<hbm>>
    %dma_wait3A_118 = tpu.memref_squeeze %dma_wait3A_117 : memref<1x1x2x128xi32, #tpu.memory_space<hbm>> -> memref<2x128xi32, #tpu.memory_space<hbm>>
    %dma_wait3A_119 = arith.constant 0 : i32
    %dma_wait3A_120 = arith.constant 0 : i32
    %dma_wait3A_121 = tpu.memref_slice %arg6[%dma_wait3A_110, %dma_wait3A_119, %dma_wait3A_120] : memref<4x2x128xi32, #tpu.memory_space<vmem>> -> memref<1x2x128xi32, #tpu.memory_space<vmem>>
    %dma_wait3A_122 = tpu.memref_squeeze %dma_wait3A_121 : memref<1x2x128xi32, #tpu.memory_space<vmem>> -> memref<2x128xi32, #tpu.memory_space<vmem>>
    %dma_wait3A_123 = arith.constant 0 : i32
    %dma_wait3A_124 = arith.constant 0 : i32
    %dma_wait3A_125 = tpu.memref_slice %arg3[%add3A, %dma_wait3A_109, %dma_wait3A_123, %dma_wait3A_124] : memref<32x80x2x128xi32, #tpu.memory_space<hbm>> -> memref<1x1x2x128xi32, #tpu.memory_space<hbm>>
    %dma_wait3A_126 = tpu.memref_squeeze %dma_wait3A_125 : memref<1x1x2x128xi32, #tpu.memory_space<hbm>> -> memref<2x128xi32, #tpu.memory_space<hbm>>
    tpu.wait_dma2 semaphore(%arg11 : memref<!tpu.dma_semaphore, #tpu.memory_space<semaphore_mem>>) src(%dma_wait3A_126 : memref<2x128xi32, #tpu.memory_space<hbm>>) dst(%dma_wait3A_122 : memref<2x128xi32, #tpu.memory_space<vmem>>)
    %dma_start3A_127 = arith.constant 1 : i32
    %dma_start3A_128 = arith.constant 0 : i32
    %dma_start3A_129 = arith.constant 0 : i32
    %dma_start3A_130 = tpu.memref_slice %arg6[%dma_start3A_127, %dma_start3A_128, %dma_start3A_129] : memref<4x2x128xi32, #tpu.memory_space<vmem>> -> memref<1x1x128xi32, #tpu.memory_space<vmem>>
    %dma_start3A_131 = tpu.memref_squeeze %dma_start3A_130 : memref<1x1x128xi32, #tpu.memory_space<vmem>> -> memref<128xi32, #tpu.memory_space<vmem>>
    %dma_start3A_132 = arith.constant 0 : i32
    %dma_start3A_133 = arith.constant 0 : i32
    %dma_start3A_134 = tpu.memref_slice %arg2[%dma_start3A_132, %dma_start3A_133] : memref<10240x128xf32, #tpu.memory_space<hbm>> -> memref<10240x128xf32, #tpu.memory_space<hbm>>
    tpu.enqueue_indirect_dma source(%dma_start3A_134 : memref<10240x128xf32, #tpu.memory_space<hbm>>) target(%arg8 : memref<128x128xf32, #tpu.memory_space<vmem>>) offsets(%dma_start3A_131 : memref<128xi32, #tpu.memory_space<vmem>>) semaphore(%arg15 : memref<!tpu.dma_semaphore, #tpu.memory_space<semaphore_mem>>)
    %scan3A = arith.constant 0 : i32
    %scan3A_135 = arith.constant 0 : i32
    %scan3A_136 = arith.constant 20 : i32
    %scan3A_137 = arith.addi %scan3A_135, %scan3A_136 : i32
    %scan3A_138 = arith.constant 1 : i32
    scf.for %scan3A_189 = %scan3A_135 to %scan3A_137 step %scan3A_138  : i32 {
      %mul3A_190 = arith.constant 4 : i32
      %mul3A_191 = arith.muli %mul3A_190, %scan3A_189 : i32
      %dma_wait3A_192 = arith.constant 0 : i32
      %dma_wait3A_193 = arith.constant 0 : i32
      %dma_wait3A_194 = tpu.memref_slice %arg2[%dma_wait3A_192, %dma_wait3A_193] : memref<10240x128xf32, #tpu.memory_space<hbm>> -> memref<128x128xf32, #tpu.memory_space<hbm>>
      %dma_wait3A_195 = arith.constant 0 : i32
      %dma_wait3A_196 = arith.constant 0 : i32
      %dma_wait3A_197 = tpu.memref_slice %arg2[%dma_wait3A_195, %dma_wait3A_196] : memref<10240x128xf32, #tpu.memory_space<hbm>> -> memref<128x128xf32, #tpu.memory_space<hbm>>
      tpu.wait_dma2 semaphore(%arg14 : memref<!tpu.dma_semaphore, #tpu.memory_space<semaphore_mem>>) src(%dma_wait3A_197 : memref<128x128xf32, #tpu.memory_space<hbm>>) dst(%arg7 : memref<128x128xf32, #tpu.memory_space<vmem>>)
      %run_scoped3A = arith.constant 0 : i32
      %run_scoped3A_198 = arith.constant 1 : i32
      "tpu.region"() ({
        %run_scoped3A_418 = tpu.sem_alloc : memref<!tpu.dma_semaphore, #tpu.memory_space<semaphore_mem>>
        %dma_start3A_419 = arith.constant 0 : i32
        %dma_start3A_420 = tpu.memref_slice %arg6[%run_scoped3A, %run_scoped3A_198, %dma_start3A_419] : memref<4x2x128xi32, #tpu.memory_space<vmem>> -> memref<1x1x128xi32, #tpu.memory_space<vmem>>
        %dma_start3A_421 = tpu.memref_squeeze %dma_start3A_420 : memref<1x1x128xi32, #tpu.memory_space<vmem>> -> memref<128xi32, #tpu.memory_space<vmem>>
        %dma_start3A_422 = arith.constant 0 : i32
        %dma_start3A_423 = arith.constant 0 : i32
        %dma_start3A_424 = tpu.memref_slice %arg9[%dma_start3A_422, %dma_start3A_423] : memref<10240x128xf32, #tpu.memory_space<vmem_shared>> -> memref<10240x128xf32, #tpu.memory_space<vmem_shared>>
        tpu.enqueue_indirect_dma source(%arg7 : memref<128x128xf32, #tpu.memory_space<vmem>>) target(%dma_start3A_424 : memref<10240x128xf32, #tpu.memory_space<vmem_shared>>) offsets(%dma_start3A_421 : memref<128xi32, #tpu.memory_space<vmem>>) semaphore(%run_scoped3A_418 : memref<!tpu.dma_semaphore, #tpu.memory_space<semaphore_mem>>) {add = true}
        %dma_wait3A_425 = arith.constant 0 : i32
        %dma_wait3A_426 = tpu.memref_slice %arg6[%run_scoped3A, %run_scoped3A_198, %dma_wait3A_425] : memref<4x2x128xi32, #tpu.memory_space<vmem>> -> memref<1x1x128xi32, #tpu.memory_space<vmem>>
        %dma_wait3A_427 = tpu.memref_squeeze %dma_wait3A_426 : memref<1x1x128xi32, #tpu.memory_space<vmem>> -> memref<128xi32, #tpu.memory_space<vmem>>
        %dma_wait3A_428 = arith.constant 0 : i32
        %dma_wait3A_429 = arith.constant 0 : i32
        %dma_wait3A_430 = tpu.memref_slice %arg9[%dma_wait3A_428, %dma_wait3A_429] : memref<10240x128xf32, #tpu.memory_space<vmem_shared>> -> memref<10240x128xf32, #tpu.memory_space<vmem_shared>>
        tpu.wait_indirect_dma semaphore(%run_scoped3A_418 : memref<!tpu.dma_semaphore, #tpu.memory_space<semaphore_mem>>) src(%arg7 : memref<128x128xf32, #tpu.memory_space<vmem>>) dst(%dma_wait3A_430 : memref<10240x128xf32, #tpu.memory_space<vmem_shared>>)
        tpu.yield
      }) : () -> ()
      %add3A_199 = arith.constant 0 : i32
      %add3A_200 = arith.addi %mul3A_191, %add3A_199 : i32
      %add3A_201 = arith.constant 4 : i32
      %add3A_202 = arith.addi %add3A_200, %add3A_201 : i32
      %min3A = arith.constant 79 : i32
      %min3A_203 = arith.minsi %add3A_202, %min3A : i32
      %dma_start3A_204 = arith.constant 0 : i32
      %dma_start3A_205 = arith.constant 0 : i32
      %dma_start3A_206 = arith.constant 0 : i32
      %dma_start3A_207 = tpu.memref_slice %arg6[%dma_start3A_204, %dma_start3A_205, %dma_start3A_206] : memref<4x2x128xi32, #tpu.memory_space<vmem>> -> memref<1x2x128xi32, #tpu.memory_space<vmem>>
      %dma_start3A_208 = tpu.memref_squeeze %dma_start3A_207 : memref<1x2x128xi32, #tpu.memory_space<vmem>> -> memref<2x128xi32, #tpu.memory_space<vmem>>
      %dma_start3A_209 = arith.constant 0 : i32
      %dma_start3A_210 = arith.constant 0 : i32
      %dma_start3A_211 = tpu.memref_slice %arg3[%add3A, %min3A_203, %dma_start3A_209, %dma_start3A_210] : memref<32x80x2x128xi32, #tpu.memory_space<hbm>> -> memref<1x1x2x128xi32, #tpu.memory_space<hbm>>
      %dma_start3A_212 = tpu.memref_squeeze %dma_start3A_211 : memref<1x1x2x128xi32, #tpu.memory_space<hbm>> -> memref<2x128xi32, #tpu.memory_space<hbm>>
      %dma_start3A_213 = arith.constant 0 : i32
      %dma_start3A_214 = arith.constant 0 : i32
      %dma_start3A_215 = tpu.memref_slice %arg6[%dma_start3A_204, %dma_start3A_213, %dma_start3A_214] : memref<4x2x128xi32, #tpu.memory_space<vmem>> -> memref<1x2x128xi32, #tpu.memory_space<vmem>>
      %dma_start3A_216 = tpu.memref_squeeze %dma_start3A_215 : memref<1x2x128xi32, #tpu.memory_space<vmem>> -> memref<2x128xi32, #tpu.memory_space<vmem>>
      %dma_start3A_217 = arith.constant 0 : i32
      %dma_start3A_218 = arith.constant 0 : i32
      %dma_start3A_219 = tpu.memref_slice %arg3[%add3A, %min3A_203, %dma_start3A_217, %dma_start3A_218] : memref<32x80x2x128xi32, #tpu.memory_space<hbm>> -> memref<1x1x2x128xi32, #tpu.memory_space<hbm>>
      %dma_start3A_220 = tpu.memref_squeeze %dma_start3A_219 : memref<1x1x2x128xi32, #tpu.memory_space<hbm>> -> memref<2x128xi32, #tpu.memory_space<hbm>>
      tpu.enqueue_dma source(%dma_start3A_220 : memref<2x128xi32, #tpu.memory_space<hbm>>) target(%dma_start3A_216 : memref<2x128xi32, #tpu.memory_space<vmem>>) target_semaphore(%arg10 : memref<!tpu.dma_semaphore, #tpu.memory_space<semaphore_mem>>)
      %dma_wait3A_221 = arith.constant 0 : i32
      %dma_wait3A_222 = arith.constant 2 : i32
      %dma_wait3A_223 = arith.constant 0 : i32
      %dma_wait3A_224 = arith.constant 0 : i32
      %dma_wait3A_225 = tpu.memref_slice %arg6[%dma_wait3A_222, %dma_wait3A_223, %dma_wait3A_224] : memref<4x2x128xi32, #tpu.memory_space<vmem>> -> memref<1x2x128xi32, #tpu.memory_space<vmem>>
      %dma_wait3A_226 = tpu.memref_squeeze %dma_wait3A_225 : memref<1x2x128xi32, #tpu.memory_space<vmem>> -> memref<2x128xi32, #tpu.memory_space<vmem>>
      %dma_wait3A_227 = arith.constant 0 : i32
      %dma_wait3A_228 = arith.constant 0 : i32
      %dma_wait3A_229 = tpu.memref_slice %arg3[%add3A, %dma_wait3A_221, %dma_wait3A_227, %dma_wait3A_228] : memref<32x80x2x128xi32, #tpu.memory_space<hbm>> -> memref<1x1x2x128xi32, #tpu.memory_space<hbm>>
      %dma_wait3A_230 = tpu.memref_squeeze %dma_wait3A_229 : memref<1x1x2x128xi32, #tpu.memory_space<hbm>> -> memref<2x128xi32, #tpu.memory_space<hbm>>
      %dma_wait3A_231 = arith.constant 0 : i32
      %dma_wait3A_232 = arith.constant 0 : i32
      %dma_wait3A_233 = tpu.memref_slice %arg6[%dma_wait3A_222, %dma_wait3A_231, %dma_wait3A_232] : memref<4x2x128xi32, #tpu.memory_space<vmem>> -> memref<1x2x128xi32, #tpu.memory_space<vmem>>
      %dma_wait3A_234 = tpu.memref_squeeze %dma_wait3A_233 : memref<1x2x128xi32, #tpu.memory_space<vmem>> -> memref<2x128xi32, #tpu.memory_space<vmem>>
      %dma_wait3A_235 = arith.constant 0 : i32
      %dma_wait3A_236 = arith.constant 0 : i32
      %dma_wait3A_237 = tpu.memref_slice %arg3[%add3A, %dma_wait3A_221, %dma_wait3A_235, %dma_wait3A_236] : memref<32x80x2x128xi32, #tpu.memory_space<hbm>> -> memref<1x1x2x128xi32, #tpu.memory_space<hbm>>
      %dma_wait3A_238 = tpu.memref_squeeze %dma_wait3A_237 : memref<1x1x2x128xi32, #tpu.memory_space<hbm>> -> memref<2x128xi32, #tpu.memory_space<hbm>>
      tpu.wait_dma2 semaphore(%arg12 : memref<!tpu.dma_semaphore, #tpu.memory_space<semaphore_mem>>) src(%dma_wait3A_238 : memref<2x128xi32, #tpu.memory_space<hbm>>) dst(%dma_wait3A_234 : memref<2x128xi32, #tpu.memory_space<vmem>>)
      %dma_start3A_239 = arith.constant 2 : i32
      %dma_start3A_240 = arith.constant 0 : i32
      %dma_start3A_241 = arith.constant 0 : i32
      %dma_start3A_242 = tpu.memref_slice %arg6[%dma_start3A_239, %dma_start3A_240, %dma_start3A_241] : memref<4x2x128xi32, #tpu.memory_space<vmem>> -> memref<1x1x128xi32, #tpu.memory_space<vmem>>
      %dma_start3A_243 = tpu.memref_squeeze %dma_start3A_242 : memref<1x1x128xi32, #tpu.memory_space<vmem>> -> memref<128xi32, #tpu.memory_space<vmem>>
      %dma_start3A_244 = arith.constant 0 : i32
      %dma_start3A_245 = arith.constant 0 : i32
      %dma_start3A_246 = tpu.memref_slice %arg2[%dma_start3A_244, %dma_start3A_245] : memref<10240x128xf32, #tpu.memory_space<hbm>> -> memref<10240x128xf32, #tpu.memory_space<hbm>>
      tpu.enqueue_indirect_dma source(%dma_start3A_246 : memref<10240x128xf32, #tpu.memory_space<hbm>>) target(%arg7 : memref<128x128xf32, #tpu.memory_space<vmem>>) offsets(%dma_start3A_243 : memref<128xi32, #tpu.memory_space<vmem>>) semaphore(%arg14 : memref<!tpu.dma_semaphore, #tpu.memory_space<semaphore_mem>>)
      %dma_wait3A_247 = arith.constant 0 : i32
      %dma_wait3A_248 = arith.constant 0 : i32
      %dma_wait3A_249 = tpu.memref_slice %arg2[%dma_wait3A_247, %dma_wait3A_248] : memref<10240x128xf32, #tpu.memory_space<hbm>> -> memref<128x128xf32, #tpu.memory_space<hbm>>
      %dma_wait3A_250 = arith.constant 0 : i32
      %dma_wait3A_251 = arith.constant 0 : i32
      %dma_wait3A_252 = tpu.memref_slice %arg2[%dma_wait3A_250, %dma_wait3A_251] : memref<10240x128xf32, #tpu.memory_space<hbm>> -> memref<128x128xf32, #tpu.memory_space<hbm>>
      tpu.wait_dma2 semaphore(%arg15 : memref<!tpu.dma_semaphore, #tpu.memory_space<semaphore_mem>>) src(%dma_wait3A_252 : memref<128x128xf32, #tpu.memory_space<hbm>>) dst(%arg8 : memref<128x128xf32, #tpu.memory_space<vmem>>)
      %run_scoped3A_253 = arith.constant 1 : i32
      %run_scoped3A_254 = arith.constant 1 : i32
      "tpu.region"() ({
        %run_scoped3A_418 = tpu.sem_alloc : memref<!tpu.dma_semaphore, #tpu.memory_space<semaphore_mem>>
        %dma_start3A_419 = arith.constant 0 : i32
        %dma_start3A_420 = tpu.memref_slice %arg6[%run_scoped3A_253, %run_scoped3A_254, %dma_start3A_419] : memref<4x2x128xi32, #tpu.memory_space<vmem>> -> memref<1x1x128xi32, #tpu.memory_space<vmem>>
        %dma_start3A_421 = tpu.memref_squeeze %dma_start3A_420 : memref<1x1x128xi32, #tpu.memory_space<vmem>> -> memref<128xi32, #tpu.memory_space<vmem>>
        %dma_start3A_422 = arith.constant 0 : i32
        %dma_start3A_423 = arith.constant 0 : i32
        %dma_start3A_424 = tpu.memref_slice %arg9[%dma_start3A_422, %dma_start3A_423] : memref<10240x128xf32, #tpu.memory_space<vmem_shared>> -> memref<10240x128xf32, #tpu.memory_space<vmem_shared>>
        tpu.enqueue_indirect_dma source(%arg8 : memref<128x128xf32, #tpu.memory_space<vmem>>) target(%dma_start3A_424 : memref<10240x128xf32, #tpu.memory_space<vmem_shared>>) offsets(%dma_start3A_421 : memref<128xi32, #tpu.memory_space<vmem>>) semaphore(%run_scoped3A_418 : memref<!tpu.dma_semaphore, #tpu.memory_space<semaphore_mem>>) {add = true}
        %dma_wait3A_425 = arith.constant 0 : i32
        %dma_wait3A_426 = tpu.memref_slice %arg6[%run_scoped3A_253, %run_scoped3A_254, %dma_wait3A_425] : memref<4x2x128xi32, #tpu.memory_space<vmem>> -> memref<1x1x128xi32, #tpu.memory_space<vmem>>
        %dma_wait3A_427 = tpu.memref_squeeze %dma_wait3A_426 : memref<1x1x128xi32, #tpu.memory_space<vmem>> -> memref<128xi32, #tpu.memory_space<vmem>>
        %dma_wait3A_428 = arith.constant 0 : i32
        %dma_wait3A_429 = arith.constant 0 : i32
        %dma_wait3A_430 = tpu.memref_slice %arg9[%dma_wait3A_428, %dma_wait3A_429] : memref<10240x128xf32, #tpu.memory_space<vmem_shared>> -> memref<10240x128xf32, #tpu.memory_space<vmem_shared>>
        tpu.wait_indirect_dma semaphore(%run_scoped3A_418 : memref<!tpu.dma_semaphore, #tpu.memory_space<semaphore_mem>>) src(%arg8 : memref<128x128xf32, #tpu.memory_space<vmem>>) dst(%dma_wait3A_430 : memref<10240x128xf32, #tpu.memory_space<vmem_shared>>)
        tpu.yield
      }) : () -> ()
      %add3A_255 = arith.constant 1 : i32
      %add3A_256 = arith.addi %mul3A_191, %add3A_255 : i32
      %add3A_257 = arith.constant 4 : i32
      %add3A_258 = arith.addi %add3A_256, %add3A_257 : i32
      %min3A_259 = arith.constant 79 : i32
      %min3A_260 = arith.minsi %add3A_258, %min3A_259 : i32
      %dma_start3A_261 = arith.constant 1 : i32
      %dma_start3A_262 = arith.constant 0 : i32
      %dma_start3A_263 = arith.constant 0 : i32
      %dma_start3A_264 = tpu.memref_slice %arg6[%dma_start3A_261, %dma_start3A_262, %dma_start3A_263] : memref<4x2x128xi32, #tpu.memory_space<vmem>> -> memref<1x2x128xi32, #tpu.memory_space<vmem>>
      %dma_start3A_265 = tpu.memref_squeeze %dma_start3A_264 : memref<1x2x128xi32, #tpu.memory_space<vmem>> -> memref<2x128xi32, #tpu.memory_space<vmem>>
      %dma_start3A_266 = arith.constant 0 : i32
      %dma_start3A_267 = arith.constant 0 : i32
      %dma_start3A_268 = tpu.memref_slice %arg3[%add3A, %min3A_260, %dma_start3A_266, %dma_start3A_267] : memref<32x80x2x128xi32, #tpu.memory_space<hbm>> -> memref<1x1x2x128xi32, #tpu.memory_space<hbm>>
      %dma_start3A_269 = tpu.memref_squeeze %dma_start3A_268 : memref<1x1x2x128xi32, #tpu.memory_space<hbm>> -> memref<2x128xi32, #tpu.memory_space<hbm>>
      %dma_start3A_270 = arith.constant 0 : i32
      %dma_start3A_271 = arith.constant 0 : i32
      %dma_start3A_272 = tpu.memref_slice %arg6[%dma_start3A_261, %dma_start3A_270, %dma_start3A_271] : memref<4x2x128xi32, #tpu.memory_space<vmem>> -> memref<1x2x128xi32, #tpu.memory_space<vmem>>
      %dma_start3A_273 = tpu.memref_squeeze %dma_start3A_272 : memref<1x2x128xi32, #tpu.memory_space<vmem>> -> memref<2x128xi32, #tpu.memory_space<vmem>>
      %dma_start3A_274 = arith.constant 0 : i32
      %dma_start3A_275 = arith.constant 0 : i32
      %dma_start3A_276 = tpu.memref_slice %arg3[%add3A, %min3A_260, %dma_start3A_274, %dma_start3A_275] : memref<32x80x2x128xi32, #tpu.memory_space<hbm>> -> memref<1x1x2x128xi32, #tpu.memory_space<hbm>>
      %dma_start3A_277 = tpu.memref_squeeze %dma_start3A_276 : memref<1x1x2x128xi32, #tpu.memory_space<hbm>> -> memref<2x128xi32, #tpu.memory_space<hbm>>
      tpu.enqueue_dma source(%dma_start3A_277 : memref<2x128xi32, #tpu.memory_space<hbm>>) target(%dma_start3A_273 : memref<2x128xi32, #tpu.memory_space<vmem>>) target_semaphore(%arg11 : memref<!tpu.dma_semaphore, #tpu.memory_space<semaphore_mem>>)
      %dma_wait3A_278 = arith.constant 0 : i32
      %dma_wait3A_279 = arith.constant 3 : i32
      %dma_wait3A_280 = arith.constant 0 : i32
      %dma_wait3A_281 = arith.constant 0 : i32
      %dma_wait3A_282 = tpu.memref_slice %arg6[%dma_wait3A_279, %dma_wait3A_280, %dma_wait3A_281] : memref<4x2x128xi32, #tpu.memory_space<vmem>> -> memref<1x2x128xi32, #tpu.memory_space<vmem>>
      %dma_wait3A_283 = tpu.memref_squeeze %dma_wait3A_282 : memref<1x2x128xi32, #tpu.memory_space<vmem>> -> memref<2x128xi32, #tpu.memory_space<vmem>>
      %dma_wait3A_284 = arith.constant 0 : i32
      %dma_wait3A_285 = arith.constant 0 : i32
      %dma_wait3A_286 = tpu.memref_slice %arg3[%add3A, %dma_wait3A_278, %dma_wait3A_284, %dma_wait3A_285] : memref<32x80x2x128xi32, #tpu.memory_space<hbm>> -> memref<1x1x2x128xi32, #tpu.memory_space<hbm>>
      %dma_wait3A_287 = tpu.memref_squeeze %dma_wait3A_286 : memref<1x1x2x128xi32, #tpu.memory_space<hbm>> -> memref<2x128xi32, #tpu.memory_space<hbm>>
      %dma_wait3A_288 = arith.constant 0 : i32
      %dma_wait3A_289 = arith.constant 0 : i32
      %dma_wait3A_290 = tpu.memref_slice %arg6[%dma_wait3A_279, %dma_wait3A_288, %dma_wait3A_289] : memref<4x2x128xi32, #tpu.memory_space<vmem>> -> memref<1x2x128xi32, #tpu.memory_space<vmem>>
      %dma_wait3A_291 = tpu.memref_squeeze %dma_wait3A_290 : memref<1x2x128xi32, #tpu.memory_space<vmem>> -> memref<2x128xi32, #tpu.memory_space<vmem>>
      %dma_wait3A_292 = arith.constant 0 : i32
      %dma_wait3A_293 = arith.constant 0 : i32
      %dma_wait3A_294 = tpu.memref_slice %arg3[%add3A, %dma_wait3A_278, %dma_wait3A_292, %dma_wait3A_293] : memref<32x80x2x128xi32, #tpu.memory_space<hbm>> -> memref<1x1x2x128xi32, #tpu.memory_space<hbm>>
      %dma_wait3A_295 = tpu.memref_squeeze %dma_wait3A_294 : memref<1x1x2x128xi32, #tpu.memory_space<hbm>> -> memref<2x128xi32, #tpu.memory_space<hbm>>
      tpu.wait_dma2 semaphore(%arg13 : memref<!tpu.dma_semaphore, #tpu.memory_space<semaphore_mem>>) src(%dma_wait3A_295 : memref<2x128xi32, #tpu.memory_space<hbm>>) dst(%dma_wait3A_291 : memref<2x128xi32, #tpu.memory_space<vmem>>)
      %dma_start3A_296 = arith.constant 3 : i32
      %dma_start3A_297 = arith.constant 0 : i32
      %dma_start3A_298 = arith.constant 0 : i32
      %dma_start3A_299 = tpu.memref_slice %arg6[%dma_start3A_296, %dma_start3A_297, %dma_start3A_298] : memref<4x2x128xi32, #tpu.memory_space<vmem>> -> memref<1x1x128xi32, #tpu.memory_space<vmem>>
      %dma_start3A_300 = tpu.memref_squeeze %dma_start3A_299 : memref<1x1x128xi32, #tpu.memory_space<vmem>> -> memref<128xi32, #tpu.memory_space<vmem>>
      %dma_start3A_301 = arith.constant 0 : i32
      %dma_start3A_302 = arith.constant 0 : i32
      %dma_start3A_303 = tpu.memref_slice %arg2[%dma_start3A_301, %dma_start3A_302] : memref<10240x128xf32, #tpu.memory_space<hbm>> -> memref<10240x128xf32, #tpu.memory_space<hbm>>
      tpu.enqueue_indirect_dma source(%dma_start3A_303 : memref<10240x128xf32, #tpu.memory_space<hbm>>) target(%arg8 : memref<128x128xf32, #tpu.memory_space<vmem>>) offsets(%dma_start3A_300 : memref<128xi32, #tpu.memory_space<vmem>>) semaphore(%arg15 : memref<!tpu.dma_semaphore, #tpu.memory_space<semaphore_mem>>)
      %dma_wait3A_304 = arith.constant 0 : i32
      %dma_wait3A_305 = arith.constant 0 : i32
      %dma_wait3A_306 = tpu.memref_slice %arg2[%dma_wait3A_304, %dma_wait3A_305] : memref<10240x128xf32, #tpu.memory_space<hbm>> -> memref<128x128xf32, #tpu.memory_space<hbm>>
      %dma_wait3A_307 = arith.constant 0 : i32
      %dma_wait3A_308 = arith.constant 0 : i32
      %dma_wait3A_309 = tpu.memref_slice %arg2[%dma_wait3A_307, %dma_wait3A_308] : memref<10240x128xf32, #tpu.memory_space<hbm>> -> memref<128x128xf32, #tpu.memory_space<hbm>>
      tpu.wait_dma2 semaphore(%arg14 : memref<!tpu.dma_semaphore, #tpu.memory_space<semaphore_mem>>) src(%dma_wait3A_309 : memref<128x128xf32, #tpu.memory_space<hbm>>) dst(%arg7 : memref<128x128xf32, #tpu.memory_space<vmem>>)
      %run_scoped3A_310 = arith.constant 2 : i32
      %run_scoped3A_311 = arith.constant 1 : i32
      "tpu.region"() ({
        %run_scoped3A_418 = tpu.sem_alloc : memref<!tpu.dma_semaphore, #tpu.memory_space<semaphore_mem>>
        %dma_start3A_419 = arith.constant 0 : i32
        %dma_start3A_420 = tpu.memref_slice %arg6[%run_scoped3A_310, %run_scoped3A_311, %dma_start3A_419] : memref<4x2x128xi32, #tpu.memory_space<vmem>> -> memref<1x1x128xi32, #tpu.memory_space<vmem>>
        %dma_start3A_421 = tpu.memref_squeeze %dma_start3A_420 : memref<1x1x128xi32, #tpu.memory_space<vmem>> -> memref<128xi32, #tpu.memory_space<vmem>>
        %dma_start3A_422 = arith.constant 0 : i32
        %dma_start3A_423 = arith.constant 0 : i32
        %dma_start3A_424 = tpu.memref_slice %arg9[%dma_start3A_422, %dma_start3A_423] : memref<10240x128xf32, #tpu.memory_space<vmem_shared>> -> memref<10240x128xf32, #tpu.memory_space<vmem_shared>>
        tpu.enqueue_indirect_dma source(%arg7 : memref<128x128xf32, #tpu.memory_space<vmem>>) target(%dma_start3A_424 : memref<10240x128xf32, #tpu.memory_space<vmem_shared>>) offsets(%dma_start3A_421 : memref<128xi32, #tpu.memory_space<vmem>>) semaphore(%run_scoped3A_418 : memref<!tpu.dma_semaphore, #tpu.memory_space<semaphore_mem>>) {add = true}
        %dma_wait3A_425 = arith.constant 0 : i32
        %dma_wait3A_426 = tpu.memref_slice %arg6[%run_scoped3A_310, %run_scoped3A_311, %dma_wait3A_425] : memref<4x2x128xi32, #tpu.memory_space<vmem>> -> memref<1x1x128xi32, #tpu.memory_space<vmem>>
        %dma_wait3A_427 = tpu.memref_squeeze %dma_wait3A_426 : memref<1x1x128xi32, #tpu.memory_space<vmem>> -> memref<128xi32, #tpu.memory_space<vmem>>
        %dma_wait3A_428 = arith.constant 0 : i32
        %dma_wait3A_429 = arith.constant 0 : i32
        %dma_wait3A_430 = tpu.memref_slice %arg9[%dma_wait3A_428, %dma_wait3A_429] : memref<10240x128xf32, #tpu.memory_space<vmem_shared>> -> memref<10240x128xf32, #tpu.memory_space<vmem_shared>>
        tpu.wait_indirect_dma semaphore(%run_scoped3A_418 : memref<!tpu.dma_semaphore, #tpu.memory_space<semaphore_mem>>) src(%arg7 : memref<128x128xf32, #tpu.memory_space<vmem>>) dst(%dma_wait3A_430 : memref<10240x128xf32, #tpu.memory_space<vmem_shared>>)
        tpu.yield
      }) : () -> ()
      %add3A_312 = arith.constant 2 : i32
      %add3A_313 = arith.addi %mul3A_191, %add3A_312 : i32
      %add3A_314 = arith.constant 4 : i32
      %add3A_315 = arith.addi %add3A_313, %add3A_314 : i32
      %min3A_316 = arith.constant 79 : i32
      %min3A_317 = arith.minsi %add3A_315, %min3A_316 : i32
      %dma_start3A_318 = arith.constant 2 : i32
      %dma_start3A_319 = arith.constant 0 : i32
      %dma_start3A_320 = arith.constant 0 : i32
      %dma_start3A_321 = tpu.memref_slice %arg6[%dma_start3A_318, %dma_start3A_319, %dma_start3A_320] : memref<4x2x128xi32, #tpu.memory_space<vmem>> -> memref<1x2x128xi32, #tpu.memory_space<vmem>>
      %dma_start3A_322 = tpu.memref_squeeze %dma_start3A_321 : memref<1x2x128xi32, #tpu.memory_space<vmem>> -> memref<2x128xi32, #tpu.memory_space<vmem>>
      %dma_start3A_323 = arith.constant 0 : i32
      %dma_start3A_324 = arith.constant 0 : i32
      %dma_start3A_325 = tpu.memref_slice %arg3[%add3A, %min3A_317, %dma_start3A_323, %dma_start3A_324] : memref<32x80x2x128xi32, #tpu.memory_space<hbm>> -> memref<1x1x2x128xi32, #tpu.memory_space<hbm>>
      %dma_start3A_326 = tpu.memref_squeeze %dma_start3A_325 : memref<1x1x2x128xi32, #tpu.memory_space<hbm>> -> memref<2x128xi32, #tpu.memory_space<hbm>>
      %dma_start3A_327 = arith.constant 0 : i32
      %dma_start3A_328 = arith.constant 0 : i32
      %dma_start3A_329 = tpu.memref_slice %arg6[%dma_start3A_318, %dma_start3A_327, %dma_start3A_328] : memref<4x2x128xi32, #tpu.memory_space<vmem>> -> memref<1x2x128xi32, #tpu.memory_space<vmem>>
      %dma_start3A_330 = tpu.memref_squeeze %dma_start3A_329 : memref<1x2x128xi32, #tpu.memory_space<vmem>> -> memref<2x128xi32, #tpu.memory_space<vmem>>
      %dma_start3A_331 = arith.constant 0 : i32
      %dma_start3A_332 = arith.constant 0 : i32
      %dma_start3A_333 = tpu.memref_slice %arg3[%add3A, %min3A_317, %dma_start3A_331, %dma_start3A_332] : memref<32x80x2x128xi32, #tpu.memory_space<hbm>> -> memref<1x1x2x128xi32, #tpu.memory_space<hbm>>
      %dma_start3A_334 = tpu.memref_squeeze %dma_start3A_333 : memref<1x1x2x128xi32, #tpu.memory_space<hbm>> -> memref<2x128xi32, #tpu.memory_space<hbm>>
      tpu.enqueue_dma source(%dma_start3A_334 : memref<2x128xi32, #tpu.memory_space<hbm>>) target(%dma_start3A_330 : memref<2x128xi32, #tpu.memory_space<vmem>>) target_semaphore(%arg12 : memref<!tpu.dma_semaphore, #tpu.memory_space<semaphore_mem>>)
      %dma_wait3A_335 = arith.constant 0 : i32
      %dma_wait3A_336 = arith.constant 0 : i32
      %dma_wait3A_337 = arith.constant 0 : i32
      %dma_wait3A_338 = arith.constant 0 : i32
      %dma_wait3A_339 = tpu.memref_slice %arg6[%dma_wait3A_336, %dma_wait3A_337, %dma_wait3A_338] : memref<4x2x128xi32, #tpu.memory_space<vmem>> -> memref<1x2x128xi32, #tpu.memory_space<vmem>>
      %dma_wait3A_340 = tpu.memref_squeeze %dma_wait3A_339 : memref<1x2x128xi32, #tpu.memory_space<vmem>> -> memref<2x128xi32, #tpu.memory_space<vmem>>
      %dma_wait3A_341 = arith.constant 0 : i32
      %dma_wait3A_342 = arith.constant 0 : i32
      %dma_wait3A_343 = tpu.memref_slice %arg3[%add3A, %dma_wait3A_335, %dma_wait3A_341, %dma_wait3A_342] : memref<32x80x2x128xi32, #tpu.memory_space<hbm>> -> memref<1x1x2x128xi32, #tpu.memory_space<hbm>>
      %dma_wait3A_344 = tpu.memref_squeeze %dma_wait3A_343 : memref<1x1x2x128xi32, #tpu.memory_space<hbm>> -> memref<2x128xi32, #tpu.memory_space<hbm>>
      %dma_wait3A_345 = arith.constant 0 : i32
      %dma_wait3A_346 = arith.constant 0 : i32
      %dma_wait3A_347 = tpu.memref_slice %arg6[%dma_wait3A_336, %dma_wait3A_345, %dma_wait3A_346] : memref<4x2x128xi32, #tpu.memory_space<vmem>> -> memref<1x2x128xi32, #tpu.memory_space<vmem>>
      %dma_wait3A_348 = tpu.memref_squeeze %dma_wait3A_347 : memref<1x2x128xi32, #tpu.memory_space<vmem>> -> memref<2x128xi32, #tpu.memory_space<vmem>>
      %dma_wait3A_349 = arith.constant 0 : i32
      %dma_wait3A_350 = arith.constant 0 : i32
      %dma_wait3A_351 = tpu.memref_slice %arg3[%add3A, %dma_wait3A_335, %dma_wait3A_349, %dma_wait3A_350] : memref<32x80x2x128xi32, #tpu.memory_space<hbm>> -> memref<1x1x2x128xi32, #tpu.memory_space<hbm>>
      %dma_wait3A_352 = tpu.memref_squeeze %dma_wait3A_351 : memref<1x1x2x128xi32, #tpu.memory_space<hbm>> -> memref<2x128xi32, #tpu.memory_space<hbm>>
      tpu.wait_dma2 semaphore(%arg10 : memref<!tpu.dma_semaphore, #tpu.memory_space<semaphore_mem>>) src(%dma_wait3A_352 : memref<2x128xi32, #tpu.memory_space<hbm>>) dst(%dma_wait3A_348 : memref<2x128xi32, #tpu.memory_space<vmem>>)
      %dma_start3A_353 = arith.constant 0 : i32
      %dma_start3A_354 = arith.constant 0 : i32
      %dma_start3A_355 = arith.constant 0 : i32
      %dma_start3A_356 = tpu.memref_slice %arg6[%dma_start3A_353, %dma_start3A_354, %dma_start3A_355] : memref<4x2x128xi32, #tpu.memory_space<vmem>> -> memref<1x1x128xi32, #tpu.memory_space<vmem>>
      %dma_start3A_357 = tpu.memref_squeeze %dma_start3A_356 : memref<1x1x128xi32, #tpu.memory_space<vmem>> -> memref<128xi32, #tpu.memory_space<vmem>>
      %dma_start3A_358 = arith.constant 0 : i32
      %dma_start3A_359 = arith.constant 0 : i32
      %dma_start3A_360 = tpu.memref_slice %arg2[%dma_start3A_358, %dma_start3A_359] : memref<10240x128xf32, #tpu.memory_space<hbm>> -> memref<10240x128xf32, #tpu.memory_space<hbm>>
      tpu.enqueue_indirect_dma source(%dma_start3A_360 : memref<10240x128xf32, #tpu.memory_space<hbm>>) target(%arg7 : memref<128x128xf32, #tpu.memory_space<vmem>>) offsets(%dma_start3A_357 : memref<128xi32, #tpu.memory_space<vmem>>) semaphore(%arg14 : memref<!tpu.dma_semaphore, #tpu.memory_space<semaphore_mem>>)
      %dma_wait3A_361 = arith.constant 0 : i32
      %dma_wait3A_362 = arith.constant 0 : i32
      %dma_wait3A_363 = tpu.memref_slice %arg2[%dma_wait3A_361, %dma_wait3A_362] : memref<10240x128xf32, #tpu.memory_space<hbm>> -> memref<128x128xf32, #tpu.memory_space<hbm>>
      %dma_wait3A_364 = arith.constant 0 : i32
      %dma_wait3A_365 = arith.constant 0 : i32
      %dma_wait3A_366 = tpu.memref_slice %arg2[%dma_wait3A_364, %dma_wait3A_365] : memref<10240x128xf32, #tpu.memory_space<hbm>> -> memref<128x128xf32, #tpu.memory_space<hbm>>
      tpu.wait_dma2 semaphore(%arg15 : memref<!tpu.dma_semaphore, #tpu.memory_space<semaphore_mem>>) src(%dma_wait3A_366 : memref<128x128xf32, #tpu.memory_space<hbm>>) dst(%arg8 : memref<128x128xf32, #tpu.memory_space<vmem>>)
      %run_scoped3A_367 = arith.constant 3 : i32
      %run_scoped3A_368 = arith.constant 1 : i32
      "tpu.region"() ({
        %run_scoped3A_418 = tpu.sem_alloc : memref<!tpu.dma_semaphore, #tpu.memory_space<semaphore_mem>>
        %dma_start3A_419 = arith.constant 0 : i32
        %dma_start3A_420 = tpu.memref_slice %arg6[%run_scoped3A_367, %run_scoped3A_368, %dma_start3A_419] : memref<4x2x128xi32, #tpu.memory_space<vmem>> -> memref<1x1x128xi32, #tpu.memory_space<vmem>>
        %dma_start3A_421 = tpu.memref_squeeze %dma_start3A_420 : memref<1x1x128xi32, #tpu.memory_space<vmem>> -> memref<128xi32, #tpu.memory_space<vmem>>
        %dma_start3A_422 = arith.constant 0 : i32
        %dma_start3A_423 = arith.constant 0 : i32
        %dma_start3A_424 = tpu.memref_slice %arg9[%dma_start3A_422, %dma_start3A_423] : memref<10240x128xf32, #tpu.memory_space<vmem_shared>> -> memref<10240x128xf32, #tpu.memory_space<vmem_shared>>
        tpu.enqueue_indirect_dma source(%arg8 : memref<128x128xf32, #tpu.memory_space<vmem>>) target(%dma_start3A_424 : memref<10240x128xf32, #tpu.memory_space<vmem_shared>>) offsets(%dma_start3A_421 : memref<128xi32, #tpu.memory_space<vmem>>) semaphore(%run_scoped3A_418 : memref<!tpu.dma_semaphore, #tpu.memory_space<semaphore_mem>>) {add = true}
        %dma_wait3A_425 = arith.constant 0 : i32
        %dma_wait3A_426 = tpu.memref_slice %arg6[%run_scoped3A_367, %run_scoped3A_368, %dma_wait3A_425] : memref<4x2x128xi32, #tpu.memory_space<vmem>> -> memref<1x1x128xi32, #tpu.memory_space<vmem>>
        %dma_wait3A_427 = tpu.memref_squeeze %dma_wait3A_426 : memref<1x1x128xi32, #tpu.memory_space<vmem>> -> memref<128xi32, #tpu.memory_space<vmem>>
        %dma_wait3A_428 = arith.constant 0 : i32
        %dma_wait3A_429 = arith.constant 0 : i32
        %dma_wait3A_430 = tpu.memref_slice %arg9[%dma_wait3A_428, %dma_wait3A_429] : memref<10240x128xf32, #tpu.memory_space<vmem_shared>> -> memref<10240x128xf32, #tpu.memory_space<vmem_shared>>
        tpu.wait_indirect_dma semaphore(%run_scoped3A_418 : memref<!tpu.dma_semaphore, #tpu.memory_space<semaphore_mem>>) src(%arg8 : memref<128x128xf32, #tpu.memory_space<vmem>>) dst(%dma_wait3A_430 : memref<10240x128xf32, #tpu.memory_space<vmem_shared>>)
        tpu.yield
      }) : () -> ()
      %add3A_369 = arith.constant 3 : i32
      %add3A_370 = arith.addi %mul3A_191, %add3A_369 : i32
      %add3A_371 = arith.constant 4 : i32
      %add3A_372 = arith.addi %add3A_370, %add3A_371 : i32
      %min3A_373 = arith.constant 79 : i32
      %min3A_374 = arith.minsi %add3A_372, %min3A_373 : i32
      %dma_start3A_375 = arith.constant 3 : i32
      %dma_start3A_376 = arith.constant 0 : i32
      %dma_start3A_377 = arith.constant 0 : i32
      %dma_start3A_378 = tpu.memref_slice %arg6[%dma_start3A_375, %dma_start3A_376, %dma_start3A_377] : memref<4x2x128xi32, #tpu.memory_space<vmem>> -> memref<1x2x128xi32, #tpu.memory_space<vmem>>
      %dma_start3A_379 = tpu.memref_squeeze %dma_start3A_378 : memref<1x2x128xi32, #tpu.memory_space<vmem>> -> memref<2x128xi32, #tpu.memory_space<vmem>>
      %dma_start3A_380 = arith.constant 0 : i32
      %dma_start3A_381 = arith.constant 0 : i32
      %dma_start3A_382 = tpu.memref_slice %arg3[%add3A, %min3A_374, %dma_start3A_380, %dma_start3A_381] : memref<32x80x2x128xi32, #tpu.memory_space<hbm>> -> memref<1x1x2x128xi32, #tpu.memory_space<hbm>>
      %dma_start3A_383 = tpu.memref_squeeze %dma_start3A_382 : memref<1x1x2x128xi32, #tpu.memory_space<hbm>> -> memref<2x128xi32, #tpu.memory_space<hbm>>
      %dma_start3A_384 = arith.constant 0 : i32
      %dma_start3A_385 = arith.constant 0 : i32
      %dma_start3A_386 = tpu.memref_slice %arg6[%dma_start3A_375, %dma_start3A_384, %dma_start3A_385] : memref<4x2x128xi32, #tpu.memory_space<vmem>> -> memref<1x2x128xi32, #tpu.memory_space<vmem>>
      %dma_start3A_387 = tpu.memref_squeeze %dma_start3A_386 : memref<1x2x128xi32, #tpu.memory_space<vmem>> -> memref<2x128xi32, #tpu.memory_space<vmem>>
      %dma_start3A_388 = arith.constant 0 : i32
      %dma_start3A_389 = arith.constant 0 : i32
      %dma_start3A_390 = tpu.memref_slice %arg3[%add3A, %min3A_374, %dma_start3A_388, %dma_start3A_389] : memref<32x80x2x128xi32, #tpu.memory_space<hbm>> -> memref<1x1x2x128xi32, #tpu.memory_space<hbm>>
      %dma_start3A_391 = tpu.memref_squeeze %dma_start3A_390 : memref<1x1x2x128xi32, #tpu.memory_space<hbm>> -> memref<2x128xi32, #tpu.memory_space<hbm>>
      tpu.enqueue_dma source(%dma_start3A_391 : memref<2x128xi32, #tpu.memory_space<hbm>>) target(%dma_start3A_387 : memref<2x128xi32, #tpu.memory_space<vmem>>) target_semaphore(%arg13 : memref<!tpu.dma_semaphore, #tpu.memory_space<semaphore_mem>>)
      %dma_wait3A_392 = arith.constant 0 : i32
      %dma_wait3A_393 = arith.constant 1 : i32
      %dma_wait3A_394 = arith.constant 0 : i32
      %dma_wait3A_395 = arith.constant 0 : i32
      %dma_wait3A_396 = tpu.memref_slice %arg6[%dma_wait3A_393, %dma_wait3A_394, %dma_wait3A_395] : memref<4x2x128xi32, #tpu.memory_space<vmem>> -> memref<1x2x128xi32, #tpu.memory_space<vmem>>
      %dma_wait3A_397 = tpu.memref_squeeze %dma_wait3A_396 : memref<1x2x128xi32, #tpu.memory_space<vmem>> -> memref<2x128xi32, #tpu.memory_space<vmem>>
      %dma_wait3A_398 = arith.constant 0 : i32
      %dma_wait3A_399 = arith.constant 0 : i32
      %dma_wait3A_400 = tpu.memref_slice %arg3[%add3A, %dma_wait3A_392, %dma_wait3A_398, %dma_wait3A_399] : memref<32x80x2x128xi32, #tpu.memory_space<hbm>> -> memref<1x1x2x128xi32, #tpu.memory_space<hbm>>
      %dma_wait3A_401 = tpu.memref_squeeze %dma_wait3A_400 : memref<1x1x2x128xi32, #tpu.memory_space<hbm>> -> memref<2x128xi32, #tpu.memory_space<hbm>>
      %dma_wait3A_402 = arith.constant 0 : i32
      %dma_wait3A_403 = arith.constant 0 : i32
      %dma_wait3A_404 = tpu.memref_slice %arg6[%dma_wait3A_393, %dma_wait3A_402, %dma_wait3A_403] : memref<4x2x128xi32, #tpu.memory_space<vmem>> -> memref<1x2x128xi32, #tpu.memory_space<vmem>>
      %dma_wait3A_405 = tpu.memref_squeeze %dma_wait3A_404 : memref<1x2x128xi32, #tpu.memory_space<vmem>> -> memref<2x128xi32, #tpu.memory_space<vmem>>
      %dma_wait3A_406 = arith.constant 0 : i32
      %dma_wait3A_407 = arith.constant 0 : i32
      %dma_wait3A_408 = tpu.memref_slice %arg3[%add3A, %dma_wait3A_392, %dma_wait3A_406, %dma_wait3A_407] : memref<32x80x2x128xi32, #tpu.memory_space<hbm>> -> memref<1x1x2x128xi32, #tpu.memory_space<hbm>>
      %dma_wait3A_409 = tpu.memref_squeeze %dma_wait3A_408 : memref<1x1x2x128xi32, #tpu.memory_space<hbm>> -> memref<2x128xi32, #tpu.memory_space<hbm>>
      tpu.wait_dma2 semaphore(%arg11 : memref<!tpu.dma_semaphore, #tpu.memory_space<semaphore_mem>>) src(%dma_wait3A_409 : memref<2x128xi32, #tpu.memory_space<hbm>>) dst(%dma_wait3A_405 : memref<2x128xi32, #tpu.memory_space<vmem>>)
      %dma_start3A_410 = arith.constant 1 : i32
      %dma_start3A_411 = arith.constant 0 : i32
      %dma_start3A_412 = arith.constant 0 : i32
      %dma_start3A_413 = tpu.memref_slice %arg6[%dma_start3A_410, %dma_start3A_411, %dma_start3A_412] : memref<4x2x128xi32, #tpu.memory_space<vmem>> -> memref<1x1x128xi32, #tpu.memory_space<vmem>>
      %dma_start3A_414 = tpu.memref_squeeze %dma_start3A_413 : memref<1x1x128xi32, #tpu.memory_space<vmem>> -> memref<128xi32, #tpu.memory_space<vmem>>
      %dma_start3A_415 = arith.constant 0 : i32
      %dma_start3A_416 = arith.constant 0 : i32
      %dma_start3A_417 = tpu.memref_slice %arg2[%dma_start3A_415, %dma_start3A_416] : memref<10240x128xf32, #tpu.memory_space<hbm>> -> memref<10240x128xf32, #tpu.memory_space<hbm>>
      tpu.enqueue_indirect_dma source(%dma_start3A_417 : memref<10240x128xf32, #tpu.memory_space<hbm>>) target(%arg8 : memref<128x128xf32, #tpu.memory_space<vmem>>) offsets(%dma_start3A_414 : memref<128xi32, #tpu.memory_space<vmem>>) semaphore(%arg15 : memref<!tpu.dma_semaphore, #tpu.memory_space<semaphore_mem>>)
    }
    %scan3A_139 = arith.constant 20 : i32
    %dma_wait3A_140 = arith.constant 0 : i32
    %dma_wait3A_141 = arith.constant 2 : i32
    %dma_wait3A_142 = arith.constant 0 : i32
    %dma_wait3A_143 = arith.constant 0 : i32
    %dma_wait3A_144 = tpu.memref_slice %arg6[%dma_wait3A_141, %dma_wait3A_142, %dma_wait3A_143] : memref<4x2x128xi32, #tpu.memory_space<vmem>> -> memref<1x2x128xi32, #tpu.memory_space<vmem>>
    %dma_wait3A_145 = tpu.memref_squeeze %dma_wait3A_144 : memref<1x2x128xi32, #tpu.memory_space<vmem>> -> memref<2x128xi32, #tpu.memory_space<vmem>>
    %dma_wait3A_146 = arith.constant 0 : i32
    %dma_wait3A_147 = arith.constant 0 : i32
    %dma_wait3A_148 = tpu.memref_slice %arg3[%add3A, %dma_wait3A_140, %dma_wait3A_146, %dma_wait3A_147] : memref<32x80x2x128xi32, #tpu.memory_space<hbm>> -> memref<1x1x2x128xi32, #tpu.memory_space<hbm>>
    %dma_wait3A_149 = tpu.memref_squeeze %dma_wait3A_148 : memref<1x1x2x128xi32, #tpu.memory_space<hbm>> -> memref<2x128xi32, #tpu.memory_space<hbm>>
    %dma_wait3A_150 = arith.constant 0 : i32
    %dma_wait3A_151 = arith.constant 0 : i32
    %dma_wait3A_152 = tpu.memref_slice %arg6[%dma_wait3A_141, %dma_wait3A_150, %dma_wait3A_151] : memref<4x2x128xi32, #tpu.memory_space<vmem>> -> memref<1x2x128xi32, #tpu.memory_space<vmem>>
    %dma_wait3A_153 = tpu.memref_squeeze %dma_wait3A_152 : memref<1x2x128xi32, #tpu.memory_space<vmem>> -> memref<2x128xi32, #tpu.memory_space<vmem>>
    %dma_wait3A_154 = arith.constant 0 : i32
    %dma_wait3A_155 = arith.constant 0 : i32
    %dma_wait3A_156 = tpu.memref_slice %arg3[%add3A, %dma_wait3A_140, %dma_wait3A_154, %dma_wait3A_155] : memref<32x80x2x128xi32, #tpu.memory_space<hbm>> -> memref<1x1x2x128xi32, #tpu.memory_space<hbm>>
    %dma_wait3A_157 = tpu.memref_squeeze %dma_wait3A_156 : memref<1x1x2x128xi32, #tpu.memory_space<hbm>> -> memref<2x128xi32, #tpu.memory_space<hbm>>
    tpu.wait_dma2 semaphore(%arg12 : memref<!tpu.dma_semaphore, #tpu.memory_space<semaphore_mem>>) src(%dma_wait3A_157 : memref<2x128xi32, #tpu.memory_space<hbm>>) dst(%dma_wait3A_153 : memref<2x128xi32, #tpu.memory_space<vmem>>)
    %dma_wait3A_158 = arith.constant 0 : i32
    %dma_wait3A_159 = arith.constant 3 : i32
    %dma_wait3A_160 = arith.constant 0 : i32
    %dma_wait3A_161 = arith.constant 0 : i32
    %dma_wait3A_162 = tpu.memref_slice %arg6[%dma_wait3A_159, %dma_wait3A_160, %dma_wait3A_161] : memref<4x2x128xi32, #tpu.memory_space<vmem>> -> memref<1x2x128xi32, #tpu.memory_space<vmem>>
    %dma_wait3A_163 = tpu.memref_squeeze %dma_wait3A_162 : memref<1x2x128xi32, #tpu.memory_space<vmem>> -> memref<2x128xi32, #tpu.memory_space<vmem>>
    %dma_wait3A_164 = arith.constant 0 : i32
    %dma_wait3A_165 = arith.constant 0 : i32
    %dma_wait3A_166 = tpu.memref_slice %arg3[%add3A, %dma_wait3A_158, %dma_wait3A_164, %dma_wait3A_165] : memref<32x80x2x128xi32, #tpu.memory_space<hbm>> -> memref<1x1x2x128xi32, #tpu.memory_space<hbm>>
    %dma_wait3A_167 = tpu.memref_squeeze %dma_wait3A_166 : memref<1x1x2x128xi32, #tpu.memory_space<hbm>> -> memref<2x128xi32, #tpu.memory_space<hbm>>
    %dma_wait3A_168 = arith.constant 0 : i32
    %dma_wait3A_169 = arith.constant 0 : i32
    %dma_wait3A_170 = tpu.memref_slice %arg6[%dma_wait3A_159, %dma_wait3A_168, %dma_wait3A_169] : memref<4x2x128xi32, #tpu.memory_space<vmem>> -> memref<1x2x128xi32, #tpu.memory_space<vmem>>
    %dma_wait3A_171 = tpu.memref_squeeze %dma_wait3A_170 : memref<1x2x128xi32, #tpu.memory_space<vmem>> -> memref<2x128xi32, #tpu.memory_space<vmem>>
    %dma_wait3A_172 = arith.constant 0 : i32
    %dma_wait3A_173 = arith.constant 0 : i32
    %dma_wait3A_174 = tpu.memref_slice %arg3[%add3A, %dma_wait3A_158, %dma_wait3A_172, %dma_wait3A_173] : memref<32x80x2x128xi32, #tpu.memory_space<hbm>> -> memref<1x1x2x128xi32, #tpu.memory_space<hbm>>
    %dma_wait3A_175 = tpu.memref_squeeze %dma_wait3A_174 : memref<1x1x2x128xi32, #tpu.memory_space<hbm>> -> memref<2x128xi32, #tpu.memory_space<hbm>>
    tpu.wait_dma2 semaphore(%arg13 : memref<!tpu.dma_semaphore, #tpu.memory_space<semaphore_mem>>) src(%dma_wait3A_175 : memref<2x128xi32, #tpu.memory_space<hbm>>) dst(%dma_wait3A_171 : memref<2x128xi32, #tpu.memory_space<vmem>>)
    %dma_wait3A_176 = arith.constant 0 : i32
    %dma_wait3A_177 = arith.constant 0 : i32
    %dma_wait3A_178 = tpu.memref_slice %arg2[%dma_wait3A_176, %dma_wait3A_177] : memref<10240x128xf32, #tpu.memory_space<hbm>> -> memref<128x128xf32, #tpu.memory_space<hbm>>
    %dma_wait3A_179 = arith.constant 0 : i32
    %dma_wait3A_180 = arith.constant 0 : i32
    %dma_wait3A_181 = tpu.memref_slice %arg2[%dma_wait3A_179, %dma_wait3A_180] : memref<10240x128xf32, #tpu.memory_space<hbm>> -> memref<128x128xf32, #tpu.memory_space<hbm>>
    tpu.wait_dma2 semaphore(%arg14 : memref<!tpu.dma_semaphore, #tpu.memory_space<semaphore_mem>>) src(%dma_wait3A_181 : memref<128x128xf32, #tpu.memory_space<hbm>>) dst(%arg7 : memref<128x128xf32, #tpu.memory_space<vmem>>)
    %dma_wait3A_182 = arith.constant 0 : i32
    %dma_wait3A_183 = arith.constant 0 : i32
    %dma_wait3A_184 = tpu.memref_slice %arg2[%dma_wait3A_182, %dma_wait3A_183] : memref<10240x128xf32, #tpu.memory_space<hbm>> -> memref<128x128xf32, #tpu.memory_space<hbm>>
    %dma_wait3A_185 = arith.constant 0 : i32
    %dma_wait3A_186 = arith.constant 0 : i32
    %dma_wait3A_187 = tpu.memref_slice %arg2[%dma_wait3A_185, %dma_wait3A_186] : memref<10240x128xf32, #tpu.memory_space<hbm>> -> memref<128x128xf32, #tpu.memory_space<hbm>>
    tpu.wait_dma2 semaphore(%arg15 : memref<!tpu.dma_semaphore, #tpu.memory_space<semaphore_mem>>) src(%dma_wait3A_187 : memref<128x128xf32, #tpu.memory_space<hbm>>) dst(%arg8 : memref<128x128xf32, #tpu.memory_space<vmem>>)
    %barrier3A_188 = arith.constant 0 : index
    tpu.barrier barrier_id(%barrier3A_188)
    "tpu.region"() ({
      %run_scoped3A = tpu.sem_alloc : memref<!tpu.dma_semaphore, #tpu.memory_space<semaphore_mem>>
      %dma_start3A_189 = arith.constant 0 : i32
      %dma_start3A_190 = tpu.memref_slice %arg5[%arg0, %mul3A_2, %dma_start3A_189] : memref<2x10240x128xf32, #tpu.memory_space<hbm>> -> memref<1x640x128xf32, #tpu.memory_space<hbm>>
      %dma_start3A_191 = tpu.memref_squeeze %dma_start3A_190 : memref<1x640x128xf32, #tpu.memory_space<hbm>> -> memref<640x128xf32, #tpu.memory_space<hbm>>
      %dma_start3A_192 = arith.constant 0 : i32
      %dma_start3A_193 = tpu.memref_slice %arg9[%mul3A_2, %dma_start3A_192] : memref<10240x128xf32, #tpu.memory_space<vmem_shared>> -> memref<640x128xf32, #tpu.memory_space<vmem_shared>>
      tpu.enqueue_dma source(%dma_start3A_193 : memref<640x128xf32, #tpu.memory_space<vmem_shared>>) target(%dma_start3A_191 : memref<640x128xf32, #tpu.memory_space<hbm>>) target_semaphore(%run_scoped3A : memref<!tpu.dma_semaphore, #tpu.memory_space<semaphore_mem>>)
      %dma_wait3A_194 = arith.constant 0 : i32
      %dma_wait3A_195 = tpu.memref_slice %arg5[%arg0, %mul3A_2, %dma_wait3A_194] : memref<2x10240x128xf32, #tpu.memory_space<hbm>> -> memref<1x640x128xf32, #tpu.memory_space<hbm>>
      %dma_wait3A_196 = tpu.memref_squeeze %dma_wait3A_195 : memref<1x640x128xf32, #tpu.memory_space<hbm>> -> memref<640x128xf32, #tpu.memory_space<hbm>>
      %dma_wait3A_197 = arith.constant 0 : i32
      %dma_wait3A_198 = tpu.memref_slice %arg9[%mul3A_2, %dma_wait3A_197] : memref<10240x128xf32, #tpu.memory_space<vmem_shared>> -> memref<640x128xf32, #tpu.memory_space<vmem_shared>>
      tpu.wait_dma2 semaphore(%run_scoped3A : memref<!tpu.dma_semaphore, #tpu.memory_space<semaphore_mem>>) src(%dma_wait3A_198 : memref<640x128xf32, #tpu.memory_space<vmem_shared>>) dst(%dma_wait3A_196 : memref<640x128xf32, #tpu.memory_space<hbm>>)
      tpu.yield
    }) : () -> ()
    return
  }
}

module attributes {stable_mosaic.version = 14 : i64} {
  func.func @_tc_norms_body(%arg0: memref<2x2x10240x128xf32, #tpu.memory_space<vmem>>, %arg1: memref<10240x1xf32, #tpu.memory_space<vmem>>, %arg2: memref<10240x1xf32, #tpu.memory_space<vmem>>) attributes {dimension_semantics = [], scalar_prefetch = 0 : i64, scratch_operands = 0 : i64, tpu.core_type = #tpu.core_type<tc>} {
    %get3A = arith.constant 0 : index
    %get3A_0 = arith.constant 0 : index
    %get3A_1 = arith.constant 0 : index
    %get3A_2 = arith.constant 0 : index
    %get3A_3 = vector.load %arg0[%get3A, %get3A_0, %get3A_1, %get3A_2] : memref<2x2x10240x128xf32, #tpu.memory_space<vmem>>, vector<1x1x10240x1xf32>
    %get3A_4 = vector.shape_cast %get3A_3 : vector<1x1x10240x1xf32> to vector<10240x1xf32>
    %get3A_5 = arith.constant 1 : index
    %get3A_6 = arith.constant 0 : index
    %get3A_7 = arith.constant 0 : index
    %get3A_8 = arith.constant 0 : index
    %get3A_9 = vector.load %arg0[%get3A_5, %get3A_6, %get3A_7, %get3A_8] : memref<2x2x10240x128xf32, #tpu.memory_space<vmem>>, vector<1x1x10240x1xf32>
    %get3A_10 = vector.shape_cast %get3A_9 : vector<1x1x10240x1xf32> to vector<10240x1xf32>
    %add3A = arith.addf %get3A_4, %get3A_10 : vector<10240x1xf32>
    %get3A_11 = arith.constant 0 : index
    %get3A_12 = arith.constant 1 : index
    %get3A_13 = arith.constant 0 : index
    %get3A_14 = arith.constant 0 : index
    %get3A_15 = vector.load %arg0[%get3A_11, %get3A_12, %get3A_13, %get3A_14] : memref<2x2x10240x128xf32, #tpu.memory_space<vmem>>, vector<1x1x10240x1xf32>
    %get3A_16 = vector.shape_cast %get3A_15 : vector<1x1x10240x1xf32> to vector<10240x1xf32>
    %get3A_17 = arith.constant 1 : index
    %get3A_18 = arith.constant 1 : index
    %get3A_19 = arith.constant 0 : index
    %get3A_20 = arith.constant 0 : index
    %get3A_21 = vector.load %arg0[%get3A_17, %get3A_18, %get3A_19, %get3A_20] : memref<2x2x10240x128xf32, #tpu.memory_space<vmem>>, vector<1x1x10240x1xf32>
    %get3A_22 = vector.shape_cast %get3A_21 : vector<1x1x10240x1xf32> to vector<10240x1xf32>
    %add3A_23 = arith.addf %get3A_16, %get3A_22 : vector<10240x1xf32>
    %max3A = arith.constant 1.000000e+00 : f32
    %max3A_24 = vector.broadcast %max3A : f32 to vector<10240x1xf32>
    %max3A_25 = arith.maximumf %add3A, %max3A_24 : vector<10240x1xf32>
    %rsqrt3A = math.rsqrt %max3A_25 : vector<10240x1xf32>
    %swap3A = arith.constant 0 : index
    %swap3A_26 = arith.constant 0 : index
    %swap3A_27 = vector.load %arg1[%swap3A, %swap3A_26] : memref<10240x1xf32, #tpu.memory_space<vmem>>, vector<10240x1xf32>
    tpu.vector_store %arg1[%swap3A, %swap3A_26], %rsqrt3A {strides = array<i32>} : memref<10240x1xf32, #tpu.memory_space<vmem>>, vector<10240x1xf32>,
    %max3A_28 = arith.constant 1.000000e+00 : f32
    %max3A_29 = vector.broadcast %max3A_28 : f32 to vector<10240x1xf32>
    %max3A_30 = arith.maximumf %add3A_23, %max3A_29 : vector<10240x1xf32>
    %rsqrt3A_31 = math.rsqrt %max3A_30 : vector<10240x1xf32>
    %swap3A_32 = arith.constant 0 : index
    %swap3A_33 = arith.constant 0 : index
    %swap3A_34 = vector.load %arg2[%swap3A_32, %swap3A_33] : memref<10240x1xf32, #tpu.memory_space<vmem>>, vector<10240x1xf32>
    tpu.vector_store %arg2[%swap3A_32, %swap3A_33], %rsqrt3A_31 {strides = array<i32>} : memref<10240x1xf32, #tpu.memory_space<vmem>>, vector<10240x1xf32>,
    return
  }
}

module attributes {stable_mosaic.version = 14 : i64} {
  func.func @_tc_pre_body(%arg0: memref<10000x128xf32, #tpu.memory_space<vmem>>, %arg1: memref<10240x1xf32, #tpu.memory_space<vmem>>, %arg2: memref<128x128xf32, #tpu.memory_space<vmem>>, %arg3: memref<10000x128xf32, #tpu.memory_space<vmem>>) attributes {dimension_semantics = [], scalar_prefetch = 0 : i64, scratch_operands = 0 : i64, tpu.core_type = #tpu.core_type<tc>} {
    %get3A = arith.constant 0 : index
    %get3A_0 = arith.constant 0 : index
    %get3A_1 = vector.load %arg1[%get3A, %get3A_0] : memref<10240x1xf32, #tpu.memory_space<vmem>>, vector<10240x1xf32>
    %slice3A = vector.extract_strided_slice %get3A_1 {offsets = [0, 0], sizes = [10000, 1], strides = [1, 1]} : vector<10240x1xf32> to vector<10000x1xf32>
    %get3A_2 = arith.constant 0 : index
    %get3A_3 = arith.constant 0 : index
    %get3A_4 = vector.load %arg0[%get3A_2, %get3A_3] : memref<10000x128xf32, #tpu.memory_space<vmem>>, vector<10000x128xf32>
    %mul3A = vector.broadcast %slice3A : vector<10000x1xf32> to vector<10000x128xf32>
    %mul3A_5 = arith.mulf %get3A_4, %mul3A : vector<10000x128xf32>
    %get3A_6 = arith.constant 0 : index
    %get3A_7 = arith.constant 0 : index
    %get3A_8 = vector.load %arg2[%get3A_6, %get3A_7] : memref<128x128xf32, #tpu.memory_space<vmem>>, vector<128x128xf32>
    %dot_general3A = arith.constant dense<0.000000e+00> : vector<10000x128xf32>
    %dot_general3A_9 = tpu.matmul %mul3A_5, %get3A_8, %dot_general3A {dimension_numbers = #tpu.dot_dimension_numbers<[1], [0], [0], [1], [0, 0, 1, 1], [], []>, transpose_lhs_hint = false} : vector<10000x128xf32>, vector<128x128xf32>, vector<10000x128xf32> -> vector<10000x128xf32>
    %swap3A = arith.constant 0 : index
    %swap3A_10 = arith.constant 0 : index
    %swap3A_11 = vector.load %arg3[%swap3A, %swap3A_10] : memref<10000x128xf32, #tpu.memory_space<vmem>>, vector<10000x128xf32>
    tpu.vector_store %arg3[%swap3A, %swap3A_10], %dot_general3A_9 {strides = array<i32>} : memref<10000x128xf32, #tpu.memory_space<vmem>>, vector<10000x128xf32>,
    return
  }
}

module attributes {stable_mosaic.version = 14 : i64} {
  func.func @_tc_mid_body(%arg0: memref<2x10240x128xf32, #tpu.memory_space<vmem>>, %arg1: memref<10240x1xf32, #tpu.memory_space<vmem>>, %arg2: memref<10240x1xf32, #tpu.memory_space<vmem>>, %arg3: memref<1x128xf32, #tpu.memory_space<vmem>>, %arg4: memref<128x128xf32, #tpu.memory_space<vmem>>, %arg5: memref<10240x128xf32, #tpu.memory_space<vmem>>) attributes {dimension_semantics = [], scalar_prefetch = 0 : i64, scratch_operands = 0 : i64, tpu.core_type = #tpu.core_type<tc>} {
    %get3A = arith.constant 0 : index
    %get3A_0 = arith.constant 0 : index
    %get3A_1 = arith.constant 0 : index
    %get3A_2 = vector.load %arg0[%get3A, %get3A_0, %get3A_1] : memref<2x10240x128xf32, #tpu.memory_space<vmem>>, vector<1x10240x128xf32>
    %get3A_3 = vector.shape_cast %get3A_2 : vector<1x10240x128xf32> to vector<10240x128xf32>
    %get3A_4 = arith.constant 1 : index
    %get3A_5 = arith.constant 0 : index
    %get3A_6 = arith.constant 0 : index
    %get3A_7 = vector.load %arg0[%get3A_4, %get3A_5, %get3A_6] : memref<2x10240x128xf32, #tpu.memory_space<vmem>>, vector<1x10240x128xf32>
    %get3A_8 = vector.shape_cast %get3A_7 : vector<1x10240x128xf32> to vector<10240x128xf32>
    %add3A = arith.addf %get3A_3, %get3A_8 : vector<10240x128xf32>
    %get3A_9 = arith.constant 0 : index
    %get3A_10 = arith.constant 0 : index
    %get3A_11 = vector.load %arg1[%get3A_9, %get3A_10] : memref<10240x1xf32, #tpu.memory_space<vmem>>, vector<10240x1xf32>
    %mul3A = vector.broadcast %get3A_11 : vector<10240x1xf32> to vector<10240x128xf32>
    %mul3A_12 = arith.mulf %add3A, %mul3A : vector<10240x128xf32>
    %get3A_13 = arith.constant 0 : index
    %get3A_14 = arith.constant 0 : index
    %get3A_15 = vector.load %arg3[%get3A_13, %get3A_14] : memref<1x128xf32, #tpu.memory_space<vmem>>, vector<1x128xf32>
    %add3A_16 = vector.broadcast %get3A_15 : vector<1x128xf32> to vector<10240x128xf32>
    %add3A_17 = arith.addf %mul3A_12, %add3A_16 : vector<10240x128xf32>
    %max3A = arith.constant 0.000000e+00 : f32
    %max3A_18 = vector.broadcast %max3A : f32 to vector<10240x128xf32>
    %max3A_19 = arith.maximumf %add3A_17, %max3A_18 : vector<10240x128xf32>
    %get3A_20 = arith.constant 0 : index
    %get3A_21 = arith.constant 0 : index
    %get3A_22 = vector.load %arg2[%get3A_20, %get3A_21] : memref<10240x1xf32, #tpu.memory_space<vmem>>, vector<10240x1xf32>
    %mul3A_23 = vector.broadcast %get3A_22 : vector<10240x1xf32> to vector<10240x128xf32>
    %mul3A_24 = arith.mulf %max3A_19, %mul3A_23 : vector<10240x128xf32>
    %get3A_25 = arith.constant 0 : index
    %get3A_26 = arith.constant 0 : index
    %get3A_27 = vector.load %arg4[%get3A_25, %get3A_26] : memref<128x128xf32, #tpu.memory_space<vmem>>, vector<128x128xf32>
    %dot_general3A = arith.constant dense<0.000000e+00> : vector<10240x128xf32>
    %dot_general3A_28 = tpu.matmul %mul3A_24, %get3A_27, %dot_general3A {dimension_numbers = #tpu.dot_dimension_numbers<[1], [0], [0], [1], [0, 0, 1, 1], [], []>, transpose_lhs_hint = false} : vector<10240x128xf32>, vector<128x128xf32>, vector<10240x128xf32> -> vector<10240x128xf32>
    %swap3A = arith.constant 0 : index
    %swap3A_29 = arith.constant 0 : index
    %swap3A_30 = vector.load %arg5[%swap3A, %swap3A_29] : memref<10240x128xf32, #tpu.memory_space<vmem>>, vector<10240x128xf32>
    tpu.vector_store %arg5[%swap3A, %swap3A_29], %dot_general3A_28 {strides = array<i32>} : memref<10240x128xf32, #tpu.memory_space<vmem>>, vector<10240x128xf32>,
    return
  }
}

module attributes {stable_mosaic.version = 14 : i64} {
  func.func @_tc_final_body(%arg0: memref<2x10240x128xf32, #tpu.memory_space<vmem>>, %arg1: memref<10240x1xf32, #tpu.memory_space<vmem>>, %arg2: memref<1x128xf32, #tpu.memory_space<vmem>>, %arg3: memref<128x1xf32, #tpu.memory_space<vmem>>, %arg4: memref<1x1xf32, #tpu.memory_space<vmem>>, %arg5: memref<1x1xf32, #tpu.memory_space<vmem>>) attributes {dimension_semantics = [], scalar_prefetch = 0 : i64, scratch_operands = 0 : i64, tpu.core_type = #tpu.core_type<tc>} {
    %get3A = arith.constant 0 : index
    %get3A_0 = arith.constant 0 : index
    %get3A_1 = vector.load %arg1[%get3A, %get3A_0] : memref<10240x1xf32, #tpu.memory_space<vmem>>, vector<10240x1xf32>
    %slice3A = vector.extract_strided_slice %get3A_1 {offsets = [0, 0], sizes = [10000, 1], strides = [1, 1]} : vector<10240x1xf32> to vector<10000x1xf32>
    %get3A_2 = arith.constant 0 : index
    %get3A_3 = arith.constant 0 : index
    %get3A_4 = arith.constant 0 : index
    %get3A_5 = vector.load %arg0[%get3A_2, %get3A_3, %get3A_4] : memref<2x10240x128xf32, #tpu.memory_space<vmem>>, vector<1x10000x128xf32>
    %get3A_6 = vector.shape_cast %get3A_5 : vector<1x10000x128xf32> to vector<10000x128xf32>
    %get3A_7 = arith.constant 1 : index
    %get3A_8 = arith.constant 0 : index
    %get3A_9 = arith.constant 0 : index
    %get3A_10 = vector.load %arg0[%get3A_7, %get3A_8, %get3A_9] : memref<2x10240x128xf32, #tpu.memory_space<vmem>>, vector<1x10000x128xf32>
    %get3A_11 = vector.shape_cast %get3A_10 : vector<1x10000x128xf32> to vector<10000x128xf32>
    %add3A = arith.addf %get3A_6, %get3A_11 : vector<10000x128xf32>
    %mul3A = vector.broadcast %slice3A : vector<10000x1xf32> to vector<10000x128xf32>
    %mul3A_12 = arith.mulf %add3A, %mul3A : vector<10000x128xf32>
    %get3A_13 = arith.constant 0 : index
    %get3A_14 = arith.constant 0 : index
    %get3A_15 = vector.load %arg2[%get3A_13, %get3A_14] : memref<1x128xf32, #tpu.memory_space<vmem>>, vector<1x128xf32>
    %add3A_16 = vector.broadcast %get3A_15 : vector<1x128xf32> to vector<10000x128xf32>
    %add3A_17 = arith.addf %mul3A_12, %add3A_16 : vector<10000x128xf32>
    %reduce_sum3A = arith.constant dense<0.000000e+00> : vector<128xf32>
    %reduce_sum3A_18 = vector.multi_reduction <add>, %add3A_17, %reduce_sum3A [0] : vector<10000x128xf32> to vector<128xf32>
    %broadcast_in_dim3A = vector.shape_cast %reduce_sum3A_18 : vector<128xf32> to vector<1x128xf32>
    %mul3A_19 = arith.constant 9.99999974E-5 : f32
    %mul3A_20 = vector.broadcast %mul3A_19 : f32 to vector<1x128xf32>
    %mul3A_21 = arith.mulf %broadcast_in_dim3A, %mul3A_20 : vector<1x128xf32>
    %get3A_22 = arith.constant 0 : index
    %get3A_23 = arith.constant 0 : index
    %get3A_24 = vector.load %arg3[%get3A_22, %get3A_23] : memref<128x1xf32, #tpu.memory_space<vmem>>, vector<128x1xf32>
    %dot_general3A = arith.constant dense<0.000000e+00> : vector<1x1xf32>
    %dot_general3A_25 = tpu.matmul %mul3A_21, %get3A_24, %dot_general3A {dimension_numbers = #tpu.dot_dimension_numbers<[1], [0], [0], [1], [0, 0, 1, 1], [], []>, transpose_lhs_hint = false} : vector<1x128xf32>, vector<128x1xf32>, vector<1x1xf32> -> vector<1x1xf32>
    %get3A_26 = arith.constant 0 : index
    %get3A_27 = arith.constant 0 : index
    %get3A_28 = vector.load %arg4[%get3A_26, %get3A_27] : memref<1x1xf32, #tpu.memory_space<vmem>>, vector<1x1xf32>
    %add3A_29 = arith.addf %dot_general3A_25, %get3A_28 : vector<1x1xf32>
    %swap3A = arith.constant 0 : index
    %swap3A_30 = arith.constant 0 : index
    %swap3A_31 = vector.load %arg5[%swap3A, %swap3A_30] : memref<1x1xf32, #tpu.memory_space<vmem>>, vector<1x1xf32>
    tpu.vector_store %arg5[%swap3A, %swap3A_30], %add3A_29 {strides = array<i32>} : memref<1x1xf32, #tpu.memory_space<vmem>>, vector<1x1xf32>,
    return
  }
}

</mosaic_0001>

<sc_bundles>
// kernel: kernel.13.cloned.1.call-start
scs
__scs_entry_jumppad:
0x0: {  	(pc) =	sbr.rel $0x88, $3  }
0x1: {  	(tag) =	ssettag $0x0;
	lr =	simm.s32 $0x1  }
0x2: {  	[smem:$0x3F97] =	sst lr;
	_ =	strace $0xD0000000  }
0x3: {  	_ = 	snop  }
0x4: {  	_ = 	snop  }
0x5: {  	_ = 	snop  }
0x6: {  	_ = 	snop  }
0x7: {  	_ = 	snop  }
__scs_overlays_trampoline_lowered:
0x8: {  	[smem:$0x3FA6] =	sst s0  }
0x9: {  	[smem:$0x3FA7] =	sst s1  }
0xa: {  	[smem:$0x3FA8] =	sst s2  }
0xb: {  	[smem:$0x3FA9] =	sst s3  }
0xc: {  	[smem:$0x3FAA] =	sst s4  }
0xd: {  	[smem:$0x3FAB] =	sst s5  }
0xe: {  	[smem:$0x3FAC] =	sst s6  }
0xf: {  	[smem:$0x3FAD] =	sst s7  }
0x10: {  	[smem:$0x3FAE] =	sst s8  }
0x11: {  	[smem:$0x3FAF] =	sst s9;
	s0 =	simm.s32 @!p0 $0x0  }
0x12: {  	s1 =	sld [smem:$0x3F95];
	s0 =	simm.s32 @p0 $0x1  }
0x13: {  	[smem:$0x3FB0] =	sst s0;
	s0 =	simm.s32 @!p1 $0x0  }
0x14: {  	s2 =	sld [smem:$0x3F94];
	s0 =	simm.s32 @p1 $0x1  }
0x15: {  	[smem:$0x3FB1] =	sst s0;
	s0 =	simm.s32 @!p2 $0x0  }
0x16: {  	s3 =	sld [smem:$0x3FDB];
	s0 =	simm.s32 @p2 $0x1  }
0x17: {  	s4 =	simm.s32 $0x1BF5;
	[smem:$0x3FB3] =	sst s0  }
0x18: {  	s0 =	sld [smem:$0x3F96];
	_ =	swait.ge [sflag:s4], $0x0  }
0x19: {  	s7 =	sld [smem:$0x3F97]  }
0x1a: {  	s8 =	sadd.s32 $0xFFFFE003, lr  }
0x1b: {  	s9 =	sadd.s32 $0xFFFFFEF7, lr;
	s5 =	simm.s32 $0xFFFFFFFF;
	p2 =	slt.u32 s8, $0xFFFFF086  }
0x1c: {  	p1 =	slt.u32 s9, $0xF7A;
	s5 =	simm.s32 @!p2 $0x0  }
0x1d: {  	s5 =	simm.s32 @p1 $0x1;
	p0 =	seq.s32 s7, s2  }
0x1e: {  	s7 =	smul.u32 @!p0 $0xF7A, s2;
	p2 =	seq.s32 @!p0 s5, $0x0  }
0x1f: {  	s9 =	smul.u32 $0xF7A, s1;
	s8 =	simm.s32 @!p0 $0x1BF5;
	p2 =	por !p2, p0  }
0x20: {  	[sflag:s8] =	ssyncset.s32 @!p0 $0xFFFFF086;
	s6 =	sadd.s32 @!p0 s3, s7;
	s7 =	simm.s32 @!p0 $0x108  }
0x21: {  	s3 =	sadd.s32 s3, s9;
	s6 =	sadd.s32 @!p0 $0x88, s6;
	s7 =	simm.s32 @p2 $0x1082  }
0x22: {  	[simem:s7], [sflag:s8] =	dma.local @!p0 [hbm:s6], $0xF7A  }
0x23: {  	s9 =	sor.u32 $0xD0000000, s2;
	s6 =	simm.s32 $0x108;
	_ =	swait.ge @!p0 [sflag:s8], $0x0  }
0x24: {  	s3 =	sadd.s32 $0x88, s3;
	s6 =	simm.s32 @!p1 $0x1082;
	[sflag:s4] =	ssyncset.s32 $0xFFFFF086  }
0x25: {  	[simem:s6], [sflag:s4] =	dma.local [hbm:s3], $0xF7A  }
0x26: {  	[smem:$0x3F97] =	sst s1;
	(tag) =	ssettag s2;
	_ =	strace s9  }
0x27: {  	s1 =	sld [smem:$0x3FA7]  }
0x28: {  	s2 =	sld [smem:$0x3FA8]  }
0x29: {  	s4 =	sld [smem:$0x3FAA]  }
0x2a: {  	p0 =	seq.s32 s5, $0x0;
	s5 =	sld [smem:$0x3FAB]  }
0x2b: {  	s6 =	sld [smem:$0x3FAC]  }
0x2c: {  	s7 =	sld [smem:$0x3FAD]  }
0x2d: {  	s3 =	simm.s32 $0x108;
	s8 =	sld [smem:$0x3FAE]  }
0x2e: {  	s3 =	simm.s32 @!p0 $0x1082;
	s9 =	sld [smem:$0x3FAF]  }
0x2f: {  	lr =	sadd.s32 s0, s3;
	s0 =	sld [smem:$0x3FA6]  }
0x30: {  	s3 =	sld [smem:$0x3FA9]  }
0x31: {  	[smem:$0x3FB2] =	sst s10  }
0x32: {  	s10 =	sld [smem:$0x3FB0];
	_ =	sdelay $0x3  }
0x33: {  	p0 =	seq.s32 s10, $0x1;
	s10 =	sld [smem:$0x3FB2];
	_ =	sdelay $0x3  }
0x34: {  	[smem:$0x3FB2] =	sst s10  }
0x35: {  	s10 =	sld [smem:$0x3FB1];
	_ =	sdelay $0x3  }
0x36: {  	p1 =	seq.s32 s10, $0x1;
	s10 =	sld [smem:$0x3FB2];
	_ =	sdelay $0x3  }
0x37: {  	[smem:$0x3FB2] =	sst s10  }
0x38: {  	s10 =	sld [smem:$0x3FB3]  }
0x39: {  	_ = 	snop;
	(pc) =	sbr.ind lr, $3  }
0x3a: {  	_ = 	snop  }
0x3b: {  	_ = 	snop  }
0x3c: {  	p2 =	seq.s32 s10, $0x1;
	s10 =	sld [smem:$0x3FB2]  }
0x3d: {  	_ =	shalt  }
0x3e: {  	_ =	shalt  }
0x3f: {  	_ =	shalt  }
0x40: {  	_ =	shalt  }
0x41: {  	_ =	shalt  }
0x42: {  	_ =	shalt  }
0x43: {  	_ =	shalt  }
0x44: {  	_ =	shalt  }
0x45: {  	_ =	shalt  }
0x46: {  	_ =	shalt  }
0x47: {  	_ =	shalt  }
0x48: {  	_ =	shalt  }
0x49: {  	_ =	shalt  }
0x4a: {  	_ =	shalt  }
0x4b: {  	_ =	shalt  }
0x4c: {  	_ =	shalt  }
0x4d: {  	_ =	shalt  }
0x4e: {  	_ =	shalt  }
0x4f: {  	_ =	shalt  }
0x50: {  	_ =	shalt  }
0x51: {  	_ =	shalt  }
0x52: {  	_ =	shalt  }
0x53: {  	_ =	shalt  }
0x54: {  	_ =	shalt  }
0x55: {  	_ =	shalt  }
0x56: {  	_ =	shalt  }
0x57: {  	_ =	shalt  }
0x58: {  	_ =	shalt  }
0x59: {  	_ =	shalt  }
0x5a: {  	_ =	shalt  }
0x5b: {  	_ =	shalt  }
0x5c: {  	_ =	shalt  }
0x5d: {  	_ =	shalt  }
0x5e: {  	_ =	shalt  }
0x5f: {  	_ =	shalt  }
0x60: {  	_ =	shalt  }
0x61: {  	_ =	shalt  }
0x62: {  	_ =	shalt  }
0x63: {  	_ =	shalt  }
0x64: {  	_ =	shalt  }
0x65: {  	_ =	shalt  }
0x66: {  	_ =	shalt  }
0x67: {  	_ =	shalt  }
0x68: {  	_ =	shalt  }
0x69: {  	_ =	shalt  }
0x6a: {  	_ =	shalt  }
0x6b: {  	_ =	shalt  }
0x6c: {  	_ =	shalt  }
0x6d: {  	_ =	shalt  }
0x6e: {  	_ =	shalt  }
0x6f: {  	_ =	shalt  }
0x70: {  	_ =	shalt  }
0x71: {  	_ =	shalt  }
0x72: {  	_ =	shalt  }
0x73: {  	_ =	shalt  }
0x74: {  	_ =	shalt  }
0x75: {  	_ =	shalt  }
0x76: {  	_ =	shalt  }
0x77: {  	_ =	shalt  }
0x78: {  	_ =	shalt  }
0x79: {  	_ =	shalt  }
0x7a: {  	_ =	shalt  }
0x7b: {  	_ =	shalt  }
0x7c: {  	_ =	shalt  }
0x7d: {  	_ =	shalt  }
0x7e: {  	_ =	shalt  }
0x7f: {  	_ =	shalt  }
0x80: {  	_ =	shalt  }
0x81: {  	_ =	shalt  }
0x82: {  	_ =	shalt  }
0x83: {  	_ =	shalt  }
0x84: {  	_ =	shalt  }
0x85: {  	_ =	shalt  }
0x86: {  	_ =	shalt  }
0x87: {  	_ =	shalt  }
.Lfunc_end0:
.L_simem_size_0:
called_computation_lowered:
.L_overlay_start_0:
0x88: {  	s2 =	sld [smem:$0x3FD9]  }
0x89: {  	s3 =	sld [smem:$0x3FFE];
	_ =	sdelay $0x1  }
0x8a: {  	s1 =	srdreg.scid  }
0x8b: {  	s0 =	sand.u32 $0x1, s1  }
0x8c: {  	s16 =	sshll.u32 s0, $0xA;
	s2 =	sadd.s32 s3, s2  }
0x8d: {  	s2 =	sadd.s32 s2, s16  }
0x8e: {  	[smem:$0x3FBE] =	sst s2  }
0x8f: {  	_ = 	snop  }
0x90: {  	(tm) =	ssettm $0x1  }
0x91: {  	s17 =	sld [smem:$0x3FFB];
	_ =	sdelay $0x3  }
0x92: {  	_ =	strace s17  }
0x93: {  	s2 =	sld [smem:$0x3FFC];
	_ =	sdelay $0x3  }
0x94: {  	_ =	strace s2  }
0x95: {  	s2 =	sld [smem:$0x3FFD];
	_ =	sdelay $0x3  }
0x96: {  	_ =	strace s2  }
0x97: {  	_ =	strace $0x8FFFFFFF  }
0x98: {  	s18 =	sld [smem:$0x3FDB];
	_ =	sdelay $0x1  }
0x99: {  	s19 =	simm.s32 $_scs_section_size  }
0x9a: {  	s4 =	simm.s32 $_size__tile_overlayer_lowered;
	s5 =	simm.s32 $_tile_overlayer_lowered  }
0x9b: {  	s22 =	simm.s32 $0x1BFF;
	s21 =	sshll.u32 s5, $0x1;
	s2 =	sadd.s32 s19, s18  }
0x9c: {  	s6 =	simm.s32 $0x0;
	s20 =	sshll.u32 s4, $0x1;
	s4 =	sadd.s32 s21, s2  }
0x9d: {  	[timem:s6], [sflag:s22] =	dma.local [hbm:s4], s20  }
0x9e: {  	_ =	swait.ge [sflag:s22], s20  }
0x9f: {  	s3 =	ssub.s32 $0x0, s20;
	[sflag:s22] =	ssyncset.done $0x0  }
0xa0: {  	[sflag:s22] =	ssyncadd.s32 s3;
	_ =	sdelay $0x1  }
0xa1: {  	s23 =	simm.s32 $0x1B8B  }
0xa2: {  	_ =	swait.ge [sflag:s23], $0x1  }
0xa3: {  	[sflag:s23] =	ssyncset.done $0x0  }
0xa4: {  	s25 =	simm.s32 $0x1B8E;
	s24 =	sld [smem:$0x3FFE];
	[sflag:s23] =	ssyncadd.s32 $0xFFFFFFFF  }
0xa5: {  	s26 =	simm.s32 $execute0_lowered;
	[smem:$0x3FD2] =	sst s25  }
0xa6: {  	s4 =	sshll.u32 s26, $0x1;
	_ =	strace $0x80000046;
	[dreg:$0x1] =	wrdreg $0xFFFFFFFF  }
0xa7: {  	s28 =	simm.s32 $_size_execute0_lowered;
	s2 =	sadd.s32 s2, s4;
	[dreg:$0x0] =	wrdreg $0x0  }
0xa8: {  	s4 =	sshll.u32 s28, $0x1;
	[dreg:$0x2] =	wrdreg s2  }
0xa9: {  	[dreg:$0x3] =	wrdreg s4  }
0xaa: {  	[dreg:$0x4] =	wrdreg $0xC0  }
0xab: {  	_ =	task [dreg:s6], $0x5FFFF  }
0xac: {  	[dreg:$0x1] =	wrdreg $0xFFFFFFFF  }
0xad: {  	[dreg:$0x0] =	wrdreg $0x60  }
0xae: {  	[dreg:$0x2] =	wrdreg s24  }
0xaf: {  	[dreg:$0x3] =	wrdreg $0x90000  }
0xb0: {  	[dreg:$0x4] =	wrdreg $0x9  }
0xb1: {  	_ =	task.clear_ibuf [dreg:s6], $0x5FFFF;
	_ =	strace $0x90000046  }
0xb2: {  	s29 =	simm.s32 $0x9;
	_ =	strace $0x80000048  }
0xb3: {  	_ =	swait.ge [sflag:s29], $0x1  }
0xb4: {  	[sflag:s29] =	ssyncadd.s32 $0xFFFFFFFF  }
0xb5: {  	_ =	strace $0x90000048  }
0xb6: {  	_ =	sfence  }
0xb7: {  	s30 =	sld [smem:$0x0];
	_ =	sdelay $0x2  }
0xb8: {  	s31 =	sshll.u32 s1, $0xD;
	s1 =	sshrl.u32 s1, $0x2  }
0xb9: {  	s3 =	sand.u32 $0x4000, s31;
	s1 =	sadd.s32 s1, s30  }
0xba: {  	s0 =	sor.u32 s3, s0;
	s1 =	sshll.u32 s1, $0x11  }
0xbb: {  	s0 =	sor.u32 s1, s0  }
0xbc: {  	s0 =	sadd.s32 $0x8F2B, s0  }
0xbd: {  	[sflag:s0] =	ssyncadd.remote.s32 $0x1  }
0xbe: {  	_ =	sfence.sel $0xFFFF  }
0xbf: {  	[dreg:$0x0] =	wrdreg $0xFFFFFFFF;
	(pc) =	sbr.abs _section_cstart, $3  }
0xc0: {  	[dreg:$0x1] =	wrdreg $0xFFFFFFFF  }
0xc1: {  	_ =	task.clear_ibuf [dreg:s6], $0x2FFFF;
	_ =	strace $0x9FFFFFFF  }
0xc2: {  	(tm) =	ssettm $0x7FFFFFFF  }
0xc3: {  	_ =	shalt  }
tec
execute0_lowered:
.L_overlay_start_1:
0x0: {  	(tag) =	ssettag $0x1  }
0x1: {  	s1 =	srdreg.scid;
	s7 =	rddreg [dreg:$0x0]  }
0x2: {  	s0 =	stileid.u32;
	s2 =	rddreg [dreg:$0x1]  }
0x3: {  	s3 =	simm.s32 $0x0;
	s12 =	simm.s32 $0x1;
	s19 =	simm.s32 $0x80  }
0x4: {  	s20 =	simm.s32 $0x0;
	s6 =	sand.u32 $0x1, s1;
	s9 =	smul.u32 $0x14000, s0  }
0x5: {  	s28 =	sshll.u32 s0, $0x1;
	[smem:$0x7FF] =	sst s3;
	s11 =	smul.u32 $0x50000, s0  }
0x6: {  	s5 =	sadd.s32 $0x2B200, s7;
	s13 =	sshll.u32 s0, $0x6;
	s1 =	sor.u32 s6, s28  }
0x7: {  	s8 =	smul.u32 $0x280000, s6;
	s6 =	ssub.s32 $0x2, s6;
	s13 =	sor.u32 $0x1C02, s13  }
0x8: {  	s4 =	smul.u32 $0xA00, s1;
	s1 =	rddreg [dreg:$0x2];
	_ =	strace $0x80000047  }
0x9: {  	s29 =	sshrl.u32 s11, $0x2;
	s30 =	sshrl.u32 s6, $0x1;
	s11 =	simm.s32 $0x2  }
0xa: {  	s8 =	sadd.s32 s9, s8;
	s14 =	sadd.s32 s29, s2;
	s31 =	ssub.s32 s6, s30  }
0xb: {  	s10 =	sadd.s32 s4, s7;
	s4 =	sadd.s32 $0x2BA00, s7;
	s8 =	sshrl.u32 s8, $0x3  }
0xc: {  	s15 =	sadd.s32 $0x4000, s14;
	s16 =	sadd.s32 $0x8000, s14;
	s17 =	sadd.s32 $0xC000, s14  }
0xd: {  	s18 =	sadd.s32 $0x10000, s14;
	s9 =	smax.u32 s31, $0x1;
	s14 =	sshrl.u32 s14, $0x3  }
0xe: {  	s8 =	sadd.s32 s8, s7;
	s6 =	sadd.s32 $0x3200, s10;
	s10 =	simm.s32 $0x5000  }
0xf: {  	s15 =	sshrl.u32 s15, $0x3;
	s16 =	sshrl.u32 s16, $0x3;
	s17 =	sshrl.u32 s17, $0x3  }
0x10: {  	s18 =	sshrl.u32 s18, $0x3;
	s7 =	sadd.s32 $0x2C200, s8;
	s8 =	sadd.s32 $0x54200, s8  }
.LBB2_1:
0x11: {  	[tilespmem:s3], [sflag:$0x1] =	stream.linear.gather [hbm4b:s6+s3], $0x5000, $0x38;
	[tilespmem:$0x1D000] =	vst v63  }
0x12: {  	_ = 	snop  }
0x13: {  	[tilespmem:s10], [sflag:$0x2] =	stream.linear.gather [hbm4b:s4+s3], $0x4000, $0x38;
	[tilespmem:$0x1D000] =	vst v63  }
0x14: {  	_ =	swait.ge [sflag:s11], $0x4000  }
0x15: {  	[sflag:s11] =	ssyncset.done $0x0  }
0x16: {  	[sflag:s11] =	ssyncadd.s32 $0xFFFFC000  }
0x17: {  	_ =	swait.ge [sflag:s12], $0x5000  }
0x18: {  	[sflag:s12] =	ssyncset.done $0x0  }
0x19: {  	[sflag:s12] =	ssyncadd.s32 $0xFFFFB000  }
0x1a: {  	[spmem:s14], [sflag:s13] =	dma.local [hbm:s5], $0x800  }
0x1b: {  	_ =	swait.ge [sflag:s11], $0x800  }
0x1c: {  	[sflag:s11] =	ssyncset.done $0x0  }
0x1d: {  	[sflag:s11] =	ssyncadd.s32 $0xFFFFF800  }
0x1e: {  	[spmem:s15], [sflag:s13] =	dma.local [hbm:s5], $0x800  }
0x1f: {  	_ =	swait.ge [sflag:s11], $0x800  }
0x20: {  	[sflag:s11] =	ssyncset.done $0x0  }
0x21: {  	[sflag:s11] =	ssyncadd.s32 $0xFFFFF800  }
0x22: {  	[spmem:s16], [sflag:s13] =	dma.local [hbm:s5], $0x800  }
0x23: {  	_ =	swait.ge [sflag:s11], $0x800  }
0x24: {  	[sflag:s11] =	ssyncset.done $0x0  }
0x25: {  	[sflag:s11] =	ssyncadd.s32 $0xFFFFF800  }
0x26: {  	[spmem:s17], [sflag:s13] =	dma.local [hbm:s5], $0x800  }
0x27: {  	_ =	swait.ge [sflag:s11], $0x800  }
0x28: {  	[sflag:s11] =	ssyncset.done $0x0  }
0x29: {  	[sflag:s11] =	ssyncadd.s32 $0xFFFFF800  }
0x2a: {  	[spmem:s18], [sflag:s13] =	dma.local [hbm:s5], $0x800  }
0x2b: {  	_ =	swait.ge [sflag:s11], $0x800  }
0x2c: {  	[sflag:s11] =	ssyncset.done $0x0  }
0x2d: {  	[sflag:s11] =	ssyncadd.s32 $0xFFFFF800  }
0x2e: {  	s21 =	simm.s32 $0x0;
	[bflag:$0x0] =	sbarrier.arrive $0xFFFF  }
0x2f: {  	[spmem:s2] =	stream.indirect.scatter.add.f32 [tilespmem:s10], [sflag:$0x2], $0x80, s21, s19, $0xb8;
	[tilespmem:$0x1D000] =	vst v63  }
0x30: {  	_ =	swait.ge [sflag:s11], $0x4000  }
0x31: {  	s21 =	simm.s32 $0x400;
	[sflag:s11] =	ssyncset.done $0x0  }
.LBB2_2:
0x32: {  	s22 =	sshra.s32 s21, $0x2;
	[sflag:s11] =	ssyncadd.s32 $0xFFFFC000;
	p0 =	sne.s32 s21, $0x13C00  }
0x33: {  	[spmem:s2] =	stream.indirect.scatter.add.f32 [tilespmem:s10], [sflag:$0x2], $0x80, s22, s19, $0xb8;
	[tilespmem:$0x1D000] =	vst v63  }
.Ltmp0:
0x34: {  	_ = 	snop;
	(pc) =	sbr.rel @p0 .LBB2_2-.Ltmp0, $4  }
0x35: {  	_ = 	snop  }
0x36: {  	s21 =	sadd.s32 $0x400, s21  }
0x37: {  	_ =	swait.ge [sflag:s11], $0x4000  }
0x38: {  	[sflag:s11] =	ssyncset.done $0x0  }
0x39: {  	[sflag:s11] =	ssyncadd.s32 $0xFFFFC000  }
0x3a: {  	[bflag:$0x0] =	sbarrier.arrive $0xFFFF  }
0x3b: {  	[hbm:s7], [sflag:s13] =	dma.local [spmem:s14], $0x2800  }
0x3c: {  	_ =	swait.ge [sflag:s11], $0x2800  }
0x3d: {  	[sflag:s11] =	ssyncset.done $0x0  }
0x3e: {  	[sflag:s11] =	ssyncadd.s32 $0xFFFFD800  }
0x3f: {  	[bflag:$0x0] =	sbarrier.arrive $0xFFFF  }
0x40: {  	[spmem:s14], [sflag:s13] =	dma.local [hbm:s5], $0x800  }
0x41: {  	_ =	swait.ge [sflag:s11], $0x800  }
0x42: {  	[sflag:s11] =	ssyncset.done $0x0  }
0x43: {  	[sflag:s11] =	ssyncadd.s32 $0xFFFFF800  }
0x44: {  	[spmem:s15], [sflag:s13] =	dma.local [hbm:s5], $0x800  }
0x45: {  	_ =	swait.ge [sflag:s11], $0x800  }
0x46: {  	[sflag:s11] =	ssyncset.done $0x0  }
0x47: {  	[sflag:s11] =	ssyncadd.s32 $0xFFFFF800  }
0x48: {  	[spmem:s16], [sflag:s13] =	dma.local [hbm:s5], $0x800  }
0x49: {  	_ =	swait.ge [sflag:s11], $0x800  }
0x4a: {  	[sflag:s11] =	ssyncset.done $0x0  }
0x4b: {  	[sflag:s11] =	ssyncadd.s32 $0xFFFFF800  }
0x4c: {  	[spmem:s17], [sflag:s13] =	dma.local [hbm:s5], $0x800  }
0x4d: {  	_ =	swait.ge [sflag:s11], $0x800  }
0x4e: {  	[sflag:s11] =	ssyncset.done $0x0  }
0x4f: {  	[sflag:s11] =	ssyncadd.s32 $0xFFFFF800  }
0x50: {  	[spmem:s18], [sflag:s13] =	dma.local [hbm:s5], $0x800  }
0x51: {  	_ =	swait.ge [sflag:s11], $0x800  }
0x52: {  	[sflag:s11] =	ssyncset.done $0x0  }
0x53: {  	[sflag:s11] =	ssyncadd.s32 $0xFFFFF800  }
0x54: {  	s21 =	simm.s32 $0x80;
	[bflag:$0x0] =	sbarrier.arrive $0xFFFF  }
0x55: {  	[spmem:s2] =	stream.indirect.scatter.add.f32 [tilespmem:s10], [sflag:$0x2], $0x80, s21, s19, $0xb8;
	[tilespmem:$0x1D000] =	vst v63  }
0x56: {  	_ =	swait.ge [sflag:s11], $0x4000  }
0x57: {  	s21 =	simm.s32 $0x600;
	[sflag:s11] =	ssyncset.done $0x0  }
.LBB2_4:
0x58: {  	s22 =	sshra.s32 s21, $0x2;
	[sflag:s11] =	ssyncadd.s32 $0xFFFFC000;
	p0 =	sne.s32 s21, $0x13E00  }
0x59: {  	[spmem:s2] =	stream.indirect.scatter.add.f32 [tilespmem:s10], [sflag:$0x2], $0x80, s22, s19, $0xb8;
	[tilespmem:$0x1D000] =	vst v63  }
.Ltmp1:
0x5a: {  	_ = 	snop;
	(pc) =	sbr.rel @p0 .LBB2_4-.Ltmp1, $4  }
0x5b: {  	_ = 	snop  }
0x5c: {  	s21 =	sadd.s32 $0x400, s21  }
0x5d: {  	_ =	swait.ge [sflag:s11], $0x4000  }
0x5e: {  	[sflag:s11] =	ssyncset.done $0x0  }
0x5f: {  	[sflag:s11] =	ssyncadd.s32 $0xFFFFC000;
	s20 =	sadd.s32 $0x1, s20  }
0x60: {  	[bflag:$0x0] =	sbarrier.arrive $0xFFFF;
	p0 =	sne.s32 s20, s9  }
0x61: {  	[hbm:s8], [sflag:s13] =	dma.local [spmem:s14], $0x2800  }
.Ltmp2:
0x62: {  	_ =	swait.ge [sflag:s11], $0x2800;
	(pc) =	sbr.rel @p0 .LBB2_1-.Ltmp2, $3  }
0x63: {  	[sflag:s11] =	ssyncset.done $0x0  }
0x64: {  	[sflag:s11] =	ssyncadd.s32 $0xFFFFD800  }
0x65: {  	[bflag:$0x0] =	sbarrier.arrive $0xFFFF;
	_ =	sdelay $0x1  }
0x66: {  	_ =	sfence.sel $0x180000  }
0x67: {  	[bflag:$0x0] =	sbarrier.arrive $0xFFFF  }
0x68: {  	p0 =	sne.s32 s0, $0x0;
	_ =	strace $0x90000047  }
0x69: {  	s0 =	sadd.s32 @!p0 $0x100000, s1;
	[bflag:$0x2] =	sbarrier.arrive $0xFFFF  }
0x6a: {  	[sflag:s0] =	ssyncadd.tile.s32 @!p0 $0x1;
	_ =	shalt  }
.Lfunc_end2:
_tile_overlayer_lowered:
.L_overlay_start_2:
0x6b: {  	(tag) =	ssettag $0x2  }
0x6c: {  	s0 =	rddreg [dreg:$0x0];
	s2 =	stileid.u32  }
0x6d: {  	s1 =	rddreg [dreg:$0x1];
	p0 =	sne.s32 s2, $0x0  }
0x6e: {  	s3 =	rddreg [dreg:$0x2];
	[bflag:$0x3] =	sbarrier.arrive $0xFFFF;
	s2 =	simm.s32 @!p0 $0x1C02  }
0x6f: {  	[timem:s3], [sflag:s2] =	dma.local @!p0 [hbm:s0], s1  }
0x70: {  	s0 =	simm.s32 @!p0 $0x2  }
0x71: {  	_ =	swait.ge @!p0 [sflag:s0], s1  }
0x72: {  	s1 =	ssub.s32 @!p0 $0x0, s1;
	[sflag:s0] =	ssyncset.done @!p0 $0x0  }
0x73: {  	[sflag:s0] =	ssyncadd.s32 @!p0 s1  }
0x74: {  	[bflag:$0x3] =	sbarrier.arrive $0xFFFF  }
0x75: {  	_ =	shalt  }

// kernel: kernel.16.cloned.1.call-start
scs
__scs_entry_jumppad:
0x0: {  	(pc) =	sbr.rel $0x88, $3  }
0x1: {  	(tag) =	ssettag $0x0;
	lr =	simm.s32 $0x1  }
0x2: {  	[smem:$0x3F97] =	sst lr;
	_ =	strace $0xD0000000  }
0x3: {  	_ = 	snop  }
0x4: {  	_ = 	snop  }
0x5: {  	_ = 	snop  }
0x6: {  	_ = 	snop  }
0x7: {  	_ = 	snop  }
__scs_overlays_trampoline_lowered:
0x8: {  	[smem:$0x3FA6] =	sst s0  }
0x9: {  	[smem:$0x3FA7] =	sst s1  }
0xa: {  	[smem:$0x3FA8] =	sst s2  }
0xb: {  	[smem:$0x3FA9] =	sst s3  }
0xc: {  	[smem:$0x3FAA] =	sst s4  }
0xd: {  	[smem:$0x3FAB] =	sst s5  }
0xe: {  	[smem:$0x3FAC] =	sst s6  }
0xf: {  	[smem:$0x3FAD] =	sst s7  }
0x10: {  	[smem:$0x3FAE] =	sst s8  }
0x11: {  	[smem:$0x3FAF] =	sst s9;
	s0 =	simm.s32 @!p0 $0x0  }
0x12: {  	s1 =	sld [smem:$0x3F95];
	s0 =	simm.s32 @p0 $0x1  }
0x13: {  	[smem:$0x3FB0] =	sst s0;
	s0 =	simm.s32 @!p1 $0x0  }
0x14: {  	s2 =	sld [smem:$0x3F94];
	s0 =	simm.s32 @p1 $0x1  }
0x15: {  	[smem:$0x3FB1] =	sst s0;
	s0 =	simm.s32 @!p2 $0x0  }
0x16: {  	s3 =	sld [smem:$0x3FDB];
	s0 =	simm.s32 @p2 $0x1  }
0x17: {  	s4 =	simm.s32 $0x1BF5;
	[smem:$0x3FB3] =	sst s0  }
0x18: {  	s0 =	sld [smem:$0x3F96];
	_ =	swait.ge [sflag:s4], $0x0  }
0x19: {  	s7 =	sld [smem:$0x3F97]  }
0x1a: {  	s8 =	sadd.s32 $0xFFFFE003, lr  }
0x1b: {  	s9 =	sadd.s32 $0xFFFFFEF7, lr;
	s5 =	simm.s32 $0xFFFFFFFF;
	p2 =	slt.u32 s8, $0xFFFFF086  }
0x1c: {  	p1 =	slt.u32 s9, $0xF7A;
	s5 =	simm.s32 @!p2 $0x0  }
0x1d: {  	s5 =	simm.s32 @p1 $0x1;
	p0 =	seq.s32 s7, s2  }
0x1e: {  	s7 =	smul.u32 @!p0 $0xF7A, s2;
	p2 =	seq.s32 @!p0 s5, $0x0  }
0x1f: {  	s9 =	smul.u32 $0xF7A, s1;
	s8 =	simm.s32 @!p0 $0x1BF5;
	p2 =	por !p2, p0  }
0x20: {  	[sflag:s8] =	ssyncset.s32 @!p0 $0xFFFFF086;
	s6 =	sadd.s32 @!p0 s3, s7;
	s7 =	simm.s32 @!p0 $0x108  }
0x21: {  	s3 =	sadd.s32 s3, s9;
	s6 =	sadd.s32 @!p0 $0x88, s6;
	s7 =	simm.s32 @p2 $0x1082  }
0x22: {  	[simem:s7], [sflag:s8] =	dma.local @!p0 [hbm:s6], $0xF7A  }
0x23: {  	s9 =	sor.u32 $0xD0000000, s2;
	s6 =	simm.s32 $0x108;
	_ =	swait.ge @!p0 [sflag:s8], $0x0  }
0x24: {  	s3 =	sadd.s32 $0x88, s3;
	s6 =	simm.s32 @!p1 $0x1082;
	[sflag:s4] =	ssyncset.s32 $0xFFFFF086  }
0x25: {  	[simem:s6], [sflag:s4] =	dma.local [hbm:s3], $0xF7A  }
0x26: {  	[smem:$0x3F97] =	sst s1;
	(tag) =	ssettag s2;
	_ =	strace s9  }
0x27: {  	s1 =	sld [smem:$0x3FA7]  }
0x28: {  	s2 =	sld [smem:$0x3FA8]  }
0x29: {  	s4 =	sld [smem:$0x3FAA]  }
0x2a: {  	p0 =	seq.s32 s5, $0x0;
	s5 =	sld [smem:$0x3FAB]  }
0x2b: {  	s6 =	sld [smem:$0x3FAC]  }
0x2c: {  	s7 =	sld [smem:$0x3FAD]  }
0x2d: {  	s3 =	simm.s32 $0x108;
	s8 =	sld [smem:$0x3FAE]  }
0x2e: {  	s3 =	simm.s32 @!p0 $0x1082;
	s9 =	sld [smem:$0x3FAF]  }
0x2f: {  	lr =	sadd.s32 s0, s3;
	s0 =	sld [smem:$0x3FA6]  }
0x30: {  	s3 =	sld [smem:$0x3FA9]  }
0x31: {  	[smem:$0x3FB2] =	sst s10  }
0x32: {  	s10 =	sld [smem:$0x3FB0];
	_ =	sdelay $0x3  }
0x33: {  	p0 =	seq.s32 s10, $0x1;
	s10 =	sld [smem:$0x3FB2];
	_ =	sdelay $0x3  }
0x34: {  	[smem:$0x3FB2] =	sst s10  }
0x35: {  	s10 =	sld [smem:$0x3FB1];
	_ =	sdelay $0x3  }
0x36: {  	p1 =	seq.s32 s10, $0x1;
	s10 =	sld [smem:$0x3FB2];
	_ =	sdelay $0x3  }
0x37: {  	[smem:$0x3FB2] =	sst s10  }
0x38: {  	s10 =	sld [smem:$0x3FB3]  }
0x39: {  	_ = 	snop;
	(pc) =	sbr.ind lr, $3  }
0x3a: {  	_ = 	snop  }
0x3b: {  	_ = 	snop  }
0x3c: {  	p2 =	seq.s32 s10, $0x1;
	s10 =	sld [smem:$0x3FB2]  }
0x3d: {  	_ =	shalt  }
0x3e: {  	_ =	shalt  }
0x3f: {  	_ =	shalt  }
0x40: {  	_ =	shalt  }
0x41: {  	_ =	shalt  }
0x42: {  	_ =	shalt  }
0x43: {  	_ =	shalt  }
0x44: {  	_ =	shalt  }
0x45: {  	_ =	shalt  }
0x46: {  	_ =	shalt  }
0x47: {  	_ =	shalt  }
0x48: {  	_ =	shalt  }
0x49: {  	_ =	shalt  }
0x4a: {  	_ =	shalt  }
0x4b: {  	_ =	shalt  }
0x4c: {  	_ =	shalt  }
0x4d: {  	_ =	shalt  }
0x4e: {  	_ =	shalt  }
0x4f: {  	_ =	shalt  }
0x50: {  	_ =	shalt  }
0x51: {  	_ =	shalt  }
0x52: {  	_ =	shalt  }
0x53: {  	_ =	shalt  }
0x54: {  	_ =	shalt  }
0x55: {  	_ =	shalt  }
0x56: {  	_ =	shalt  }
0x57: {  	_ =	shalt  }
0x58: {  	_ =	shalt  }
0x59: {  	_ =	shalt  }
0x5a: {  	_ =	shalt  }
0x5b: {  	_ =	shalt  }
0x5c: {  	_ =	shalt  }
0x5d: {  	_ =	shalt  }
0x5e: {  	_ =	shalt  }
0x5f: {  	_ =	shalt  }
0x60: {  	_ =	shalt  }
0x61: {  	_ =	shalt  }
0x62: {  	_ =	shalt  }
0x63: {  	_ =	shalt  }
0x64: {  	_ =	shalt  }
0x65: {  	_ =	shalt  }
0x66: {  	_ =	shalt  }
0x67: {  	_ =	shalt  }
0x68: {  	_ =	shalt  }
0x69: {  	_ =	shalt  }
0x6a: {  	_ =	shalt  }
0x6b: {  	_ =	shalt  }
0x6c: {  	_ =	shalt  }
0x6d: {  	_ =	shalt  }
0x6e: {  	_ =	shalt  }
0x6f: {  	_ =	shalt  }
0x70: {  	_ =	shalt  }
0x71: {  	_ =	shalt  }
0x72: {  	_ =	shalt  }
0x73: {  	_ =	shalt  }
0x74: {  	_ =	shalt  }
0x75: {  	_ =	shalt  }
0x76: {  	_ =	shalt  }
0x77: {  	_ =	shalt  }
0x78: {  	_ =	shalt  }
0x79: {  	_ =	shalt  }
0x7a: {  	_ =	shalt  }
0x7b: {  	_ =	shalt  }
0x7c: {  	_ =	shalt  }
0x7d: {  	_ =	shalt  }
0x7e: {  	_ =	shalt  }
0x7f: {  	_ =	shalt  }
0x80: {  	_ =	shalt  }
0x81: {  	_ =	shalt  }
0x82: {  	_ =	shalt  }
0x83: {  	_ =	shalt  }
0x84: {  	_ =	shalt  }
0x85: {  	_ =	shalt  }
0x86: {  	_ =	shalt  }
0x87: {  	_ =	shalt  }
.Lfunc_end0:
.L_simem_size_0:
called_computation.1_lowered:
.L_overlay_start_0:
0x88: {  	s2 =	sld [smem:$0x3FD9]  }
0x89: {  	s3 =	sld [smem:$0x3FFE];
	_ =	sdelay $0x1  }
0x8a: {  	s1 =	srdreg.scid  }
0x8b: {  	s0 =	sand.u32 $0x1, s1  }
0x8c: {  	s16 =	sshll.u32 s0, $0xA;
	s2 =	sadd.s32 s3, s2  }
0x8d: {  	s2 =	sadd.s32 s2, s16  }
0x8e: {  	[smem:$0x3FBE] =	sst s2  }
0x8f: {  	_ = 	snop  }
0x90: {  	(tm) =	ssettm $0x1  }
0x91: {  	s17 =	sld [smem:$0x3FFB];
	_ =	sdelay $0x3  }
0x92: {  	_ =	strace s17  }
0x93: {  	s2 =	sld [smem:$0x3FFC];
	_ =	sdelay $0x3  }
0x94: {  	_ =	strace s2  }
0x95: {  	s2 =	sld [smem:$0x3FFD];
	_ =	sdelay $0x3  }
0x96: {  	_ =	strace s2  }
0x97: {  	_ =	strace $0x8FFFFFFF  }
0x98: {  	s18 =	sld [smem:$0x3FDB];
	_ =	sdelay $0x1  }
0x99: {  	s19 =	simm.s32 $_scs_section_size  }
0x9a: {  	s4 =	simm.s32 $_size__tile_overlayer_lowered;
	s5 =	simm.s32 $_tile_overlayer_lowered  }
0x9b: {  	s22 =	simm.s32 $0x1BFF;
	s21 =	sshll.u32 s5, $0x1;
	s2 =	sadd.s32 s19, s18  }
0x9c: {  	s6 =	simm.s32 $0x0;
	s20 =	sshll.u32 s4, $0x1;
	s4 =	sadd.s32 s21, s2  }
0x9d: {  	[timem:s6], [sflag:s22] =	dma.local [hbm:s4], s20  }
0x9e: {  	_ =	swait.ge [sflag:s22], s20  }
0x9f: {  	s3 =	ssub.s32 $0x0, s20;
	[sflag:s22] =	ssyncset.done $0x0  }
0xa0: {  	[sflag:s22] =	ssyncadd.s32 s3;
	_ =	sdelay $0x1  }
0xa1: {  	s23 =	simm.s32 $0x1B8B  }
0xa2: {  	_ =	swait.ge [sflag:s23], $0x1  }
0xa3: {  	[sflag:s23] =	ssyncset.done $0x0  }
0xa4: {  	s25 =	simm.s32 $0x1B8E;
	s24 =	sld [smem:$0x3FFE];
	[sflag:s23] =	ssyncadd.s32 $0xFFFFFFFF  }
0xa5: {  	s26 =	simm.s32 $execute0_lowered;
	[smem:$0x3FD2] =	sst s25  }
0xa6: {  	s4 =	sshll.u32 s26, $0x1;
	_ =	strace $0x80000049;
	[dreg:$0x1] =	wrdreg $0xFFFFFFFF  }
0xa7: {  	s28 =	simm.s32 $_size_execute0_lowered;
	s2 =	sadd.s32 s2, s4;
	[dreg:$0x0] =	wrdreg $0x0  }
0xa8: {  	s4 =	sshll.u32 s28, $0x1;
	[dreg:$0x2] =	wrdreg s2  }
0xa9: {  	[dreg:$0x3] =	wrdreg s4  }
0xaa: {  	[dreg:$0x4] =	wrdreg $0xC0  }
0xab: {  	_ =	task [dreg:s6], $0x5FFFF  }
0xac: {  	[dreg:$0x1] =	wrdreg $0xFFFFFFFF  }
0xad: {  	[dreg:$0x0] =	wrdreg $0x60  }
0xae: {  	[dreg:$0x2] =	wrdreg s24  }
0xaf: {  	[dreg:$0x3] =	wrdreg $0x84000  }
0xb0: {  	[dreg:$0x4] =	wrdreg $0x9  }
0xb1: {  	_ =	task.clear_ibuf [dreg:s6], $0x5FFFF;
	_ =	strace $0x90000049  }
0xb2: {  	s29 =	simm.s32 $0x9;
	_ =	strace $0x8000004B  }
0xb3: {  	_ =	swait.ge [sflag:s29], $0x1  }
0xb4: {  	[sflag:s29] =	ssyncadd.s32 $0xFFFFFFFF  }
0xb5: {  	_ =	strace $0x9000004B  }
0xb6: {  	_ =	sfence  }
0xb7: {  	s30 =	sld [smem:$0x0];
	_ =	sdelay $0x2  }
0xb8: {  	s31 =	sshll.u32 s1, $0xD;
	s1 =	sshrl.u32 s1, $0x2  }
0xb9: {  	s3 =	sand.u32 $0x4000, s31;
	s1 =	sadd.s32 s1, s30  }
0xba: {  	s0 =	sor.u32 s3, s0;
	s1 =	sshll.u32 s1, $0x11  }
0xbb: {  	s0 =	sor.u32 s1, s0  }
0xbc: {  	s0 =	sadd.s32 $0x8F2B, s0  }
0xbd: {  	[sflag:s0] =	ssyncadd.remote.s32 $0x1  }
0xbe: {  	_ =	sfence.sel $0xFFFF  }
0xbf: {  	[dreg:$0x0] =	wrdreg $0xFFFFFFFF;
	(pc) =	sbr.abs _section_cstart, $3  }
0xc0: {  	[dreg:$0x1] =	wrdreg $0xFFFFFFFF  }
0xc1: {  	_ =	task.clear_ibuf [dreg:s6], $0x2FFFF;
	_ =	strace $0x9FFFFFFF  }
0xc2: {  	(tm) =	ssettm $0x7FFFFFFF  }
0xc3: {  	_ =	shalt  }
tec
execute0_lowered:
.L_overlay_start_1:
0x0: {  	(tag) =	ssettag $0x1  }
0x1: {  	s0 =	rddreg [dreg:$0x0]  }
0x2: {  	s1 =	rddreg [dreg:$0x1];
	s2 =	srdreg.scid  }
0x3: {  	s3 =	simm.s32 $0x0;
	s11 =	stileid.u32;
	s28 =	simm.s32 $0x4400  }
0x4: {  	s29 =	simm.s32 $0x5;
	s30 =	simm.s32 $0x3;
	s31 =	simm.s32 $0x6  }
0x5: {  	s2 =	sand.u32 $0x1, s2;
	[smem:$0x7FF] =	sst s3;
	s8 =	smul.u32 $0x14000, s11  }
0x6: {  	s4 =	sadd.s32 $0x2BA00, s0;
	s5 =	sadd.s32 $0x17200, s0;
	s6 =	sadd.s32 $0x2B200, s0  }
0x7: {  	s9 =	smul.u32 $0x50000, s11;
	s10 =	sshll.u32 s11, $0x1;
	s25 =	sshll.u32 s11, $0x6  }
0x8: {  	s7 =	smul.u32 $0x140000, s2;
	_ =	strace $0x8000004A;
	s22 =	ssub.s32 $0x2, s2  }
0x9: {  	s2 =	sor.u32 s2, s10;
	s23 =	sshrl.u32 s22, $0x1;
	s24 =	sshrl.u32 s9, $0x2  }
0xa: {  	s2 =	smul.u32 $0x5000, s2;
	s7 =	sadd.s32 s8, s7;
	s13 =	ssub.s32 s22, s23  }
0xb: {  	s9 =	sadd.s32 s24, s1;
	s24 =	simm.s32 $0x180;
	s7 =	sshrl.u32 s7, $0x3  }
0xc: {  	s26 =	sadd.s32 $0x4000, s9;
	s17 =	sadd.s32 $0x8000, s9;
	s18 =	sadd.s32 $0xC000, s9  }
0xd: {  	s19 =	sadd.s32 $0x10000, s9;
	s15 =	sor.u32 $0x400, s2;
	s16 =	sshrl.u32 s2, $0x3  }
0xe: {  	s12 =	sor.u32 $0x500, s2;
	s20 =	sor.u32 $0x600, s2;
	[dreg:$0x7] =	wrdreg s24  }
0xf: {  	s2 =	sor.u32 $0x700, s2;
	s13 =	smax.u32 s13, $0x1;
	[dreg:$0x3] =	wrdreg s15  }
0x10: {  	s14 =	sshrl.u32 s9, $0x3;
	s24 =	simm.s32 $0x80;
	[dreg:$0x4] =	wrdreg s12  }
0x11: {  	s0 =	sadd.s32 s7, s0;
	s7 =	sor.u32 $0x1C07, s25;
	[dreg:$0x5] =	wrdreg s20  }
0x12: {  	s8 =	sadd.s32 s5, s16;
	[dreg:$0x6] =	wrdreg s2;
	s15 =	simm.s32 $0x7  }
0x13: {  	s16 =	sshrl.u32 s26, $0x3;
	s17 =	sshrl.u32 s17, $0x3;
	s25 =	simm.s32 $0x280  }
0x14: {  	s18 =	sshrl.u32 s18, $0x3;
	s26 =	simm.s32 $0x380;
	[dreg:$0x8] =	wrdreg s25  }
0x15: {  	s19 =	sshrl.u32 s19, $0x3;
	s21 =	sadd.s32 $0x20, s8;
	[dreg:$0x9] =	wrdreg s26  }
0x16: {  	s20 =	simm.s32 $0x100;
	s22 =	sadd.s32 $0x40, s8;
	[dreg:$0xa] =	wrdreg s21  }
0x17: {  	s2 =	simm.s32 $0x0;
	s23 =	sadd.s32 $0x60, s8;
	[dreg:$0xb] =	wrdreg s22  }
0x18: {  	s0 =	sadd.s32 $0x52C00, s0;
	s25 =	simm.s32 $0x400;
	[dreg:$0xc] =	wrdreg s23  }
0x19: {  	s26 =	simm.s32 $0x2;
	[dreg:$0xd] =	wrdreg s0;
	s21 =	simm.s32 $0x200  }
0x1a: {  	s22 =	simm.s32 $0x300;
	s23 =	simm.s32 $0x1;
	s0 =	simm.s32 $0x4  }
.LBB2_1:
0x1b: {  	[spmem:s14], [sflag:s7] =	dma.local [hbm:s6], $0x800  }
0x1c: {  	_ =	swait.ge [sflag:s15], $0x800  }
0x1d: {  	[sflag:s15] =	ssyncset.done $0x0  }
0x1e: {  	[sflag:s15] =	ssyncadd.s32 $0xFFFFF800  }
0x1f: {  	[spmem:s16], [sflag:s7] =	dma.local [hbm:s6], $0x800  }
0x20: {  	_ =	swait.ge [sflag:s15], $0x800  }
0x21: {  	[sflag:s15] =	ssyncset.done $0x0  }
0x22: {  	[sflag:s15] =	ssyncadd.s32 $0xFFFFF800  }
0x23: {  	[spmem:s17], [sflag:s7] =	dma.local [hbm:s6], $0x800  }
0x24: {  	_ =	swait.ge [sflag:s15], $0x800  }
0x25: {  	[sflag:s15] =	ssyncset.done $0x0  }
0x26: {  	[sflag:s15] =	ssyncadd.s32 $0xFFFFF800  }
0x27: {  	[spmem:s18], [sflag:s7] =	dma.local [hbm:s6], $0x800  }
0x28: {  	_ =	swait.ge [sflag:s15], $0x800  }
0x29: {  	[sflag:s15] =	ssyncset.done $0x0  }
0x2a: {  	[sflag:s15] =	ssyncadd.s32 $0xFFFFF800  }
0x2b: {  	[spmem:s19], [sflag:s7] =	dma.local [hbm:s6], $0x800  }
0x2c: {  	_ =	swait.ge [sflag:s15], $0x800  }
0x2d: {  	[sflag:s15] =	ssyncset.done $0x0  }
0x2e: {  	[sflag:s15] =	ssyncadd.s32 $0xFFFFF800  }
0x2f: {  	[bflag:$0x0] =	sbarrier.arrive $0xFFFF  }
0x30: {  	[tilespmem:s3], [sflag:$0x1] =	stream.linear.gather [hbm4b:s8+s3], $0x100, $0x38;
	[tilespmem:$0x1C400] =	vst v63  }
0x31: {  	s9 =	rddreg [dreg:$0xa]  }
0x32: {  	[tilespmem:s20], [sflag:$0x2] =	stream.linear.gather [hbm4b:s9+s3], $0x100, $0x38;
	[tilespmem:$0x1C400] =	vst v63  }
0x33: {  	s10 =	rddreg [dreg:$0xb]  }
0x34: {  	[tilespmem:s21], [sflag:$0x3] =	stream.linear.gather [hbm4b:s10+s3], $0x100, $0x38;
	[tilespmem:$0x1C400] =	vst v63  }
0x35: {  	s11 =	rddreg [dreg:$0xc]  }
0x36: {  	[tilespmem:s22], [sflag:$0x4] =	stream.linear.gather [hbm4b:s11+s3], $0x100, $0x38;
	[tilespmem:$0x1C400] =	vst v63  }
0x37: {  	_ =	swait.ge [sflag:s23], $0x100  }
0x38: {  	[sflag:s23] =	ssyncset.done $0x0  }
0x39: {  	[sflag:s23] =	ssyncadd.s32 $0xFFFFFF00  }
0x3a: {  	[tilespmem:s25], [sflag:$0x5] =	stream.indirect.gather [hbm4b:s4+s24], $0x80, s3, s24, $0xb8;
	[tilespmem:$0x1C400] =	vst v63  }
0x3b: {  	_ =	swait.ge [sflag:s26], $0x100  }
0x3c: {  	[sflag:s26] =	ssyncset.done $0x0  }
0x3d: {  	[sflag:s26] =	ssyncadd.s32 $0xFFFFFF00  }
0x3e: {  	[tilespmem:s28], [sflag:$0x6] =	stream.indirect.gather [hbm4b:s4+s24], $0x80, s20, s24, $0xb8;
	[tilespmem:$0x1C400] =	vst v63  }
0x3f: {  	_ =	swait.ge [sflag:s29], $0x4000  }
0x40: {  	[sflag:s29] =	ssyncset.done $0x0  }
0x41: {  	[sflag:s29] =	ssyncadd.s32 $0xFFFFC000  }
0x42: {  	[spmem:s1] =	stream.indirect.scatter.add.f32 [tilespmem:s25], [sflag:$0x7], $0x80, s24, s24, $0xb8;
	[tilespmem:$0x1C400] =	vst v63  }
0x43: {  	s10 =	smin.u32 s3, $0x4B;
	_ =	swait.ge [sflag:s15], $0x4000  }
0x44: {  	s10 =	sshll.u32 s10, $0x8;
	s12 =	rddreg [dreg:$0x3]  }
0x45: {  	s9 =	sadd.s32 s10, s12  }
0x46: {  	[sflag:s15] =	ssyncset.done $0x0;
	s9 =	sshrl.u32 s9, $0x3  }
0x47: {  	[sflag:s15] =	ssyncadd.s32 $0xFFFFC000;
	s9 =	sadd.s32 s5, s9  }
0x48: {  	[tilespmem:s3], [sflag:$0x1] =	stream.linear.gather [hbm4b:s9+s3], $0x100, $0x38;
	[tilespmem:$0x1C400] =	vst v63  }
0x49: {  	_ =	swait.ge [sflag:s30], $0x100  }
0x4a: {  	[sflag:s30] =	ssyncset.done $0x0  }
0x4b: {  	[sflag:s30] =	ssyncadd.s32 $0xFFFFFF00  }
0x4c: {  	[tilespmem:s25], [sflag:$0x5] =	stream.indirect.gather [hbm4b:s4+s24], $0x80, s21, s24, $0xb8;
	[tilespmem:$0x1C400] =	vst v63  }
0x4d: {  	_ =	swait.ge [sflag:s31], $0x4000  }
0x4e: {  	[sflag:s31] =	ssyncset.done $0x0  }
0x4f: {  	s10 =	rddreg [dreg:$0x7];
	[sflag:s31] =	ssyncadd.s32 $0xFFFFC000  }
0x50: {  	[spmem:s1] =	stream.indirect.scatter.add.f32 [tilespmem:s28], [sflag:$0x7], $0x80, s10, s24, $0xb8;
	[tilespmem:$0x1C400] =	vst v63  }
0x51: {  	s12 =	smin.u32 s3, $0x4A;
	_ =	swait.ge [sflag:s15], $0x4000  }
0x52: {  	s10 =	sshll.u32 s12, $0x8;
	s11 =	rddreg [dreg:$0x4]  }
0x53: {  	s9 =	sadd.s32 s10, s11  }
0x54: {  	[sflag:s15] =	ssyncset.done $0x0;
	s9 =	sshrl.u32 s9, $0x3  }
0x55: {  	[sflag:s15] =	ssyncadd.s32 $0xFFFFC000;
	s9 =	sadd.s32 s5, s9  }
0x56: {  	[tilespmem:s20], [sflag:$0x2] =	stream.linear.gather [hbm4b:s9+s3], $0x100, $0x38;
	[tilespmem:$0x1C400] =	vst v63  }
0x57: {  	_ =	swait.ge [sflag:s0], $0x100  }
0x58: {  	[sflag:s0] =	ssyncset.done $0x0  }
0x59: {  	[sflag:s0] =	ssyncadd.s32 $0xFFFFFF00  }
0x5a: {  	[tilespmem:s28], [sflag:$0x6] =	stream.indirect.gather [hbm4b:s4+s24], $0x80, s22, s24, $0xb8;
	[tilespmem:$0x1C400] =	vst v63  }
0x5b: {  	_ =	swait.ge [sflag:s29], $0x4000  }
0x5c: {  	[sflag:s29] =	ssyncset.done $0x0  }
0x5d: {  	s10 =	rddreg [dreg:$0x8];
	[sflag:s29] =	ssyncadd.s32 $0xFFFFC000  }
0x5e: {  	[spmem:s1] =	stream.indirect.scatter.add.f32 [tilespmem:s25], [sflag:$0x7], $0x80, s10, s24, $0xb8;
	[tilespmem:$0x1C400] =	vst v63  }
0x5f: {  	s12 =	smin.u32 s3, $0x49;
	_ =	swait.ge [sflag:s15], $0x4000  }
0x60: {  	s10 =	sshll.u32 s12, $0x8;
	s11 =	rddreg [dreg:$0x5]  }
0x61: {  	s9 =	sadd.s32 s10, s11  }
0x62: {  	[sflag:s15] =	ssyncset.done $0x0;
	s9 =	sshrl.u32 s9, $0x3  }
0x63: {  	[sflag:s15] =	ssyncadd.s32 $0xFFFFC000;
	s9 =	sadd.s32 s5, s9  }
0x64: {  	[tilespmem:s21], [sflag:$0x3] =	stream.linear.gather [hbm4b:s9+s3], $0x100, $0x38;
	[tilespmem:$0x1C400] =	vst v63  }
0x65: {  	_ =	swait.ge [sflag:s23], $0x100  }
0x66: {  	[sflag:s23] =	ssyncset.done $0x0  }
0x67: {  	[sflag:s23] =	ssyncadd.s32 $0xFFFFFF00  }
0x68: {  	[tilespmem:s25], [sflag:$0x5] =	stream.indirect.gather [hbm4b:s4+s24], $0x80, s3, s24, $0xb8;
	[tilespmem:$0x1C400] =	vst v63  }
0x69: {  	_ =	swait.ge [sflag:s31], $0x4000  }
0x6a: {  	[sflag:s31] =	ssyncset.done $0x0  }
0x6b: {  	s10 =	rddreg [dreg:$0x9];
	[sflag:s31] =	ssyncadd.s32 $0xFFFFC000  }
0x6c: {  	[spmem:s1] =	stream.indirect.scatter.add.f32 [tilespmem:s28], [sflag:$0x7], $0x80, s10, s24, $0xb8;
	[tilespmem:$0x1C400] =	vst v63  }
0x6d: {  	s12 =	smin.u32 s3, $0x48;
	_ =	swait.ge [sflag:s15], $0x4000  }
0x6e: {  	s10 =	sshll.u32 s12, $0x8;
	s11 =	rddreg [dreg:$0x6]  }
0x6f: {  	s9 =	sadd.s32 s10, s11  }
0x70: {  	[sflag:s15] =	ssyncset.done $0x0;
	s9 =	sshrl.u32 s9, $0x3  }
0x71: {  	[sflag:s15] =	ssyncadd.s32 $0xFFFFC000;
	s9 =	sadd.s32 s5, s9  }
0x72: {  	[tilespmem:s22], [sflag:$0x4] =	stream.linear.gather [hbm4b:s9+s3], $0x100, $0x38;
	[tilespmem:$0x1C400] =	vst v63  }
0x73: {  	_ =	swait.ge [sflag:s26], $0x100  }
0x74: {  	[sflag:s26] =	ssyncset.done $0x0  }
0x75: {  	s9 =	simm.s32 $0x4;
	[sflag:s26] =	ssyncadd.s32 $0xFFFFFF00  }
.LBB2_2:
0x76: {  	[tilespmem:s28], [sflag:$0x6] =	stream.indirect.gather [hbm4b:s4+s24], $0x80, s20, s24, $0xb8;
	[tilespmem:$0x1C400] =	vst v63  }
0x77: {  	_ =	swait.ge [sflag:s29], $0x4000  }
0x78: {  	[sflag:s29] =	ssyncset.done $0x0  }
0x79: {  	s10 =	smov.u32 s9;
	[sflag:s29] =	ssyncadd.s32 $0xFFFFC000  }
0x7a: {  	[spmem:s1] =	stream.indirect.scatter.add.f32 [tilespmem:s25], [sflag:$0x7], $0x80, s24, s24, $0xb8;
	[tilespmem:$0x1C400] =	vst v63  }
0x7b: {  	s12 =	smin.u32 s10, $0x4B;
	_ =	swait.ge [sflag:s15], $0x4000  }
0x7c: {  	s12 =	sshll.u32 s12, $0x8;
	s11 =	rddreg [dreg:$0x3]  }
0x7d: {  	s11 =	sadd.s32 s12, s11  }
0x7e: {  	[sflag:s15] =	ssyncset.done $0x0;
	s11 =	sshrl.u32 s11, $0x3  }
0x7f: {  	[sflag:s15] =	ssyncadd.s32 $0xFFFFC000;
	s11 =	sadd.s32 s5, s11  }
0x80: {  	[tilespmem:s3], [sflag:$0x1] =	stream.linear.gather [hbm4b:s11+s3], $0x100, $0x38;
	[tilespmem:$0x1C400] =	vst v63  }
0x81: {  	_ =	swait.ge [sflag:s30], $0x100  }
0x82: {  	[sflag:s30] =	ssyncset.done $0x0  }
0x83: {  	[sflag:s30] =	ssyncadd.s32 $0xFFFFFF00  }
0x84: {  	[tilespmem:s25], [sflag:$0x5] =	stream.indirect.gather [hbm4b:s4+s24], $0x80, s21, s24, $0xb8;
	[tilespmem:$0x1C400] =	vst v63  }
0x85: {  	_ =	swait.ge [sflag:s31], $0x4000  }
0x86: {  	[sflag:s31] =	ssyncset.done $0x0  }
0x87: {  	s12 =	rddreg [dreg:$0x7];
	[sflag:s31] =	ssyncadd.s32 $0xFFFFC000  }
0x88: {  	[spmem:s1] =	stream.indirect.scatter.add.f32 [tilespmem:s28], [sflag:$0x7], $0x80, s12, s24, $0xb8;
	[tilespmem:$0x1C400] =	vst v63  }
0x89: {  	s12 =	smin.u32 s10, $0x4A;
	_ =	swait.ge [sflag:s15], $0x4000  }
0x8a: {  	s12 =	sshll.u32 s12, $0x8;
	s11 =	rddreg [dreg:$0x4]  }
0x8b: {  	s11 =	sadd.s32 s12, s11  }
0x8c: {  	[sflag:s15] =	ssyncset.done $0x0;
	s11 =	sshrl.u32 s11, $0x3  }
0x8d: {  	[sflag:s15] =	ssyncadd.s32 $0xFFFFC000;
	s11 =	sadd.s32 s5, s11  }
0x8e: {  	[tilespmem:s20], [sflag:$0x2] =	stream.linear.gather [hbm4b:s11+s3], $0x100, $0x38;
	[tilespmem:$0x1C400] =	vst v63  }
0x8f: {  	_ =	swait.ge [sflag:s0], $0x100  }
0x90: {  	[sflag:s0] =	ssyncset.done $0x0  }
0x91: {  	[sflag:s0] =	ssyncadd.s32 $0xFFFFFF00  }
0x92: {  	[tilespmem:s28], [sflag:$0x6] =	stream.indirect.gather [hbm4b:s4+s24], $0x80, s22, s24, $0xb8;
	[tilespmem:$0x1C400] =	vst v63  }
0x93: {  	_ =	swait.ge [sflag:s29], $0x4000  }
0x94: {  	[sflag:s29] =	ssyncset.done $0x0  }
0x95: {  	s12 =	rddreg [dreg:$0x8];
	[sflag:s29] =	ssyncadd.s32 $0xFFFFC000  }
0x96: {  	[spmem:s1] =	stream.indirect.scatter.add.f32 [tilespmem:s25], [sflag:$0x7], $0x80, s12, s24, $0xb8;
	[tilespmem:$0x1C400] =	vst v63  }
0x97: {  	s12 =	smin.u32 s10, $0x49;
	_ =	swait.ge [sflag:s15], $0x4000  }
0x98: {  	s12 =	sshll.u32 s12, $0x8;
	s11 =	rddreg [dreg:$0x5]  }
0x99: {  	s11 =	sadd.s32 s12, s11  }
0x9a: {  	[sflag:s15] =	ssyncset.done $0x0;
	s11 =	sshrl.u32 s11, $0x3  }
0x9b: {  	[sflag:s15] =	ssyncadd.s32 $0xFFFFC000;
	s11 =	sadd.s32 s5, s11  }
0x9c: {  	[tilespmem:s21], [sflag:$0x3] =	stream.linear.gather [hbm4b:s11+s3], $0x100, $0x38;
	[tilespmem:$0x1C400] =	vst v63  }
0x9d: {  	_ =	swait.ge [sflag:s23], $0x100  }
0x9e: {  	[sflag:s23] =	ssyncset.done $0x0  }
0x9f: {  	[sflag:s23] =	ssyncadd.s32 $0xFFFFFF00  }
0xa0: {  	[tilespmem:s25], [sflag:$0x5] =	stream.indirect.gather [hbm4b:s4+s24], $0x80, s3, s24, $0xb8;
	[tilespmem:$0x1C400] =	vst v63  }
0xa1: {  	_ =	swait.ge [sflag:s31], $0x4000  }
0xa2: {  	[sflag:s31] =	ssyncset.done $0x0  }
0xa3: {  	s12 =	rddreg [dreg:$0x9];
	[sflag:s31] =	ssyncadd.s32 $0xFFFFC000  }
0xa4: {  	[spmem:s1] =	stream.indirect.scatter.add.f32 [tilespmem:s28], [sflag:$0x7], $0x80, s12, s24, $0xb8;
	[tilespmem:$0x1C400] =	vst v63  }
0xa5: {  	s10 =	smin.u32 s10, $0x48;
	_ =	swait.ge [sflag:s15], $0x4000  }
0xa6: {  	s10 =	sshll.u32 s10, $0x8;
	s12 =	rddreg [dreg:$0x6]  }
0xa7: {  	s10 =	sadd.s32 s10, s12  }
0xa8: {  	p0 =	sne.s32 s9, $0x4C;
	[sflag:s15] =	ssyncset.done $0x0;
	s10 =	sshrl.u32 s10, $0x3  }
.Ltmp0:
0xa9: {  	[sflag:s15] =	ssyncadd.s32 $0xFFFFC000;
	s10 =	sadd.s32 s5, s10;
	(pc) =	sbr.rel @p0 .LBB2_2-.Ltmp0, $4  }
0xaa: {  	[tilespmem:s22], [sflag:$0x4] =	stream.linear.gather [hbm4b:s10+s3], $0x100, $0x38;
	[tilespmem:$0x1C400] =	vst v63  }
0xab: {  	_ =	swait.ge [sflag:s26], $0x100  }
0xac: {  	[sflag:s26] =	ssyncset.done $0x0  }
0xad: {  	s9 =	sadd.s32 $0x4, s9;
	[sflag:s26] =	ssyncadd.s32 $0xFFFFFF00  }
0xae: {  	[tilespmem:s28], [sflag:$0x6] =	stream.indirect.gather [hbm4b:s4+s24], $0x80, s20, s24, $0xb8;
	[tilespmem:$0x1C400] =	vst v63  }
0xaf: {  	_ =	swait.ge [sflag:s30], $0x100  }
0xb0: {  	[sflag:s30] =	ssyncset.done $0x0  }
0xb1: {  	[sflag:s30] =	ssyncadd.s32 $0xFFFFFF00  }
0xb2: {  	_ =	swait.ge [sflag:s0], $0x100  }
0xb3: {  	[sflag:s0] =	ssyncset.done $0x0  }
0xb4: {  	[sflag:s0] =	ssyncadd.s32 $0xFFFFFF00  }
0xb5: {  	_ =	swait.ge [sflag:s29], $0x4000  }
0xb6: {  	[sflag:s29] =	ssyncset.done $0x0  }
0xb7: {  	[sflag:s29] =	ssyncadd.s32 $0xFFFFC000  }
0xb8: {  	_ =	swait.ge [sflag:s31], $0x4000  }
0xb9: {  	[sflag:s31] =	ssyncset.done $0x0  }
0xba: {  	s2 =	sadd.s32 $0x1, s2;
	[sflag:s31] =	ssyncadd.s32 $0xFFFFC000  }
0xbb: {  	p0 =	sne.s32 s2, s13;
	[bflag:$0x0] =	sbarrier.arrive $0xFFFF  }
.Ltmp1:
0xbc: {  	s9 =	rddreg [dreg:$0xd];
	(pc) =	sbr.rel @p0 .LBB2_1-.Ltmp1, $4  }
0xbd: {  	[hbm:s9], [sflag:s7] =	dma.local [spmem:s14], $0x2800  }
0xbe: {  	_ =	swait.ge [sflag:s15], $0x2800  }
0xbf: {  	[sflag:s15] =	ssyncset.done $0x0  }
0xc0: {  	[sflag:s15] =	ssyncadd.s32 $0xFFFFD800  }
0xc1: {  	_ =	sfence.sel $0x180000  }
0xc2: {  	[bflag:$0x0] =	sbarrier.arrive $0xFFFF  }
0xc3: {  	_ =	strace $0x9000004A  }
0xc4: {  	s0 =	stileid.u32;
	[bflag:$0x2] =	sbarrier.arrive $0xFFFF  }
0xc5: {  	p0 =	sne.s32 s0, $0x0;
	s0 =	rddreg [dreg:$0x2]  }
0xc6: {  	s0 =	sadd.s32 @!p0 $0x100000, s0  }
0xc7: {  	[sflag:s0] =	ssyncadd.tile.s32 @!p0 $0x1;
	_ =	shalt  }
.Lfunc_end2:
_tile_overlayer_lowered:
.L_overlay_start_2:
0xc8: {  	(tag) =	ssettag $0x2  }
0xc9: {  	s0 =	rddreg [dreg:$0x0];
	s2 =	stileid.u32  }
0xca: {  	s1 =	rddreg [dreg:$0x1];
	p0 =	sne.s32 s2, $0x0  }
0xcb: {  	s3 =	rddreg [dreg:$0x2];
	[bflag:$0x3] =	sbarrier.arrive $0xFFFF;
	s2 =	simm.s32 @!p0 $0x1C07  }
0xcc: {  	[timem:s3], [sflag:s2] =	dma.local @!p0 [hbm:s0], s1  }
0xcd: {  	s0 =	simm.s32 @!p0 $0x7  }
0xce: {  	_ =	swait.ge @!p0 [sflag:s0], s1  }
0xcf: {  	s1 =	ssub.s32 @!p0 $0x0, s1;
	[sflag:s0] =	ssyncset.done @!p0 $0x0  }
0xd0: {  	[sflag:s0] =	ssyncadd.s32 @!p0 s1  }
0xd1: {  	[bflag:$0x3] =	sbarrier.arrive $0xFFFF  }
0xd2: {  	_ =	shalt  }

// kernel: kernel.19.cloned.1.call-start
scs
__scs_entry_jumppad:
0x0: {  	(pc) =	sbr.rel $0x88, $3  }
0x1: {  	(tag) =	ssettag $0x0;
	lr =	simm.s32 $0x1  }
0x2: {  	[smem:$0x3F97] =	sst lr;
	_ =	strace $0xD0000000  }
0x3: {  	_ = 	snop  }
0x4: {  	_ = 	snop  }
0x5: {  	_ = 	snop  }
0x6: {  	_ = 	snop  }
0x7: {  	_ = 	snop  }
__scs_overlays_trampoline_lowered:
0x8: {  	[smem:$0x3FA6] =	sst s0  }
0x9: {  	[smem:$0x3FA7] =	sst s1  }
0xa: {  	[smem:$0x3FA8] =	sst s2  }
0xb: {  	[smem:$0x3FA9] =	sst s3  }
0xc: {  	[smem:$0x3FAA] =	sst s4  }
0xd: {  	[smem:$0x3FAB] =	sst s5  }
0xe: {  	[smem:$0x3FAC] =	sst s6  }
0xf: {  	[smem:$0x3FAD] =	sst s7  }
0x10: {  	[smem:$0x3FAE] =	sst s8  }
0x11: {  	[smem:$0x3FAF] =	sst s9;
	s0 =	simm.s32 @!p0 $0x0  }
0x12: {  	s1 =	sld [smem:$0x3F95];
	s0 =	simm.s32 @p0 $0x1  }
0x13: {  	[smem:$0x3FB0] =	sst s0;
	s0 =	simm.s32 @!p1 $0x0  }
0x14: {  	s2 =	sld [smem:$0x3F94];
	s0 =	simm.s32 @p1 $0x1  }
0x15: {  	[smem:$0x3FB1] =	sst s0;
	s0 =	simm.s32 @!p2 $0x0  }
0x16: {  	s3 =	sld [smem:$0x3FDB];
	s0 =	simm.s32 @p2 $0x1  }
0x17: {  	s4 =	simm.s32 $0x1BF5;
	[smem:$0x3FB3] =	sst s0  }
0x18: {  	s0 =	sld [smem:$0x3F96];
	_ =	swait.ge [sflag:s4], $0x0  }
0x19: {  	s7 =	sld [smem:$0x3F97]  }
0x1a: {  	s8 =	sadd.s32 $0xFFFFE003, lr  }
0x1b: {  	s9 =	sadd.s32 $0xFFFFFEF7, lr;
	s5 =	simm.s32 $0xFFFFFFFF;
	p2 =	slt.u32 s8, $0xFFFFF086  }
0x1c: {  	p1 =	slt.u32 s9, $0xF7A;
	s5 =	simm.s32 @!p2 $0x0  }
0x1d: {  	s5 =	simm.s32 @p1 $0x1;
	p0 =	seq.s32 s7, s2  }
0x1e: {  	s7 =	smul.u32 @!p0 $0xF7A, s2;
	p2 =	seq.s32 @!p0 s5, $0x0  }
0x1f: {  	s9 =	smul.u32 $0xF7A, s1;
	s8 =	simm.s32 @!p0 $0x1BF5;
	p2 =	por !p2, p0  }
0x20: {  	[sflag:s8] =	ssyncset.s32 @!p0 $0xFFFFF086;
	s6 =	sadd.s32 @!p0 s3, s7;
	s7 =	simm.s32 @!p0 $0x108  }
0x21: {  	s3 =	sadd.s32 s3, s9;
	s6 =	sadd.s32 @!p0 $0x88, s6;
	s7 =	simm.s32 @p2 $0x1082  }
0x22: {  	[simem:s7], [sflag:s8] =	dma.local @!p0 [hbm:s6], $0xF7A  }
0x23: {  	s9 =	sor.u32 $0xD0000000, s2;
	s6 =	simm.s32 $0x108;
	_ =	swait.ge @!p0 [sflag:s8], $0x0  }
0x24: {  	s3 =	sadd.s32 $0x88, s3;
	s6 =	simm.s32 @!p1 $0x1082;
	[sflag:s4] =	ssyncset.s32 $0xFFFFF086  }
0x25: {  	[simem:s6], [sflag:s4] =	dma.local [hbm:s3], $0xF7A  }
0x26: {  	[smem:$0x3F97] =	sst s1;
	(tag) =	ssettag s2;
	_ =	strace s9  }
0x27: {  	s1 =	sld [smem:$0x3FA7]  }
0x28: {  	s2 =	sld [smem:$0x3FA8]  }
0x29: {  	s4 =	sld [smem:$0x3FAA]  }
0x2a: {  	p0 =	seq.s32 s5, $0x0;
	s5 =	sld [smem:$0x3FAB]  }
0x2b: {  	s6 =	sld [smem:$0x3FAC]  }
0x2c: {  	s7 =	sld [smem:$0x3FAD]  }
0x2d: {  	s3 =	simm.s32 $0x108;
	s8 =	sld [smem:$0x3FAE]  }
0x2e: {  	s3 =	simm.s32 @!p0 $0x1082;
	s9 =	sld [smem:$0x3FAF]  }
0x2f: {  	lr =	sadd.s32 s0, s3;
	s0 =	sld [smem:$0x3FA6]  }
0x30: {  	s3 =	sld [smem:$0x3FA9]  }
0x31: {  	[smem:$0x3FB2] =	sst s10  }
0x32: {  	s10 =	sld [smem:$0x3FB0];
	_ =	sdelay $0x3  }
0x33: {  	p0 =	seq.s32 s10, $0x1;
	s10 =	sld [smem:$0x3FB2];
	_ =	sdelay $0x3  }
0x34: {  	[smem:$0x3FB2] =	sst s10  }
0x35: {  	s10 =	sld [smem:$0x3FB1];
	_ =	sdelay $0x3  }
0x36: {  	p1 =	seq.s32 s10, $0x1;
	s10 =	sld [smem:$0x3FB2];
	_ =	sdelay $0x3  }
0x37: {  	[smem:$0x3FB2] =	sst s10  }
0x38: {  	s10 =	sld [smem:$0x3FB3]  }
0x39: {  	_ = 	snop;
	(pc) =	sbr.ind lr, $3  }
0x3a: {  	_ = 	snop  }
0x3b: {  	_ = 	snop  }
0x3c: {  	p2 =	seq.s32 s10, $0x1;
	s10 =	sld [smem:$0x3FB2]  }
0x3d: {  	_ =	shalt  }
0x3e: {  	_ =	shalt  }
0x3f: {  	_ =	shalt  }
0x40: {  	_ =	shalt  }
0x41: {  	_ =	shalt  }
0x42: {  	_ =	shalt  }
0x43: {  	_ =	shalt  }
0x44: {  	_ =	shalt  }
0x45: {  	_ =	shalt  }
0x46: {  	_ =	shalt  }
0x47: {  	_ =	shalt  }
0x48: {  	_ =	shalt  }
0x49: {  	_ =	shalt  }
0x4a: {  	_ =	shalt  }
0x4b: {  	_ =	shalt  }
0x4c: {  	_ =	shalt  }
0x4d: {  	_ =	shalt  }
0x4e: {  	_ =	shalt  }
0x4f: {  	_ =	shalt  }
0x50: {  	_ =	shalt  }
0x51: {  	_ =	shalt  }
0x52: {  	_ =	shalt  }
0x53: {  	_ =	shalt  }
0x54: {  	_ =	shalt  }
0x55: {  	_ =	shalt  }
0x56: {  	_ =	shalt  }
0x57: {  	_ =	shalt  }
0x58: {  	_ =	shalt  }
0x59: {  	_ =	shalt  }
0x5a: {  	_ =	shalt  }
0x5b: {  	_ =	shalt  }
0x5c: {  	_ =	shalt  }
0x5d: {  	_ =	shalt  }
0x5e: {  	_ =	shalt  }
0x5f: {  	_ =	shalt  }
0x60: {  	_ =	shalt  }
0x61: {  	_ =	shalt  }
0x62: {  	_ =	shalt  }
0x63: {  	_ =	shalt  }
0x64: {  	_ =	shalt  }
0x65: {  	_ =	shalt  }
0x66: {  	_ =	shalt  }
0x67: {  	_ =	shalt  }
0x68: {  	_ =	shalt  }
0x69: {  	_ =	shalt  }
0x6a: {  	_ =	shalt  }
0x6b: {  	_ =	shalt  }
0x6c: {  	_ =	shalt  }
0x6d: {  	_ =	shalt  }
0x6e: {  	_ =	shalt  }
0x6f: {  	_ =	shalt  }
0x70: {  	_ =	shalt  }
0x71: {  	_ =	shalt  }
0x72: {  	_ =	shalt  }
0x73: {  	_ =	shalt  }
0x74: {  	_ =	shalt  }
0x75: {  	_ =	shalt  }
0x76: {  	_ =	shalt  }
0x77: {  	_ =	shalt  }
0x78: {  	_ =	shalt  }
0x79: {  	_ =	shalt  }
0x7a: {  	_ =	shalt  }
0x7b: {  	_ =	shalt  }
0x7c: {  	_ =	shalt  }
0x7d: {  	_ =	shalt  }
0x7e: {  	_ =	shalt  }
0x7f: {  	_ =	shalt  }
0x80: {  	_ =	shalt  }
0x81: {  	_ =	shalt  }
0x82: {  	_ =	shalt  }
0x83: {  	_ =	shalt  }
0x84: {  	_ =	shalt  }
0x85: {  	_ =	shalt  }
0x86: {  	_ =	shalt  }
0x87: {  	_ =	shalt  }
.Lfunc_end0:
.L_simem_size_0:
called_computation.2_lowered:
.L_overlay_start_0:
0x88: {  	s2 =	sld [smem:$0x3FD9]  }
0x89: {  	s3 =	sld [smem:$0x3FFE];
	_ =	sdelay $0x1  }
0x8a: {  	s1 =	srdreg.scid  }
0x8b: {  	s0 =	sand.u32 $0x1, s1  }
0x8c: {  	s16 =	sshll.u32 s0, $0xA;
	s2 =	sadd.s32 s3, s2  }
0x8d: {  	s2 =	sadd.s32 s2, s16  }
0x8e: {  	[smem:$0x3FBE] =	sst s2  }
0x8f: {  	_ = 	snop  }
0x90: {  	(tm) =	ssettm $0x1  }
0x91: {  	s17 =	sld [smem:$0x3FFB];
	_ =	sdelay $0x3  }
0x92: {  	_ =	strace s17  }
0x93: {  	s2 =	sld [smem:$0x3FFC];
	_ =	sdelay $0x3  }
0x94: {  	_ =	strace s2  }
0x95: {  	s2 =	sld [smem:$0x3FFD];
	_ =	sdelay $0x3  }
0x96: {  	_ =	strace s2  }
0x97: {  	_ =	strace $0x8FFFFFFF  }
0x98: {  	s18 =	sld [smem:$0x3FDB];
	_ =	sdelay $0x1  }
0x99: {  	s19 =	simm.s32 $_scs_section_size  }
0x9a: {  	s4 =	simm.s32 $_size__tile_overlayer_lowered;
	s5 =	simm.s32 $_tile_overlayer_lowered  }
0x9b: {  	s22 =	simm.s32 $0x1BFF;
	s21 =	sshll.u32 s5, $0x1;
	s2 =	sadd.s32 s19, s18  }
0x9c: {  	s6 =	simm.s32 $0x0;
	s20 =	sshll.u32 s4, $0x1;
	s4 =	sadd.s32 s21, s2  }
0x9d: {  	[timem:s6], [sflag:s22] =	dma.local [hbm:s4], s20  }
0x9e: {  	_ =	swait.ge [sflag:s22], s20  }
0x9f: {  	s3 =	ssub.s32 $0x0, s20;
	[sflag:s22] =	ssyncset.done $0x0  }
0xa0: {  	[sflag:s22] =	ssyncadd.s32 s3;
	_ =	sdelay $0x1  }
0xa1: {  	s23 =	simm.s32 $0x1B8B  }
0xa2: {  	_ =	swait.ge [sflag:s23], $0x1  }
0xa3: {  	[sflag:s23] =	ssyncset.done $0x0  }
0xa4: {  	s25 =	simm.s32 $0x1B8E;
	s24 =	sld [smem:$0x3FFE];
	[sflag:s23] =	ssyncadd.s32 $0xFFFFFFFF  }
0xa5: {  	s26 =	simm.s32 $execute0_lowered;
	[smem:$0x3FD2] =	sst s25  }
0xa6: {  	s4 =	sshll.u32 s26, $0x1;
	_ =	strace $0x8000004C;
	[dreg:$0x1] =	wrdreg $0xFFFFFFFF  }
0xa7: {  	s28 =	simm.s32 $_size_execute0_lowered;
	s2 =	sadd.s32 s2, s4;
	[dreg:$0x0] =	wrdreg $0x0  }
0xa8: {  	s4 =	sshll.u32 s28, $0x1;
	[dreg:$0x2] =	wrdreg s2  }
0xa9: {  	[dreg:$0x3] =	wrdreg s4  }
0xaa: {  	[dreg:$0x4] =	wrdreg $0xC0  }
0xab: {  	_ =	task [dreg:s6], $0x5FFFF  }
0xac: {  	[dreg:$0x1] =	wrdreg $0xFFFFFFFF  }
0xad: {  	[dreg:$0x0] =	wrdreg $0x60  }
0xae: {  	[dreg:$0x2] =	wrdreg s24  }
0xaf: {  	[dreg:$0x3] =	wrdreg $0x84000  }
0xb0: {  	[dreg:$0x4] =	wrdreg $0x9  }
0xb1: {  	_ =	task.clear_ibuf [dreg:s6], $0x5FFFF;
	_ =	strace $0x9000004C  }
0xb2: {  	s29 =	simm.s32 $0x9;
	_ =	strace $0x8000004E  }
0xb3: {  	_ =	swait.ge [sflag:s29], $0x1  }
0xb4: {  	[sflag:s29] =	ssyncadd.s32 $0xFFFFFFFF  }
0xb5: {  	_ =	strace $0x9000004E  }
0xb6: {  	_ =	sfence  }
0xb7: {  	s30 =	sld [smem:$0x0];
	_ =	sdelay $0x2  }
0xb8: {  	s31 =	sshll.u32 s1, $0xD;
	s1 =	sshrl.u32 s1, $0x2  }
0xb9: {  	s3 =	sand.u32 $0x4000, s31;
	s1 =	sadd.s32 s1, s30  }
0xba: {  	s0 =	sor.u32 s3, s0;
	s1 =	sshll.u32 s1, $0x11  }
0xbb: {  	s0 =	sor.u32 s1, s0  }
0xbc: {  	s0 =	sadd.s32 $0x8F2B, s0  }
0xbd: {  	[sflag:s0] =	ssyncadd.remote.s32 $0x1  }
0xbe: {  	_ =	sfence.sel $0xFFFF  }
0xbf: {  	[dreg:$0x0] =	wrdreg $0xFFFFFFFF;
	(pc) =	sbr.abs _section_cstart, $3  }
0xc0: {  	[dreg:$0x1] =	wrdreg $0xFFFFFFFF  }
0xc1: {  	_ =	task.clear_ibuf [dreg:s6], $0x2FFFF;
	_ =	strace $0x9FFFFFFF  }
0xc2: {  	(tm) =	ssettm $0x7FFFFFFF  }
0xc3: {  	_ =	shalt  }
tec
execute0_lowered:
.L_overlay_start_1:
0x0: {  	(tag) =	ssettag $0x1  }
0x1: {  	s0 =	rddreg [dreg:$0x0]  }
0x2: {  	s1 =	rddreg [dreg:$0x1];
	s2 =	srdreg.scid  }
0x3: {  	s3 =	simm.s32 $0x0;
	s11 =	stileid.u32;
	s28 =	simm.s32 $0x4400  }
0x4: {  	s29 =	simm.s32 $0x5;
	s30 =	simm.s32 $0x3;
	s31 =	simm.s32 $0x6  }
0x5: {  	s2 =	sand.u32 $0x1, s2;
	[smem:$0x7FF] =	sst s3;
	s8 =	smul.u32 $0x14000, s11  }
0x6: {  	s4 =	sadd.s32 $0x2BA00, s0;
	s5 =	sadd.s32 $0x17200, s0;
	s6 =	sadd.s32 $0x2B200, s0  }
0x7: {  	s9 =	smul.u32 $0x50000, s11;
	s10 =	sshll.u32 s11, $0x1;
	s25 =	sshll.u32 s11, $0x6  }
0x8: {  	s7 =	smul.u32 $0x140000, s2;
	_ =	strace $0x8000004D;
	s22 =	ssub.s32 $0x2, s2  }
0x9: {  	s2 =	sor.u32 s2, s10;
	s23 =	sshrl.u32 s22, $0x1;
	s24 =	sshrl.u32 s9, $0x2  }
0xa: {  	s2 =	smul.u32 $0x5000, s2;
	s7 =	sadd.s32 s8, s7;
	s13 =	ssub.s32 s22, s23  }
0xb: {  	s9 =	sadd.s32 s24, s1;
	s24 =	simm.s32 $0x180;
	s7 =	sshrl.u32 s7, $0x3  }
0xc: {  	s26 =	sadd.s32 $0x4000, s9;
	s17 =	sadd.s32 $0x8000, s9;
	s18 =	sadd.s32 $0xC000, s9  }
0xd: {  	s19 =	sadd.s32 $0x10000, s9;
	s15 =	sor.u32 $0x400, s2;
	s16 =	sshrl.u32 s2, $0x3  }
0xe: {  	s12 =	sor.u32 $0x500, s2;
	s20 =	sor.u32 $0x600, s2;
	[dreg:$0x7] =	wrdreg s24  }
0xf: {  	s2 =	sor.u32 $0x700, s2;
	s13 =	smax.u32 s13, $0x1;
	[dreg:$0x3] =	wrdreg s15  }
0x10: {  	s14 =	sshrl.u32 s9, $0x3;
	s24 =	simm.s32 $0x80;
	[dreg:$0x4] =	wrdreg s12  }
0x11: {  	s0 =	sadd.s32 s7, s0;
	s7 =	sor.u32 $0x1C07, s25;
	[dreg:$0x5] =	wrdreg s20  }
0x12: {  	s8 =	sadd.s32 s5, s16;
	[dreg:$0x6] =	wrdreg s2;
	s15 =	simm.s32 $0x7  }
0x13: {  	s16 =	sshrl.u32 s26, $0x3;
	s17 =	sshrl.u32 s17, $0x3;
	s25 =	simm.s32 $0x280  }
0x14: {  	s18 =	sshrl.u32 s18, $0x3;
	s26 =	simm.s32 $0x380;
	[dreg:$0x8] =	wrdreg s25  }
0x15: {  	s19 =	sshrl.u32 s19, $0x3;
	s21 =	sadd.s32 $0x20, s8;
	[dreg:$0x9] =	wrdreg s26  }
0x16: {  	s20 =	simm.s32 $0x100;
	s22 =	sadd.s32 $0x40, s8;
	[dreg:$0xa] =	wrdreg s21  }
0x17: {  	s2 =	simm.s32 $0x0;
	s23 =	sadd.s32 $0x60, s8;
	[dreg:$0xb] =	wrdreg s22  }
0x18: {  	s0 =	sadd.s32 $0x53A00, s0;
	s25 =	simm.s32 $0x400;
	[dreg:$0xc] =	wrdreg s23  }
0x19: {  	s26 =	simm.s32 $0x2;
	[dreg:$0xd] =	wrdreg s0;
	s21 =	simm.s32 $0x200  }
0x1a: {  	s22 =	simm.s32 $0x300;
	s23 =	simm.s32 $0x1;
	s0 =	simm.s32 $0x4  }
.LBB2_1:
0x1b: {  	[spmem:s14], [sflag:s7] =	dma.local [hbm:s6], $0x800  }
0x1c: {  	_ =	swait.ge [sflag:s15], $0x800  }
0x1d: {  	[sflag:s15] =	ssyncset.done $0x0  }
0x1e: {  	[sflag:s15] =	ssyncadd.s32 $0xFFFFF800  }
0x1f: {  	[spmem:s16], [sflag:s7] =	dma.local [hbm:s6], $0x800  }
0x20: {  	_ =	swait.ge [sflag:s15], $0x800  }
0x21: {  	[sflag:s15] =	ssyncset.done $0x0  }
0x22: {  	[sflag:s15] =	ssyncadd.s32 $0xFFFFF800  }
0x23: {  	[spmem:s17], [sflag:s7] =	dma.local [hbm:s6], $0x800  }
0x24: {  	_ =	swait.ge [sflag:s15], $0x800  }
0x25: {  	[sflag:s15] =	ssyncset.done $0x0  }
0x26: {  	[sflag:s15] =	ssyncadd.s32 $0xFFFFF800  }
0x27: {  	[spmem:s18], [sflag:s7] =	dma.local [hbm:s6], $0x800  }
0x28: {  	_ =	swait.ge [sflag:s15], $0x800  }
0x29: {  	[sflag:s15] =	ssyncset.done $0x0  }
0x2a: {  	[sflag:s15] =	ssyncadd.s32 $0xFFFFF800  }
0x2b: {  	[spmem:s19], [sflag:s7] =	dma.local [hbm:s6], $0x800  }
0x2c: {  	_ =	swait.ge [sflag:s15], $0x800  }
0x2d: {  	[sflag:s15] =	ssyncset.done $0x0  }
0x2e: {  	[sflag:s15] =	ssyncadd.s32 $0xFFFFF800  }
0x2f: {  	[bflag:$0x0] =	sbarrier.arrive $0xFFFF  }
0x30: {  	[tilespmem:s3], [sflag:$0x1] =	stream.linear.gather [hbm4b:s8+s3], $0x100, $0x38;
	[tilespmem:$0x1C400] =	vst v63  }
0x31: {  	s9 =	rddreg [dreg:$0xa]  }
0x32: {  	[tilespmem:s20], [sflag:$0x2] =	stream.linear.gather [hbm4b:s9+s3], $0x100, $0x38;
	[tilespmem:$0x1C400] =	vst v63  }
0x33: {  	s10 =	rddreg [dreg:$0xb]  }
0x34: {  	[tilespmem:s21], [sflag:$0x3] =	stream.linear.gather [hbm4b:s10+s3], $0x100, $0x38;
	[tilespmem:$0x1C400] =	vst v63  }
0x35: {  	s11 =	rddreg [dreg:$0xc]  }
0x36: {  	[tilespmem:s22], [sflag:$0x4] =	stream.linear.gather [hbm4b:s11+s3], $0x100, $0x38;
	[tilespmem:$0x1C400] =	vst v63  }
0x37: {  	_ =	swait.ge [sflag:s23], $0x100  }
0x38: {  	[sflag:s23] =	ssyncset.done $0x0  }
0x39: {  	[sflag:s23] =	ssyncadd.s32 $0xFFFFFF00  }
0x3a: {  	[tilespmem:s25], [sflag:$0x5] =	stream.indirect.gather [hbm4b:s4+s24], $0x80, s3, s24, $0xb8;
	[tilespmem:$0x1C400] =	vst v63  }
0x3b: {  	_ =	swait.ge [sflag:s26], $0x100  }
0x3c: {  	[sflag:s26] =	ssyncset.done $0x0  }
0x3d: {  	[sflag:s26] =	ssyncadd.s32 $0xFFFFFF00  }
0x3e: {  	[tilespmem:s28], [sflag:$0x6] =	stream.indirect.gather [hbm4b:s4+s24], $0x80, s20, s24, $0xb8;
	[tilespmem:$0x1C400] =	vst v63  }
0x3f: {  	_ =	swait.ge [sflag:s29], $0x4000  }
0x40: {  	[sflag:s29] =	ssyncset.done $0x0  }
0x41: {  	[sflag:s29] =	ssyncadd.s32 $0xFFFFC000  }
0x42: {  	[spmem:s1] =	stream.indirect.scatter.add.f32 [tilespmem:s25], [sflag:$0x7], $0x80, s24, s24, $0xb8;
	[tilespmem:$0x1C400] =	vst v63  }
0x43: {  	s10 =	smin.u32 s3, $0x4B;
	_ =	swait.ge [sflag:s15], $0x4000  }
0x44: {  	s10 =	sshll.u32 s10, $0x8;
	s12 =	rddreg [dreg:$0x3]  }
0x45: {  	s9 =	sadd.s32 s10, s12  }
0x46: {  	[sflag:s15] =	ssyncset.done $0x0;
	s9 =	sshrl.u32 s9, $0x3  }
0x47: {  	[sflag:s15] =	ssyncadd.s32 $0xFFFFC000;
	s9 =	sadd.s32 s5, s9  }
0x48: {  	[tilespmem:s3], [sflag:$0x1] =	stream.linear.gather [hbm4b:s9+s3], $0x100, $0x38;
	[tilespmem:$0x1C400] =	vst v63  }
0x49: {  	_ =	swait.ge [sflag:s30], $0x100  }
0x4a: {  	[sflag:s30] =	ssyncset.done $0x0  }
0x4b: {  	[sflag:s30] =	ssyncadd.s32 $0xFFFFFF00  }
0x4c: {  	[tilespmem:s25], [sflag:$0x5] =	stream.indirect.gather [hbm4b:s4+s24], $0x80, s21, s24, $0xb8;
	[tilespmem:$0x1C400] =	vst v63  }
0x4d: {  	_ =	swait.ge [sflag:s31], $0x4000  }
0x4e: {  	[sflag:s31] =	ssyncset.done $0x0  }
0x4f: {  	s10 =	rddreg [dreg:$0x7];
	[sflag:s31] =	ssyncadd.s32 $0xFFFFC000  }
0x50: {  	[spmem:s1] =	stream.indirect.scatter.add.f32 [tilespmem:s28], [sflag:$0x7], $0x80, s10, s24, $0xb8;
	[tilespmem:$0x1C400] =	vst v63  }
0x51: {  	s12 =	smin.u32 s3, $0x4A;
	_ =	swait.ge [sflag:s15], $0x4000  }
0x52: {  	s10 =	sshll.u32 s12, $0x8;
	s11 =	rddreg [dreg:$0x4]  }
0x53: {  	s9 =	sadd.s32 s10, s11  }
0x54: {  	[sflag:s15] =	ssyncset.done $0x0;
	s9 =	sshrl.u32 s9, $0x3  }
0x55: {  	[sflag:s15] =	ssyncadd.s32 $0xFFFFC000;
	s9 =	sadd.s32 s5, s9  }
0x56: {  	[tilespmem:s20], [sflag:$0x2] =	stream.linear.gather [hbm4b:s9+s3], $0x100, $0x38;
	[tilespmem:$0x1C400] =	vst v63  }
0x57: {  	_ =	swait.ge [sflag:s0], $0x100  }
0x58: {  	[sflag:s0] =	ssyncset.done $0x0  }
0x59: {  	[sflag:s0] =	ssyncadd.s32 $0xFFFFFF00  }
0x5a: {  	[tilespmem:s28], [sflag:$0x6] =	stream.indirect.gather [hbm4b:s4+s24], $0x80, s22, s24, $0xb8;
	[tilespmem:$0x1C400] =	vst v63  }
0x5b: {  	_ =	swait.ge [sflag:s29], $0x4000  }
0x5c: {  	[sflag:s29] =	ssyncset.done $0x0  }
0x5d: {  	s10 =	rddreg [dreg:$0x8];
	[sflag:s29] =	ssyncadd.s32 $0xFFFFC000  }
0x5e: {  	[spmem:s1] =	stream.indirect.scatter.add.f32 [tilespmem:s25], [sflag:$0x7], $0x80, s10, s24, $0xb8;
	[tilespmem:$0x1C400] =	vst v63  }
0x5f: {  	s12 =	smin.u32 s3, $0x49;
	_ =	swait.ge [sflag:s15], $0x4000  }
0x60: {  	s10 =	sshll.u32 s12, $0x8;
	s11 =	rddreg [dreg:$0x5]  }
0x61: {  	s9 =	sadd.s32 s10, s11  }
0x62: {  	[sflag:s15] =	ssyncset.done $0x0;
	s9 =	sshrl.u32 s9, $0x3  }
0x63: {  	[sflag:s15] =	ssyncadd.s32 $0xFFFFC000;
	s9 =	sadd.s32 s5, s9  }
0x64: {  	[tilespmem:s21], [sflag:$0x3] =	stream.linear.gather [hbm4b:s9+s3], $0x100, $0x38;
	[tilespmem:$0x1C400] =	vst v63  }
0x65: {  	_ =	swait.ge [sflag:s23], $0x100  }
0x66: {  	[sflag:s23] =	ssyncset.done $0x0  }
0x67: {  	[sflag:s23] =	ssyncadd.s32 $0xFFFFFF00  }
0x68: {  	[tilespmem:s25], [sflag:$0x5] =	stream.indirect.gather [hbm4b:s4+s24], $0x80, s3, s24, $0xb8;
	[tilespmem:$0x1C400] =	vst v63  }
0x69: {  	_ =	swait.ge [sflag:s31], $0x4000  }
0x6a: {  	[sflag:s31] =	ssyncset.done $0x0  }
0x6b: {  	s10 =	rddreg [dreg:$0x9];
	[sflag:s31] =	ssyncadd.s32 $0xFFFFC000  }
0x6c: {  	[spmem:s1] =	stream.indirect.scatter.add.f32 [tilespmem:s28], [sflag:$0x7], $0x80, s10, s24, $0xb8;
	[tilespmem:$0x1C400] =	vst v63  }
0x6d: {  	s12 =	smin.u32 s3, $0x48;
	_ =	swait.ge [sflag:s15], $0x4000  }
0x6e: {  	s10 =	sshll.u32 s12, $0x8;
	s11 =	rddreg [dreg:$0x6]  }
0x6f: {  	s9 =	sadd.s32 s10, s11  }
0x70: {  	[sflag:s15] =	ssyncset.done $0x0;
	s9 =	sshrl.u32 s9, $0x3  }
0x71: {  	[sflag:s15] =	ssyncadd.s32 $0xFFFFC000;
	s9 =	sadd.s32 s5, s9  }
0x72: {  	[tilespmem:s22], [sflag:$0x4] =	stream.linear.gather [hbm4b:s9+s3], $0x100, $0x38;
	[tilespmem:$0x1C400] =	vst v63  }
0x73: {  	_ =	swait.ge [sflag:s26], $0x100  }
0x74: {  	[sflag:s26] =	ssyncset.done $0x0  }
0x75: {  	s9 =	simm.s32 $0x4;
	[sflag:s26] =	ssyncadd.s32 $0xFFFFFF00  }
.LBB2_2:
0x76: {  	[tilespmem:s28], [sflag:$0x6] =	stream.indirect.gather [hbm4b:s4+s24], $0x80, s20, s24, $0xb8;
	[tilespmem:$0x1C400] =	vst v63  }
0x77: {  	_ =	swait.ge [sflag:s29], $0x4000  }
0x78: {  	[sflag:s29] =	ssyncset.done $0x0  }
0x79: {  	s10 =	smov.u32 s9;
	[sflag:s29] =	ssyncadd.s32 $0xFFFFC000  }
0x7a: {  	[spmem:s1] =	stream.indirect.scatter.add.f32 [tilespmem:s25], [sflag:$0x7], $0x80, s24, s24, $0xb8;
	[tilespmem:$0x1C400] =	vst v63  }
0x7b: {  	s12 =	smin.u32 s10, $0x4B;
	_ =	swait.ge [sflag:s15], $0x4000  }
0x7c: {  	s12 =	sshll.u32 s12, $0x8;
	s11 =	rddreg [dreg:$0x3]  }
0x7d: {  	s11 =	sadd.s32 s12, s11  }
0x7e: {  	[sflag:s15] =	ssyncset.done $0x0;
	s11 =	sshrl.u32 s11, $0x3  }
0x7f: {  	[sflag:s15] =	ssyncadd.s32 $0xFFFFC000;
	s11 =	sadd.s32 s5, s11  }
0x80: {  	[tilespmem:s3], [sflag:$0x1] =	stream.linear.gather [hbm4b:s11+s3], $0x100, $0x38;
	[tilespmem:$0x1C400] =	vst v63  }
0x81: {  	_ =	swait.ge [sflag:s30], $0x100  }
0x82: {  	[sflag:s30] =	ssyncset.done $0x0  }
0x83: {  	[sflag:s30] =	ssyncadd.s32 $0xFFFFFF00  }
0x84: {  	[tilespmem:s25], [sflag:$0x5] =	stream.indirect.gather [hbm4b:s4+s24], $0x80, s21, s24, $0xb8;
	[tilespmem:$0x1C400] =	vst v63  }
0x85: {  	_ =	swait.ge [sflag:s31], $0x4000  }
0x86: {  	[sflag:s31] =	ssyncset.done $0x0  }
0x87: {  	s12 =	rddreg [dreg:$0x7];
	[sflag:s31] =	ssyncadd.s32 $0xFFFFC000  }
0x88: {  	[spmem:s1] =	stream.indirect.scatter.add.f32 [tilespmem:s28], [sflag:$0x7], $0x80, s12, s24, $0xb8;
	[tilespmem:$0x1C400] =	vst v63  }
0x89: {  	s12 =	smin.u32 s10, $0x4A;
	_ =	swait.ge [sflag:s15], $0x4000  }
0x8a: {  	s12 =	sshll.u32 s12, $0x8;
	s11 =	rddreg [dreg:$0x4]  }
0x8b: {  	s11 =	sadd.s32 s12, s11  }
0x8c: {  	[sflag:s15] =	ssyncset.done $0x0;
	s11 =	sshrl.u32 s11, $0x3  }
0x8d: {  	[sflag:s15] =	ssyncadd.s32 $0xFFFFC000;
	s11 =	sadd.s32 s5, s11  }
0x8e: {  	[tilespmem:s20], [sflag:$0x2] =	stream.linear.gather [hbm4b:s11+s3], $0x100, $0x38;
	[tilespmem:$0x1C400] =	vst v63  }
0x8f: {  	_ =	swait.ge [sflag:s0], $0x100  }
0x90: {  	[sflag:s0] =	ssyncset.done $0x0  }
0x91: {  	[sflag:s0] =	ssyncadd.s32 $0xFFFFFF00  }
0x92: {  	[tilespmem:s28], [sflag:$0x6] =	stream.indirect.gather [hbm4b:s4+s24], $0x80, s22, s24, $0xb8;
	[tilespmem:$0x1C400] =	vst v63  }
0x93: {  	_ =	swait.ge [sflag:s29], $0x4000  }
0x94: {  	[sflag:s29] =	ssyncset.done $0x0  }
0x95: {  	s12 =	rddreg [dreg:$0x8];
	[sflag:s29] =	ssyncadd.s32 $0xFFFFC000  }
0x96: {  	[spmem:s1] =	stream.indirect.scatter.add.f32 [tilespmem:s25], [sflag:$0x7], $0x80, s12, s24, $0xb8;
	[tilespmem:$0x1C400] =	vst v63  }
0x97: {  	s12 =	smin.u32 s10, $0x49;
	_ =	swait.ge [sflag:s15], $0x4000  }
0x98: {  	s12 =	sshll.u32 s12, $0x8;
	s11 =	rddreg [dreg:$0x5]  }
0x99: {  	s11 =	sadd.s32 s12, s11  }
0x9a: {  	[sflag:s15] =	ssyncset.done $0x0;
	s11 =	sshrl.u32 s11, $0x3  }
0x9b: {  	[sflag:s15] =	ssyncadd.s32 $0xFFFFC000;
	s11 =	sadd.s32 s5, s11  }
0x9c: {  	[tilespmem:s21], [sflag:$0x3] =	stream.linear.gather [hbm4b:s11+s3], $0x100, $0x38;
	[tilespmem:$0x1C400] =	vst v63  }
0x9d: {  	_ =	swait.ge [sflag:s23], $0x100  }
0x9e: {  	[sflag:s23] =	ssyncset.done $0x0  }
0x9f: {  	[sflag:s23] =	ssyncadd.s32 $0xFFFFFF00  }
0xa0: {  	[tilespmem:s25], [sflag:$0x5] =	stream.indirect.gather [hbm4b:s4+s24], $0x80, s3, s24, $0xb8;
	[tilespmem:$0x1C400] =	vst v63  }
0xa1: {  	_ =	swait.ge [sflag:s31], $0x4000  }
0xa2: {  	[sflag:s31] =	ssyncset.done $0x0  }
0xa3: {  	s12 =	rddreg [dreg:$0x9];
	[sflag:s31] =	ssyncadd.s32 $0xFFFFC000  }
0xa4: {  	[spmem:s1] =	stream.indirect.scatter.add.f32 [tilespmem:s28], [sflag:$0x7], $0x80, s12, s24, $0xb8;
	[tilespmem:$0x1C400] =	vst v63  }
0xa5: {  	s10 =	smin.u32 s10, $0x48;
	_ =	swait.ge [sflag:s15], $0x4000  }
0xa6: {  	s10 =	sshll.u32 s10, $0x8;
	s12 =	rddreg [dreg:$0x6]  }
0xa7: {  	s10 =	sadd.s32 s10, s12  }
0xa8: {  	p0 =	sne.s32 s9, $0x4C;
	[sflag:s15] =	ssyncset.done $0x0;
	s10 =	sshrl.u32 s10, $0x3  }
.Ltmp0:
0xa9: {  	[sflag:s15] =	ssyncadd.s32 $0xFFFFC000;
	s10 =	sadd.s32 s5, s10;
	(pc) =	sbr.rel @p0 .LBB2_2-.Ltmp0, $4  }
0xaa: {  	[tilespmem:s22], [sflag:$0x4] =	stream.linear.gather [hbm4b:s10+s3], $0x100, $0x38;
	[tilespmem:$0x1C400] =	vst v63  }
0xab: {  	_ =	swait.ge [sflag:s26], $0x100  }
0xac: {  	[sflag:s26] =	ssyncset.done $0x0  }
0xad: {  	s9 =	sadd.s32 $0x4, s9;
	[sflag:s26] =	ssyncadd.s32 $0xFFFFFF00  }
0xae: {  	[tilespmem:s28], [sflag:$0x6] =	stream.indirect.gather [hbm4b:s4+s24], $0x80, s20, s24, $0xb8;
	[tilespmem:$0x1C400] =	vst v63  }
0xaf: {  	_ =	swait.ge [sflag:s30], $0x100  }
0xb0: {  	[sflag:s30] =	ssyncset.done $0x0  }
0xb1: {  	[sflag:s30] =	ssyncadd.s32 $0xFFFFFF00  }
0xb2: {  	_ =	swait.ge [sflag:s0], $0x100  }
0xb3: {  	[sflag:s0] =	ssyncset.done $0x0  }
0xb4: {  	[sflag:s0] =	ssyncadd.s32 $0xFFFFFF00  }
0xb5: {  	_ =	swait.ge [sflag:s29], $0x4000  }
0xb6: {  	[sflag:s29] =	ssyncset.done $0x0  }
0xb7: {  	[sflag:s29] =	ssyncadd.s32 $0xFFFFC000  }
0xb8: {  	_ =	swait.ge [sflag:s31], $0x4000  }
0xb9: {  	[sflag:s31] =	ssyncset.done $0x0  }
0xba: {  	s2 =	sadd.s32 $0x1, s2;
	[sflag:s31] =	ssyncadd.s32 $0xFFFFC000  }
0xbb: {  	p0 =	sne.s32 s2, s13;
	[bflag:$0x0] =	sbarrier.arrive $0xFFFF  }
.Ltmp1:
0xbc: {  	s9 =	rddreg [dreg:$0xd];
	(pc) =	sbr.rel @p0 .LBB2_1-.Ltmp1, $4  }
0xbd: {  	[hbm:s9], [sflag:s7] =	dma.local [spmem:s14], $0x2800  }
0xbe: {  	_ =	swait.ge [sflag:s15], $0x2800  }
0xbf: {  	[sflag:s15] =	ssyncset.done $0x0  }
0xc0: {  	[sflag:s15] =	ssyncadd.s32 $0xFFFFD800  }
0xc1: {  	_ =	sfence.sel $0x180000  }
0xc2: {  	[bflag:$0x0] =	sbarrier.arrive $0xFFFF  }
0xc3: {  	_ =	strace $0x9000004D  }
0xc4: {  	s0 =	stileid.u32;
	[bflag:$0x2] =	sbarrier.arrive $0xFFFF  }
0xc5: {  	p0 =	sne.s32 s0, $0x0;
	s0 =	rddreg [dreg:$0x2]  }
0xc6: {  	s0 =	sadd.s32 @!p0 $0x100000, s0  }
0xc7: {  	[sflag:s0] =	ssyncadd.tile.s32 @!p0 $0x1;
	_ =	shalt  }
.Lfunc_end2:
_tile_overlayer_lowered:
.L_overlay_start_2:
0xc8: {  	(tag) =	ssettag $0x2  }
0xc9: {  	s0 =	rddreg [dreg:$0x0];
	s2 =	stileid.u32  }
0xca: {  	s1 =	rddreg [dreg:$0x1];
	p0 =	sne.s32 s2, $0x0  }
0xcb: {  	s3 =	rddreg [dreg:$0x2];
	[bflag:$0x3] =	sbarrier.arrive $0xFFFF;
	s2 =	simm.s32 @!p0 $0x1C07  }
0xcc: {  	[timem:s3], [sflag:s2] =	dma.local @!p0 [hbm:s0], s1  }
0xcd: {  	s0 =	simm.s32 @!p0 $0x7  }
0xce: {  	_ =	swait.ge @!p0 [sflag:s0], s1  }
0xcf: {  	s1 =	ssub.s32 @!p0 $0x0, s1;
	[sflag:s0] =	ssyncset.done @!p0 $0x0  }
0xd0: {  	[sflag:s0] =	ssyncadd.s32 @!p0 s1  }
0xd1: {  	[bflag:$0x3] =	sbarrier.arrive $0xFFFF  }
0xd2: {  	_ =	shalt  }

// kernel: kernel.22.cloned.1.call-start
scs
__scs_entry_jumppad:
0x0: {  	(pc) =	sbr.rel $0x88, $3  }
0x1: {  	(tag) =	ssettag $0x0;
	lr =	simm.s32 $0x1  }
0x2: {  	[smem:$0x3F97] =	sst lr;
	_ =	strace $0xD0000000  }
0x3: {  	_ = 	snop  }
0x4: {  	_ = 	snop  }
0x5: {  	_ = 	snop  }
0x6: {  	_ = 	snop  }
0x7: {  	_ = 	snop  }
__scs_overlays_trampoline_lowered:
0x8: {  	[smem:$0x3FA6] =	sst s0  }
0x9: {  	[smem:$0x3FA7] =	sst s1  }
0xa: {  	[smem:$0x3FA8] =	sst s2  }
0xb: {  	[smem:$0x3FA9] =	sst s3  }
0xc: {  	[smem:$0x3FAA] =	sst s4  }
0xd: {  	[smem:$0x3FAB] =	sst s5  }
0xe: {  	[smem:$0x3FAC] =	sst s6  }
0xf: {  	[smem:$0x3FAD] =	sst s7  }
0x10: {  	[smem:$0x3FAE] =	sst s8  }
0x11: {  	[smem:$0x3FAF] =	sst s9;
	s0 =	simm.s32 @!p0 $0x0  }
0x12: {  	s1 =	sld [smem:$0x3F95];
	s0 =	simm.s32 @p0 $0x1  }
0x13: {  	[smem:$0x3FB0] =	sst s0;
	s0 =	simm.s32 @!p1 $0x0  }
0x14: {  	s2 =	sld [smem:$0x3F94];
	s0 =	simm.s32 @p1 $0x1  }
0x15: {  	[smem:$0x3FB1] =	sst s0;
	s0 =	simm.s32 @!p2 $0x0  }
0x16: {  	s3 =	sld [smem:$0x3FDB];
	s0 =	simm.s32 @p2 $0x1  }
0x17: {  	s4 =	simm.s32 $0x1BF5;
	[smem:$0x3FB3] =	sst s0  }
0x18: {  	s0 =	sld [smem:$0x3F96];
	_ =	swait.ge [sflag:s4], $0x0  }
0x19: {  	s7 =	sld [smem:$0x3F97]  }
0x1a: {  	s8 =	sadd.s32 $0xFFFFE003, lr  }
0x1b: {  	s9 =	sadd.s32 $0xFFFFFEF7, lr;
	s5 =	simm.s32 $0xFFFFFFFF;
	p2 =	slt.u32 s8, $0xFFFFF086  }
0x1c: {  	p1 =	slt.u32 s9, $0xF7A;
	s5 =	simm.s32 @!p2 $0x0  }
0x1d: {  	s5 =	simm.s32 @p1 $0x1;
	p0 =	seq.s32 s7, s2  }
0x1e: {  	s7 =	smul.u32 @!p0 $0xF7A, s2;
	p2 =	seq.s32 @!p0 s5, $0x0  }
0x1f: {  	s9 =	smul.u32 $0xF7A, s1;
	s8 =	simm.s32 @!p0 $0x1BF5;
	p2 =	por !p2, p0  }
0x20: {  	[sflag:s8] =	ssyncset.s32 @!p0 $0xFFFFF086;
	s6 =	sadd.s32 @!p0 s3, s7;
	s7 =	simm.s32 @!p0 $0x108  }
0x21: {  	s3 =	sadd.s32 s3, s9;
	s6 =	sadd.s32 @!p0 $0x88, s6;
	s7 =	simm.s32 @p2 $0x1082  }
0x22: {  	[simem:s7], [sflag:s8] =	dma.local @!p0 [hbm:s6], $0xF7A  }
0x23: {  	s9 =	sor.u32 $0xD0000000, s2;
	s6 =	simm.s32 $0x108;
	_ =	swait.ge @!p0 [sflag:s8], $0x0  }
0x24: {  	s3 =	sadd.s32 $0x88, s3;
	s6 =	simm.s32 @!p1 $0x1082;
	[sflag:s4] =	ssyncset.s32 $0xFFFFF086  }
0x25: {  	[simem:s6], [sflag:s4] =	dma.local [hbm:s3], $0xF7A  }
0x26: {  	[smem:$0x3F97] =	sst s1;
	(tag) =	ssettag s2;
	_ =	strace s9  }
0x27: {  	s1 =	sld [smem:$0x3FA7]  }
0x28: {  	s2 =	sld [smem:$0x3FA8]  }
0x29: {  	s4 =	sld [smem:$0x3FAA]  }
0x2a: {  	p0 =	seq.s32 s5, $0x0;
	s5 =	sld [smem:$0x3FAB]  }
0x2b: {  	s6 =	sld [smem:$0x3FAC]  }
0x2c: {  	s7 =	sld [smem:$0x3FAD]  }
0x2d: {  	s3 =	simm.s32 $0x108;
	s8 =	sld [smem:$0x3FAE]  }
0x2e: {  	s3 =	simm.s32 @!p0 $0x1082;
	s9 =	sld [smem:$0x3FAF]  }
0x2f: {  	lr =	sadd.s32 s0, s3;
	s0 =	sld [smem:$0x3FA6]  }
0x30: {  	s3 =	sld [smem:$0x3FA9]  }
0x31: {  	[smem:$0x3FB2] =	sst s10  }
0x32: {  	s10 =	sld [smem:$0x3FB0];
	_ =	sdelay $0x3  }
0x33: {  	p0 =	seq.s32 s10, $0x1;
	s10 =	sld [smem:$0x3FB2];
	_ =	sdelay $0x3  }
0x34: {  	[smem:$0x3FB2] =	sst s10  }
0x35: {  	s10 =	sld [smem:$0x3FB1];
	_ =	sdelay $0x3  }
0x36: {  	p1 =	seq.s32 s10, $0x1;
	s10 =	sld [smem:$0x3FB2];
	_ =	sdelay $0x3  }
0x37: {  	[smem:$0x3FB2] =	sst s10  }
0x38: {  	s10 =	sld [smem:$0x3FB3]  }
0x39: {  	_ = 	snop;
	(pc) =	sbr.ind lr, $3  }
0x3a: {  	_ = 	snop  }
0x3b: {  	_ = 	snop  }
0x3c: {  	p2 =	seq.s32 s10, $0x1;
	s10 =	sld [smem:$0x3FB2]  }
0x3d: {  	_ =	shalt  }
0x3e: {  	_ =	shalt  }
0x3f: {  	_ =	shalt  }
0x40: {  	_ =	shalt  }
0x41: {  	_ =	shalt  }
0x42: {  	_ =	shalt  }
0x43: {  	_ =	shalt  }
0x44: {  	_ =	shalt  }
0x45: {  	_ =	shalt  }
0x46: {  	_ =	shalt  }
0x47: {  	_ =	shalt  }
0x48: {  	_ =	shalt  }
0x49: {  	_ =	shalt  }
0x4a: {  	_ =	shalt  }
0x4b: {  	_ =	shalt  }
0x4c: {  	_ =	shalt  }
0x4d: {  	_ =	shalt  }
0x4e: {  	_ =	shalt  }
0x4f: {  	_ =	shalt  }
0x50: {  	_ =	shalt  }
0x51: {  	_ =	shalt  }
0x52: {  	_ =	shalt  }
0x53: {  	_ =	shalt  }
0x54: {  	_ =	shalt  }
0x55: {  	_ =	shalt  }
0x56: {  	_ =	shalt  }
0x57: {  	_ =	shalt  }
0x58: {  	_ =	shalt  }
0x59: {  	_ =	shalt  }
0x5a: {  	_ =	shalt  }
0x5b: {  	_ =	shalt  }
0x5c: {  	_ =	shalt  }
0x5d: {  	_ =	shalt  }
0x5e: {  	_ =	shalt  }
0x5f: {  	_ =	shalt  }
0x60: {  	_ =	shalt  }
0x61: {  	_ =	shalt  }
0x62: {  	_ =	shalt  }
0x63: {  	_ =	shalt  }
0x64: {  	_ =	shalt  }
0x65: {  	_ =	shalt  }
0x66: {  	_ =	shalt  }
0x67: {  	_ =	shalt  }
0x68: {  	_ =	shalt  }
0x69: {  	_ =	shalt  }
0x6a: {  	_ =	shalt  }
0x6b: {  	_ =	shalt  }
0x6c: {  	_ =	shalt  }
0x6d: {  	_ =	shalt  }
0x6e: {  	_ =	shalt  }
0x6f: {  	_ =	shalt  }
0x70: {  	_ =	shalt  }
0x71: {  	_ =	shalt  }
0x72: {  	_ =	shalt  }
0x73: {  	_ =	shalt  }
0x74: {  	_ =	shalt  }
0x75: {  	_ =	shalt  }
0x76: {  	_ =	shalt  }
0x77: {  	_ =	shalt  }
0x78: {  	_ =	shalt  }
0x79: {  	_ =	shalt  }
0x7a: {  	_ =	shalt  }
0x7b: {  	_ =	shalt  }
0x7c: {  	_ =	shalt  }
0x7d: {  	_ =	shalt  }
0x7e: {  	_ =	shalt  }
0x7f: {  	_ =	shalt  }
0x80: {  	_ =	shalt  }
0x81: {  	_ =	shalt  }
0x82: {  	_ =	shalt  }
0x83: {  	_ =	shalt  }
0x84: {  	_ =	shalt  }
0x85: {  	_ =	shalt  }
0x86: {  	_ =	shalt  }
0x87: {  	_ =	shalt  }
.Lfunc_end0:
.L_simem_size_0:
called_computation.3_lowered:
.L_overlay_start_0:
0x88: {  	s2 =	sld [smem:$0x3FD9]  }
0x89: {  	s3 =	sld [smem:$0x3FFE];
	_ =	sdelay $0x1  }
0x8a: {  	s1 =	srdreg.scid  }
0x8b: {  	s0 =	sand.u32 $0x1, s1  }
0x8c: {  	s16 =	sshll.u32 s0, $0xA;
	s2 =	sadd.s32 s3, s2  }
0x8d: {  	s2 =	sadd.s32 s2, s16  }
0x8e: {  	[smem:$0x3FBE] =	sst s2  }
0x8f: {  	_ = 	snop  }
0x90: {  	(tm) =	ssettm $0x1  }
0x91: {  	s17 =	sld [smem:$0x3FFB];
	_ =	sdelay $0x3  }
0x92: {  	_ =	strace s17  }
0x93: {  	s2 =	sld [smem:$0x3FFC];
	_ =	sdelay $0x3  }
0x94: {  	_ =	strace s2  }
0x95: {  	s2 =	sld [smem:$0x3FFD];
	_ =	sdelay $0x3  }
0x96: {  	_ =	strace s2  }
0x97: {  	_ =	strace $0x8FFFFFFF  }
0x98: {  	s18 =	sld [smem:$0x3FDB];
	_ =	sdelay $0x1  }
0x99: {  	s19 =	simm.s32 $_scs_section_size  }
0x9a: {  	s4 =	simm.s32 $_size__tile_overlayer_lowered;
	s5 =	simm.s32 $_tile_overlayer_lowered  }
0x9b: {  	s22 =	simm.s32 $0x1BFF;
	s21 =	sshll.u32 s5, $0x1;
	s2 =	sadd.s32 s19, s18  }
0x9c: {  	s6 =	simm.s32 $0x0;
	s20 =	sshll.u32 s4, $0x1;
	s4 =	sadd.s32 s21, s2  }
0x9d: {  	[timem:s6], [sflag:s22] =	dma.local [hbm:s4], s20  }
0x9e: {  	_ =	swait.ge [sflag:s22], s20  }
0x9f: {  	s3 =	ssub.s32 $0x0, s20;
	[sflag:s22] =	ssyncset.done $0x0  }
0xa0: {  	[sflag:s22] =	ssyncadd.s32 s3;
	_ =	sdelay $0x1  }
0xa1: {  	s23 =	simm.s32 $0x1B8B  }
0xa2: {  	_ =	swait.ge [sflag:s23], $0x1  }
0xa3: {  	[sflag:s23] =	ssyncset.done $0x0  }
0xa4: {  	s25 =	simm.s32 $0x1B8E;
	s24 =	sld [smem:$0x3FFE];
	[sflag:s23] =	ssyncadd.s32 $0xFFFFFFFF  }
0xa5: {  	s26 =	simm.s32 $execute0_lowered;
	[smem:$0x3FD2] =	sst s25  }
0xa6: {  	s4 =	sshll.u32 s26, $0x1;
	_ =	strace $0x8000004F;
	[dreg:$0x1] =	wrdreg $0xFFFFFFFF  }
0xa7: {  	s28 =	simm.s32 $_size_execute0_lowered;
	s2 =	sadd.s32 s2, s4;
	[dreg:$0x0] =	wrdreg $0x0  }
0xa8: {  	s4 =	sshll.u32 s28, $0x1;
	[dreg:$0x2] =	wrdreg s2  }
0xa9: {  	[dreg:$0x3] =	wrdreg s4  }
0xaa: {  	[dreg:$0x4] =	wrdreg $0xC0  }
0xab: {  	_ =	task [dreg:s6], $0x5FFFF  }
0xac: {  	[dreg:$0x1] =	wrdreg $0xFFFFFFFF  }
0xad: {  	[dreg:$0x0] =	wrdreg $0x60  }
0xae: {  	[dreg:$0x2] =	wrdreg s24  }
0xaf: {  	[dreg:$0x3] =	wrdreg $0x84000  }
0xb0: {  	[dreg:$0x4] =	wrdreg $0x9  }
0xb1: {  	_ =	task.clear_ibuf [dreg:s6], $0x5FFFF;
	_ =	strace $0x9000004F  }
0xb2: {  	s29 =	simm.s32 $0x9;
	_ =	strace $0x80000051  }
0xb3: {  	_ =	swait.ge [sflag:s29], $0x1  }
0xb4: {  	[sflag:s29] =	ssyncadd.s32 $0xFFFFFFFF  }
0xb5: {  	_ =	strace $0x90000051  }
0xb6: {  	_ =	sfence  }
0xb7: {  	s30 =	sld [smem:$0x0];
	_ =	sdelay $0x2  }
0xb8: {  	s31 =	sshll.u32 s1, $0xD;
	s1 =	sshrl.u32 s1, $0x2  }
0xb9: {  	s3 =	sand.u32 $0x4000, s31;
	s1 =	sadd.s32 s1, s30  }
0xba: {  	s0 =	sor.u32 s3, s0;
	s1 =	sshll.u32 s1, $0x11  }
0xbb: {  	s0 =	sor.u32 s1, s0  }
0xbc: {  	s0 =	sadd.s32 $0x8F2B, s0  }
0xbd: {  	[sflag:s0] =	ssyncadd.remote.s32 $0x1  }
0xbe: {  	_ =	sfence.sel $0xFFFF  }
0xbf: {  	[dreg:$0x0] =	wrdreg $0xFFFFFFFF;
	(pc) =	sbr.abs _section_cstart, $3  }
0xc0: {  	[dreg:$0x1] =	wrdreg $0xFFFFFFFF  }
0xc1: {  	_ =	task.clear_ibuf [dreg:s6], $0x2FFFF;
	_ =	strace $0x9FFFFFFF  }
0xc2: {  	(tm) =	ssettm $0x7FFFFFFF  }
0xc3: {  	_ =	shalt  }
tec
execute0_lowered:
.L_overlay_start_1:
0x0: {  	(tag) =	ssettag $0x1  }
0x1: {  	s0 =	rddreg [dreg:$0x0]  }
0x2: {  	s1 =	rddreg [dreg:$0x1];
	s2 =	srdreg.scid  }
0x3: {  	s3 =	simm.s32 $0x0;
	s11 =	stileid.u32;
	s28 =	simm.s32 $0x4400  }
0x4: {  	s29 =	simm.s32 $0x5;
	s30 =	simm.s32 $0x3;
	s31 =	simm.s32 $0x6  }
0x5: {  	s2 =	sand.u32 $0x1, s2;
	[smem:$0x7FF] =	sst s3;
	s8 =	smul.u32 $0x14000, s11  }
0x6: {  	s4 =	sadd.s32 $0x2BA00, s0;
	s5 =	sadd.s32 $0x17200, s0;
	s6 =	sadd.s32 $0x2B200, s0  }
0x7: {  	s9 =	smul.u32 $0x50000, s11;
	s10 =	sshll.u32 s11, $0x1;
	s25 =	sshll.u32 s11, $0x6  }
0x8: {  	s7 =	smul.u32 $0x140000, s2;
	_ =	strace $0x80000050;
	s22 =	ssub.s32 $0x2, s2  }
0x9: {  	s2 =	sor.u32 s2, s10;
	s23 =	sshrl.u32 s22, $0x1;
	s24 =	sshrl.u32 s9, $0x2  }
0xa: {  	s2 =	smul.u32 $0x5000, s2;
	s7 =	sadd.s32 s8, s7;
	s13 =	ssub.s32 s22, s23  }
0xb: {  	s9 =	sadd.s32 s24, s1;
	s24 =	simm.s32 $0x180;
	s7 =	sshrl.u32 s7, $0x3  }
0xc: {  	s26 =	sadd.s32 $0x4000, s9;
	s17 =	sadd.s32 $0x8000, s9;
	s18 =	sadd.s32 $0xC000, s9  }
0xd: {  	s19 =	sadd.s32 $0x10000, s9;
	s15 =	sor.u32 $0x400, s2;
	s16 =	sshrl.u32 s2, $0x3  }
0xe: {  	s12 =	sor.u32 $0x500, s2;
	s20 =	sor.u32 $0x600, s2;
	[dreg:$0x7] =	wrdreg s24  }
0xf: {  	s2 =	sor.u32 $0x700, s2;
	s13 =	smax.u32 s13, $0x1;
	[dreg:$0x3] =	wrdreg s15  }
0x10: {  	s14 =	sshrl.u32 s9, $0x3;
	s24 =	simm.s32 $0x80;
	[dreg:$0x4] =	wrdreg s12  }
0x11: {  	s0 =	sadd.s32 s7, s0;
	s7 =	sor.u32 $0x1C07, s25;
	[dreg:$0x5] =	wrdreg s20  }
0x12: {  	s8 =	sadd.s32 s5, s16;
	[dreg:$0x6] =	wrdreg s2;
	s15 =	simm.s32 $0x7  }
0x13: {  	s16 =	sshrl.u32 s26, $0x3;
	s17 =	sshrl.u32 s17, $0x3;
	s25 =	simm.s32 $0x280  }
0x14: {  	s18 =	sshrl.u32 s18, $0x3;
	s26 =	simm.s32 $0x380;
	[dreg:$0x8] =	wrdreg s25  }
0x15: {  	s19 =	sshrl.u32 s19, $0x3;
	s21 =	sadd.s32 $0x20, s8;
	[dreg:$0x9] =	wrdreg s26  }
0x16: {  	s20 =	simm.s32 $0x100;
	s22 =	sadd.s32 $0x40, s8;
	[dreg:$0xa] =	wrdreg s21  }
0x17: {  	s2 =	simm.s32 $0x0;
	s23 =	sadd.s32 $0x60, s8;
	[dreg:$0xb] =	wrdreg s22  }
0x18: {  	s0 =	sadd.s32 $0x53A00, s0;
	s25 =	simm.s32 $0x400;
	[dreg:$0xc] =	wrdreg s23  }
0x19: {  	s26 =	simm.s32 $0x2;
	[dreg:$0xd] =	wrdreg s0;
	s21 =	simm.s32 $0x200  }
0x1a: {  	s22 =	simm.s32 $0x300;
	s23 =	simm.s32 $0x1;
	s0 =	simm.s32 $0x4  }
.LBB2_1:
0x1b: {  	[spmem:s14], [sflag:s7] =	dma.local [hbm:s6], $0x800  }
0x1c: {  	_ =	swait.ge [sflag:s15], $0x800  }
0x1d: {  	[sflag:s15] =	ssyncset.done $0x0  }
0x1e: {  	[sflag:s15] =	ssyncadd.s32 $0xFFFFF800  }
0x1f: {  	[spmem:s16], [sflag:s7] =	dma.local [hbm:s6], $0x800  }
0x20: {  	_ =	swait.ge [sflag:s15], $0x800  }
0x21: {  	[sflag:s15] =	ssyncset.done $0x0  }
0x22: {  	[sflag:s15] =	ssyncadd.s32 $0xFFFFF800  }
0x23: {  	[spmem:s17], [sflag:s7] =	dma.local [hbm:s6], $0x800  }
0x24: {  	_ =	swait.ge [sflag:s15], $0x800  }
0x25: {  	[sflag:s15] =	ssyncset.done $0x0  }
0x26: {  	[sflag:s15] =	ssyncadd.s32 $0xFFFFF800  }
0x27: {  	[spmem:s18], [sflag:s7] =	dma.local [hbm:s6], $0x800  }
0x28: {  	_ =	swait.ge [sflag:s15], $0x800  }
0x29: {  	[sflag:s15] =	ssyncset.done $0x0  }
0x2a: {  	[sflag:s15] =	ssyncadd.s32 $0xFFFFF800  }
0x2b: {  	[spmem:s19], [sflag:s7] =	dma.local [hbm:s6], $0x800  }
0x2c: {  	_ =	swait.ge [sflag:s15], $0x800  }
0x2d: {  	[sflag:s15] =	ssyncset.done $0x0  }
0x2e: {  	[sflag:s15] =	ssyncadd.s32 $0xFFFFF800  }
0x2f: {  	[bflag:$0x0] =	sbarrier.arrive $0xFFFF  }
0x30: {  	[tilespmem:s3], [sflag:$0x1] =	stream.linear.gather [hbm4b:s8+s3], $0x100, $0x38;
	[tilespmem:$0x1C400] =	vst v63  }
0x31: {  	s9 =	rddreg [dreg:$0xa]  }
0x32: {  	[tilespmem:s20], [sflag:$0x2] =	stream.linear.gather [hbm4b:s9+s3], $0x100, $0x38;
	[tilespmem:$0x1C400] =	vst v63  }
0x33: {  	s10 =	rddreg [dreg:$0xb]  }
0x34: {  	[tilespmem:s21], [sflag:$0x3] =	stream.linear.gather [hbm4b:s10+s3], $0x100, $0x38;
	[tilespmem:$0x1C400] =	vst v63  }
0x35: {  	s11 =	rddreg [dreg:$0xc]  }
0x36: {  	[tilespmem:s22], [sflag:$0x4] =	stream.linear.gather [hbm4b:s11+s3], $0x100, $0x38;
	[tilespmem:$0x1C400] =	vst v63  }
0x37: {  	_ =	swait.ge [sflag:s23], $0x100  }
0x38: {  	[sflag:s23] =	ssyncset.done $0x0  }
0x39: {  	[sflag:s23] =	ssyncadd.s32 $0xFFFFFF00  }
0x3a: {  	[tilespmem:s25], [sflag:$0x5] =	stream.indirect.gather [hbm4b:s4+s24], $0x80, s3, s24, $0xb8;
	[tilespmem:$0x1C400] =	vst v63  }
0x3b: {  	_ =	swait.ge [sflag:s26], $0x100  }
0x3c: {  	[sflag:s26] =	ssyncset.done $0x0  }
0x3d: {  	[sflag:s26] =	ssyncadd.s32 $0xFFFFFF00  }
0x3e: {  	[tilespmem:s28], [sflag:$0x6] =	stream.indirect.gather [hbm4b:s4+s24], $0x80, s20, s24, $0xb8;
	[tilespmem:$0x1C400] =	vst v63  }
0x3f: {  	_ =	swait.ge [sflag:s29], $0x4000  }
0x40: {  	[sflag:s29] =	ssyncset.done $0x0  }
0x41: {  	[sflag:s29] =	ssyncadd.s32 $0xFFFFC000  }
0x42: {  	[spmem:s1] =	stream.indirect.scatter.add.f32 [tilespmem:s25], [sflag:$0x7], $0x80, s24, s24, $0xb8;
	[tilespmem:$0x1C400] =	vst v63  }
0x43: {  	s10 =	smin.u32 s3, $0x4B;
	_ =	swait.ge [sflag:s15], $0x4000  }
0x44: {  	s10 =	sshll.u32 s10, $0x8;
	s12 =	rddreg [dreg:$0x3]  }
0x45: {  	s9 =	sadd.s32 s10, s12  }
0x46: {  	[sflag:s15] =	ssyncset.done $0x0;
	s9 =	sshrl.u32 s9, $0x3  }
0x47: {  	[sflag:s15] =	ssyncadd.s32 $0xFFFFC000;
	s9 =	sadd.s32 s5, s9  }
0x48: {  	[tilespmem:s3], [sflag:$0x1] =	stream.linear.gather [hbm4b:s9+s3], $0x100, $0x38;
	[tilespmem:$0x1C400] =	vst v63  }
0x49: {  	_ =	swait.ge [sflag:s30], $0x100  }
0x4a: {  	[sflag:s30] =	ssyncset.done $0x0  }
0x4b: {  	[sflag:s30] =	ssyncadd.s32 $0xFFFFFF00  }
0x4c: {  	[tilespmem:s25], [sflag:$0x5] =	stream.indirect.gather [hbm4b:s4+s24], $0x80, s21, s24, $0xb8;
	[tilespmem:$0x1C400] =	vst v63  }
0x4d: {  	_ =	swait.ge [sflag:s31], $0x4000  }
0x4e: {  	[sflag:s31] =	ssyncset.done $0x0  }
0x4f: {  	s10 =	rddreg [dreg:$0x7];
	[sflag:s31] =	ssyncadd.s32 $0xFFFFC000  }
0x50: {  	[spmem:s1] =	stream.indirect.scatter.add.f32 [tilespmem:s28], [sflag:$0x7], $0x80, s10, s24, $0xb8;
	[tilespmem:$0x1C400] =	vst v63  }
0x51: {  	s12 =	smin.u32 s3, $0x4A;
	_ =	swait.ge [sflag:s15], $0x4000  }
0x52: {  	s10 =	sshll.u32 s12, $0x8;
	s11 =	rddreg [dreg:$0x4]  }
0x53: {  	s9 =	sadd.s32 s10, s11  }
0x54: {  	[sflag:s15] =	ssyncset.done $0x0;
	s9 =	sshrl.u32 s9, $0x3  }
0x55: {  	[sflag:s15] =	ssyncadd.s32 $0xFFFFC000;
	s9 =	sadd.s32 s5, s9  }
0x56: {  	[tilespmem:s20], [sflag:$0x2] =	stream.linear.gather [hbm4b:s9+s3], $0x100, $0x38;
	[tilespmem:$0x1C400] =	vst v63  }
0x57: {  	_ =	swait.ge [sflag:s0], $0x100  }
0x58: {  	[sflag:s0] =	ssyncset.done $0x0  }
0x59: {  	[sflag:s0] =	ssyncadd.s32 $0xFFFFFF00  }
0x5a: {  	[tilespmem:s28], [sflag:$0x6] =	stream.indirect.gather [hbm4b:s4+s24], $0x80, s22, s24, $0xb8;
	[tilespmem:$0x1C400] =	vst v63  }
0x5b: {  	_ =	swait.ge [sflag:s29], $0x4000  }
0x5c: {  	[sflag:s29] =	ssyncset.done $0x0  }
0x5d: {  	s10 =	rddreg [dreg:$0x8];
	[sflag:s29] =	ssyncadd.s32 $0xFFFFC000  }
0x5e: {  	[spmem:s1] =	stream.indirect.scatter.add.f32 [tilespmem:s25], [sflag:$0x7], $0x80, s10, s24, $0xb8;
	[tilespmem:$0x1C400] =	vst v63  }
0x5f: {  	s12 =	smin.u32 s3, $0x49;
	_ =	swait.ge [sflag:s15], $0x4000  }
0x60: {  	s10 =	sshll.u32 s12, $0x8;
	s11 =	rddreg [dreg:$0x5]  }
0x61: {  	s9 =	sadd.s32 s10, s11  }
0x62: {  	[sflag:s15] =	ssyncset.done $0x0;
	s9 =	sshrl.u32 s9, $0x3  }
0x63: {  	[sflag:s15] =	ssyncadd.s32 $0xFFFFC000;
	s9 =	sadd.s32 s5, s9  }
0x64: {  	[tilespmem:s21], [sflag:$0x3] =	stream.linear.gather [hbm4b:s9+s3], $0x100, $0x38;
	[tilespmem:$0x1C400] =	vst v63  }
0x65: {  	_ =	swait.ge [sflag:s23], $0x100  }
0x66: {  	[sflag:s23] =	ssyncset.done $0x0  }
0x67: {  	[sflag:s23] =	ssyncadd.s32 $0xFFFFFF00  }
0x68: {  	[tilespmem:s25], [sflag:$0x5] =	stream.indirect.gather [hbm4b:s4+s24], $0x80, s3, s24, $0xb8;
	[tilespmem:$0x1C400] =	vst v63  }
0x69: {  	_ =	swait.ge [sflag:s31], $0x4000  }
0x6a: {  	[sflag:s31] =	ssyncset.done $0x0  }
0x6b: {  	s10 =	rddreg [dreg:$0x9];
	[sflag:s31] =	ssyncadd.s32 $0xFFFFC000  }
0x6c: {  	[spmem:s1] =	stream.indirect.scatter.add.f32 [tilespmem:s28], [sflag:$0x7], $0x80, s10, s24, $0xb8;
	[tilespmem:$0x1C400] =	vst v63  }
0x6d: {  	s12 =	smin.u32 s3, $0x48;
	_ =	swait.ge [sflag:s15], $0x4000  }
0x6e: {  	s10 =	sshll.u32 s12, $0x8;
	s11 =	rddreg [dreg:$0x6]  }
0x6f: {  	s9 =	sadd.s32 s10, s11  }
0x70: {  	[sflag:s15] =	ssyncset.done $0x0;
	s9 =	sshrl.u32 s9, $0x3  }
0x71: {  	[sflag:s15] =	ssyncadd.s32 $0xFFFFC000;
	s9 =	sadd.s32 s5, s9  }
0x72: {  	[tilespmem:s22], [sflag:$0x4] =	stream.linear.gather [hbm4b:s9+s3], $0x100, $0x38;
	[tilespmem:$0x1C400] =	vst v63  }
0x73: {  	_ =	swait.ge [sflag:s26], $0x100  }
0x74: {  	[sflag:s26] =	ssyncset.done $0x0  }
0x75: {  	s9 =	simm.s32 $0x4;
	[sflag:s26] =	ssyncadd.s32 $0xFFFFFF00  }
.LBB2_2:
0x76: {  	[tilespmem:s28], [sflag:$0x6] =	stream.indirect.gather [hbm4b:s4+s24], $0x80, s20, s24, $0xb8;
	[tilespmem:$0x1C400] =	vst v63  }
0x77: {  	_ =	swait.ge [sflag:s29], $0x4000  }
0x78: {  	[sflag:s29] =	ssyncset.done $0x0  }
0x79: {  	s10 =	smov.u32 s9;
	[sflag:s29] =	ssyncadd.s32 $0xFFFFC000  }
0x7a: {  	[spmem:s1] =	stream.indirect.scatter.add.f32 [tilespmem:s25], [sflag:$0x7], $0x80, s24, s24, $0xb8;
	[tilespmem:$0x1C400] =	vst v63  }
0x7b: {  	s12 =	smin.u32 s10, $0x4B;
	_ =	swait.ge [sflag:s15], $0x4000  }
0x7c: {  	s12 =	sshll.u32 s12, $0x8;
	s11 =	rddreg [dreg:$0x3]  }
0x7d: {  	s11 =	sadd.s32 s12, s11  }
0x7e: {  	[sflag:s15] =	ssyncset.done $0x0;
	s11 =	sshrl.u32 s11, $0x3  }
0x7f: {  	[sflag:s15] =	ssyncadd.s32 $0xFFFFC000;
	s11 =	sadd.s32 s5, s11  }
0x80: {  	[tilespmem:s3], [sflag:$0x1] =	stream.linear.gather [hbm4b:s11+s3], $0x100, $0x38;
	[tilespmem:$0x1C400] =	vst v63  }
0x81: {  	_ =	swait.ge [sflag:s30], $0x100  }
0x82: {  	[sflag:s30] =	ssyncset.done $0x0  }
0x83: {  	[sflag:s30] =	ssyncadd.s32 $0xFFFFFF00  }
0x84: {  	[tilespmem:s25], [sflag:$0x5] =	stream.indirect.gather [hbm4b:s4+s24], $0x80, s21, s24, $0xb8;
	[tilespmem:$0x1C400] =	vst v63  }
0x85: {  	_ =	swait.ge [sflag:s31], $0x4000  }
0x86: {  	[sflag:s31] =	ssyncset.done $0x0  }
0x87: {  	s12 =	rddreg [dreg:$0x7];
	[sflag:s31] =	ssyncadd.s32 $0xFFFFC000  }
0x88: {  	[spmem:s1] =	stream.indirect.scatter.add.f32 [tilespmem:s28], [sflag:$0x7], $0x80, s12, s24, $0xb8;
	[tilespmem:$0x1C400] =	vst v63  }
0x89: {  	s12 =	smin.u32 s10, $0x4A;
	_ =	swait.ge [sflag:s15], $0x4000  }
0x8a: {  	s12 =	sshll.u32 s12, $0x8;
	s11 =	rddreg [dreg:$0x4]  }
0x8b: {  	s11 =	sadd.s32 s12, s11  }
0x8c: {  	[sflag:s15] =	ssyncset.done $0x0;
	s11 =	sshrl.u32 s11, $0x3  }
0x8d: {  	[sflag:s15] =	ssyncadd.s32 $0xFFFFC000;
	s11 =	sadd.s32 s5, s11  }
0x8e: {  	[tilespmem:s20], [sflag:$0x2] =	stream.linear.gather [hbm4b:s11+s3], $0x100, $0x38;
	[tilespmem:$0x1C400] =	vst v63  }
0x8f: {  	_ =	swait.ge [sflag:s0], $0x100  }
0x90: {  	[sflag:s0] =	ssyncset.done $0x0  }
0x91: {  	[sflag:s0] =	ssyncadd.s32 $0xFFFFFF00  }
0x92: {  	[tilespmem:s28], [sflag:$0x6] =	stream.indirect.gather [hbm4b:s4+s24], $0x80, s22, s24, $0xb8;
	[tilespmem:$0x1C400] =	vst v63  }
0x93: {  	_ =	swait.ge [sflag:s29], $0x4000  }
0x94: {  	[sflag:s29] =	ssyncset.done $0x0  }
0x95: {  	s12 =	rddreg [dreg:$0x8];
	[sflag:s29] =	ssyncadd.s32 $0xFFFFC000  }
0x96: {  	[spmem:s1] =	stream.indirect.scatter.add.f32 [tilespmem:s25], [sflag:$0x7], $0x80, s12, s24, $0xb8;
	[tilespmem:$0x1C400] =	vst v63  }
0x97: {  	s12 =	smin.u32 s10, $0x49;
	_ =	swait.ge [sflag:s15], $0x4000  }
0x98: {  	s12 =	sshll.u32 s12, $0x8;
	s11 =	rddreg [dreg:$0x5]  }
0x99: {  	s11 =	sadd.s32 s12, s11  }
0x9a: {  	[sflag:s15] =	ssyncset.done $0x0;
	s11 =	sshrl.u32 s11, $0x3  }
0x9b: {  	[sflag:s15] =	ssyncadd.s32 $0xFFFFC000;
	s11 =	sadd.s32 s5, s11  }
0x9c: {  	[tilespmem:s21], [sflag:$0x3] =	stream.linear.gather [hbm4b:s11+s3], $0x100, $0x38;
	[tilespmem:$0x1C400] =	vst v63  }
0x9d: {  	_ =	swait.ge [sflag:s23], $0x100  }
0x9e: {  	[sflag:s23] =	ssyncset.done $0x0  }
0x9f: {  	[sflag:s23] =	ssyncadd.s32 $0xFFFFFF00  }
0xa0: {  	[tilespmem:s25], [sflag:$0x5] =	stream.indirect.gather [hbm4b:s4+s24], $0x80, s3, s24, $0xb8;
	[tilespmem:$0x1C400] =	vst v63  }
0xa1: {  	_ =	swait.ge [sflag:s31], $0x4000  }
0xa2: {  	[sflag:s31] =	ssyncset.done $0x0  }
0xa3: {  	s12 =	rddreg [dreg:$0x9];
	[sflag:s31] =	ssyncadd.s32 $0xFFFFC000  }
0xa4: {  	[spmem:s1] =	stream.indirect.scatter.add.f32 [tilespmem:s28], [sflag:$0x7], $0x80, s12, s24, $0xb8;
	[tilespmem:$0x1C400] =	vst v63  }
0xa5: {  	s10 =	smin.u32 s10, $0x48;
	_ =	swait.ge [sflag:s15], $0x4000  }
0xa6: {  	s10 =	sshll.u32 s10, $0x8;
	s12 =	rddreg [dreg:$0x6]  }
0xa7: {  	s10 =	sadd.s32 s10, s12  }
0xa8: {  	p0 =	sne.s32 s9, $0x4C;
	[sflag:s15] =	ssyncset.done $0x0;
	s10 =	sshrl.u32 s10, $0x3  }
.Ltmp0:
0xa9: {  	[sflag:s15] =	ssyncadd.s32 $0xFFFFC000;
	s10 =	sadd.s32 s5, s10;
	(pc) =	sbr.rel @p0 .LBB2_2-.Ltmp0, $4  }
0xaa: {  	[tilespmem:s22], [sflag:$0x4] =	stream.linear.gather [hbm4b:s10+s3], $0x100, $0x38;
	[tilespmem:$0x1C400] =	vst v63  }
0xab: {  	_ =	swait.ge [sflag:s26], $0x100  }
0xac: {  	[sflag:s26] =	ssyncset.done $0x0  }
0xad: {  	s9 =	sadd.s32 $0x4, s9;
	[sflag:s26] =	ssyncadd.s32 $0xFFFFFF00  }
0xae: {  	[tilespmem:s28], [sflag:$0x6] =	stream.indirect.gather [hbm4b:s4+s24], $0x80, s20, s24, $0xb8;
	[tilespmem:$0x1C400] =	vst v63  }
0xaf: {  	_ =	swait.ge [sflag:s30], $0x100  }
0xb0: {  	[sflag:s30] =	ssyncset.done $0x0  }
0xb1: {  	[sflag:s30] =	ssyncadd.s32 $0xFFFFFF00  }
0xb2: {  	_ =	swait.ge [sflag:s0], $0x100  }
0xb3: {  	[sflag:s0] =	ssyncset.done $0x0  }
0xb4: {  	[sflag:s0] =	ssyncadd.s32 $0xFFFFFF00  }
0xb5: {  	_ =	swait.ge [sflag:s29], $0x4000  }
0xb6: {  	[sflag:s29] =	ssyncset.done $0x0  }
0xb7: {  	[sflag:s29] =	ssyncadd.s32 $0xFFFFC000  }
0xb8: {  	_ =	swait.ge [sflag:s31], $0x4000  }
0xb9: {  	[sflag:s31] =	ssyncset.done $0x0  }
0xba: {  	s2 =	sadd.s32 $0x1, s2;
	[sflag:s31] =	ssyncadd.s32 $0xFFFFC000  }
0xbb: {  	p0 =	sne.s32 s2, s13;
	[bflag:$0x0] =	sbarrier.arrive $0xFFFF  }
.Ltmp1:
0xbc: {  	s9 =	rddreg [dreg:$0xd];
	(pc) =	sbr.rel @p0 .LBB2_1-.Ltmp1, $4  }
0xbd: {  	[hbm:s9], [sflag:s7] =	dma.local [spmem:s14], $0x2800  }
0xbe: {  	_ =	swait.ge [sflag:s15], $0x2800  }
0xbf: {  	[sflag:s15] =	ssyncset.done $0x0  }
0xc0: {  	[sflag:s15] =	ssyncadd.s32 $0xFFFFD800  }
0xc1: {  	_ =	sfence.sel $0x180000  }
0xc2: {  	[bflag:$0x0] =	sbarrier.arrive $0xFFFF  }
0xc3: {  	_ =	strace $0x90000050  }
0xc4: {  	s0 =	stileid.u32;
	[bflag:$0x2] =	sbarrier.arrive $0xFFFF  }
0xc5: {  	p0 =	sne.s32 s0, $0x0;
	s0 =	rddreg [dreg:$0x2]  }
0xc6: {  	s0 =	sadd.s32 @!p0 $0x100000, s0  }
0xc7: {  	[sflag:s0] =	ssyncadd.tile.s32 @!p0 $0x1;
	_ =	shalt  }
.Lfunc_end2:
_tile_overlayer_lowered:
.L_overlay_start_2:
0xc8: {  	(tag) =	ssettag $0x2  }
0xc9: {  	s0 =	rddreg [dreg:$0x0];
	s2 =	stileid.u32  }
0xca: {  	s1 =	rddreg [dreg:$0x1];
	p0 =	sne.s32 s2, $0x0  }
0xcb: {  	s3 =	rddreg [dreg:$0x2];
	[bflag:$0x3] =	sbarrier.arrive $0xFFFF;
	s2 =	simm.s32 @!p0 $0x1C07  }
0xcc: {  	[timem:s3], [sflag:s2] =	dma.local @!p0 [hbm:s0], s1  }
0xcd: {  	s0 =	simm.s32 @!p0 $0x7  }
0xce: {  	_ =	swait.ge @!p0 [sflag:s0], s1  }
0xcf: {  	s1 =	ssub.s32 @!p0 $0x0, s1;
	[sflag:s0] =	ssyncset.done @!p0 $0x0  }
0xd0: {  	[sflag:s0] =	ssyncadd.s32 @!p0 s1  }
0xd1: {  	[bflag:$0x3] =	sbarrier.arrive $0xFFFF  }
0xd2: {  	_ =	shalt  }

// kernel: kernel.25.cloned.1.call-start
scs
__scs_entry_jumppad:
0x0: {  	(pc) =	sbr.rel $0x88, $3  }
0x1: {  	(tag) =	ssettag $0x0;
	lr =	simm.s32 $0x1  }
0x2: {  	[smem:$0x3F97] =	sst lr;
	_ =	strace $0xD0000000  }
0x3: {  	_ = 	snop  }
0x4: {  	_ = 	snop  }
0x5: {  	_ = 	snop  }
0x6: {  	_ = 	snop  }
0x7: {  	_ = 	snop  }
__scs_overlays_trampoline_lowered:
0x8: {  	[smem:$0x3FA6] =	sst s0  }
0x9: {  	[smem:$0x3FA7] =	sst s1  }
0xa: {  	[smem:$0x3FA8] =	sst s2  }
0xb: {  	[smem:$0x3FA9] =	sst s3  }
0xc: {  	[smem:$0x3FAA] =	sst s4  }
0xd: {  	[smem:$0x3FAB] =	sst s5  }
0xe: {  	[smem:$0x3FAC] =	sst s6  }
0xf: {  	[smem:$0x3FAD] =	sst s7  }
0x10: {  	[smem:$0x3FAE] =	sst s8  }
0x11: {  	[smem:$0x3FAF] =	sst s9;
	s0 =	simm.s32 @!p0 $0x0  }
0x12: {  	s1 =	sld [smem:$0x3F95];
	s0 =	simm.s32 @p0 $0x1  }
0x13: {  	[smem:$0x3FB0] =	sst s0;
	s0 =	simm.s32 @!p1 $0x0  }
0x14: {  	s2 =	sld [smem:$0x3F94];
	s0 =	simm.s32 @p1 $0x1  }
0x15: {  	[smem:$0x3FB1] =	sst s0;
	s0 =	simm.s32 @!p2 $0x0  }
0x16: {  	s3 =	sld [smem:$0x3FDB];
	s0 =	simm.s32 @p2 $0x1  }
0x17: {  	s4 =	simm.s32 $0x1BF5;
	[smem:$0x3FB3] =	sst s0  }
0x18: {  	s0 =	sld [smem:$0x3F96];
	_ =	swait.ge [sflag:s4], $0x0  }
0x19: {  	s7 =	sld [smem:$0x3F97]  }
0x1a: {  	s8 =	sadd.s32 $0xFFFFE003, lr  }
0x1b: {  	s9 =	sadd.s32 $0xFFFFFEF7, lr;
	s5 =	simm.s32 $0xFFFFFFFF;
	p2 =	slt.u32 s8, $0xFFFFF086  }
0x1c: {  	p1 =	slt.u32 s9, $0xF7A;
	s5 =	simm.s32 @!p2 $0x0  }
0x1d: {  	s5 =	simm.s32 @p1 $0x1;
	p0 =	seq.s32 s7, s2  }
0x1e: {  	s7 =	smul.u32 @!p0 $0xF7A, s2;
	p2 =	seq.s32 @!p0 s5, $0x0  }
0x1f: {  	s9 =	smul.u32 $0xF7A, s1;
	s8 =	simm.s32 @!p0 $0x1BF5;
	p2 =	por !p2, p0  }
0x20: {  	[sflag:s8] =	ssyncset.s32 @!p0 $0xFFFFF086;
	s6 =	sadd.s32 @!p0 s3, s7;
	s7 =	simm.s32 @!p0 $0x108  }
0x21: {  	s3 =	sadd.s32 s3, s9;
	s6 =	sadd.s32 @!p0 $0x88, s6;
	s7 =	simm.s32 @p2 $0x1082  }
0x22: {  	[simem:s7], [sflag:s8] =	dma.local @!p0 [hbm:s6], $0xF7A  }
0x23: {  	s9 =	sor.u32 $0xD0000000, s2;
	s6 =	simm.s32 $0x108;
	_ =	swait.ge @!p0 [sflag:s8], $0x0  }
0x24: {  	s3 =	sadd.s32 $0x88, s3;
	s6 =	simm.s32 @!p1 $0x1082;
	[sflag:s4] =	ssyncset.s32 $0xFFFFF086  }
0x25: {  	[simem:s6], [sflag:s4] =	dma.local [hbm:s3], $0xF7A  }
0x26: {  	[smem:$0x3F97] =	sst s1;
	(tag) =	ssettag s2;
	_ =	strace s9  }
0x27: {  	s1 =	sld [smem:$0x3FA7]  }
0x28: {  	s2 =	sld [smem:$0x3FA8]  }
0x29: {  	s4 =	sld [smem:$0x3FAA]  }
0x2a: {  	p0 =	seq.s32 s5, $0x0;
	s5 =	sld [smem:$0x3FAB]  }
0x2b: {  	s6 =	sld [smem:$0x3FAC]  }
0x2c: {  	s7 =	sld [smem:$0x3FAD]  }
0x2d: {  	s3 =	simm.s32 $0x108;
	s8 =	sld [smem:$0x3FAE]  }
0x2e: {  	s3 =	simm.s32 @!p0 $0x1082;
	s9 =	sld [smem:$0x3FAF]  }
0x2f: {  	lr =	sadd.s32 s0, s3;
	s0 =	sld [smem:$0x3FA6]  }
0x30: {  	s3 =	sld [smem:$0x3FA9]  }
0x31: {  	[smem:$0x3FB2] =	sst s10  }
0x32: {  	s10 =	sld [smem:$0x3FB0];
	_ =	sdelay $0x3  }
0x33: {  	p0 =	seq.s32 s10, $0x1;
	s10 =	sld [smem:$0x3FB2];
	_ =	sdelay $0x3  }
0x34: {  	[smem:$0x3FB2] =	sst s10  }
0x35: {  	s10 =	sld [smem:$0x3FB1];
	_ =	sdelay $0x3  }
0x36: {  	p1 =	seq.s32 s10, $0x1;
	s10 =	sld [smem:$0x3FB2];
	_ =	sdelay $0x3  }
0x37: {  	[smem:$0x3FB2] =	sst s10  }
0x38: {  	s10 =	sld [smem:$0x3FB3]  }
0x39: {  	_ = 	snop;
	(pc) =	sbr.ind lr, $3  }
0x3a: {  	_ = 	snop  }
0x3b: {  	_ = 	snop  }
0x3c: {  	p2 =	seq.s32 s10, $0x1;
	s10 =	sld [smem:$0x3FB2]  }
0x3d: {  	_ =	shalt  }
0x3e: {  	_ =	shalt  }
0x3f: {  	_ =	shalt  }
0x40: {  	_ =	shalt  }
0x41: {  	_ =	shalt  }
0x42: {  	_ =	shalt  }
0x43: {  	_ =	shalt  }
0x44: {  	_ =	shalt  }
0x45: {  	_ =	shalt  }
0x46: {  	_ =	shalt  }
0x47: {  	_ =	shalt  }
0x48: {  	_ =	shalt  }
0x49: {  	_ =	shalt  }
0x4a: {  	_ =	shalt  }
0x4b: {  	_ =	shalt  }
0x4c: {  	_ =	shalt  }
0x4d: {  	_ =	shalt  }
0x4e: {  	_ =	shalt  }
0x4f: {  	_ =	shalt  }
0x50: {  	_ =	shalt  }
0x51: {  	_ =	shalt  }
0x52: {  	_ =	shalt  }
0x53: {  	_ =	shalt  }
0x54: {  	_ =	shalt  }
0x55: {  	_ =	shalt  }
0x56: {  	_ =	shalt  }
0x57: {  	_ =	shalt  }
0x58: {  	_ =	shalt  }
0x59: {  	_ =	shalt  }
0x5a: {  	_ =	shalt  }
0x5b: {  	_ =	shalt  }
0x5c: {  	_ =	shalt  }
0x5d: {  	_ =	shalt  }
0x5e: {  	_ =	shalt  }
0x5f: {  	_ =	shalt  }
0x60: {  	_ =	shalt  }
0x61: {  	_ =	shalt  }
0x62: {  	_ =	shalt  }
0x63: {  	_ =	shalt  }
0x64: {  	_ =	shalt  }
0x65: {  	_ =	shalt  }
0x66: {  	_ =	shalt  }
0x67: {  	_ =	shalt  }
0x68: {  	_ =	shalt  }
0x69: {  	_ =	shalt  }
0x6a: {  	_ =	shalt  }
0x6b: {  	_ =	shalt  }
0x6c: {  	_ =	shalt  }
0x6d: {  	_ =	shalt  }
0x6e: {  	_ =	shalt  }
0x6f: {  	_ =	shalt  }
0x70: {  	_ =	shalt  }
0x71: {  	_ =	shalt  }
0x72: {  	_ =	shalt  }
0x73: {  	_ =	shalt  }
0x74: {  	_ =	shalt  }
0x75: {  	_ =	shalt  }
0x76: {  	_ =	shalt  }
0x77: {  	_ =	shalt  }
0x78: {  	_ =	shalt  }
0x79: {  	_ =	shalt  }
0x7a: {  	_ =	shalt  }
0x7b: {  	_ =	shalt  }
0x7c: {  	_ =	shalt  }
0x7d: {  	_ =	shalt  }
0x7e: {  	_ =	shalt  }
0x7f: {  	_ =	shalt  }
0x80: {  	_ =	shalt  }
0x81: {  	_ =	shalt  }
0x82: {  	_ =	shalt  }
0x83: {  	_ =	shalt  }
0x84: {  	_ =	shalt  }
0x85: {  	_ =	shalt  }
0x86: {  	_ =	shalt  }
0x87: {  	_ =	shalt  }
.Lfunc_end0:
.L_simem_size_0:
called_computation.4_lowered:
.L_overlay_start_0:
0x88: {  	s2 =	sld [smem:$0x3FD9]  }
0x89: {  	s3 =	sld [smem:$0x3FFE];
	_ =	sdelay $0x1  }
0x8a: {  	s1 =	srdreg.scid  }
0x8b: {  	s0 =	sand.u32 $0x1, s1  }
0x8c: {  	s16 =	sshll.u32 s0, $0xA;
	s2 =	sadd.s32 s3, s2  }
0x8d: {  	s2 =	sadd.s32 s2, s16  }
0x8e: {  	[smem:$0x3FBE] =	sst s2  }
0x8f: {  	_ = 	snop  }
0x90: {  	(tm) =	ssettm $0x1  }
0x91: {  	s17 =	sld [smem:$0x3FFB];
	_ =	sdelay $0x3  }
0x92: {  	_ =	strace s17  }
0x93: {  	s2 =	sld [smem:$0x3FFC];
	_ =	sdelay $0x3  }
0x94: {  	_ =	strace s2  }
0x95: {  	s2 =	sld [smem:$0x3FFD];
	_ =	sdelay $0x3  }
0x96: {  	_ =	strace s2  }
0x97: {  	_ =	strace $0x8FFFFFFF  }
0x98: {  	s18 =	sld [smem:$0x3FDB];
	_ =	sdelay $0x1  }
0x99: {  	s19 =	simm.s32 $_scs_section_size  }
0x9a: {  	s4 =	simm.s32 $_size__tile_overlayer_lowered;
	s5 =	simm.s32 $_tile_overlayer_lowered  }
0x9b: {  	s22 =	simm.s32 $0x1BFF;
	s21 =	sshll.u32 s5, $0x1;
	s2 =	sadd.s32 s19, s18  }
0x9c: {  	s6 =	simm.s32 $0x0;
	s20 =	sshll.u32 s4, $0x1;
	s4 =	sadd.s32 s21, s2  }
0x9d: {  	[timem:s6], [sflag:s22] =	dma.local [hbm:s4], s20  }
0x9e: {  	_ =	swait.ge [sflag:s22], s20  }
0x9f: {  	s3 =	ssub.s32 $0x0, s20;
	[sflag:s22] =	ssyncset.done $0x0  }
0xa0: {  	[sflag:s22] =	ssyncadd.s32 s3;
	_ =	sdelay $0x1  }
0xa1: {  	s23 =	simm.s32 $0x1B8B  }
0xa2: {  	_ =	swait.ge [sflag:s23], $0x1  }
0xa3: {  	[sflag:s23] =	ssyncset.done $0x0  }
0xa4: {  	s25 =	simm.s32 $0x1B8E;
	s24 =	sld [smem:$0x3FFE];
	[sflag:s23] =	ssyncadd.s32 $0xFFFFFFFF  }
0xa5: {  	s26 =	simm.s32 $execute0_lowered;
	[smem:$0x3FD2] =	sst s25  }
0xa6: {  	s4 =	sshll.u32 s26, $0x1;
	_ =	strace $0x80000052;
	[dreg:$0x1] =	wrdreg $0xFFFFFFFF  }
0xa7: {  	s28 =	simm.s32 $_size_execute0_lowered;
	s2 =	sadd.s32 s2, s4;
	[dreg:$0x0] =	wrdreg $0x0  }
0xa8: {  	s4 =	sshll.u32 s28, $0x1;
	[dreg:$0x2] =	wrdreg s2  }
0xa9: {  	[dreg:$0x3] =	wrdreg s4  }
0xaa: {  	[dreg:$0x4] =	wrdreg $0xC0  }
0xab: {  	_ =	task [dreg:s6], $0x5FFFF  }
0xac: {  	[dreg:$0x1] =	wrdreg $0xFFFFFFFF  }
0xad: {  	[dreg:$0x0] =	wrdreg $0x60  }
0xae: {  	[dreg:$0x2] =	wrdreg s24  }
0xaf: {  	[dreg:$0x3] =	wrdreg $0x84000  }
0xb0: {  	[dreg:$0x4] =	wrdreg $0x9  }
0xb1: {  	_ =	task.clear_ibuf [dreg:s6], $0x5FFFF;
	_ =	strace $0x90000052  }
0xb2: {  	s29 =	simm.s32 $0x9;
	_ =	strace $0x80000054  }
0xb3: {  	_ =	swait.ge [sflag:s29], $0x1  }
0xb4: {  	[sflag:s29] =	ssyncadd.s32 $0xFFFFFFFF  }
0xb5: {  	_ =	strace $0x90000054  }
0xb6: {  	_ =	sfence  }
0xb7: {  	s30 =	sld [smem:$0x0];
	_ =	sdelay $0x2  }
0xb8: {  	s31 =	sshll.u32 s1, $0xD;
	s1 =	sshrl.u32 s1, $0x2  }
0xb9: {  	s3 =	sand.u32 $0x4000, s31;
	s1 =	sadd.s32 s1, s30  }
0xba: {  	s0 =	sor.u32 s3, s0;
	s1 =	sshll.u32 s1, $0x11  }
0xbb: {  	s0 =	sor.u32 s1, s0  }
0xbc: {  	s0 =	sadd.s32 $0x8F2B, s0  }
0xbd: {  	[sflag:s0] =	ssyncadd.remote.s32 $0x1  }
0xbe: {  	_ =	sfence.sel $0xFFFF  }
0xbf: {  	[dreg:$0x0] =	wrdreg $0xFFFFFFFF;
	(pc) =	sbr.abs _section_cstart, $3  }
0xc0: {  	[dreg:$0x1] =	wrdreg $0xFFFFFFFF  }
0xc1: {  	_ =	task.clear_ibuf [dreg:s6], $0x2FFFF;
	_ =	strace $0x9FFFFFFF  }
0xc2: {  	(tm) =	ssettm $0x7FFFFFFF  }
0xc3: {  	_ =	shalt  }
tec
execute0_lowered:
.L_overlay_start_1:
0x0: {  	(tag) =	ssettag $0x1  }
0x1: {  	s0 =	rddreg [dreg:$0x0]  }
0x2: {  	s1 =	rddreg [dreg:$0x1];
	s2 =	srdreg.scid  }
0x3: {  	s3 =	simm.s32 $0x0;
	s11 =	stileid.u32;
	s28 =	simm.s32 $0x4400  }
0x4: {  	s29 =	simm.s32 $0x5;
	s30 =	simm.s32 $0x3;
	s31 =	simm.s32 $0x6  }
0x5: {  	s2 =	sand.u32 $0x1, s2;
	[smem:$0x7FF] =	sst s3;
	s8 =	smul.u32 $0x14000, s11  }
0x6: {  	s4 =	sadd.s32 $0x2BA00, s0;
	s5 =	sadd.s32 $0x17200, s0;
	s6 =	sadd.s32 $0x2B200, s0  }
0x7: {  	s9 =	smul.u32 $0x50000, s11;
	s10 =	sshll.u32 s11, $0x1;
	s25 =	sshll.u32 s11, $0x6  }
0x8: {  	s7 =	smul.u32 $0x140000, s2;
	_ =	strace $0x80000053;
	s22 =	ssub.s32 $0x2, s2  }
0x9: {  	s2 =	sor.u32 s2, s10;
	s23 =	sshrl.u32 s22, $0x1;
	s24 =	sshrl.u32 s9, $0x2  }
0xa: {  	s2 =	smul.u32 $0x5000, s2;
	s7 =	sadd.s32 s8, s7;
	s13 =	ssub.s32 s22, s23  }
0xb: {  	s9 =	sadd.s32 s24, s1;
	s24 =	simm.s32 $0x180;
	s7 =	sshrl.u32 s7, $0x3  }
0xc: {  	s26 =	sadd.s32 $0x4000, s9;
	s17 =	sadd.s32 $0x8000, s9;
	s18 =	sadd.s32 $0xC000, s9  }
0xd: {  	s19 =	sadd.s32 $0x10000, s9;
	s15 =	sor.u32 $0x400, s2;
	s16 =	sshrl.u32 s2, $0x3  }
0xe: {  	s12 =	sor.u32 $0x500, s2;
	s20 =	sor.u32 $0x600, s2;
	[dreg:$0x7] =	wrdreg s24  }
0xf: {  	s2 =	sor.u32 $0x700, s2;
	s13 =	smax.u32 s13, $0x1;
	[dreg:$0x3] =	wrdreg s15  }
0x10: {  	s14 =	sshrl.u32 s9, $0x3;
	s24 =	simm.s32 $0x80;
	[dreg:$0x4] =	wrdreg s12  }
0x11: {  	s0 =	sadd.s32 s7, s0;
	s7 =	sor.u32 $0x1C07, s25;
	[dreg:$0x5] =	wrdreg s20  }
0x12: {  	s8 =	sadd.s32 s5, s16;
	[dreg:$0x6] =	wrdreg s2;
	s15 =	simm.s32 $0x7  }
0x13: {  	s16 =	sshrl.u32 s26, $0x3;
	s17 =	sshrl.u32 s17, $0x3;
	s25 =	simm.s32 $0x280  }
0x14: {  	s18 =	sshrl.u32 s18, $0x3;
	s26 =	simm.s32 $0x380;
	[dreg:$0x8] =	wrdreg s25  }
0x15: {  	s19 =	sshrl.u32 s19, $0x3;
	s21 =	sadd.s32 $0x20, s8;
	[dreg:$0x9] =	wrdreg s26  }
0x16: {  	s20 =	simm.s32 $0x100;
	s22 =	sadd.s32 $0x40, s8;
	[dreg:$0xa] =	wrdreg s21  }
0x17: {  	s2 =	simm.s32 $0x0;
	s23 =	sadd.s32 $0x60, s8;
	[dreg:$0xb] =	wrdreg s22  }
0x18: {  	s0 =	sadd.s32 $0x53A00, s0;
	s25 =	simm.s32 $0x400;
	[dreg:$0xc] =	wrdreg s23  }
0x19: {  	s26 =	simm.s32 $0x2;
	[dreg:$0xd] =	wrdreg s0;
	s21 =	simm.s32 $0x200  }
0x1a: {  	s22 =	simm.s32 $0x300;
	s23 =	simm.s32 $0x1;
	s0 =	simm.s32 $0x4  }
.LBB2_1:
0x1b: {  	[spmem:s14], [sflag:s7] =	dma.local [hbm:s6], $0x800  }
0x1c: {  	_ =	swait.ge [sflag:s15], $0x800  }
0x1d: {  	[sflag:s15] =	ssyncset.done $0x0  }
0x1e: {  	[sflag:s15] =	ssyncadd.s32 $0xFFFFF800  }
0x1f: {  	[spmem:s16], [sflag:s7] =	dma.local [hbm:s6], $0x800  }
0x20: {  	_ =	swait.ge [sflag:s15], $0x800  }
0x21: {  	[sflag:s15] =	ssyncset.done $0x0  }
0x22: {  	[sflag:s15] =	ssyncadd.s32 $0xFFFFF800  }
0x23: {  	[spmem:s17], [sflag:s7] =	dma.local [hbm:s6], $0x800  }
0x24: {  	_ =	swait.ge [sflag:s15], $0x800  }
0x25: {  	[sflag:s15] =	ssyncset.done $0x0  }
0x26: {  	[sflag:s15] =	ssyncadd.s32 $0xFFFFF800  }
0x27: {  	[spmem:s18], [sflag:s7] =	dma.local [hbm:s6], $0x800  }
0x28: {  	_ =	swait.ge [sflag:s15], $0x800  }
0x29: {  	[sflag:s15] =	ssyncset.done $0x0  }
0x2a: {  	[sflag:s15] =	ssyncadd.s32 $0xFFFFF800  }
0x2b: {  	[spmem:s19], [sflag:s7] =	dma.local [hbm:s6], $0x800  }
0x2c: {  	_ =	swait.ge [sflag:s15], $0x800  }
0x2d: {  	[sflag:s15] =	ssyncset.done $0x0  }
0x2e: {  	[sflag:s15] =	ssyncadd.s32 $0xFFFFF800  }
0x2f: {  	[bflag:$0x0] =	sbarrier.arrive $0xFFFF  }
0x30: {  	[tilespmem:s3], [sflag:$0x1] =	stream.linear.gather [hbm4b:s8+s3], $0x100, $0x38;
	[tilespmem:$0x1C400] =	vst v63  }
0x31: {  	s9 =	rddreg [dreg:$0xa]  }
0x32: {  	[tilespmem:s20], [sflag:$0x2] =	stream.linear.gather [hbm4b:s9+s3], $0x100, $0x38;
	[tilespmem:$0x1C400] =	vst v63  }
0x33: {  	s10 =	rddreg [dreg:$0xb]  }
0x34: {  	[tilespmem:s21], [sflag:$0x3] =	stream.linear.gather [hbm4b:s10+s3], $0x100, $0x38;
	[tilespmem:$0x1C400] =	vst v63  }
0x35: {  	s11 =	rddreg [dreg:$0xc]  }
0x36: {  	[tilespmem:s22], [sflag:$0x4] =	stream.linear.gather [hbm4b:s11+s3], $0x100, $0x38;
	[tilespmem:$0x1C400] =	vst v63  }
0x37: {  	_ =	swait.ge [sflag:s23], $0x100  }
0x38: {  	[sflag:s23] =	ssyncset.done $0x0  }
0x39: {  	[sflag:s23] =	ssyncadd.s32 $0xFFFFFF00  }
0x3a: {  	[tilespmem:s25], [sflag:$0x5] =	stream.indirect.gather [hbm4b:s4+s24], $0x80, s3, s24, $0xb8;
	[tilespmem:$0x1C400] =	vst v63  }
0x3b: {  	_ =	swait.ge [sflag:s26], $0x100  }
0x3c: {  	[sflag:s26] =	ssyncset.done $0x0  }
0x3d: {  	[sflag:s26] =	ssyncadd.s32 $0xFFFFFF00  }
0x3e: {  	[tilespmem:s28], [sflag:$0x6] =	stream.indirect.gather [hbm4b:s4+s24], $0x80, s20, s24, $0xb8;
	[tilespmem:$0x1C400] =	vst v63  }
0x3f: {  	_ =	swait.ge [sflag:s29], $0x4000  }
0x40: {  	[sflag:s29] =	ssyncset.done $0x0  }
0x41: {  	[sflag:s29] =	ssyncadd.s32 $0xFFFFC000  }
0x42: {  	[spmem:s1] =	stream.indirect.scatter.add.f32 [tilespmem:s25], [sflag:$0x7], $0x80, s24, s24, $0xb8;
	[tilespmem:$0x1C400] =	vst v63  }
0x43: {  	s10 =	smin.u32 s3, $0x4B;
	_ =	swait.ge [sflag:s15], $0x4000  }
0x44: {  	s10 =	sshll.u32 s10, $0x8;
	s12 =	rddreg [dreg:$0x3]  }
0x45: {  	s9 =	sadd.s32 s10, s12  }
0x46: {  	[sflag:s15] =	ssyncset.done $0x0;
	s9 =	sshrl.u32 s9, $0x3  }
0x47: {  	[sflag:s15] =	ssyncadd.s32 $0xFFFFC000;
	s9 =	sadd.s32 s5, s9  }
0x48: {  	[tilespmem:s3], [sflag:$0x1] =	stream.linear.gather [hbm4b:s9+s3], $0x100, $0x38;
	[tilespmem:$0x1C400] =	vst v63  }
0x49: {  	_ =	swait.ge [sflag:s30], $0x100  }
0x4a: {  	[sflag:s30] =	ssyncset.done $0x0  }
0x4b: {  	[sflag:s30] =	ssyncadd.s32 $0xFFFFFF00  }
0x4c: {  	[tilespmem:s25], [sflag:$0x5] =	stream.indirect.gather [hbm4b:s4+s24], $0x80, s21, s24, $0xb8;
	[tilespmem:$0x1C400] =	vst v63  }
0x4d: {  	_ =	swait.ge [sflag:s31], $0x4000  }
0x4e: {  	[sflag:s31] =	ssyncset.done $0x0  }
0x4f: {  	s10 =	rddreg [dreg:$0x7];
	[sflag:s31] =	ssyncadd.s32 $0xFFFFC000  }
0x50: {  	[spmem:s1] =	stream.indirect.scatter.add.f32 [tilespmem:s28], [sflag:$0x7], $0x80, s10, s24, $0xb8;
	[tilespmem:$0x1C400] =	vst v63  }
0x51: {  	s12 =	smin.u32 s3, $0x4A;
	_ =	swait.ge [sflag:s15], $0x4000  }
0x52: {  	s10 =	sshll.u32 s12, $0x8;
	s11 =	rddreg [dreg:$0x4]  }
0x53: {  	s9 =	sadd.s32 s10, s11  }
0x54: {  	[sflag:s15] =	ssyncset.done $0x0;
	s9 =	sshrl.u32 s9, $0x3  }
0x55: {  	[sflag:s15] =	ssyncadd.s32 $0xFFFFC000;
	s9 =	sadd.s32 s5, s9  }
0x56: {  	[tilespmem:s20], [sflag:$0x2] =	stream.linear.gather [hbm4b:s9+s3], $0x100, $0x38;
	[tilespmem:$0x1C400] =	vst v63  }
0x57: {  	_ =	swait.ge [sflag:s0], $0x100  }
0x58: {  	[sflag:s0] =	ssyncset.done $0x0  }
0x59: {  	[sflag:s0] =	ssyncadd.s32 $0xFFFFFF00  }
0x5a: {  	[tilespmem:s28], [sflag:$0x6] =	stream.indirect.gather [hbm4b:s4+s24], $0x80, s22, s24, $0xb8;
	[tilespmem:$0x1C400] =	vst v63  }
0x5b: {  	_ =	swait.ge [sflag:s29], $0x4000  }
0x5c: {  	[sflag:s29] =	ssyncset.done $0x0  }
0x5d: {  	s10 =	rddreg [dreg:$0x8];
	[sflag:s29] =	ssyncadd.s32 $0xFFFFC000  }
0x5e: {  	[spmem:s1] =	stream.indirect.scatter.add.f32 [tilespmem:s25], [sflag:$0x7], $0x80, s10, s24, $0xb8;
	[tilespmem:$0x1C400] =	vst v63  }
0x5f: {  	s12 =	smin.u32 s3, $0x49;
	_ =	swait.ge [sflag:s15], $0x4000  }
0x60: {  	s10 =	sshll.u32 s12, $0x8;
	s11 =	rddreg [dreg:$0x5]  }
0x61: {  	s9 =	sadd.s32 s10, s11  }
0x62: {  	[sflag:s15] =	ssyncset.done $0x0;
	s9 =	sshrl.u32 s9, $0x3  }
0x63: {  	[sflag:s15] =	ssyncadd.s32 $0xFFFFC000;
	s9 =	sadd.s32 s5, s9  }
0x64: {  	[tilespmem:s21], [sflag:$0x3] =	stream.linear.gather [hbm4b:s9+s3], $0x100, $0x38;
	[tilespmem:$0x1C400] =	vst v63  }
0x65: {  	_ =	swait.ge [sflag:s23], $0x100  }
0x66: {  	[sflag:s23] =	ssyncset.done $0x0  }
0x67: {  	[sflag:s23] =	ssyncadd.s32 $0xFFFFFF00  }
0x68: {  	[tilespmem:s25], [sflag:$0x5] =	stream.indirect.gather [hbm4b:s4+s24], $0x80, s3, s24, $0xb8;
	[tilespmem:$0x1C400] =	vst v63  }
0x69: {  	_ =	swait.ge [sflag:s31], $0x4000  }
0x6a: {  	[sflag:s31] =	ssyncset.done $0x0  }
0x6b: {  	s10 =	rddreg [dreg:$0x9];
	[sflag:s31] =	ssyncadd.s32 $0xFFFFC000  }
0x6c: {  	[spmem:s1] =	stream.indirect.scatter.add.f32 [tilespmem:s28], [sflag:$0x7], $0x80, s10, s24, $0xb8;
	[tilespmem:$0x1C400] =	vst v63  }
0x6d: {  	s12 =	smin.u32 s3, $0x48;
	_ =	swait.ge [sflag:s15], $0x4000  }
0x6e: {  	s10 =	sshll.u32 s12, $0x8;
	s11 =	rddreg [dreg:$0x6]  }
0x6f: {  	s9 =	sadd.s32 s10, s11  }
0x70: {  	[sflag:s15] =	ssyncset.done $0x0;
	s9 =	sshrl.u32 s9, $0x3  }
0x71: {  	[sflag:s15] =	ssyncadd.s32 $0xFFFFC000;
	s9 =	sadd.s32 s5, s9  }
0x72: {  	[tilespmem:s22], [sflag:$0x4] =	stream.linear.gather [hbm4b:s9+s3], $0x100, $0x38;
	[tilespmem:$0x1C400] =	vst v63  }
0x73: {  	_ =	swait.ge [sflag:s26], $0x100  }
0x74: {  	[sflag:s26] =	ssyncset.done $0x0  }
0x75: {  	s9 =	simm.s32 $0x4;
	[sflag:s26] =	ssyncadd.s32 $0xFFFFFF00  }
.LBB2_2:
0x76: {  	[tilespmem:s28], [sflag:$0x6] =	stream.indirect.gather [hbm4b:s4+s24], $0x80, s20, s24, $0xb8;
	[tilespmem:$0x1C400] =	vst v63  }
0x77: {  	_ =	swait.ge [sflag:s29], $0x4000  }
0x78: {  	[sflag:s29] =	ssyncset.done $0x0  }
0x79: {  	s10 =	smov.u32 s9;
	[sflag:s29] =	ssyncadd.s32 $0xFFFFC000  }
0x7a: {  	[spmem:s1] =	stream.indirect.scatter.add.f32 [tilespmem:s25], [sflag:$0x7], $0x80, s24, s24, $0xb8;
	[tilespmem:$0x1C400] =	vst v63  }
0x7b: {  	s12 =	smin.u32 s10, $0x4B;
	_ =	swait.ge [sflag:s15], $0x4000  }
0x7c: {  	s12 =	sshll.u32 s12, $0x8;
	s11 =	rddreg [dreg:$0x3]  }
0x7d: {  	s11 =	sadd.s32 s12, s11  }
0x7e: {  	[sflag:s15] =	ssyncset.done $0x0;
	s11 =	sshrl.u32 s11, $0x3  }
0x7f: {  	[sflag:s15] =	ssyncadd.s32 $0xFFFFC000;
	s11 =	sadd.s32 s5, s11  }
0x80: {  	[tilespmem:s3], [sflag:$0x1] =	stream.linear.gather [hbm4b:s11+s3], $0x100, $0x38;
	[tilespmem:$0x1C400] =	vst v63  }
0x81: {  	_ =	swait.ge [sflag:s30], $0x100  }
0x82: {  	[sflag:s30] =	ssyncset.done $0x0  }
0x83: {  	[sflag:s30] =	ssyncadd.s32 $0xFFFFFF00  }
0x84: {  	[tilespmem:s25], [sflag:$0x5] =	stream.indirect.gather [hbm4b:s4+s24], $0x80, s21, s24, $0xb8;
	[tilespmem:$0x1C400] =	vst v63  }
0x85: {  	_ =	swait.ge [sflag:s31], $0x4000  }
0x86: {  	[sflag:s31] =	ssyncset.done $0x0  }
0x87: {  	s12 =	rddreg [dreg:$0x7];
	[sflag:s31] =	ssyncadd.s32 $0xFFFFC000  }
0x88: {  	[spmem:s1] =	stream.indirect.scatter.add.f32 [tilespmem:s28], [sflag:$0x7], $0x80, s12, s24, $0xb8;
	[tilespmem:$0x1C400] =	vst v63  }
0x89: {  	s12 =	smin.u32 s10, $0x4A;
	_ =	swait.ge [sflag:s15], $0x4000  }
0x8a: {  	s12 =	sshll.u32 s12, $0x8;
	s11 =	rddreg [dreg:$0x4]  }
0x8b: {  	s11 =	sadd.s32 s12, s11  }
0x8c: {  	[sflag:s15] =	ssyncset.done $0x0;
	s11 =	sshrl.u32 s11, $0x3  }
0x8d: {  	[sflag:s15] =	ssyncadd.s32 $0xFFFFC000;
	s11 =	sadd.s32 s5, s11  }
0x8e: {  	[tilespmem:s20], [sflag:$0x2] =	stream.linear.gather [hbm4b:s11+s3], $0x100, $0x38;
	[tilespmem:$0x1C400] =	vst v63  }
0x8f: {  	_ =	swait.ge [sflag:s0], $0x100  }
0x90: {  	[sflag:s0] =	ssyncset.done $0x0  }
0x91: {  	[sflag:s0] =	ssyncadd.s32 $0xFFFFFF00  }
0x92: {  	[tilespmem:s28], [sflag:$0x6] =	stream.indirect.gather [hbm4b:s4+s24], $0x80, s22, s24, $0xb8;
	[tilespmem:$0x1C400] =	vst v63  }
0x93: {  	_ =	swait.ge [sflag:s29], $0x4000  }
0x94: {  	[sflag:s29] =	ssyncset.done $0x0  }
0x95: {  	s12 =	rddreg [dreg:$0x8];
	[sflag:s29] =	ssyncadd.s32 $0xFFFFC000  }
0x96: {  	[spmem:s1] =	stream.indirect.scatter.add.f32 [tilespmem:s25], [sflag:$0x7], $0x80, s12, s24, $0xb8;
	[tilespmem:$0x1C400] =	vst v63  }
0x97: {  	s12 =	smin.u32 s10, $0x49;
	_ =	swait.ge [sflag:s15], $0x4000  }
0x98: {  	s12 =	sshll.u32 s12, $0x8;
	s11 =	rddreg [dreg:$0x5]  }
0x99: {  	s11 =	sadd.s32 s12, s11  }
0x9a: {  	[sflag:s15] =	ssyncset.done $0x0;
	s11 =	sshrl.u32 s11, $0x3  }
0x9b: {  	[sflag:s15] =	ssyncadd.s32 $0xFFFFC000;
	s11 =	sadd.s32 s5, s11  }
0x9c: {  	[tilespmem:s21], [sflag:$0x3] =	stream.linear.gather [hbm4b:s11+s3], $0x100, $0x38;
	[tilespmem:$0x1C400] =	vst v63  }
0x9d: {  	_ =	swait.ge [sflag:s23], $0x100  }
0x9e: {  	[sflag:s23] =	ssyncset.done $0x0  }
0x9f: {  	[sflag:s23] =	ssyncadd.s32 $0xFFFFFF00  }
0xa0: {  	[tilespmem:s25], [sflag:$0x5] =	stream.indirect.gather [hbm4b:s4+s24], $0x80, s3, s24, $0xb8;
	[tilespmem:$0x1C400] =	vst v63  }
0xa1: {  	_ =	swait.ge [sflag:s31], $0x4000  }
0xa2: {  	[sflag:s31] =	ssyncset.done $0x0  }
0xa3: {  	s12 =	rddreg [dreg:$0x9];
	[sflag:s31] =	ssyncadd.s32 $0xFFFFC000  }
0xa4: {  	[spmem:s1] =	stream.indirect.scatter.add.f32 [tilespmem:s28], [sflag:$0x7], $0x80, s12, s24, $0xb8;
	[tilespmem:$0x1C400] =	vst v63  }
0xa5: {  	s10 =	smin.u32 s10, $0x48;
	_ =	swait.ge [sflag:s15], $0x4000  }
0xa6: {  	s10 =	sshll.u32 s10, $0x8;
	s12 =	rddreg [dreg:$0x6]  }
0xa7: {  	s10 =	sadd.s32 s10, s12  }
0xa8: {  	p0 =	sne.s32 s9, $0x4C;
	[sflag:s15] =	ssyncset.done $0x0;
	s10 =	sshrl.u32 s10, $0x3  }
.Ltmp0:
0xa9: {  	[sflag:s15] =	ssyncadd.s32 $0xFFFFC000;
	s10 =	sadd.s32 s5, s10;
	(pc) =	sbr.rel @p0 .LBB2_2-.Ltmp0, $4  }
0xaa: {  	[tilespmem:s22], [sflag:$0x4] =	stream.linear.gather [hbm4b:s10+s3], $0x100, $0x38;
	[tilespmem:$0x1C400] =	vst v63  }
0xab: {  	_ =	swait.ge [sflag:s26], $0x100  }
0xac: {  	[sflag:s26] =	ssyncset.done $0x0  }
0xad: {  	s9 =	sadd.s32 $0x4, s9;
	[sflag:s26] =	ssyncadd.s32 $0xFFFFFF00  }
0xae: {  	[tilespmem:s28], [sflag:$0x6] =	stream.indirect.gather [hbm4b:s4+s24], $0x80, s20, s24, $0xb8;
	[tilespmem:$0x1C400] =	vst v63  }
0xaf: {  	_ =	swait.ge [sflag:s30], $0x100  }
0xb0: {  	[sflag:s30] =	ssyncset.done $0x0  }
0xb1: {  	[sflag:s30] =	ssyncadd.s32 $0xFFFFFF00  }
0xb2: {  	_ =	swait.ge [sflag:s0], $0x100  }
0xb3: {  	[sflag:s0] =	ssyncset.done $0x0  }
0xb4: {  	[sflag:s0] =	ssyncadd.s32 $0xFFFFFF00  }
0xb5: {  	_ =	swait.ge [sflag:s29], $0x4000  }
0xb6: {  	[sflag:s29] =	ssyncset.done $0x0  }
0xb7: {  	[sflag:s29] =	ssyncadd.s32 $0xFFFFC000  }
0xb8: {  	_ =	swait.ge [sflag:s31], $0x4000  }
0xb9: {  	[sflag:s31] =	ssyncset.done $0x0  }
0xba: {  	s2 =	sadd.s32 $0x1, s2;
	[sflag:s31] =	ssyncadd.s32 $0xFFFFC000  }
0xbb: {  	p0 =	sne.s32 s2, s13;
	[bflag:$0x0] =	sbarrier.arrive $0xFFFF  }
.Ltmp1:
0xbc: {  	s9 =	rddreg [dreg:$0xd];
	(pc) =	sbr.rel @p0 .LBB2_1-.Ltmp1, $4  }
0xbd: {  	[hbm:s9], [sflag:s7] =	dma.local [spmem:s14], $0x2800  }
0xbe: {  	_ =	swait.ge [sflag:s15], $0x2800  }
0xbf: {  	[sflag:s15] =	ssyncset.done $0x0  }
0xc0: {  	[sflag:s15] =	ssyncadd.s32 $0xFFFFD800  }
0xc1: {  	_ =	sfence.sel $0x180000  }
0xc2: {  	[bflag:$0x0] =	sbarrier.arrive $0xFFFF  }
0xc3: {  	_ =	strace $0x90000053  }
0xc4: {  	s0 =	stileid.u32;
	[bflag:$0x2] =	sbarrier.arrive $0xFFFF  }
0xc5: {  	p0 =	sne.s32 s0, $0x0;
	s0 =	rddreg [dreg:$0x2]  }
0xc6: {  	s0 =	sadd.s32 @!p0 $0x100000, s0  }
0xc7: {  	[sflag:s0] =	ssyncadd.tile.s32 @!p0 $0x1;
	_ =	shalt  }
.Lfunc_end2:
_tile_overlayer_lowered:
.L_overlay_start_2:
0xc8: {  	(tag) =	ssettag $0x2  }
0xc9: {  	s0 =	rddreg [dreg:$0x0];
	s2 =	stileid.u32  }
0xca: {  	s1 =	rddreg [dreg:$0x1];
	p0 =	sne.s32 s2, $0x0  }
0xcb: {  	s3 =	rddreg [dreg:$0x2];
	[bflag:$0x3] =	sbarrier.arrive $0xFFFF;
	s2 =	simm.s32 @!p0 $0x1C07  }
0xcc: {  	[timem:s3], [sflag:s2] =	dma.local @!p0 [hbm:s0], s1  }
0xcd: {  	s0 =	simm.s32 @!p0 $0x7  }
0xce: {  	_ =	swait.ge @!p0 [sflag:s0], s1  }
0xcf: {  	s1 =	ssub.s32 @!p0 $0x0, s1;
	[sflag:s0] =	ssyncset.done @!p0 $0x0  }
0xd0: {  	[sflag:s0] =	ssyncadd.s32 @!p0 s1  }
0xd1: {  	[bflag:$0x3] =	sbarrier.arrive $0xFFFF  }
0xd2: {  	_ =	shalt  }

</sc_bundles>
